<compile_context>
chip_gen: v7x
topology: tpu7x:2x2x1
jax: 0.10.2.dev20260603
libtpu: 0.0.44.dev20260713+nightly
codegen_flags: <defaults>
</compile_context>

<pallas_src>
import functools

import jax
import jax.numpy as jnp
import numpy as np
from jax import lax
from jax.experimental import pallas as pl
from jax.experimental.pallas import tpu as pltpu
from jax.experimental.pallas import tpu_sc as plsc

NC = 2
NS = 16
NW = NC * NS
CHUNK = 128
GB = 8
RB = 2

_MESH = plsc.VectorSubcoreMesh(core_axis_name="c", subcore_axis_name="s")


def _load_idx(ei_hbm, tail_hbm, row, idx_v, wid, nd, ec_real):
    bw = ec_real // nd

    @pl.when(wid != bw)
    def _():
        pltpu.sync_copy(ei_hbm.at[row, pl.ds(wid * nd, nd)], idx_v)

    @pl.when(wid == bw)
    def _():
        pltpu.sync_copy(tail_hbm.at[row], idx_v)


def _sc_degree(ei3, tail3, n, n_pad, e, e_pad):
    nd = e_pad // (NW * CHUNK)
    ec_real = e // CHUNK
    per_node = n_pad // NS

    @functools.partial(
        pl.kernel,
        mesh=_MESH,
        out_type=jax.ShapeDtypeStruct((NC * n_pad,), jnp.float32),
        scratch_types=[
            pltpu.VMEM((nd, CHUNK), jnp.int32),
            pltpu.VMEM((CHUNK,), jnp.float32),
            pltpu.VMEM((per_node,), jnp.float32),
            pltpu.VMEM_SHARED((n_pad,), jnp.float32),
            pltpu.SemaphoreType.DMA,
        ],
    )
    def k(ei_hbm, tail_hbm, out_hbm, idx_v, ones_v, z_v, acc_sh, sem_w):
        cid = lax.axis_index("c")
        sid = lax.axis_index("s")
        wid = sid * NC + cid
        _load_idx(ei_hbm, tail_hbm, 1, idx_v, wid, nd, ec_real)

        @pl.loop(0, CHUNK, step=16)
        def _(i):
            ones_v[pl.ds(i, 16)] = jnp.ones((16,), jnp.float32)

        @pl.loop(0, per_node, step=16)
        def _(i):
            z_v[pl.ds(i, 16)] = jnp.zeros((16,), jnp.float32)

        pltpu.sync_copy(z_v, acc_sh.at[pl.ds(sid * per_node, per_node)])
        plsc.subcore_barrier()

        @pl.loop(0, nd // GB)
        def _(g):
            for b in range(GB):
                pltpu.async_copy(
                    ones_v, acc_sh.at[idx_v.at[g * GB + b]], sem_w, add=True)
            for b in range(GB):
                pltpu.make_async_copy(
                    ones_v, acc_sh.at[idx_v.at[0]], sem_w).wait()

        plsc.subcore_barrier()
        row0 = sid * per_node
        pltpu.sync_copy(acc_sh.at[pl.ds(row0, per_node)],
                        out_hbm.at[pl.ds(cid * n_pad + row0, per_node)])

    return k(ei3, tail3)


def _sc_edge_aggregate(hs, dinv_flat, ei3, tail3, n, n_pad, e, e_pad, hid):
    nd = e_pad // (NW * CHUNK)
    ec_real = e // CHUNK
    ngr = nd // GB
    per_node = n_pad // NS
    zc = per_node // CHUNK

    @functools.partial(
        pl.kernel,
        mesh=_MESH,
        out_type=(
            jax.ShapeDtypeStruct((NC, n_pad, hid), jnp.float32),
            jax.ShapeDtypeStruct((NC * n_pad,), jnp.float32),
        ),
        scratch_types=[
            pltpu.VMEM((nd, CHUNK), jnp.int32),
            pltpu.VMEM((nd, CHUNK), jnp.int32),
            pltpu.VMEM((RB, CHUNK, hid), jnp.float32),
            pltpu.VMEM((GB, CHUNK), jnp.float32),
            pltpu.VMEM((per_node,), jnp.float32),
            pltpu.VMEM_SHARED((n_pad, hid), jnp.float32),
            pltpu.VMEM_SHARED((n_pad,), jnp.float32),
            pltpu.SemaphoreType.DMA((RB,)),
            pltpu.SemaphoreType.DMA((RB,)),
            pltpu.SemaphoreType.DMA((GB,)),
            pltpu.SemaphoreType.DMA((GB,)),
        ],
    )
    def k(hs_hbm, dinv_hbm, ei_hbm, tail_hbm, agg_hbm, s_hbm,
          src_v, dst_v, rows_v, dval_v, z_v, acc_agg, acc_s,
          sem_g, sem_s, sem_dg, sem_ss):
        cid = lax.axis_index("c")
        sid = lax.axis_index("s")
        wid = sid * NC + cid
        row0 = sid * per_node

        _load_idx(ei_hbm, tail_hbm, 0, src_v, wid, nd, ec_real)
        _load_idx(ei_hbm, tail_hbm, 1, dst_v, wid, nd, ec_real)

        @pl.loop(0, CHUNK)
        def _(r):
            @pl.loop(0, hid, step=16)
            def _(cc):
                rows_v[0, r, pl.ds(cc, 16)] = jnp.zeros((16,), jnp.float32)

        @pl.loop(0, per_node, step=16)
        def _(i):
            z_v[pl.ds(i, 16)] = jnp.zeros((16,), jnp.float32)

        for j in range(zc):
            pltpu.sync_copy(
                rows_v.at[0], acc_agg.at[pl.ds(row0 + j * CHUNK, CHUNK)])
        pltpu.sync_copy(z_v, acc_s.at[pl.ds(row0, per_node)])
        plsc.subcore_barrier()

        pltpu.async_copy(hs_hbm.at[src_v.at[0]], rows_v.at[0], sem_g.at[0])
        for j in range(4):
            pltpu.async_copy(dinv_hbm.at[dst_v.at[j]], dval_v.at[j],
                             sem_dg.at[j])

        @pl.loop(0, ngr)
        def _(g):
            for b in range(GB):
                ck = g * GB + b
                br = b % RB
                b1 = (b + 1) % RB
                b4 = (b + 4) % GB

                def _rows_ahead():
                    pltpu.make_async_copy(
                        rows_v.at[b1], acc_agg.at[dst_v.at[0]],
                        sem_s.at[b1]).wait()
                    pltpu.async_copy(hs_hbm.at[src_v.at[ck + 1]],
                                     rows_v.at[b1], sem_g.at[b1])

                if b == 0:
                    @pl.when(g >= 1)
                    def _():
                        pltpu.make_async_copy(
                            rows_v.at[b1], acc_agg.at[dst_v.at[0]],
                            sem_s.at[b1]).wait()
                    pltpu.async_copy(hs_hbm.at[src_v.at[ck + 1]],
                                     rows_v.at[b1], sem_g.at[b1])
                elif b < GB - 1:
                    _rows_ahead()
                else:
                    @pl.when(g < ngr - 1)
                    def _():
                        _rows_ahead()

                pltpu.make_async_copy(
                    hs_hbm.at[src_v.at[ck]], rows_v.at[br],
                    sem_g.at[br]).wait()
                pltpu.async_copy(rows_v.at[br], acc_agg.at[dst_v.at[ck]],
                                 sem_s.at[br], add=True)

                def _scal_ahead():
                    pltpu.make_async_copy(
                        dval_v.at[b4], acc_s.at[src_v.at[0]],
                        sem_ss.at[b4]).wait()
                    pltpu.async_copy(dinv_hbm.at[dst_v.at[ck + 4]],
                                     dval_v.at[b4], sem_dg.at[b4])

                if b < 4:
                    @pl.when(g >= 1)
                    def _():
                        pltpu.make_async_copy(
                            dval_v.at[b4], acc_s.at[src_v.at[0]],
                            sem_ss.at[b4]).wait()
                    pltpu.async_copy(dinv_hbm.at[dst_v.at[ck + 4]],
                                     dval_v.at[b4], sem_dg.at[b4])
                else:
                    @pl.when(g < ngr - 1)
                    def _():
                        _scal_ahead()

                pltpu.make_async_copy(
                    dinv_hbm.at[dst_v.at[ck]], dval_v.at[b],
                    sem_dg.at[b]).wait()
                pltpu.async_copy(dval_v.at[b], acc_s.at[src_v.at[ck]],
                                 sem_ss.at[b], add=True)

        for b in range(RB):
            pltpu.make_async_copy(
                rows_v.at[b], acc_agg.at[dst_v.at[0]], sem_s.at[b]).wait()
        for b in range(GB):
            pltpu.make_async_copy(
                dval_v.at[b], acc_s.at[src_v.at[0]], sem_ss.at[b]).wait()

        plsc.subcore_barrier()
        sl = pl.ds(row0, per_node)
        pltpu.sync_copy(acc_agg.at[sl], agg_hbm.at[cid, sl])
        pltpu.sync_copy(acc_s.at[sl],
                        s_hbm.at[pl.ds(cid * n_pad + row0, per_node)])

    return k(hs, dinv_flat, ei3, tail3)


def _tc_matmul(x, W1, n_pad, blk):
    nb = n_pad // blk
    in_dim = x.shape[1]
    hid = W1.shape[1]

    def body(x_ref, w1_ref, h_ref):
        h_ref[...] = jnp.dot(x_ref[...], w1_ref[...],
                             preferred_element_type=jnp.float32)

    return pl.pallas_call(
        body,
        grid=(nb,),
        in_specs=[
            pl.BlockSpec((blk, in_dim), lambda i: (i, 0)),
            pl.BlockSpec((in_dim, hid), lambda i: (0, 0)),
        ],
        out_specs=pl.BlockSpec((blk, hid), lambda i: (i, 0)),
        out_shape=jax.ShapeDtypeStruct((n_pad, hid), jnp.float32),
    )(x, W1)


def _tc_scale(deg2, h, n, n_pad, blk):
    nb = n_pad // blk
    rr = blk // 128
    hid = h.shape[1]

    def body(deg_ref, h_ref, dlane_ref, hs_ref):
        i = pl.program_id(0)
        d = deg_ref[0] + deg_ref[1] + 1.0
        node = (lax.broadcasted_iota(jnp.int32, (rr, 128), 0) * 128
                + lax.broadcasted_iota(jnp.int32, (rr, 128), 1) + i * blk)
        valid = node < n
        dlane = jnp.where(valid, lax.rsqrt(d), 0.0)
        m = jnp.where(valid, 1.0, 0.0)
        dlane_ref[...] = dlane
        for r in range(rr):
            dcol = dlane[r:r + 1, :].T
            mcol = m[r:r + 1, :].T
            sl = pl.ds(r * 128, 128)
            hs_ref[sl, :] = jnp.where(mcol > 0.0, h_ref[sl, :] * dcol, 0.0)

    return pl.pallas_call(
        body,
        grid=(nb,),
        in_specs=[
            pl.BlockSpec((NC, rr, 128), lambda i: (0, i, 0)),
            pl.BlockSpec((blk, hid), lambda i: (i, 0)),
        ],
        out_specs=[
            pl.BlockSpec((rr, 128), lambda i: (i, 0)),
            pl.BlockSpec((blk, hid), lambda i: (i, 0)),
        ],
        out_shape=[
            jax.ShapeDtypeStruct((n_pad // 128, 128), jnp.float32),
            jax.ShapeDtypeStruct((n_pad, hid), jnp.float32),
        ],
    )(deg2, h)


def _tc_final(aggp, hs, dlane, sp2, b1, W2, b2, n, n_pad, blk):
    nb = n_pad // blk
    rr = blk // 128
    hid = hs.shape[1]
    out_dim = W2.shape[1]

    def body(aggp_ref, hs_ref, dlane_ref, sp_ref, b1_ref, w2_ref, b2_ref,
             out_ref, acc_ref):
        i = pl.program_id(0)
        agg = aggp_ref[0] + aggp_ref[1]
        slane = sp_ref[0] + sp_ref[1]
        dl = dlane_ref[...]
        part = jnp.zeros((1, hid), jnp.float32)
        for r in range(rr):
            sl = pl.ds(r * 128, 128)
            dinv = dl[r:r + 1, :].T
            scol = slane[r:r + 1, :].T
            h1 = jnp.maximum(
                dinv * (agg[r * 128:(r + 1) * 128, :] + hs_ref[sl, :])
                + b1_ref[...], 0.0)
            c = dinv * (scol + dinv)
            part = part + jnp.sum(c * h1, axis=0, keepdims=True)

        @pl.when(i == 0)
        def _():
            acc_ref[...] = jnp.zeros_like(acc_ref)

        acc_ref[...] += part

        @pl.when(i == nb - 1)
        def _():
            v = acc_ref[...] * (1.0 / n)
            out_ref[...] = (
                jnp.dot(v, w2_ref[...], preferred_element_type=jnp.float32)
                + b2_ref[...]
            )

    return pl.pallas_call(
        body,
        grid=(nb,),
        in_specs=[
            pl.BlockSpec((NC, blk, hid), lambda i: (0, i, 0)),
            pl.BlockSpec((blk, hid), lambda i: (i, 0)),
            pl.BlockSpec((rr, 128), lambda i: (i, 0)),
            pl.BlockSpec((NC, rr, 128), lambda i: (0, i, 0)),
            pl.BlockSpec((1, hid), lambda i: (0, 0)),
            pl.BlockSpec((hid, out_dim), lambda i: (0, 0)),
            pl.BlockSpec((1, out_dim), lambda i: (0, 0)),
        ],
        out_specs=pl.BlockSpec((1, out_dim), lambda i: (0, 0)),
        out_shape=jax.ShapeDtypeStruct((1, out_dim), jnp.float32),
        scratch_shapes=[pltpu.VMEM((1, hid), jnp.float32)],
    )(aggp, hs, dlane, sp2, b1, W2, b2)


def kernel(x, edge_index, W1, b1, W2, b2):
    n, in_dim = x.shape
    hid = W1.shape[1]
    e = edge_index.shape[1]

    n_pad = -(-n // 2048) * 2048
    egrain = NW * CHUNK * GB
    e_pad = -(-e // egrain) * egrain
    blk = 2048

    ei = edge_index.astype(jnp.int32)
    ei3 = ei.reshape(2, e // CHUNK, CHUNK)
    nd = e_pad // (NW * CHUNK)
    bw = (e // CHUNK) // nd
    pad_idx = jnp.asarray(
        n + (np.arange(e_pad - e, dtype=np.int32) % (n_pad - n)), jnp.int32)
    tail3 = jnp.concatenate(
        [ei[:, bw * nd * CHUNK:],
         jnp.broadcast_to(pad_idx[None, :], (2, e_pad - e))],
        axis=1).reshape(2, nd, CHUNK)

    degp = _sc_degree(ei3, tail3, n, n_pad, e, e_pad)
    h = _tc_matmul(x, W1, n_pad, 2048)
    dlane, hs = _tc_scale(
        degp.reshape(NC, n_pad // 128, 128), h, n, n_pad, blk)
    aggp, sp = _sc_edge_aggregate(
        hs, dlane.reshape(n_pad), ei3, tail3, n, n_pad, e, e_pad, hid)
    out = _tc_final(
        aggp, hs, dlane, sp.reshape(NC, n_pad // 128, 128),
        b1.reshape(1, hid), W2, b2.reshape(1, -1), n, n_pad, blk)
    return out

# --- scband reference (transcript-rebuilt; emitter-appended) ---
"""Pipeline reference for scband-graph-encoder-66176856097236 (READ-ONLY COPY).

The authoritative reference and input builder live on the scoring server;
editing this copy changes nothing except your own understanding.
"""

import jax, jax.numpy as jnp
import numpy as np

N = 10000
E = 160000
IN_DIM = 256
HID_DIM = 128
OUT_DIM = 64


def _xavier(key, fan_in, fan_out):
    bound = np.sqrt(6.0 / (fan_in + fan_out))
    return jax.random.uniform(key, (fan_in, fan_out), jnp.float32, -bound, bound)


def gcn_layer(x, edge_index, W, b):
    n = x.shape[0]
    # add self loops (PyG GCNConv default)
    loop = jnp.arange(n, dtype=edge_index.dtype)
    src = jnp.concatenate([edge_index[0], loop])
    dst = jnp.concatenate([edge_index[1], loop])
    # symmetric normalization D^{-1/2} (A+I) D^{-1/2}
    deg = jnp.zeros((n,), jnp.float32).at[dst].add(1.0)
    dinv = jnp.where(deg > 0, jax.lax.rsqrt(deg), 0.0)
    norm = dinv[src] * dinv[dst]
    h = x @ W
    msg = jnp.take(h, src, axis=0) * norm[:, None]
    out = jnp.zeros((n, W.shape[1]), jnp.float32).at[dst].add(msg)
    return out + b


def setup_inputs(seed: int = 0) -> dict:
    key = jax.random.key(seed)
    k0, k1, k2, k3 = jax.random.split(key, 4)
    x = jax.random.normal(k0, (N, IN_DIM), jnp.float32)
    edge_index = jax.random.randint(k1, (2, E), 0, N)
    W1 = _xavier(k2, IN_DIM, HID_DIM)
    b1 = jnp.zeros((HID_DIM,), jnp.float32)
    W2 = _xavier(k3, HID_DIM, OUT_DIM)
    b2 = jnp.zeros((OUT_DIM,), jnp.float32)
    return {"x": x, "edge_index": edge_index, "W1": W1, "b1": b1, "W2": W2, "b2": b2}


def reference(x, edge_index, W1, b1, W2, b2):
    h = jax.nn.relu(gcn_layer(x, edge_index, W1, b1))
    h = gcn_layer(h, edge_index, W2, b2)
    # global_mean_pool with batch = zeros -> mean over all nodes, shape (1, OUT_DIM)
    return jnp.mean(h, axis=0, keepdims=True)

if __name__ == "__main__":
    import jax
    _d = setup_inputs()
    print(jax.jit(kernel)(*tuple(_d.values())))

</pallas_src>

<mosaic_0001>
#map = affine_map<(d0, d1) -> (0, 0, 0)>
#map1 = affine_map<(d0, d1) -> (0)>
module attributes {stable_mosaic.version = 14 : i64} {
  func.func @k(%arg0: i32, %arg1: i32, %arg2: memref<2x1250x128xi32, #tpu.memory_space<hbm>>, %arg3: memref<2x40x128xi32, #tpu.memory_space<hbm>>, %arg4: memref<20480xf32, #tpu.memory_space<hbm>>, %arg5: memref<40x128xi32, #tpu.memory_space<vmem>>, %arg6: memref<128xf32, #tpu.memory_space<vmem>>, %arg7: memref<640xf32, #tpu.memory_space<vmem>>, %arg8: memref<10240xf32, #tpu.memory_space<vmem_shared>>, %arg9: memref<!tpu.dma_semaphore, #tpu.memory_space<semaphore_mem>>) attributes {dimension_semantics = [#tpu.dimension_semantics<core_parallel>, #tpu.dimension_semantics<subcore_parallel>], iteration_bounds = array<i64: 2, 16>, scalar_prefetch = 0 : i64, scratch_operands = 5 : i64, tpu.core_type = #tpu.core_type<sc_vector_subcore>, window_params = [{transform_indices = #map}, {transform_indices = #map}, {transform_indices = #map1}]} {
    %mul3A = arith.constant 2 : i32
    %mul3A_0 = arith.muli %arg1, %mul3A : i32
    %add3A = arith.addi %mul3A_0, %arg0 : i32
    %ne3A = arith.constant 31 : i32
    %ne3A_1 = arith.cmpi ne, %add3A, %ne3A : i32
    %convert_element_type3A = arith.extui %ne3A_1 : i1 to i32
    %cond3A = arith.constant 0 : i32
    %cond3A_2 = arith.cmpi ne, %convert_element_type3A, %cond3A : i32
    scf.if %cond3A_2 {
      %mul3A_29 = arith.constant 40 : i32
      %mul3A_30 = arith.muli %add3A, %mul3A_29 : i32
      %run_scoped3A = arith.constant 1 : i32
      "tpu.region"() ({
        %run_scoped3A_31 = tpu.sem_alloc : memref<!tpu.dma_semaphore, #tpu.memory_space<semaphore_mem>>
        %dma_start3A = arith.constant 0 : i32
        %dma_start3A_32 = tpu.memref_slice %arg2[%run_scoped3A, %mul3A_30, %dma_start3A] : memref<2x1250x128xi32, #tpu.memory_space<hbm>> -> memref<1x40x128xi32, #tpu.memory_space<hbm>>
        %dma_start3A_33 = tpu.memref_squeeze %dma_start3A_32 : memref<1x40x128xi32, #tpu.memory_space<hbm>> -> memref<40x128xi32, #tpu.memory_space<hbm>>
        %dma_start3A_34 = arith.constant 0 : i32
        %dma_start3A_35 = tpu.memref_slice %arg2[%run_scoped3A, %mul3A_30, %dma_start3A_34] : memref<2x1250x128xi32, #tpu.memory_space<hbm>> -> memref<1x40x128xi32, #tpu.memory_space<hbm>>
        %dma_start3A_36 = tpu.memref_squeeze %dma_start3A_35 : memref<1x40x128xi32, #tpu.memory_space<hbm>> -> memref<40x128xi32, #tpu.memory_space<hbm>>
        tpu.enqueue_dma source(%dma_start3A_36 : memref<40x128xi32, #tpu.memory_space<hbm>>) target(%arg5 : memref<40x128xi32, #tpu.memory_space<vmem>>) target_semaphore(%run_scoped3A_31 : memref<!tpu.dma_semaphore, #tpu.memory_space<semaphore_mem>>)
        %dma_wait3A = arith.constant 0 : i32
        %dma_wait3A_37 = tpu.memref_slice %arg2[%run_scoped3A, %mul3A_30, %dma_wait3A] : memref<2x1250x128xi32, #tpu.memory_space<hbm>> -> memref<1x40x128xi32, #tpu.memory_space<hbm>>
        %dma_wait3A_38 = tpu.memref_squeeze %dma_wait3A_37 : memref<1x40x128xi32, #tpu.memory_space<hbm>> -> memref<40x128xi32, #tpu.memory_space<hbm>>
        %dma_wait3A_39 = arith.constant 0 : i32
        %dma_wait3A_40 = tpu.memref_slice %arg2[%run_scoped3A, %mul3A_30, %dma_wait3A_39] : memref<2x1250x128xi32, #tpu.memory_space<hbm>> -> memref<1x40x128xi32, #tpu.memory_space<hbm>>
        %dma_wait3A_41 = tpu.memref_squeeze %dma_wait3A_40 : memref<1x40x128xi32, #tpu.memory_space<hbm>> -> memref<40x128xi32, #tpu.memory_space<hbm>>
        tpu.wait_dma2 semaphore(%run_scoped3A_31 : memref<!tpu.dma_semaphore, #tpu.memory_space<semaphore_mem>>) src(%dma_wait3A_41 : memref<40x128xi32, #tpu.memory_space<hbm>>) dst(%arg5 : memref<40x128xi32, #tpu.memory_space<vmem>>)
        tpu.yield
      }) : () -> ()
    } else {
    }
    %eq3A = arith.constant 31 : i32
    %eq3A_3 = arith.cmpi eq, %add3A, %eq3A : i32
    %convert_element_type3A_4 = arith.extui %eq3A_3 : i1 to i32
    %cond3A_5 = arith.constant 0 : i32
    %cond3A_6 = arith.cmpi ne, %convert_element_type3A_4, %cond3A_5 : i32
    scf.if %cond3A_6 {
      %run_scoped3A = arith.constant 1 : i32
      "tpu.region"() ({
        %run_scoped3A_29 = tpu.sem_alloc : memref<!tpu.dma_semaphore, #tpu.memory_space<semaphore_mem>>
        %dma_start3A = arith.constant 0 : i32
        %dma_start3A_30 = arith.constant 0 : i32
        %dma_start3A_31 = tpu.memref_slice %arg3[%run_scoped3A, %dma_start3A, %dma_start3A_30] : memref<2x40x128xi32, #tpu.memory_space<hbm>> -> memref<1x40x128xi32, #tpu.memory_space<hbm>>
        %dma_start3A_32 = tpu.memref_squeeze %dma_start3A_31 : memref<1x40x128xi32, #tpu.memory_space<hbm>> -> memref<40x128xi32, #tpu.memory_space<hbm>>
        %dma_start3A_33 = arith.constant 0 : i32
        %dma_start3A_34 = arith.constant 0 : i32
        %dma_start3A_35 = tpu.memref_slice %arg3[%run_scoped3A, %dma_start3A_33, %dma_start3A_34] : memref<2x40x128xi32, #tpu.memory_space<hbm>> -> memref<1x40x128xi32, #tpu.memory_space<hbm>>
        %dma_start3A_36 = tpu.memref_squeeze %dma_start3A_35 : memref<1x40x128xi32, #tpu.memory_space<hbm>> -> memref<40x128xi32, #tpu.memory_space<hbm>>
        tpu.enqueue_dma source(%dma_start3A_36 : memref<40x128xi32, #tpu.memory_space<hbm>>) target(%arg5 : memref<40x128xi32, #tpu.memory_space<vmem>>) target_semaphore(%run_scoped3A_29 : memref<!tpu.dma_semaphore, #tpu.memory_space<semaphore_mem>>)
        %dma_wait3A = arith.constant 0 : i32
        %dma_wait3A_37 = arith.constant 0 : i32
        %dma_wait3A_38 = tpu.memref_slice %arg3[%run_scoped3A, %dma_wait3A, %dma_wait3A_37] : memref<2x40x128xi32, #tpu.memory_space<hbm>> -> memref<1x40x128xi32, #tpu.memory_space<hbm>>
        %dma_wait3A_39 = tpu.memref_squeeze %dma_wait3A_38 : memref<1x40x128xi32, #tpu.memory_space<hbm>> -> memref<40x128xi32, #tpu.memory_space<hbm>>
        %dma_wait3A_40 = arith.constant 0 : i32
        %dma_wait3A_41 = arith.constant 0 : i32
        %dma_wait3A_42 = tpu.memref_slice %arg3[%run_scoped3A, %dma_wait3A_40, %dma_wait3A_41] : memref<2x40x128xi32, #tpu.memory_space<hbm>> -> memref<1x40x128xi32, #tpu.memory_space<hbm>>
        %dma_wait3A_43 = tpu.memref_squeeze %dma_wait3A_42 : memref<1x40x128xi32, #tpu.memory_space<hbm>> -> memref<40x128xi32, #tpu.memory_space<hbm>>
        tpu.wait_dma2 semaphore(%run_scoped3A_29 : memref<!tpu.dma_semaphore, #tpu.memory_space<semaphore_mem>>) src(%dma_wait3A_43 : memref<40x128xi32, #tpu.memory_space<hbm>>) dst(%arg5 : memref<40x128xi32, #tpu.memory_space<vmem>>)
        tpu.yield
      }) : () -> ()
    } else {
    }
    %scan3A = arith.constant 0 : i32
    %scan3A_7 = arith.constant 8 : i32
    %scan3A_8 = arith.addi %scan3A, %scan3A_7 : i32
    %scan3A_9 = arith.constant 1 : i32
    scf.for %scan3A_29 = %scan3A to %scan3A_8 step %scan3A_9  : i32 {
      %mul3A_30 = arith.constant 16 : i32
      %mul3A_31 = arith.muli %scan3A_29, %mul3A_30 : i32
      %add3A_32 = arith.constant 0 : i32
      %add3A_33 = arith.addi %add3A_32, %mul3A_31 : i32
      %broadcast_in_dim3A = arith.constant 1.000000e+00 : f32
      %broadcast_in_dim3A_34 = vector.broadcast %broadcast_in_dim3A : f32 to vector<16xf32>
      %swap3A = arith.index_cast %add3A_33 : i32 to index
      %swap3A_35 = tpu.vector_load %arg6[%swap3A] {strides = array<i32>} : memref<128xf32, #tpu.memory_space<vmem>>, vector<16xf32>,
      %swap3A_36 = vector.shape_cast %swap3A_35 : vector<16xf32> to vector<16xf32>
      %swap3A_37 = vector.shape_cast %broadcast_in_dim3A_34 : vector<16xf32> to vector<16xf32>
      tpu.vector_store %arg6[%swap3A], %swap3A_37 {strides = array<i32>} : memref<128xf32, #tpu.memory_space<vmem>>, vector<16xf32>,
    }
    %scan3A_10 = arith.constant 8 : i32
    %scan3A_11 = arith.constant 0 : i32
    %scan3A_12 = arith.constant 40 : i32
    %scan3A_13 = arith.addi %scan3A_11, %scan3A_12 : i32
    %scan3A_14 = arith.constant 1 : i32
    scf.for %scan3A_29 = %scan3A_11 to %scan3A_13 step %scan3A_14  : i32 {
      %mul3A_30 = arith.constant 16 : i32
      %mul3A_31 = arith.muli %scan3A_29, %mul3A_30 : i32
      %add3A_32 = arith.constant 0 : i32
      %add3A_33 = arith.addi %add3A_32, %mul3A_31 : i32
      %broadcast_in_dim3A = arith.constant 0.000000e+00 : f32
      %broadcast_in_dim3A_34 = vector.broadcast %broadcast_in_dim3A : f32 to vector<16xf32>
      %swap3A = arith.index_cast %add3A_33 : i32 to index
      %swap3A_35 = tpu.vector_load %arg7[%swap3A] {strides = array<i32>} : memref<640xf32, #tpu.memory_space<vmem>>, vector<16xf32>,
      %swap3A_36 = vector.shape_cast %swap3A_35 : vector<16xf32> to vector<16xf32>
      %swap3A_37 = vector.shape_cast %broadcast_in_dim3A_34 : vector<16xf32> to vector<16xf32>
      tpu.vector_store %arg7[%swap3A], %swap3A_37 {strides = array<i32>} : memref<640xf32, #tpu.memory_space<vmem>>, vector<16xf32>,
    }
    %scan3A_15 = arith.constant 40 : i32
    %mul3A_16 = arith.constant 640 : i32
    %mul3A_17 = arith.muli %arg1, %mul3A_16 : i32
    "tpu.region"() ({
      %run_scoped3A = tpu.sem_alloc : memref<!tpu.dma_semaphore, #tpu.memory_space<semaphore_mem>>
      %dma_start3A = tpu.memref_slice %arg8[%mul3A_17] : memref<10240xf32, #tpu.memory_space<vmem_shared>> -> memref<640xf32, #tpu.memory_space<vmem_shared>>
      %dma_start3A_29 = tpu.memref_slice %arg8[%mul3A_17] : memref<10240xf32, #tpu.memory_space<vmem_shared>> -> memref<640xf32, #tpu.memory_space<vmem_shared>>
      tpu.enqueue_dma source(%arg7 : memref<640xf32, #tpu.memory_space<vmem>>) target(%dma_start3A_29 : memref<640xf32, #tpu.memory_space<vmem_shared>>) target_semaphore(%run_scoped3A : memref<!tpu.dma_semaphore, #tpu.memory_space<semaphore_mem>>)
      %dma_wait3A = tpu.memref_slice %arg8[%mul3A_17] : memref<10240xf32, #tpu.memory_space<vmem_shared>> -> memref<640xf32, #tpu.memory_space<vmem_shared>>
      %dma_wait3A_30 = tpu.memref_slice %arg8[%mul3A_17] : memref<10240xf32, #tpu.memory_space<vmem_shared>> -> memref<640xf32, #tpu.memory_space<vmem_shared>>
      tpu.wait_dma2 semaphore(%run_scoped3A : memref<!tpu.dma_semaphore, #tpu.memory_space<semaphore_mem>>) src(%arg7 : memref<640xf32, #tpu.memory_space<vmem>>) dst(%dma_wait3A_30 : memref<640xf32, #tpu.memory_space<vmem_shared>>)
      tpu.yield
    }) : () -> ()
    %barrier3A = arith.constant 0 : index
    tpu.barrier barrier_id(%barrier3A)
    %scan3A_18 = arith.constant 0 : i32
    %scan3A_19 = arith.constant 5 : i32
    %scan3A_20 = arith.addi %scan3A_18, %scan3A_19 : i32
    %scan3A_21 = arith.constant 1 : i32
    scf.for %scan3A_29 = %scan3A_18 to %scan3A_20 step %scan3A_21  : i32 {
      %mul3A_30 = arith.constant 1 : i32
      %mul3A_31 = arith.muli %scan3A_29, %mul3A_30 : i32
      %add3A_32 = arith.constant 0 : i32
      %add3A_33 = arith.addi %add3A_32, %mul3A_31 : i32
      %mul3A_34 = arith.constant 8 : i32
      %mul3A_35 = arith.muli %add3A_33, %mul3A_34 : i32
      %add3A_36 = arith.constant 0 : i32
      %add3A_37 = arith.addi %mul3A_35, %add3A_36 : i32
      %dma_start3A = arith.constant 0 : i32
      %dma_start3A_38 = tpu.memref_slice %arg5[%add3A_37, %dma_start3A] : memref<40x128xi32, #tpu.memory_space<vmem>> -> memref<1x128xi32, #tpu.memory_space<vmem>>
      %dma_start3A_39 = tpu.memref_squeeze %dma_start3A_38 : memref<1x128xi32, #tpu.memory_space<vmem>> -> memref<128xi32, #tpu.memory_space<vmem>>
      %dma_start3A_40 = arith.constant 0 : i32
      %dma_start3A_41 = tpu.memref_slice %arg8[%dma_start3A_40] : memref<10240xf32, #tpu.memory_space<vmem_shared>> -> memref<10240xf32, #tpu.memory_space<vmem_shared>>
      tpu.enqueue_indirect_dma source(%arg6 : memref<128xf32, #tpu.memory_space<vmem>>) target(%dma_start3A_41 : memref<10240xf32, #tpu.memory_space<vmem_shared>>) offsets(%dma_start3A_39 : memref<128xi32, #tpu.memory_space<vmem>>) semaphore(%arg9 : memref<!tpu.dma_semaphore, #tpu.memory_space<semaphore_mem>>) {add = true}
      %mul3A_42 = arith.constant 8 : i32
      %mul3A_43 = arith.muli %add3A_33, %mul3A_42 : i32
      %add3A_44 = arith.constant 1 : i32
      %add3A_45 = arith.addi %mul3A_43, %add3A_44 : i32
      %dma_start3A_46 = arith.constant 0 : i32
      %dma_start3A_47 = tpu.memref_slice %arg5[%add3A_45, %dma_start3A_46] : memref<40x128xi32, #tpu.memory_space<vmem>> -> memref<1x128xi32, #tpu.memory_space<vmem>>
      %dma_start3A_48 = tpu.memref_squeeze %dma_start3A_47 : memref<1x128xi32, #tpu.memory_space<vmem>> -> memref<128xi32, #tpu.memory_space<vmem>>
      %dma_start3A_49 = arith.constant 0 : i32
      %dma_start3A_50 = tpu.memref_slice %arg8[%dma_start3A_49] : memref<10240xf32, #tpu.memory_space<vmem_shared>> -> memref<10240xf32, #tpu.memory_space<vmem_shared>>
      tpu.enqueue_indirect_dma source(%arg6 : memref<128xf32, #tpu.memory_space<vmem>>) target(%dma_start3A_50 : memref<10240xf32, #tpu.memory_space<vmem_shared>>) offsets(%dma_start3A_48 : memref<128xi32, #tpu.memory_space<vmem>>) semaphore(%arg9 : memref<!tpu.dma_semaphore, #tpu.memory_space<semaphore_mem>>) {add = true}
      %mul3A_51 = arith.constant 8 : i32
      %mul3A_52 = arith.muli %add3A_33, %mul3A_51 : i32
      %add3A_53 = arith.constant 2 : i32
      %add3A_54 = arith.addi %mul3A_52, %add3A_53 : i32
      %dma_start3A_55 = arith.constant 0 : i32
      %dma_start3A_56 = tpu.memref_slice %arg5[%add3A_54, %dma_start3A_55] : memref<40x128xi32, #tpu.memory_space<vmem>> -> memref<1x128xi32, #tpu.memory_space<vmem>>
      %dma_start3A_57 = tpu.memref_squeeze %dma_start3A_56 : memref<1x128xi32, #tpu.memory_space<vmem>> -> memref<128xi32, #tpu.memory_space<vmem>>
      %dma_start3A_58 = arith.constant 0 : i32
      %dma_start3A_59 = tpu.memref_slice %arg8[%dma_start3A_58] : memref<10240xf32, #tpu.memory_space<vmem_shared>> -> memref<10240xf32, #tpu.memory_space<vmem_shared>>
      tpu.enqueue_indirect_dma source(%arg6 : memref<128xf32, #tpu.memory_space<vmem>>) target(%dma_start3A_59 : memref<10240xf32, #tpu.memory_space<vmem_shared>>) offsets(%dma_start3A_57 : memref<128xi32, #tpu.memory_space<vmem>>) semaphore(%arg9 : memref<!tpu.dma_semaphore, #tpu.memory_space<semaphore_mem>>) {add = true}
      %mul3A_60 = arith.constant 8 : i32
      %mul3A_61 = arith.muli %add3A_33, %mul3A_60 : i32
      %add3A_62 = arith.constant 3 : i32
      %add3A_63 = arith.addi %mul3A_61, %add3A_62 : i32
      %dma_start3A_64 = arith.constant 0 : i32
      %dma_start3A_65 = tpu.memref_slice %arg5[%add3A_63, %dma_start3A_64] : memref<40x128xi32, #tpu.memory_space<vmem>> -> memref<1x128xi32, #tpu.memory_space<vmem>>
      %dma_start3A_66 = tpu.memref_squeeze %dma_start3A_65 : memref<1x128xi32, #tpu.memory_space<vmem>> -> memref<128xi32, #tpu.memory_space<vmem>>
      %dma_start3A_67 = arith.constant 0 : i32
      %dma_start3A_68 = tpu.memref_slice %arg8[%dma_start3A_67] : memref<10240xf32, #tpu.memory_space<vmem_shared>> -> memref<10240xf32, #tpu.memory_space<vmem_shared>>
      tpu.enqueue_indirect_dma source(%arg6 : memref<128xf32, #tpu.memory_space<vmem>>) target(%dma_start3A_68 : memref<10240xf32, #tpu.memory_space<vmem_shared>>) offsets(%dma_start3A_66 : memref<128xi32, #tpu.memory_space<vmem>>) semaphore(%arg9 : memref<!tpu.dma_semaphore, #tpu.memory_space<semaphore_mem>>) {add = true}
      %mul3A_69 = arith.constant 8 : i32
      %mul3A_70 = arith.muli %add3A_33, %mul3A_69 : i32
      %add3A_71 = arith.constant 4 : i32
      %add3A_72 = arith.addi %mul3A_70, %add3A_71 : i32
      %dma_start3A_73 = arith.constant 0 : i32
      %dma_start3A_74 = tpu.memref_slice %arg5[%add3A_72, %dma_start3A_73] : memref<40x128xi32, #tpu.memory_space<vmem>> -> memref<1x128xi32, #tpu.memory_space<vmem>>
      %dma_start3A_75 = tpu.memref_squeeze %dma_start3A_74 : memref<1x128xi32, #tpu.memory_space<vmem>> -> memref<128xi32, #tpu.memory_space<vmem>>
      %dma_start3A_76 = arith.constant 0 : i32
      %dma_start3A_77 = tpu.memref_slice %arg8[%dma_start3A_76] : memref<10240xf32, #tpu.memory_space<vmem_shared>> -> memref<10240xf32, #tpu.memory_space<vmem_shared>>
      tpu.enqueue_indirect_dma source(%arg6 : memref<128xf32, #tpu.memory_space<vmem>>) target(%dma_start3A_77 : memref<10240xf32, #tpu.memory_space<vmem_shared>>) offsets(%dma_start3A_75 : memref<128xi32, #tpu.memory_space<vmem>>) semaphore(%arg9 : memref<!tpu.dma_semaphore, #tpu.memory_space<semaphore_mem>>) {add = true}
      %mul3A_78 = arith.constant 8 : i32
      %mul3A_79 = arith.muli %add3A_33, %mul3A_78 : i32
      %add3A_80 = arith.constant 5 : i32
      %add3A_81 = arith.addi %mul3A_79, %add3A_80 : i32
      %dma_start3A_82 = arith.constant 0 : i32
      %dma_start3A_83 = tpu.memref_slice %arg5[%add3A_81, %dma_start3A_82] : memref<40x128xi32, #tpu.memory_space<vmem>> -> memref<1x128xi32, #tpu.memory_space<vmem>>
      %dma_start3A_84 = tpu.memref_squeeze %dma_start3A_83 : memref<1x128xi32, #tpu.memory_space<vmem>> -> memref<128xi32, #tpu.memory_space<vmem>>
      %dma_start3A_85 = arith.constant 0 : i32
      %dma_start3A_86 = tpu.memref_slice %arg8[%dma_start3A_85] : memref<10240xf32, #tpu.memory_space<vmem_shared>> -> memref<10240xf32, #tpu.memory_space<vmem_shared>>
      tpu.enqueue_indirect_dma source(%arg6 : memref<128xf32, #tpu.memory_space<vmem>>) target(%dma_start3A_86 : memref<10240xf32, #tpu.memory_space<vmem_shared>>) offsets(%dma_start3A_84 : memref<128xi32, #tpu.memory_space<vmem>>) semaphore(%arg9 : memref<!tpu.dma_semaphore, #tpu.memory_space<semaphore_mem>>) {add = true}
      %mul3A_87 = arith.constant 8 : i32
      %mul3A_88 = arith.muli %add3A_33, %mul3A_87 : i32
      %add3A_89 = arith.constant 6 : i32
      %add3A_90 = arith.addi %mul3A_88, %add3A_89 : i32
      %dma_start3A_91 = arith.constant 0 : i32
      %dma_start3A_92 = tpu.memref_slice %arg5[%add3A_90, %dma_start3A_91] : memref<40x128xi32, #tpu.memory_space<vmem>> -> memref<1x128xi32, #tpu.memory_space<vmem>>
      %dma_start3A_93 = tpu.memref_squeeze %dma_start3A_92 : memref<1x128xi32, #tpu.memory_space<vmem>> -> memref<128xi32, #tpu.memory_space<vmem>>
      %dma_start3A_94 = arith.constant 0 : i32
      %dma_start3A_95 = tpu.memref_slice %arg8[%dma_start3A_94] : memref<10240xf32, #tpu.memory_space<vmem_shared>> -> memref<10240xf32, #tpu.memory_space<vmem_shared>>
      tpu.enqueue_indirect_dma source(%arg6 : memref<128xf32, #tpu.memory_space<vmem>>) target(%dma_start3A_95 : memref<10240xf32, #tpu.memory_space<vmem_shared>>) offsets(%dma_start3A_93 : memref<128xi32, #tpu.memory_space<vmem>>) semaphore(%arg9 : memref<!tpu.dma_semaphore, #tpu.memory_space<semaphore_mem>>) {add = true}
      %mul3A_96 = arith.constant 8 : i32
      %mul3A_97 = arith.muli %add3A_33, %mul3A_96 : i32
      %add3A_98 = arith.constant 7 : i32
      %add3A_99 = arith.addi %mul3A_97, %add3A_98 : i32
      %dma_start3A_100 = arith.constant 0 : i32
      %dma_start3A_101 = tpu.memref_slice %arg5[%add3A_99, %dma_start3A_100] : memref<40x128xi32, #tpu.memory_space<vmem>> -> memref<1x128xi32, #tpu.memory_space<vmem>>
      %dma_start3A_102 = tpu.memref_squeeze %dma_start3A_101 : memref<1x128xi32, #tpu.memory_space<vmem>> -> memref<128xi32, #tpu.memory_space<vmem>>
      %dma_start3A_103 = arith.constant 0 : i32
      %dma_start3A_104 = tpu.memref_slice %arg8[%dma_start3A_103] : memref<10240xf32, #tpu.memory_space<vmem_shared>> -> memref<10240xf32, #tpu.memory_space<vmem_shared>>
      tpu.enqueue_indirect_dma source(%arg6 : memref<128xf32, #tpu.memory_space<vmem>>) target(%dma_start3A_104 : memref<10240xf32, #tpu.memory_space<vmem_shared>>) offsets(%dma_start3A_102 : memref<128xi32, #tpu.memory_space<vmem>>) semaphore(%arg9 : memref<!tpu.dma_semaphore, #tpu.memory_space<semaphore_mem>>) {add = true}
      %dma_wait3A = arith.constant 0 : i32
      %dma_wait3A_105 = arith.constant 0 : i32
      %dma_wait3A_106 = tpu.memref_slice %arg5[%dma_wait3A, %dma_wait3A_105] : memref<40x128xi32, #tpu.memory_space<vmem>> -> memref<1x128xi32, #tpu.memory_space<vmem>>
      %dma_wait3A_107 = tpu.memref_squeeze %dma_wait3A_106 : memref<1x128xi32, #tpu.memory_space<vmem>> -> memref<128xi32, #tpu.memory_space<vmem>>
      %dma_wait3A_108 = arith.constant 0 : i32
      %dma_wait3A_109 = tpu.memref_slice %arg8[%dma_wait3A_108] : memref<10240xf32, #tpu.memory_space<vmem_shared>> -> memref<10240xf32, #tpu.memory_space<vmem_shared>>
      tpu.wait_indirect_dma semaphore(%arg9 : memref<!tpu.dma_semaphore, #tpu.memory_space<semaphore_mem>>) src(%arg6 : memref<128xf32, #tpu.memory_space<vmem>>) dst(%dma_wait3A_109 : memref<10240xf32, #tpu.memory_space<vmem_shared>>)
      %dma_wait3A_110 = arith.constant 0 : i32
      %dma_wait3A_111 = arith.constant 0 : i32
      %dma_wait3A_112 = tpu.memref_slice %arg5[%dma_wait3A_110, %dma_wait3A_111] : memref<40x128xi32, #tpu.memory_space<vmem>> -> memref<1x128xi32, #tpu.memory_space<vmem>>
      %dma_wait3A_113 = tpu.memref_squeeze %dma_wait3A_112 : memref<1x128xi32, #tpu.memory_space<vmem>> -> memref<128xi32, #tpu.memory_space<vmem>>
      %dma_wait3A_114 = arith.constant 0 : i32
      %dma_wait3A_115 = tpu.memref_slice %arg8[%dma_wait3A_114] : memref<10240xf32, #tpu.memory_space<vmem_shared>> -> memref<10240xf32, #tpu.memory_space<vmem_shared>>
      tpu.wait_indirect_dma semaphore(%arg9 : memref<!tpu.dma_semaphore, #tpu.memory_space<semaphore_mem>>) src(%arg6 : memref<128xf32, #tpu.memory_space<vmem>>) dst(%dma_wait3A_115 : memref<10240xf32, #tpu.memory_space<vmem_shared>>)
      %dma_wait3A_116 = arith.constant 0 : i32
      %dma_wait3A_117 = arith.constant 0 : i32
      %dma_wait3A_118 = tpu.memref_slice %arg5[%dma_wait3A_116, %dma_wait3A_117] : memref<40x128xi32, #tpu.memory_space<vmem>> -> memref<1x128xi32, #tpu.memory_space<vmem>>
      %dma_wait3A_119 = tpu.memref_squeeze %dma_wait3A_118 : memref<1x128xi32, #tpu.memory_space<vmem>> -> memref<128xi32, #tpu.memory_space<vmem>>
      %dma_wait3A_120 = arith.constant 0 : i32
      %dma_wait3A_121 = tpu.memref_slice %arg8[%dma_wait3A_120] : memref<10240xf32, #tpu.memory_space<vmem_shared>> -> memref<10240xf32, #tpu.memory_space<vmem_shared>>
      tpu.wait_indirect_dma semaphore(%arg9 : memref<!tpu.dma_semaphore, #tpu.memory_space<semaphore_mem>>) src(%arg6 : memref<128xf32, #tpu.memory_space<vmem>>) dst(%dma_wait3A_121 : memref<10240xf32, #tpu.memory_space<vmem_shared>>)
      %dma_wait3A_122 = arith.constant 0 : i32
      %dma_wait3A_123 = arith.constant 0 : i32
      %dma_wait3A_124 = tpu.memref_slice %arg5[%dma_wait3A_122, %dma_wait3A_123] : memref<40x128xi32, #tpu.memory_space<vmem>> -> memref<1x128xi32, #tpu.memory_space<vmem>>
      %dma_wait3A_125 = tpu.memref_squeeze %dma_wait3A_124 : memref<1x128xi32, #tpu.memory_space<vmem>> -> memref<128xi32, #tpu.memory_space<vmem>>
      %dma_wait3A_126 = arith.constant 0 : i32
      %dma_wait3A_127 = tpu.memref_slice %arg8[%dma_wait3A_126] : memref<10240xf32, #tpu.memory_space<vmem_shared>> -> memref<10240xf32, #tpu.memory_space<vmem_shared>>
      tpu.wait_indirect_dma semaphore(%arg9 : memref<!tpu.dma_semaphore, #tpu.memory_space<semaphore_mem>>) src(%arg6 : memref<128xf32, #tpu.memory_space<vmem>>) dst(%dma_wait3A_127 : memref<10240xf32, #tpu.memory_space<vmem_shared>>)
      %dma_wait3A_128 = arith.constant 0 : i32
      %dma_wait3A_129 = arith.constant 0 : i32
      %dma_wait3A_130 = tpu.memref_slice %arg5[%dma_wait3A_128, %dma_wait3A_129] : memref<40x128xi32, #tpu.memory_space<vmem>> -> memref<1x128xi32, #tpu.memory_space<vmem>>
      %dma_wait3A_131 = tpu.memref_squeeze %dma_wait3A_130 : memref<1x128xi32, #tpu.memory_space<vmem>> -> memref<128xi32, #tpu.memory_space<vmem>>
      %dma_wait3A_132 = arith.constant 0 : i32
      %dma_wait3A_133 = tpu.memref_slice %arg8[%dma_wait3A_132] : memref<10240xf32, #tpu.memory_space<vmem_shared>> -> memref<10240xf32, #tpu.memory_space<vmem_shared>>
      tpu.wait_indirect_dma semaphore(%arg9 : memref<!tpu.dma_semaphore, #tpu.memory_space<semaphore_mem>>) src(%arg6 : memref<128xf32, #tpu.memory_space<vmem>>) dst(%dma_wait3A_133 : memref<10240xf32, #tpu.memory_space<vmem_shared>>)
      %dma_wait3A_134 = arith.constant 0 : i32
      %dma_wait3A_135 = arith.constant 0 : i32
      %dma_wait3A_136 = tpu.memref_slice %arg5[%dma_wait3A_134, %dma_wait3A_135] : memref<40x128xi32, #tpu.memory_space<vmem>> -> memref<1x128xi32, #tpu.memory_space<vmem>>
      %dma_wait3A_137 = tpu.memref_squeeze %dma_wait3A_136 : memref<1x128xi32, #tpu.memory_space<vmem>> -> memref<128xi32, #tpu.memory_space<vmem>>
      %dma_wait3A_138 = arith.constant 0 : i32
      %dma_wait3A_139 = tpu.memref_slice %arg8[%dma_wait3A_138] : memref<10240xf32, #tpu.memory_space<vmem_shared>> -> memref<10240xf32, #tpu.memory_space<vmem_shared>>
      tpu.wait_indirect_dma semaphore(%arg9 : memref<!tpu.dma_semaphore, #tpu.memory_space<semaphore_mem>>) src(%arg6 : memref<128xf32, #tpu.memory_space<vmem>>) dst(%dma_wait3A_139 : memref<10240xf32, #tpu.memory_space<vmem_shared>>)
      %dma_wait3A_140 = arith.constant 0 : i32
      %dma_wait3A_141 = arith.constant 0 : i32
      %dma_wait3A_142 = tpu.memref_slice %arg5[%dma_wait3A_140, %dma_wait3A_141] : memref<40x128xi32, #tpu.memory_space<vmem>> -> memref<1x128xi32, #tpu.memory_space<vmem>>
      %dma_wait3A_143 = tpu.memref_squeeze %dma_wait3A_142 : memref<1x128xi32, #tpu.memory_space<vmem>> -> memref<128xi32, #tpu.memory_space<vmem>>
      %dma_wait3A_144 = arith.constant 0 : i32
      %dma_wait3A_145 = tpu.memref_slice %arg8[%dma_wait3A_144] : memref<10240xf32, #tpu.memory_space<vmem_shared>> -> memref<10240xf32, #tpu.memory_space<vmem_shared>>
      tpu.wait_indirect_dma semaphore(%arg9 : memref<!tpu.dma_semaphore, #tpu.memory_space<semaphore_mem>>) src(%arg6 : memref<128xf32, #tpu.memory_space<vmem>>) dst(%dma_wait3A_145 : memref<10240xf32, #tpu.memory_space<vmem_shared>>)
      %dma_wait3A_146 = arith.constant 0 : i32
      %dma_wait3A_147 = arith.constant 0 : i32
      %dma_wait3A_148 = tpu.memref_slice %arg5[%dma_wait3A_146, %dma_wait3A_147] : memref<40x128xi32, #tpu.memory_space<vmem>> -> memref<1x128xi32, #tpu.memory_space<vmem>>
      %dma_wait3A_149 = tpu.memref_squeeze %dma_wait3A_148 : memref<1x128xi32, #tpu.memory_space<vmem>> -> memref<128xi32, #tpu.memory_space<vmem>>
      %dma_wait3A_150 = arith.constant 0 : i32
      %dma_wait3A_151 = tpu.memref_slice %arg8[%dma_wait3A_150] : memref<10240xf32, #tpu.memory_space<vmem_shared>> -> memref<10240xf32, #tpu.memory_space<vmem_shared>>
      tpu.wait_indirect_dma semaphore(%arg9 : memref<!tpu.dma_semaphore, #tpu.memory_space<semaphore_mem>>) src(%arg6 : memref<128xf32, #tpu.memory_space<vmem>>) dst(%dma_wait3A_151 : memref<10240xf32, #tpu.memory_space<vmem_shared>>)
    }
    %scan3A_22 = arith.constant 5 : i32
    %barrier3A_23 = arith.constant 0 : index
    tpu.barrier barrier_id(%barrier3A_23)
    %mul3A_24 = arith.constant 640 : i32
    %mul3A_25 = arith.muli %arg1, %mul3A_24 : i32
    %mul3A_26 = arith.constant 10240 : i32
    %mul3A_27 = arith.muli %arg0, %mul3A_26 : i32
    %add3A_28 = arith.addi %mul3A_27, %mul3A_25 : i32
    "tpu.region"() ({
      %run_scoped3A = tpu.sem_alloc : memref<!tpu.dma_semaphore, #tpu.memory_space<semaphore_mem>>
      %dma_start3A = tpu.memref_slice %arg4[%add3A_28] : memref<20480xf32, #tpu.memory_space<hbm>> -> memref<640xf32, #tpu.memory_space<hbm>>
      %dma_start3A_29 = tpu.memref_slice %arg8[%mul3A_25] : memref<10240xf32, #tpu.memory_space<vmem_shared>> -> memref<640xf32, #tpu.memory_space<vmem_shared>>
      tpu.enqueue_dma source(%dma_start3A_29 : memref<640xf32, #tpu.memory_space<vmem_shared>>) target(%dma_start3A : memref<640xf32, #tpu.memory_space<hbm>>) target_semaphore(%run_scoped3A : memref<!tpu.dma_semaphore, #tpu.memory_space<semaphore_mem>>)
      %dma_wait3A = tpu.memref_slice %arg4[%add3A_28] : memref<20480xf32, #tpu.memory_space<hbm>> -> memref<640xf32, #tpu.memory_space<hbm>>
      %dma_wait3A_30 = tpu.memref_slice %arg8[%mul3A_25] : memref<10240xf32, #tpu.memory_space<vmem_shared>> -> memref<640xf32, #tpu.memory_space<vmem_shared>>
      tpu.wait_dma2 semaphore(%run_scoped3A : memref<!tpu.dma_semaphore, #tpu.memory_space<semaphore_mem>>) src(%dma_wait3A_30 : memref<640xf32, #tpu.memory_space<vmem_shared>>) dst(%dma_wait3A : memref<640xf32, #tpu.memory_space<hbm>>)
      tpu.yield
    }) : () -> ()
    return
  }
}

#map = affine_map<(d0, d1) -> (0, 0)>
#map1 = affine_map<(d0, d1) -> (0)>
#map2 = affine_map<(d0, d1) -> (0, 0, 0)>
module attributes {stable_mosaic.version = 14 : i64} {
  func.func @k(%arg0: i32, %arg1: i32, %arg2: memref<10240x128xf32, #tpu.memory_space<hbm>>, %arg3: memref<10240xf32, #tpu.memory_space<hbm>>, %arg4: memref<2x1250x128xi32, #tpu.memory_space<hbm>>, %arg5: memref<2x40x128xi32, #tpu.memory_space<hbm>>, %arg6: memref<2x10240x128xf32, #tpu.memory_space<hbm>>, %arg7: memref<20480xf32, #tpu.memory_space<hbm>>, %arg8: memref<40x128xi32, #tpu.memory_space<vmem>>, %arg9: memref<40x128xi32, #tpu.memory_space<vmem>>, %arg10: memref<2x128x128xf32, #tpu.memory_space<vmem>>, %arg11: memref<8x128xf32, #tpu.memory_space<vmem>>, %arg12: memref<640xf32, #tpu.memory_space<vmem>>, %arg13: memref<10240x128xf32, #tpu.memory_space<vmem_shared>>, %arg14: memref<10240xf32, #tpu.memory_space<vmem_shared>>, %arg15: memref<2x!tpu.dma_semaphore, #tpu.memory_space<semaphore_mem>>, %arg16: memref<2x!tpu.dma_semaphore, #tpu.memory_space<semaphore_mem>>, %arg17: memref<8x!tpu.dma_semaphore, #tpu.memory_space<semaphore_mem>>, %arg18: memref<8x!tpu.dma_semaphore, #tpu.memory_space<semaphore_mem>>) attributes {dimension_semantics = [#tpu.dimension_semantics<core_parallel>, #tpu.dimension_semantics<subcore_parallel>], iteration_bounds = array<i64: 2, 16>, scalar_prefetch = 0 : i64, scratch_operands = 11 : i64, tpu.core_type = #tpu.core_type<sc_vector_subcore>, window_params = [{transform_indices = #map}, {transform_indices = #map1}, {transform_indices = #map2}, {transform_indices = #map2}, {transform_indices = #map2}, {transform_indices = #map1}]} {
    %mul3A = arith.constant 2 : i32
    %mul3A_0 = arith.muli %arg1, %mul3A : i32
    %add3A = arith.addi %mul3A_0, %arg0 : i32
    %mul3A_1 = arith.constant 640 : i32
    %mul3A_2 = arith.muli %arg1, %mul3A_1 : i32
    %ne3A = arith.constant 31 : i32
    %ne3A_3 = arith.cmpi ne, %add3A, %ne3A : i32
    %convert_element_type3A = arith.extui %ne3A_3 : i1 to i32
    %cond3A = arith.constant 0 : i32
    %cond3A_4 = arith.cmpi ne, %convert_element_type3A, %cond3A : i32
    scf.if %cond3A_4 {
      %mul3A_250 = arith.constant 40 : i32
      %mul3A_251 = arith.muli %add3A, %mul3A_250 : i32
      %run_scoped3A_252 = arith.constant 0 : i32
      "tpu.region"() ({
        %run_scoped3A_253 = tpu.sem_alloc : memref<!tpu.dma_semaphore, #tpu.memory_space<semaphore_mem>>
        %dma_start3A_254 = arith.constant 0 : i32
        %dma_start3A_255 = tpu.memref_slice %arg4[%run_scoped3A_252, %mul3A_251, %dma_start3A_254] : memref<2x1250x128xi32, #tpu.memory_space<hbm>> -> memref<1x40x128xi32, #tpu.memory_space<hbm>>
        %dma_start3A_256 = tpu.memref_squeeze %dma_start3A_255 : memref<1x40x128xi32, #tpu.memory_space<hbm>> -> memref<40x128xi32, #tpu.memory_space<hbm>>
        %dma_start3A_257 = arith.constant 0 : i32
        %dma_start3A_258 = tpu.memref_slice %arg4[%run_scoped3A_252, %mul3A_251, %dma_start3A_257] : memref<2x1250x128xi32, #tpu.memory_space<hbm>> -> memref<1x40x128xi32, #tpu.memory_space<hbm>>
        %dma_start3A_259 = tpu.memref_squeeze %dma_start3A_258 : memref<1x40x128xi32, #tpu.memory_space<hbm>> -> memref<40x128xi32, #tpu.memory_space<hbm>>
        tpu.enqueue_dma source(%dma_start3A_259 : memref<40x128xi32, #tpu.memory_space<hbm>>) target(%arg8 : memref<40x128xi32, #tpu.memory_space<vmem>>) target_semaphore(%run_scoped3A_253 : memref<!tpu.dma_semaphore, #tpu.memory_space<semaphore_mem>>)
        %dma_wait3A_260 = arith.constant 0 : i32
        %dma_wait3A_261 = tpu.memref_slice %arg4[%run_scoped3A_252, %mul3A_251, %dma_wait3A_260] : memref<2x1250x128xi32, #tpu.memory_space<hbm>> -> memref<1x40x128xi32, #tpu.memory_space<hbm>>
        %dma_wait3A_262 = tpu.memref_squeeze %dma_wait3A_261 : memref<1x40x128xi32, #tpu.memory_space<hbm>> -> memref<40x128xi32, #tpu.memory_space<hbm>>
        %dma_wait3A_263 = arith.constant 0 : i32
        %dma_wait3A_264 = tpu.memref_slice %arg4[%run_scoped3A_252, %mul3A_251, %dma_wait3A_263] : memref<2x1250x128xi32, #tpu.memory_space<hbm>> -> memref<1x40x128xi32, #tpu.memory_space<hbm>>
        %dma_wait3A_265 = tpu.memref_squeeze %dma_wait3A_264 : memref<1x40x128xi32, #tpu.memory_space<hbm>> -> memref<40x128xi32, #tpu.memory_space<hbm>>
        tpu.wait_dma2 semaphore(%run_scoped3A_253 : memref<!tpu.dma_semaphore, #tpu.memory_space<semaphore_mem>>) src(%dma_wait3A_265 : memref<40x128xi32, #tpu.memory_space<hbm>>) dst(%arg8 : memref<40x128xi32, #tpu.memory_space<vmem>>)
        tpu.yield
      }) : () -> ()
    } else {
    }
    %eq3A = arith.constant 31 : i32
    %eq3A_5 = arith.cmpi eq, %add3A, %eq3A : i32
    %convert_element_type3A_6 = arith.extui %eq3A_5 : i1 to i32
    %cond3A_7 = arith.constant 0 : i32
    %cond3A_8 = arith.cmpi ne, %convert_element_type3A_6, %cond3A_7 : i32
    scf.if %cond3A_8 {
      %run_scoped3A_250 = arith.constant 0 : i32
      "tpu.region"() ({
        %run_scoped3A_251 = tpu.sem_alloc : memref<!tpu.dma_semaphore, #tpu.memory_space<semaphore_mem>>
        %dma_start3A_252 = arith.constant 0 : i32
        %dma_start3A_253 = arith.constant 0 : i32
        %dma_start3A_254 = tpu.memref_slice %arg5[%run_scoped3A_250, %dma_start3A_252, %dma_start3A_253] : memref<2x40x128xi32, #tpu.memory_space<hbm>> -> memref<1x40x128xi32, #tpu.memory_space<hbm>>
        %dma_start3A_255 = tpu.memref_squeeze %dma_start3A_254 : memref<1x40x128xi32, #tpu.memory_space<hbm>> -> memref<40x128xi32, #tpu.memory_space<hbm>>
        %dma_start3A_256 = arith.constant 0 : i32
        %dma_start3A_257 = arith.constant 0 : i32
        %dma_start3A_258 = tpu.memref_slice %arg5[%run_scoped3A_250, %dma_start3A_256, %dma_start3A_257] : memref<2x40x128xi32, #tpu.memory_space<hbm>> -> memref<1x40x128xi32, #tpu.memory_space<hbm>>
        %dma_start3A_259 = tpu.memref_squeeze %dma_start3A_258 : memref<1x40x128xi32, #tpu.memory_space<hbm>> -> memref<40x128xi32, #tpu.memory_space<hbm>>
        tpu.enqueue_dma source(%dma_start3A_259 : memref<40x128xi32, #tpu.memory_space<hbm>>) target(%arg8 : memref<40x128xi32, #tpu.memory_space<vmem>>) target_semaphore(%run_scoped3A_251 : memref<!tpu.dma_semaphore, #tpu.memory_space<semaphore_mem>>)
        %dma_wait3A_260 = arith.constant 0 : i32
        %dma_wait3A_261 = arith.constant 0 : i32
        %dma_wait3A_262 = tpu.memref_slice %arg5[%run_scoped3A_250, %dma_wait3A_260, %dma_wait3A_261] : memref<2x40x128xi32, #tpu.memory_space<hbm>> -> memref<1x40x128xi32, #tpu.memory_space<hbm>>
        %dma_wait3A_263 = tpu.memref_squeeze %dma_wait3A_262 : memref<1x40x128xi32, #tpu.memory_space<hbm>> -> memref<40x128xi32, #tpu.memory_space<hbm>>
        %dma_wait3A_264 = arith.constant 0 : i32
        %dma_wait3A_265 = arith.constant 0 : i32
        %dma_wait3A_266 = tpu.memref_slice %arg5[%run_scoped3A_250, %dma_wait3A_264, %dma_wait3A_265] : memref<2x40x128xi32, #tpu.memory_space<hbm>> -> memref<1x40x128xi32, #tpu.memory_space<hbm>>
        %dma_wait3A_267 = tpu.memref_squeeze %dma_wait3A_266 : memref<1x40x128xi32, #tpu.memory_space<hbm>> -> memref<40x128xi32, #tpu.memory_space<hbm>>
        tpu.wait_dma2 semaphore(%run_scoped3A_251 : memref<!tpu.dma_semaphore, #tpu.memory_space<semaphore_mem>>) src(%dma_wait3A_267 : memref<40x128xi32, #tpu.memory_space<hbm>>) dst(%arg8 : memref<40x128xi32, #tpu.memory_space<vmem>>)
        tpu.yield
      }) : () -> ()
    } else {
    }
    %ne3A_9 = arith.constant 31 : i32
    %ne3A_10 = arith.cmpi ne, %add3A, %ne3A_9 : i32
    %convert_element_type3A_11 = arith.extui %ne3A_10 : i1 to i32
    %cond3A_12 = arith.constant 0 : i32
    %cond3A_13 = arith.cmpi ne, %convert_element_type3A_11, %cond3A_12 : i32
    scf.if %cond3A_13 {
      %mul3A_250 = arith.constant 40 : i32
      %mul3A_251 = arith.muli %add3A, %mul3A_250 : i32
      %run_scoped3A_252 = arith.constant 1 : i32
      "tpu.region"() ({
        %run_scoped3A_253 = tpu.sem_alloc : memref<!tpu.dma_semaphore, #tpu.memory_space<semaphore_mem>>
        %dma_start3A_254 = arith.constant 0 : i32
        %dma_start3A_255 = tpu.memref_slice %arg4[%run_scoped3A_252, %mul3A_251, %dma_start3A_254] : memref<2x1250x128xi32, #tpu.memory_space<hbm>> -> memref<1x40x128xi32, #tpu.memory_space<hbm>>
        %dma_start3A_256 = tpu.memref_squeeze %dma_start3A_255 : memref<1x40x128xi32, #tpu.memory_space<hbm>> -> memref<40x128xi32, #tpu.memory_space<hbm>>
        %dma_start3A_257 = arith.constant 0 : i32
        %dma_start3A_258 = tpu.memref_slice %arg4[%run_scoped3A_252, %mul3A_251, %dma_start3A_257] : memref<2x1250x128xi32, #tpu.memory_space<hbm>> -> memref<1x40x128xi32, #tpu.memory_space<hbm>>
        %dma_start3A_259 = tpu.memref_squeeze %dma_start3A_258 : memref<1x40x128xi32, #tpu.memory_space<hbm>> -> memref<40x128xi32, #tpu.memory_space<hbm>>
        tpu.enqueue_dma source(%dma_start3A_259 : memref<40x128xi32, #tpu.memory_space<hbm>>) target(%arg9 : memref<40x128xi32, #tpu.memory_space<vmem>>) target_semaphore(%run_scoped3A_253 : memref<!tpu.dma_semaphore, #tpu.memory_space<semaphore_mem>>)
        %dma_wait3A_260 = arith.constant 0 : i32
        %dma_wait3A_261 = tpu.memref_slice %arg4[%run_scoped3A_252, %mul3A_251, %dma_wait3A_260] : memref<2x1250x128xi32, #tpu.memory_space<hbm>> -> memref<1x40x128xi32, #tpu.memory_space<hbm>>
        %dma_wait3A_262 = tpu.memref_squeeze %dma_wait3A_261 : memref<1x40x128xi32, #tpu.memory_space<hbm>> -> memref<40x128xi32, #tpu.memory_space<hbm>>
        %dma_wait3A_263 = arith.constant 0 : i32
        %dma_wait3A_264 = tpu.memref_slice %arg4[%run_scoped3A_252, %mul3A_251, %dma_wait3A_263] : memref<2x1250x128xi32, #tpu.memory_space<hbm>> -> memref<1x40x128xi32, #tpu.memory_space<hbm>>
        %dma_wait3A_265 = tpu.memref_squeeze %dma_wait3A_264 : memref<1x40x128xi32, #tpu.memory_space<hbm>> -> memref<40x128xi32, #tpu.memory_space<hbm>>
        tpu.wait_dma2 semaphore(%run_scoped3A_253 : memref<!tpu.dma_semaphore, #tpu.memory_space<semaphore_mem>>) src(%dma_wait3A_265 : memref<40x128xi32, #tpu.memory_space<hbm>>) dst(%arg9 : memref<40x128xi32, #tpu.memory_space<vmem>>)
        tpu.yield
      }) : () -> ()
    } else {
    }
    %eq3A_14 = arith.constant 31 : i32
    %eq3A_15 = arith.cmpi eq, %add3A, %eq3A_14 : i32
    %convert_element_type3A_16 = arith.extui %eq3A_15 : i1 to i32
    %cond3A_17 = arith.constant 0 : i32
    %cond3A_18 = arith.cmpi ne, %convert_element_type3A_16, %cond3A_17 : i32
    scf.if %cond3A_18 {
      %run_scoped3A_250 = arith.constant 1 : i32
      "tpu.region"() ({
        %run_scoped3A_251 = tpu.sem_alloc : memref<!tpu.dma_semaphore, #tpu.memory_space<semaphore_mem>>
        %dma_start3A_252 = arith.constant 0 : i32
        %dma_start3A_253 = arith.constant 0 : i32
        %dma_start3A_254 = tpu.memref_slice %arg5[%run_scoped3A_250, %dma_start3A_252, %dma_start3A_253] : memref<2x40x128xi32, #tpu.memory_space<hbm>> -> memref<1x40x128xi32, #tpu.memory_space<hbm>>
        %dma_start3A_255 = tpu.memref_squeeze %dma_start3A_254 : memref<1x40x128xi32, #tpu.memory_space<hbm>> -> memref<40x128xi32, #tpu.memory_space<hbm>>
        %dma_start3A_256 = arith.constant 0 : i32
        %dma_start3A_257 = arith.constant 0 : i32
        %dma_start3A_258 = tpu.memref_slice %arg5[%run_scoped3A_250, %dma_start3A_256, %dma_start3A_257] : memref<2x40x128xi32, #tpu.memory_space<hbm>> -> memref<1x40x128xi32, #tpu.memory_space<hbm>>
        %dma_start3A_259 = tpu.memref_squeeze %dma_start3A_258 : memref<1x40x128xi32, #tpu.memory_space<hbm>> -> memref<40x128xi32, #tpu.memory_space<hbm>>
        tpu.enqueue_dma source(%dma_start3A_259 : memref<40x128xi32, #tpu.memory_space<hbm>>) target(%arg9 : memref<40x128xi32, #tpu.memory_space<vmem>>) target_semaphore(%run_scoped3A_251 : memref<!tpu.dma_semaphore, #tpu.memory_space<semaphore_mem>>)
        %dma_wait3A_260 = arith.constant 0 : i32
        %dma_wait3A_261 = arith.constant 0 : i32
        %dma_wait3A_262 = tpu.memref_slice %arg5[%run_scoped3A_250, %dma_wait3A_260, %dma_wait3A_261] : memref<2x40x128xi32, #tpu.memory_space<hbm>> -> memref<1x40x128xi32, #tpu.memory_space<hbm>>
        %dma_wait3A_263 = tpu.memref_squeeze %dma_wait3A_262 : memref<1x40x128xi32, #tpu.memory_space<hbm>> -> memref<40x128xi32, #tpu.memory_space<hbm>>
        %dma_wait3A_264 = arith.constant 0 : i32
        %dma_wait3A_265 = arith.constant 0 : i32
        %dma_wait3A_266 = tpu.memref_slice %arg5[%run_scoped3A_250, %dma_wait3A_264, %dma_wait3A_265] : memref<2x40x128xi32, #tpu.memory_space<hbm>> -> memref<1x40x128xi32, #tpu.memory_space<hbm>>
        %dma_wait3A_267 = tpu.memref_squeeze %dma_wait3A_266 : memref<1x40x128xi32, #tpu.memory_space<hbm>> -> memref<40x128xi32, #tpu.memory_space<hbm>>
        tpu.wait_dma2 semaphore(%run_scoped3A_251 : memref<!tpu.dma_semaphore, #tpu.memory_space<semaphore_mem>>) src(%dma_wait3A_267 : memref<40x128xi32, #tpu.memory_space<hbm>>) dst(%arg9 : memref<40x128xi32, #tpu.memory_space<vmem>>)
        tpu.yield
      }) : () -> ()
    } else {
    }
    %scan3A = arith.constant 0 : i32
    %scan3A_19 = arith.constant 128 : i32
    %scan3A_20 = arith.addi %scan3A, %scan3A_19 : i32
    %scan3A_21 = arith.constant 1 : i32
    scf.for %scan3A_250 = %scan3A to %scan3A_20 step %scan3A_21  : i32 {
      %mul3A_251 = arith.constant 1 : i32
      %mul3A_252 = arith.muli %scan3A_250, %mul3A_251 : i32
      %add3A_253 = arith.constant 0 : i32
      %add3A_254 = arith.addi %add3A_253, %mul3A_252 : i32
      %scan3A_255 = arith.constant 0 : i32
      %scan3A_256 = arith.constant 8 : i32
      %scan3A_257 = arith.addi %scan3A_255, %scan3A_256 : i32
      %scan3A_258 = arith.constant 1 : i32
      scf.for %scan3A_260 = %scan3A_255 to %scan3A_257 step %scan3A_258  : i32 {
        %mul3A_261 = arith.constant 16 : i32
        %mul3A_262 = arith.muli %scan3A_260, %mul3A_261 : i32
        %add3A_263 = arith.constant 0 : i32
        %add3A_264 = arith.addi %add3A_263, %mul3A_262 : i32
        %broadcast_in_dim3A = arith.constant 0.000000e+00 : f32
        %broadcast_in_dim3A_265 = vector.broadcast %broadcast_in_dim3A : f32 to vector<16xf32>
        %swap3A = arith.constant 0 : i32
        %swap3A_266 = arith.index_cast %swap3A : i32 to index
        %swap3A_267 = arith.index_cast %add3A_254 : i32 to index
        %swap3A_268 = arith.index_cast %add3A_264 : i32 to index
        %swap3A_269 = tpu.vector_load %arg10[%swap3A_266, %swap3A_267, %swap3A_268] {strides = array<i32>} : memref<2x128x128xf32, #tpu.memory_space<vmem>>, vector<1x1x16xf32>,
        %swap3A_270 = vector.shape_cast %swap3A_269 : vector<1x1x16xf32> to vector<16xf32>
        %swap3A_271 = vector.shape_cast %broadcast_in_dim3A_265 : vector<16xf32> to vector<1x1x16xf32>
        tpu.vector_store %arg10[%swap3A_266, %swap3A_267, %swap3A_268], %swap3A_271 {strides = array<i32>} : memref<2x128x128xf32, #tpu.memory_space<vmem>>, vector<1x1x16xf32>,
      }
      %scan3A_259 = arith.constant 8 : i32
    }
    %scan3A_22 = arith.constant 128 : i32
    %scan3A_23 = arith.constant 0 : i32
    %scan3A_24 = arith.constant 40 : i32
    %scan3A_25 = arith.addi %scan3A_23, %scan3A_24 : i32
    %scan3A_26 = arith.constant 1 : i32
    scf.for %scan3A_250 = %scan3A_23 to %scan3A_25 step %scan3A_26  : i32 {
      %mul3A_251 = arith.constant 16 : i32
      %mul3A_252 = arith.muli %scan3A_250, %mul3A_251 : i32
      %add3A_253 = arith.constant 0 : i32
      %add3A_254 = arith.addi %add3A_253, %mul3A_252 : i32
      %broadcast_in_dim3A = arith.constant 0.000000e+00 : f32
      %broadcast_in_dim3A_255 = vector.broadcast %broadcast_in_dim3A : f32 to vector<16xf32>
      %swap3A = arith.index_cast %add3A_254 : i32 to index
      %swap3A_256 = tpu.vector_load %arg12[%swap3A] {strides = array<i32>} : memref<640xf32, #tpu.memory_space<vmem>>, vector<16xf32>,
      %swap3A_257 = vector.shape_cast %swap3A_256 : vector<16xf32> to vector<16xf32>
      %swap3A_258 = vector.shape_cast %broadcast_in_dim3A_255 : vector<16xf32> to vector<16xf32>
      tpu.vector_store %arg12[%swap3A], %swap3A_258 {strides = array<i32>} : memref<640xf32, #tpu.memory_space<vmem>>, vector<16xf32>,
    }
    %scan3A_27 = arith.constant 40 : i32
    %add3A_28 = arith.constant 0 : i32
    %add3A_29 = arith.addi %mul3A_2, %add3A_28 : i32
    %run_scoped3A = arith.constant 0 : i32
    "tpu.region"() ({
      %run_scoped3A_250 = tpu.sem_alloc : memref<!tpu.dma_semaphore, #tpu.memory_space<semaphore_mem>>
      %dma_start3A_251 = arith.constant 0 : i32
      %dma_start3A_252 = arith.constant 0 : i32
      %dma_start3A_253 = tpu.memref_slice %arg10[%run_scoped3A, %dma_start3A_251, %dma_start3A_252] : memref<2x128x128xf32, #tpu.memory_space<vmem>> -> memref<1x128x128xf32, #tpu.memory_space<vmem>>
      %dma_start3A_254 = tpu.memref_squeeze %dma_start3A_253 : memref<1x128x128xf32, #tpu.memory_space<vmem>> -> memref<128x128xf32, #tpu.memory_space<vmem>>
      %dma_start3A_255 = arith.constant 0 : i32
      %dma_start3A_256 = tpu.memref_slice %arg13[%add3A_29, %dma_start3A_255] : memref<10240x128xf32, #tpu.memory_space<vmem_shared>> -> memref<128x128xf32, #tpu.memory_space<vmem_shared>>
      %dma_start3A_257 = arith.constant 0 : i32
      %dma_start3A_258 = tpu.memref_slice %arg13[%add3A_29, %dma_start3A_257] : memref<10240x128xf32, #tpu.memory_space<vmem_shared>> -> memref<128x128xf32, #tpu.memory_space<vmem_shared>>
      %dma_start3A_259 = arith.constant 0 : i32
      %dma_start3A_260 = arith.constant 0 : i32
      %dma_start3A_261 = tpu.memref_slice %arg10[%run_scoped3A, %dma_start3A_259, %dma_start3A_260] : memref<2x128x128xf32, #tpu.memory_space<vmem>> -> memref<1x128x128xf32, #tpu.memory_space<vmem>>
      %dma_start3A_262 = tpu.memref_squeeze %dma_start3A_261 : memref<1x128x128xf32, #tpu.memory_space<vmem>> -> memref<128x128xf32, #tpu.memory_space<vmem>>
      tpu.enqueue_dma source(%dma_start3A_262 : memref<128x128xf32, #tpu.memory_space<vmem>>) target(%dma_start3A_258 : memref<128x128xf32, #tpu.memory_space<vmem_shared>>) target_semaphore(%run_scoped3A_250 : memref<!tpu.dma_semaphore, #tpu.memory_space<semaphore_mem>>)
      %dma_wait3A_263 = arith.constant 0 : i32
      %dma_wait3A_264 = arith.constant 0 : i32
      %dma_wait3A_265 = tpu.memref_slice %arg10[%run_scoped3A, %dma_wait3A_263, %dma_wait3A_264] : memref<2x128x128xf32, #tpu.memory_space<vmem>> -> memref<1x128x128xf32, #tpu.memory_space<vmem>>
      %dma_wait3A_266 = tpu.memref_squeeze %dma_wait3A_265 : memref<1x128x128xf32, #tpu.memory_space<vmem>> -> memref<128x128xf32, #tpu.memory_space<vmem>>
      %dma_wait3A_267 = arith.constant 0 : i32
      %dma_wait3A_268 = tpu.memref_slice %arg13[%add3A_29, %dma_wait3A_267] : memref<10240x128xf32, #tpu.memory_space<vmem_shared>> -> memref<128x128xf32, #tpu.memory_space<vmem_shared>>
      %dma_wait3A_269 = arith.constant 0 : i32
      %dma_wait3A_270 = tpu.memref_slice %arg13[%add3A_29, %dma_wait3A_269] : memref<10240x128xf32, #tpu.memory_space<vmem_shared>> -> memref<128x128xf32, #tpu.memory_space<vmem_shared>>
      %dma_wait3A_271 = arith.constant 0 : i32
      %dma_wait3A_272 = arith.constant 0 : i32
      %dma_wait3A_273 = tpu.memref_slice %arg10[%run_scoped3A, %dma_wait3A_271, %dma_wait3A_272] : memref<2x128x128xf32, #tpu.memory_space<vmem>> -> memref<1x128x128xf32, #tpu.memory_space<vmem>>
      %dma_wait3A_274 = tpu.memref_squeeze %dma_wait3A_273 : memref<1x128x128xf32, #tpu.memory_space<vmem>> -> memref<128x128xf32, #tpu.memory_space<vmem>>
      tpu.wait_dma2 semaphore(%run_scoped3A_250 : memref<!tpu.dma_semaphore, #tpu.memory_space<semaphore_mem>>) src(%dma_wait3A_274 : memref<128x128xf32, #tpu.memory_space<vmem>>) dst(%dma_wait3A_270 : memref<128x128xf32, #tpu.memory_space<vmem_shared>>)
      tpu.yield
    }) : () -> ()
    %add3A_30 = arith.constant 128 : i32
    %add3A_31 = arith.addi %mul3A_2, %add3A_30 : i32
    %run_scoped3A_32 = arith.constant 0 : i32
    "tpu.region"() ({
      %run_scoped3A_250 = tpu.sem_alloc : memref<!tpu.dma_semaphore, #tpu.memory_space<semaphore_mem>>
      %dma_start3A_251 = arith.constant 0 : i32
      %dma_start3A_252 = arith.constant 0 : i32
      %dma_start3A_253 = tpu.memref_slice %arg10[%run_scoped3A_32, %dma_start3A_251, %dma_start3A_252] : memref<2x128x128xf32, #tpu.memory_space<vmem>> -> memref<1x128x128xf32, #tpu.memory_space<vmem>>
      %dma_start3A_254 = tpu.memref_squeeze %dma_start3A_253 : memref<1x128x128xf32, #tpu.memory_space<vmem>> -> memref<128x128xf32, #tpu.memory_space<vmem>>
      %dma_start3A_255 = arith.constant 0 : i32
      %dma_start3A_256 = tpu.memref_slice %arg13[%add3A_31, %dma_start3A_255] : memref<10240x128xf32, #tpu.memory_space<vmem_shared>> -> memref<128x128xf32, #tpu.memory_space<vmem_shared>>
      %dma_start3A_257 = arith.constant 0 : i32
      %dma_start3A_258 = tpu.memref_slice %arg13[%add3A_31, %dma_start3A_257] : memref<10240x128xf32, #tpu.memory_space<vmem_shared>> -> memref<128x128xf32, #tpu.memory_space<vmem_shared>>
      %dma_start3A_259 = arith.constant 0 : i32
      %dma_start3A_260 = arith.constant 0 : i32
      %dma_start3A_261 = tpu.memref_slice %arg10[%run_scoped3A_32, %dma_start3A_259, %dma_start3A_260] : memref<2x128x128xf32, #tpu.memory_space<vmem>> -> memref<1x128x128xf32, #tpu.memory_space<vmem>>
      %dma_start3A_262 = tpu.memref_squeeze %dma_start3A_261 : memref<1x128x128xf32, #tpu.memory_space<vmem>> -> memref<128x128xf32, #tpu.memory_space<vmem>>
      tpu.enqueue_dma source(%dma_start3A_262 : memref<128x128xf32, #tpu.memory_space<vmem>>) target(%dma_start3A_258 : memref<128x128xf32, #tpu.memory_space<vmem_shared>>) target_semaphore(%run_scoped3A_250 : memref<!tpu.dma_semaphore, #tpu.memory_space<semaphore_mem>>)
      %dma_wait3A_263 = arith.constant 0 : i32
      %dma_wait3A_264 = arith.constant 0 : i32
      %dma_wait3A_265 = tpu.memref_slice %arg10[%run_scoped3A_32, %dma_wait3A_263, %dma_wait3A_264] : memref<2x128x128xf32, #tpu.memory_space<vmem>> -> memref<1x128x128xf32, #tpu.memory_space<vmem>>
      %dma_wait3A_266 = tpu.memref_squeeze %dma_wait3A_265 : memref<1x128x128xf32, #tpu.memory_space<vmem>> -> memref<128x128xf32, #tpu.memory_space<vmem>>
      %dma_wait3A_267 = arith.constant 0 : i32
      %dma_wait3A_268 = tpu.memref_slice %arg13[%add3A_31, %dma_wait3A_267] : memref<10240x128xf32, #tpu.memory_space<vmem_shared>> -> memref<128x128xf32, #tpu.memory_space<vmem_shared>>
      %dma_wait3A_269 = arith.constant 0 : i32
      %dma_wait3A_270 = tpu.memref_slice %arg13[%add3A_31, %dma_wait3A_269] : memref<10240x128xf32, #tpu.memory_space<vmem_shared>> -> memref<128x128xf32, #tpu.memory_space<vmem_shared>>
      %dma_wait3A_271 = arith.constant 0 : i32
      %dma_wait3A_272 = arith.constant 0 : i32
      %dma_wait3A_273 = tpu.memref_slice %arg10[%run_scoped3A_32, %dma_wait3A_271, %dma_wait3A_272] : memref<2x128x128xf32, #tpu.memory_space<vmem>> -> memref<1x128x128xf32, #tpu.memory_space<vmem>>
      %dma_wait3A_274 = tpu.memref_squeeze %dma_wait3A_273 : memref<1x128x128xf32, #tpu.memory_space<vmem>> -> memref<128x128xf32, #tpu.memory_space<vmem>>
      tpu.wait_dma2 semaphore(%run_scoped3A_250 : memref<!tpu.dma_semaphore, #tpu.memory_space<semaphore_mem>>) src(%dma_wait3A_274 : memref<128x128xf32, #tpu.memory_space<vmem>>) dst(%dma_wait3A_270 : memref<128x128xf32, #tpu.memory_space<vmem_shared>>)
      tpu.yield
    }) : () -> ()
    %add3A_33 = arith.constant 256 : i32
    %add3A_34 = arith.addi %mul3A_2, %add3A_33 : i32
    %run_scoped3A_35 = arith.constant 0 : i32
    "tpu.region"() ({
      %run_scoped3A_250 = tpu.sem_alloc : memref<!tpu.dma_semaphore, #tpu.memory_space<semaphore_mem>>
      %dma_start3A_251 = arith.constant 0 : i32
      %dma_start3A_252 = arith.constant 0 : i32
      %dma_start3A_253 = tpu.memref_slice %arg10[%run_scoped3A_35, %dma_start3A_251, %dma_start3A_252] : memref<2x128x128xf32, #tpu.memory_space<vmem>> -> memref<1x128x128xf32, #tpu.memory_space<vmem>>
      %dma_start3A_254 = tpu.memref_squeeze %dma_start3A_253 : memref<1x128x128xf32, #tpu.memory_space<vmem>> -> memref<128x128xf32, #tpu.memory_space<vmem>>
      %dma_start3A_255 = arith.constant 0 : i32
      %dma_start3A_256 = tpu.memref_slice %arg13[%add3A_34, %dma_start3A_255] : memref<10240x128xf32, #tpu.memory_space<vmem_shared>> -> memref<128x128xf32, #tpu.memory_space<vmem_shared>>
      %dma_start3A_257 = arith.constant 0 : i32
      %dma_start3A_258 = tpu.memref_slice %arg13[%add3A_34, %dma_start3A_257] : memref<10240x128xf32, #tpu.memory_space<vmem_shared>> -> memref<128x128xf32, #tpu.memory_space<vmem_shared>>
      %dma_start3A_259 = arith.constant 0 : i32
      %dma_start3A_260 = arith.constant 0 : i32
      %dma_start3A_261 = tpu.memref_slice %arg10[%run_scoped3A_35, %dma_start3A_259, %dma_start3A_260] : memref<2x128x128xf32, #tpu.memory_space<vmem>> -> memref<1x128x128xf32, #tpu.memory_space<vmem>>
      %dma_start3A_262 = tpu.memref_squeeze %dma_start3A_261 : memref<1x128x128xf32, #tpu.memory_space<vmem>> -> memref<128x128xf32, #tpu.memory_space<vmem>>
      tpu.enqueue_dma source(%dma_start3A_262 : memref<128x128xf32, #tpu.memory_space<vmem>>) target(%dma_start3A_258 : memref<128x128xf32, #tpu.memory_space<vmem_shared>>) target_semaphore(%run_scoped3A_250 : memref<!tpu.dma_semaphore, #tpu.memory_space<semaphore_mem>>)
      %dma_wait3A_263 = arith.constant 0 : i32
      %dma_wait3A_264 = arith.constant 0 : i32
      %dma_wait3A_265 = tpu.memref_slice %arg10[%run_scoped3A_35, %dma_wait3A_263, %dma_wait3A_264] : memref<2x128x128xf32, #tpu.memory_space<vmem>> -> memref<1x128x128xf32, #tpu.memory_space<vmem>>
      %dma_wait3A_266 = tpu.memref_squeeze %dma_wait3A_265 : memref<1x128x128xf32, #tpu.memory_space<vmem>> -> memref<128x128xf32, #tpu.memory_space<vmem>>
      %dma_wait3A_267 = arith.constant 0 : i32
      %dma_wait3A_268 = tpu.memref_slice %arg13[%add3A_34, %dma_wait3A_267] : memref<10240x128xf32, #tpu.memory_space<vmem_shared>> -> memref<128x128xf32, #tpu.memory_space<vmem_shared>>
      %dma_wait3A_269 = arith.constant 0 : i32
      %dma_wait3A_270 = tpu.memref_slice %arg13[%add3A_34, %dma_wait3A_269] : memref<10240x128xf32, #tpu.memory_space<vmem_shared>> -> memref<128x128xf32, #tpu.memory_space<vmem_shared>>
      %dma_wait3A_271 = arith.constant 0 : i32
      %dma_wait3A_272 = arith.constant 0 : i32
      %dma_wait3A_273 = tpu.memref_slice %arg10[%run_scoped3A_35, %dma_wait3A_271, %dma_wait3A_272] : memref<2x128x128xf32, #tpu.memory_space<vmem>> -> memref<1x128x128xf32, #tpu.memory_space<vmem>>
      %dma_wait3A_274 = tpu.memref_squeeze %dma_wait3A_273 : memref<1x128x128xf32, #tpu.memory_space<vmem>> -> memref<128x128xf32, #tpu.memory_space<vmem>>
      tpu.wait_dma2 semaphore(%run_scoped3A_250 : memref<!tpu.dma_semaphore, #tpu.memory_space<semaphore_mem>>) src(%dma_wait3A_274 : memref<128x128xf32, #tpu.memory_space<vmem>>) dst(%dma_wait3A_270 : memref<128x128xf32, #tpu.memory_space<vmem_shared>>)
      tpu.yield
    }) : () -> ()
    %add3A_36 = arith.constant 384 : i32
    %add3A_37 = arith.addi %mul3A_2, %add3A_36 : i32
    %run_scoped3A_38 = arith.constant 0 : i32
    "tpu.region"() ({
      %run_scoped3A_250 = tpu.sem_alloc : memref<!tpu.dma_semaphore, #tpu.memory_space<semaphore_mem>>
      %dma_start3A_251 = arith.constant 0 : i32
      %dma_start3A_252 = arith.constant 0 : i32
      %dma_start3A_253 = tpu.memref_slice %arg10[%run_scoped3A_38, %dma_start3A_251, %dma_start3A_252] : memref<2x128x128xf32, #tpu.memory_space<vmem>> -> memref<1x128x128xf32, #tpu.memory_space<vmem>>
      %dma_start3A_254 = tpu.memref_squeeze %dma_start3A_253 : memref<1x128x128xf32, #tpu.memory_space<vmem>> -> memref<128x128xf32, #tpu.memory_space<vmem>>
      %dma_start3A_255 = arith.constant 0 : i32
      %dma_start3A_256 = tpu.memref_slice %arg13[%add3A_37, %dma_start3A_255] : memref<10240x128xf32, #tpu.memory_space<vmem_shared>> -> memref<128x128xf32, #tpu.memory_space<vmem_shared>>
      %dma_start3A_257 = arith.constant 0 : i32
      %dma_start3A_258 = tpu.memref_slice %arg13[%add3A_37, %dma_start3A_257] : memref<10240x128xf32, #tpu.memory_space<vmem_shared>> -> memref<128x128xf32, #tpu.memory_space<vmem_shared>>
      %dma_start3A_259 = arith.constant 0 : i32
      %dma_start3A_260 = arith.constant 0 : i32
      %dma_start3A_261 = tpu.memref_slice %arg10[%run_scoped3A_38, %dma_start3A_259, %dma_start3A_260] : memref<2x128x128xf32, #tpu.memory_space<vmem>> -> memref<1x128x128xf32, #tpu.memory_space<vmem>>
      %dma_start3A_262 = tpu.memref_squeeze %dma_start3A_261 : memref<1x128x128xf32, #tpu.memory_space<vmem>> -> memref<128x128xf32, #tpu.memory_space<vmem>>
      tpu.enqueue_dma source(%dma_start3A_262 : memref<128x128xf32, #tpu.memory_space<vmem>>) target(%dma_start3A_258 : memref<128x128xf32, #tpu.memory_space<vmem_shared>>) target_semaphore(%run_scoped3A_250 : memref<!tpu.dma_semaphore, #tpu.memory_space<semaphore_mem>>)
      %dma_wait3A_263 = arith.constant 0 : i32
      %dma_wait3A_264 = arith.constant 0 : i32
      %dma_wait3A_265 = tpu.memref_slice %arg10[%run_scoped3A_38, %dma_wait3A_263, %dma_wait3A_264] : memref<2x128x128xf32, #tpu.memory_space<vmem>> -> memref<1x128x128xf32, #tpu.memory_space<vmem>>
      %dma_wait3A_266 = tpu.memref_squeeze %dma_wait3A_265 : memref<1x128x128xf32, #tpu.memory_space<vmem>> -> memref<128x128xf32, #tpu.memory_space<vmem>>
      %dma_wait3A_267 = arith.constant 0 : i32
      %dma_wait3A_268 = tpu.memref_slice %arg13[%add3A_37, %dma_wait3A_267] : memref<10240x128xf32, #tpu.memory_space<vmem_shared>> -> memref<128x128xf32, #tpu.memory_space<vmem_shared>>
      %dma_wait3A_269 = arith.constant 0 : i32
      %dma_wait3A_270 = tpu.memref_slice %arg13[%add3A_37, %dma_wait3A_269] : memref<10240x128xf32, #tpu.memory_space<vmem_shared>> -> memref<128x128xf32, #tpu.memory_space<vmem_shared>>
      %dma_wait3A_271 = arith.constant 0 : i32
      %dma_wait3A_272 = arith.constant 0 : i32
      %dma_wait3A_273 = tpu.memref_slice %arg10[%run_scoped3A_38, %dma_wait3A_271, %dma_wait3A_272] : memref<2x128x128xf32, #tpu.memory_space<vmem>> -> memref<1x128x128xf32, #tpu.memory_space<vmem>>
      %dma_wait3A_274 = tpu.memref_squeeze %dma_wait3A_273 : memref<1x128x128xf32, #tpu.memory_space<vmem>> -> memref<128x128xf32, #tpu.memory_space<vmem>>
      tpu.wait_dma2 semaphore(%run_scoped3A_250 : memref<!tpu.dma_semaphore, #tpu.memory_space<semaphore_mem>>) src(%dma_wait3A_274 : memref<128x128xf32, #tpu.memory_space<vmem>>) dst(%dma_wait3A_270 : memref<128x128xf32, #tpu.memory_space<vmem_shared>>)
      tpu.yield
    }) : () -> ()
    %add3A_39 = arith.constant 512 : i32
    %add3A_40 = arith.addi %mul3A_2, %add3A_39 : i32
    %run_scoped3A_41 = arith.constant 0 : i32
    "tpu.region"() ({
      %run_scoped3A_250 = tpu.sem_alloc : memref<!tpu.dma_semaphore, #tpu.memory_space<semaphore_mem>>
      %dma_start3A_251 = arith.constant 0 : i32
      %dma_start3A_252 = arith.constant 0 : i32
      %dma_start3A_253 = tpu.memref_slice %arg10[%run_scoped3A_41, %dma_start3A_251, %dma_start3A_252] : memref<2x128x128xf32, #tpu.memory_space<vmem>> -> memref<1x128x128xf32, #tpu.memory_space<vmem>>
      %dma_start3A_254 = tpu.memref_squeeze %dma_start3A_253 : memref<1x128x128xf32, #tpu.memory_space<vmem>> -> memref<128x128xf32, #tpu.memory_space<vmem>>
      %dma_start3A_255 = arith.constant 0 : i32
      %dma_start3A_256 = tpu.memref_slice %arg13[%add3A_40, %dma_start3A_255] : memref<10240x128xf32, #tpu.memory_space<vmem_shared>> -> memref<128x128xf32, #tpu.memory_space<vmem_shared>>
      %dma_start3A_257 = arith.constant 0 : i32
      %dma_start3A_258 = tpu.memref_slice %arg13[%add3A_40, %dma_start3A_257] : memref<10240x128xf32, #tpu.memory_space<vmem_shared>> -> memref<128x128xf32, #tpu.memory_space<vmem_shared>>
      %dma_start3A_259 = arith.constant 0 : i32
      %dma_start3A_260 = arith.constant 0 : i32
      %dma_start3A_261 = tpu.memref_slice %arg10[%run_scoped3A_41, %dma_start3A_259, %dma_start3A_260] : memref<2x128x128xf32, #tpu.memory_space<vmem>> -> memref<1x128x128xf32, #tpu.memory_space<vmem>>
      %dma_start3A_262 = tpu.memref_squeeze %dma_start3A_261 : memref<1x128x128xf32, #tpu.memory_space<vmem>> -> memref<128x128xf32, #tpu.memory_space<vmem>>
      tpu.enqueue_dma source(%dma_start3A_262 : memref<128x128xf32, #tpu.memory_space<vmem>>) target(%dma_start3A_258 : memref<128x128xf32, #tpu.memory_space<vmem_shared>>) target_semaphore(%run_scoped3A_250 : memref<!tpu.dma_semaphore, #tpu.memory_space<semaphore_mem>>)
      %dma_wait3A_263 = arith.constant 0 : i32
      %dma_wait3A_264 = arith.constant 0 : i32
      %dma_wait3A_265 = tpu.memref_slice %arg10[%run_scoped3A_41, %dma_wait3A_263, %dma_wait3A_264] : memref<2x128x128xf32, #tpu.memory_space<vmem>> -> memref<1x128x128xf32, #tpu.memory_space<vmem>>
      %dma_wait3A_266 = tpu.memref_squeeze %dma_wait3A_265 : memref<1x128x128xf32, #tpu.memory_space<vmem>> -> memref<128x128xf32, #tpu.memory_space<vmem>>
      %dma_wait3A_267 = arith.constant 0 : i32
      %dma_wait3A_268 = tpu.memref_slice %arg13[%add3A_40, %dma_wait3A_267] : memref<10240x128xf32, #tpu.memory_space<vmem_shared>> -> memref<128x128xf32, #tpu.memory_space<vmem_shared>>
      %dma_wait3A_269 = arith.constant 0 : i32
      %dma_wait3A_270 = tpu.memref_slice %arg13[%add3A_40, %dma_wait3A_269] : memref<10240x128xf32, #tpu.memory_space<vmem_shared>> -> memref<128x128xf32, #tpu.memory_space<vmem_shared>>
      %dma_wait3A_271 = arith.constant 0 : i32
      %dma_wait3A_272 = arith.constant 0 : i32
      %dma_wait3A_273 = tpu.memref_slice %arg10[%run_scoped3A_41, %dma_wait3A_271, %dma_wait3A_272] : memref<2x128x128xf32, #tpu.memory_space<vmem>> -> memref<1x128x128xf32, #tpu.memory_space<vmem>>
      %dma_wait3A_274 = tpu.memref_squeeze %dma_wait3A_273 : memref<1x128x128xf32, #tpu.memory_space<vmem>> -> memref<128x128xf32, #tpu.memory_space<vmem>>
      tpu.wait_dma2 semaphore(%run_scoped3A_250 : memref<!tpu.dma_semaphore, #tpu.memory_space<semaphore_mem>>) src(%dma_wait3A_274 : memref<128x128xf32, #tpu.memory_space<vmem>>) dst(%dma_wait3A_270 : memref<128x128xf32, #tpu.memory_space<vmem_shared>>)
      tpu.yield
    }) : () -> ()
    "tpu.region"() ({
      %run_scoped3A_250 = tpu.sem_alloc : memref<!tpu.dma_semaphore, #tpu.memory_space<semaphore_mem>>
      %dma_start3A_251 = tpu.memref_slice %arg14[%mul3A_2] : memref<10240xf32, #tpu.memory_space<vmem_shared>> -> memref<640xf32, #tpu.memory_space<vmem_shared>>
      %dma_start3A_252 = tpu.memref_slice %arg14[%mul3A_2] : memref<10240xf32, #tpu.memory_space<vmem_shared>> -> memref<640xf32, #tpu.memory_space<vmem_shared>>
      tpu.enqueue_dma source(%arg12 : memref<640xf32, #tpu.memory_space<vmem>>) target(%dma_start3A_252 : memref<640xf32, #tpu.memory_space<vmem_shared>>) target_semaphore(%run_scoped3A_250 : memref<!tpu.dma_semaphore, #tpu.memory_space<semaphore_mem>>)
      %dma_wait3A_253 = tpu.memref_slice %arg14[%mul3A_2] : memref<10240xf32, #tpu.memory_space<vmem_shared>> -> memref<640xf32, #tpu.memory_space<vmem_shared>>
      %dma_wait3A_254 = tpu.memref_slice %arg14[%mul3A_2] : memref<10240xf32, #tpu.memory_space<vmem_shared>> -> memref<640xf32, #tpu.memory_space<vmem_shared>>
      tpu.wait_dma2 semaphore(%run_scoped3A_250 : memref<!tpu.dma_semaphore, #tpu.memory_space<semaphore_mem>>) src(%arg12 : memref<640xf32, #tpu.memory_space<vmem>>) dst(%dma_wait3A_254 : memref<640xf32, #tpu.memory_space<vmem_shared>>)
      tpu.yield
    }) : () -> ()
    %barrier3A = arith.constant 0 : index
    tpu.barrier barrier_id(%barrier3A)
    %dma_start3A = arith.constant 0 : i32
    %dma_start3A_42 = arith.constant 0 : i32
    %dma_start3A_43 = arith.constant 0 : i32
    %dma_start3A_44 = arith.constant 0 : i32
    %dma_start3A_45 = arith.constant 0 : i32
    %dma_start3A_46 = tpu.memref_slice %arg10[%dma_start3A_42, %dma_start3A_44, %dma_start3A_45] : memref<2x128x128xf32, #tpu.memory_space<vmem>> -> memref<1x128x128xf32, #tpu.memory_space<vmem>>
    %dma_start3A_47 = tpu.memref_squeeze %dma_start3A_46 : memref<1x128x128xf32, #tpu.memory_space<vmem>> -> memref<128x128xf32, #tpu.memory_space<vmem>>
    %dma_start3A_48 = arith.constant 0 : i32
    %dma_start3A_49 = tpu.memref_slice %arg8[%dma_start3A, %dma_start3A_48] : memref<40x128xi32, #tpu.memory_space<vmem>> -> memref<1x128xi32, #tpu.memory_space<vmem>>
    %dma_start3A_50 = tpu.memref_squeeze %dma_start3A_49 : memref<1x128xi32, #tpu.memory_space<vmem>> -> memref<128xi32, #tpu.memory_space<vmem>>
    %dma_start3A_51 = arith.constant 0 : i32
    %dma_start3A_52 = arith.constant 0 : i32
    %dma_start3A_53 = tpu.memref_slice %arg2[%dma_start3A_51, %dma_start3A_52] : memref<10240x128xf32, #tpu.memory_space<hbm>> -> memref<10240x128xf32, #tpu.memory_space<hbm>>
    %dma_start3A_54 = tpu.memref_slice %arg15[%dma_start3A_43] : memref<2x!tpu.dma_semaphore, #tpu.memory_space<semaphore_mem>> -> memref<1x!tpu.dma_semaphore, #tpu.memory_space<semaphore_mem>>
    %dma_start3A_55 = tpu.memref_squeeze %dma_start3A_54 : memref<1x!tpu.dma_semaphore, #tpu.memory_space<semaphore_mem>> -> memref<!tpu.dma_semaphore, #tpu.memory_space<semaphore_mem>>
    tpu.enqueue_indirect_dma source(%dma_start3A_53 : memref<10240x128xf32, #tpu.memory_space<hbm>>) target(%dma_start3A_47 : memref<128x128xf32, #tpu.memory_space<vmem>>) offsets(%dma_start3A_50 : memref<128xi32, #tpu.memory_space<vmem>>) semaphore(%dma_start3A_55 : memref<!tpu.dma_semaphore, #tpu.memory_space<semaphore_mem>>)
    %dma_start3A_56 = arith.constant 0 : i32
    %dma_start3A_57 = arith.constant 0 : i32
    %dma_start3A_58 = arith.constant 0 : i32
    %dma_start3A_59 = arith.constant 0 : i32
    %dma_start3A_60 = tpu.memref_slice %arg11[%dma_start3A_57, %dma_start3A_59] : memref<8x128xf32, #tpu.memory_space<vmem>> -> memref<1x128xf32, #tpu.memory_space<vmem>>
    %dma_start3A_61 = tpu.memref_squeeze %dma_start3A_60 : memref<1x128xf32, #tpu.memory_space<vmem>> -> memref<128xf32, #tpu.memory_space<vmem>>
    %dma_start3A_62 = arith.constant 0 : i32
    %dma_start3A_63 = tpu.memref_slice %arg9[%dma_start3A_56, %dma_start3A_62] : memref<40x128xi32, #tpu.memory_space<vmem>> -> memref<1x128xi32, #tpu.memory_space<vmem>>
    %dma_start3A_64 = tpu.memref_squeeze %dma_start3A_63 : memref<1x128xi32, #tpu.memory_space<vmem>> -> memref<128xi32, #tpu.memory_space<vmem>>
    %dma_start3A_65 = arith.constant 0 : i32
    %dma_start3A_66 = tpu.memref_slice %arg3[%dma_start3A_65] : memref<10240xf32, #tpu.memory_space<hbm>> -> memref<10240xf32, #tpu.memory_space<hbm>>
    %dma_start3A_67 = tpu.memref_slice %arg17[%dma_start3A_58] : memref<8x!tpu.dma_semaphore, #tpu.memory_space<semaphore_mem>> -> memref<1x!tpu.dma_semaphore, #tpu.memory_space<semaphore_mem>>
    %dma_start3A_68 = tpu.memref_squeeze %dma_start3A_67 : memref<1x!tpu.dma_semaphore, #tpu.memory_space<semaphore_mem>> -> memref<!tpu.dma_semaphore, #tpu.memory_space<semaphore_mem>>
    tpu.enqueue_indirect_dma source(%dma_start3A_66 : memref<10240xf32, #tpu.memory_space<hbm>>) target(%dma_start3A_61 : memref<128xf32, #tpu.memory_space<vmem>>) offsets(%dma_start3A_64 : memref<128xi32, #tpu.memory_space<vmem>>) semaphore(%dma_start3A_68 : memref<!tpu.dma_semaphore, #tpu.memory_space<semaphore_mem>>)
    %dma_start3A_69 = arith.constant 1 : i32
    %dma_start3A_70 = arith.constant 1 : i32
    %dma_start3A_71 = arith.constant 1 : i32
    %dma_start3A_72 = arith.constant 0 : i32
    %dma_start3A_73 = tpu.memref_slice %arg11[%dma_start3A_70, %dma_start3A_72] : memref<8x128xf32, #tpu.memory_space<vmem>> -> memref<1x128xf32, #tpu.memory_space<vmem>>
    %dma_start3A_74 = tpu.memref_squeeze %dma_start3A_73 : memref<1x128xf32, #tpu.memory_space<vmem>> -> memref<128xf32, #tpu.memory_space<vmem>>
    %dma_start3A_75 = arith.constant 0 : i32
    %dma_start3A_76 = tpu.memref_slice %arg9[%dma_start3A_69, %dma_start3A_75] : memref<40x128xi32, #tpu.memory_space<vmem>> -> memref<1x128xi32, #tpu.memory_space<vmem>>
    %dma_start3A_77 = tpu.memref_squeeze %dma_start3A_76 : memref<1x128xi32, #tpu.memory_space<vmem>> -> memref<128xi32, #tpu.memory_space<vmem>>
    %dma_start3A_78 = arith.constant 0 : i32
    %dma_start3A_79 = tpu.memref_slice %arg3[%dma_start3A_78] : memref<10240xf32, #tpu.memory_space<hbm>> -> memref<10240xf32, #tpu.memory_space<hbm>>
    %dma_start3A_80 = tpu.memref_slice %arg17[%dma_start3A_71] : memref<8x!tpu.dma_semaphore, #tpu.memory_space<semaphore_mem>> -> memref<1x!tpu.dma_semaphore, #tpu.memory_space<semaphore_mem>>
    %dma_start3A_81 = tpu.memref_squeeze %dma_start3A_80 : memref<1x!tpu.dma_semaphore, #tpu.memory_space<semaphore_mem>> -> memref<!tpu.dma_semaphore, #tpu.memory_space<semaphore_mem>>
    tpu.enqueue_indirect_dma source(%dma_start3A_79 : memref<10240xf32, #tpu.memory_space<hbm>>) target(%dma_start3A_74 : memref<128xf32, #tpu.memory_space<vmem>>) offsets(%dma_start3A_77 : memref<128xi32, #tpu.memory_space<vmem>>) semaphore(%dma_start3A_81 : memref<!tpu.dma_semaphore, #tpu.memory_space<semaphore_mem>>)
    %dma_start3A_82 = arith.constant 2 : i32
    %dma_start3A_83 = arith.constant 2 : i32
    %dma_start3A_84 = arith.constant 2 : i32
    %dma_start3A_85 = arith.constant 0 : i32
    %dma_start3A_86 = tpu.memref_slice %arg11[%dma_start3A_83, %dma_start3A_85] : memref<8x128xf32, #tpu.memory_space<vmem>> -> memref<1x128xf32, #tpu.memory_space<vmem>>
    %dma_start3A_87 = tpu.memref_squeeze %dma_start3A_86 : memref<1x128xf32, #tpu.memory_space<vmem>> -> memref<128xf32, #tpu.memory_space<vmem>>
    %dma_start3A_88 = arith.constant 0 : i32
    %dma_start3A_89 = tpu.memref_slice %arg9[%dma_start3A_82, %dma_start3A_88] : memref<40x128xi32, #tpu.memory_space<vmem>> -> memref<1x128xi32, #tpu.memory_space<vmem>>
    %dma_start3A_90 = tpu.memref_squeeze %dma_start3A_89 : memref<1x128xi32, #tpu.memory_space<vmem>> -> memref<128xi32, #tpu.memory_space<vmem>>
    %dma_start3A_91 = arith.constant 0 : i32
    %dma_start3A_92 = tpu.memref_slice %arg3[%dma_start3A_91] : memref<10240xf32, #tpu.memory_space<hbm>> -> memref<10240xf32, #tpu.memory_space<hbm>>
    %dma_start3A_93 = tpu.memref_slice %arg17[%dma_start3A_84] : memref<8x!tpu.dma_semaphore, #tpu.memory_space<semaphore_mem>> -> memref<1x!tpu.dma_semaphore, #tpu.memory_space<semaphore_mem>>
    %dma_start3A_94 = tpu.memref_squeeze %dma_start3A_93 : memref<1x!tpu.dma_semaphore, #tpu.memory_space<semaphore_mem>> -> memref<!tpu.dma_semaphore, #tpu.memory_space<semaphore_mem>>
    tpu.enqueue_indirect_dma source(%dma_start3A_92 : memref<10240xf32, #tpu.memory_space<hbm>>) target(%dma_start3A_87 : memref<128xf32, #tpu.memory_space<vmem>>) offsets(%dma_start3A_90 : memref<128xi32, #tpu.memory_space<vmem>>) semaphore(%dma_start3A_94 : memref<!tpu.dma_semaphore, #tpu.memory_space<semaphore_mem>>)
    %dma_start3A_95 = arith.constant 3 : i32
    %dma_start3A_96 = arith.constant 3 : i32
    %dma_start3A_97 = arith.constant 3 : i32
    %dma_start3A_98 = arith.constant 0 : i32
    %dma_start3A_99 = tpu.memref_slice %arg11[%dma_start3A_96, %dma_start3A_98] : memref<8x128xf32, #tpu.memory_space<vmem>> -> memref<1x128xf32, #tpu.memory_space<vmem>>
    %dma_start3A_100 = tpu.memref_squeeze %dma_start3A_99 : memref<1x128xf32, #tpu.memory_space<vmem>> -> memref<128xf32, #tpu.memory_space<vmem>>
    %dma_start3A_101 = arith.constant 0 : i32
    %dma_start3A_102 = tpu.memref_slice %arg9[%dma_start3A_95, %dma_start3A_101] : memref<40x128xi32, #tpu.memory_space<vmem>> -> memref<1x128xi32, #tpu.memory_space<vmem>>
    %dma_start3A_103 = tpu.memref_squeeze %dma_start3A_102 : memref<1x128xi32, #tpu.memory_space<vmem>> -> memref<128xi32, #tpu.memory_space<vmem>>
    %dma_start3A_104 = arith.constant 0 : i32
    %dma_start3A_105 = tpu.memref_slice %arg3[%dma_start3A_104] : memref<10240xf32, #tpu.memory_space<hbm>> -> memref<10240xf32, #tpu.memory_space<hbm>>
    %dma_start3A_106 = tpu.memref_slice %arg17[%dma_start3A_97] : memref<8x!tpu.dma_semaphore, #tpu.memory_space<semaphore_mem>> -> memref<1x!tpu.dma_semaphore, #tpu.memory_space<semaphore_mem>>
    %dma_start3A_107 = tpu.memref_squeeze %dma_start3A_106 : memref<1x!tpu.dma_semaphore, #tpu.memory_space<semaphore_mem>> -> memref<!tpu.dma_semaphore, #tpu.memory_space<semaphore_mem>>
    tpu.enqueue_indirect_dma source(%dma_start3A_105 : memref<10240xf32, #tpu.memory_space<hbm>>) target(%dma_start3A_100 : memref<128xf32, #tpu.memory_space<vmem>>) offsets(%dma_start3A_103 : memref<128xi32, #tpu.memory_space<vmem>>) semaphore(%dma_start3A_107 : memref<!tpu.dma_semaphore, #tpu.memory_space<semaphore_mem>>)
    %scan3A_108 = arith.constant 0 : i32
    %scan3A_109 = arith.constant 5 : i32
    %scan3A_110 = arith.addi %scan3A_108, %scan3A_109 : i32
    %scan3A_111 = arith.constant 1 : i32
    scf.for %scan3A_250 = %scan3A_108 to %scan3A_110 step %scan3A_111  : i32 {
      %mul3A_251 = arith.constant 1 : i32
      %mul3A_252 = arith.muli %scan3A_250, %mul3A_251 : i32
      %add3A_253 = arith.constant 0 : i32
      %add3A_254 = arith.addi %add3A_253, %mul3A_252 : i32
      %mul3A_255 = arith.constant 8 : i32
      %mul3A_256 = arith.muli %add3A_254, %mul3A_255 : i32
      %add3A_257 = arith.constant 0 : i32
      %add3A_258 = arith.addi %mul3A_256, %add3A_257 : i32
      %ge3A = arith.constant 1 : i32
      %ge3A_259 = arith.cmpi sge, %add3A_254, %ge3A : i32
      %convert_element_type3A_260 = arith.extui %ge3A_259 : i1 to i32
      %cond3A_261 = arith.constant 0 : i32
      %cond3A_262 = arith.cmpi ne, %convert_element_type3A_260, %cond3A_261 : i32
      scf.if %cond3A_262 {
        %dma_wait3A_1009 = arith.constant 1 : i32
        %dma_wait3A_1010 = arith.constant 0 : i32
        %dma_wait3A_1011 = arith.constant 1 : i32
        %dma_wait3A_1012 = arith.constant 0 : i32
        %dma_wait3A_1013 = arith.constant 0 : i32
        %dma_wait3A_1014 = tpu.memref_slice %arg10[%dma_wait3A_1009, %dma_wait3A_1012, %dma_wait3A_1013] : memref<2x128x128xf32, #tpu.memory_space<vmem>> -> memref<1x128x128xf32, #tpu.memory_space<vmem>>
        %dma_wait3A_1015 = tpu.memref_squeeze %dma_wait3A_1014 : memref<1x128x128xf32, #tpu.memory_space<vmem>> -> memref<128x128xf32, #tpu.memory_space<vmem>>
        %dma_wait3A_1016 = arith.constant 0 : i32
        %dma_wait3A_1017 = tpu.memref_slice %arg9[%dma_wait3A_1010, %dma_wait3A_1016] : memref<40x128xi32, #tpu.memory_space<vmem>> -> memref<1x128xi32, #tpu.memory_space<vmem>>
        %dma_wait3A_1018 = tpu.memref_squeeze %dma_wait3A_1017 : memref<1x128xi32, #tpu.memory_space<vmem>> -> memref<128xi32, #tpu.memory_space<vmem>>
        %dma_wait3A_1019 = arith.constant 0 : i32
        %dma_wait3A_1020 = arith.constant 0 : i32
        %dma_wait3A_1021 = tpu.memref_slice %arg13[%dma_wait3A_1019, %dma_wait3A_1020] : memref<10240x128xf32, #tpu.memory_space<vmem_shared>> -> memref<10240x128xf32, #tpu.memory_space<vmem_shared>>
        %dma_wait3A_1022 = tpu.memref_slice %arg16[%dma_wait3A_1011] : memref<2x!tpu.dma_semaphore, #tpu.memory_space<semaphore_mem>> -> memref<1x!tpu.dma_semaphore, #tpu.memory_space<semaphore_mem>>
        %dma_wait3A_1023 = tpu.memref_squeeze %dma_wait3A_1022 : memref<1x!tpu.dma_semaphore, #tpu.memory_space<semaphore_mem>> -> memref<!tpu.dma_semaphore, #tpu.memory_space<semaphore_mem>>
        tpu.wait_indirect_dma semaphore(%dma_wait3A_1023 : memref<!tpu.dma_semaphore, #tpu.memory_space<semaphore_mem>>) src(%dma_wait3A_1015 : memref<128x128xf32, #tpu.memory_space<vmem>>) dst(%dma_wait3A_1021 : memref<10240x128xf32, #tpu.memory_space<vmem_shared>>)
      } else {
      }
      %add3A_263 = arith.constant 1 : i32
      %add3A_264 = arith.addi %add3A_258, %add3A_263 : i32
      %dma_start3A_265 = arith.constant 1 : i32
      %dma_start3A_266 = arith.constant 1 : i32
      %dma_start3A_267 = arith.constant 0 : i32
      %dma_start3A_268 = arith.constant 0 : i32
      %dma_start3A_269 = tpu.memref_slice %arg10[%dma_start3A_265, %dma_start3A_267, %dma_start3A_268] : memref<2x128x128xf32, #tpu.memory_space<vmem>> -> memref<1x128x128xf32, #tpu.memory_space<vmem>>
      %dma_start3A_270 = tpu.memref_squeeze %dma_start3A_269 : memref<1x128x128xf32, #tpu.memory_space<vmem>> -> memref<128x128xf32, #tpu.memory_space<vmem>>
      %dma_start3A_271 = arith.constant 0 : i32
      %dma_start3A_272 = tpu.memref_slice %arg8[%add3A_264, %dma_start3A_271] : memref<40x128xi32, #tpu.memory_space<vmem>> -> memref<1x128xi32, #tpu.memory_space<vmem>>
      %dma_start3A_273 = tpu.memref_squeeze %dma_start3A_272 : memref<1x128xi32, #tpu.memory_space<vmem>> -> memref<128xi32, #tpu.memory_space<vmem>>
      %dma_start3A_274 = arith.constant 0 : i32
      %dma_start3A_275 = arith.constant 0 : i32
      %dma_start3A_276 = tpu.memref_slice %arg2[%dma_start3A_274, %dma_start3A_275] : memref<10240x128xf32, #tpu.memory_space<hbm>> -> memref<10240x128xf32, #tpu.memory_space<hbm>>
      %dma_start3A_277 = tpu.memref_slice %arg15[%dma_start3A_266] : memref<2x!tpu.dma_semaphore, #tpu.memory_space<semaphore_mem>> -> memref<1x!tpu.dma_semaphore, #tpu.memory_space<semaphore_mem>>
      %dma_start3A_278 = tpu.memref_squeeze %dma_start3A_277 : memref<1x!tpu.dma_semaphore, #tpu.memory_space<semaphore_mem>> -> memref<!tpu.dma_semaphore, #tpu.memory_space<semaphore_mem>>
      tpu.enqueue_indirect_dma source(%dma_start3A_276 : memref<10240x128xf32, #tpu.memory_space<hbm>>) target(%dma_start3A_270 : memref<128x128xf32, #tpu.memory_space<vmem>>) offsets(%dma_start3A_273 : memref<128xi32, #tpu.memory_space<vmem>>) semaphore(%dma_start3A_278 : memref<!tpu.dma_semaphore, #tpu.memory_space<semaphore_mem>>)
      %dma_wait3A_279 = arith.constant 0 : i32
      %dma_wait3A_280 = arith.constant 0 : i32
      %dma_wait3A_281 = arith.constant 0 : i32
      %dma_wait3A_282 = arith.constant 0 : i32
      %dma_wait3A_283 = tpu.memref_slice %arg10[%dma_wait3A_279, %dma_wait3A_281, %dma_wait3A_282] : memref<2x128x128xf32, #tpu.memory_space<vmem>> -> memref<1x128x128xf32, #tpu.memory_space<vmem>>
      %dma_wait3A_284 = tpu.memref_squeeze %dma_wait3A_283 : memref<1x128x128xf32, #tpu.memory_space<vmem>> -> memref<128x128xf32, #tpu.memory_space<vmem>>
      %dma_wait3A_285 = arith.constant 0 : i32
      %dma_wait3A_286 = tpu.memref_slice %arg8[%add3A_258, %dma_wait3A_285] : memref<40x128xi32, #tpu.memory_space<vmem>> -> memref<1x128xi32, #tpu.memory_space<vmem>>
      %dma_wait3A_287 = tpu.memref_squeeze %dma_wait3A_286 : memref<1x128xi32, #tpu.memory_space<vmem>> -> memref<128xi32, #tpu.memory_space<vmem>>
      %dma_wait3A_288 = arith.constant 0 : i32
      %dma_wait3A_289 = arith.constant 0 : i32
      %dma_wait3A_290 = tpu.memref_slice %arg2[%dma_wait3A_288, %dma_wait3A_289] : memref<10240x128xf32, #tpu.memory_space<hbm>> -> memref<10240x128xf32, #tpu.memory_space<hbm>>
      %dma_wait3A_291 = tpu.memref_slice %arg15[%dma_wait3A_280] : memref<2x!tpu.dma_semaphore, #tpu.memory_space<semaphore_mem>> -> memref<1x!tpu.dma_semaphore, #tpu.memory_space<semaphore_mem>>
      %dma_wait3A_292 = tpu.memref_squeeze %dma_wait3A_291 : memref<1x!tpu.dma_semaphore, #tpu.memory_space<semaphore_mem>> -> memref<!tpu.dma_semaphore, #tpu.memory_space<semaphore_mem>>
      tpu.wait_indirect_dma semaphore(%dma_wait3A_292 : memref<!tpu.dma_semaphore, #tpu.memory_space<semaphore_mem>>) src(%dma_wait3A_290 : memref<10240x128xf32, #tpu.memory_space<hbm>>) dst(%dma_wait3A_284 : memref<128x128xf32, #tpu.memory_space<vmem>>)
      %dma_start3A_293 = arith.constant 0 : i32
      %dma_start3A_294 = arith.constant 0 : i32
      %dma_start3A_295 = arith.constant 0 : i32
      %dma_start3A_296 = arith.constant 0 : i32
      %dma_start3A_297 = tpu.memref_slice %arg10[%dma_start3A_293, %dma_start3A_295, %dma_start3A_296] : memref<2x128x128xf32, #tpu.memory_space<vmem>> -> memref<1x128x128xf32, #tpu.memory_space<vmem>>
      %dma_start3A_298 = tpu.memref_squeeze %dma_start3A_297 : memref<1x128x128xf32, #tpu.memory_space<vmem>> -> memref<128x128xf32, #tpu.memory_space<vmem>>
      %dma_start3A_299 = arith.constant 0 : i32
      %dma_start3A_300 = tpu.memref_slice %arg9[%add3A_258, %dma_start3A_299] : memref<40x128xi32, #tpu.memory_space<vmem>> -> memref<1x128xi32, #tpu.memory_space<vmem>>
      %dma_start3A_301 = tpu.memref_squeeze %dma_start3A_300 : memref<1x128xi32, #tpu.memory_space<vmem>> -> memref<128xi32, #tpu.memory_space<vmem>>
      %dma_start3A_302 = arith.constant 0 : i32
      %dma_start3A_303 = arith.constant 0 : i32
      %dma_start3A_304 = tpu.memref_slice %arg13[%dma_start3A_302, %dma_start3A_303] : memref<10240x128xf32, #tpu.memory_space<vmem_shared>> -> memref<10240x128xf32, #tpu.memory_space<vmem_shared>>
      %dma_start3A_305 = tpu.memref_slice %arg16[%dma_start3A_294] : memref<2x!tpu.dma_semaphore, #tpu.memory_space<semaphore_mem>> -> memref<1x!tpu.dma_semaphore, #tpu.memory_space<semaphore_mem>>
      %dma_start3A_306 = tpu.memref_squeeze %dma_start3A_305 : memref<1x!tpu.dma_semaphore, #tpu.memory_space<semaphore_mem>> -> memref<!tpu.dma_semaphore, #tpu.memory_space<semaphore_mem>>
      tpu.enqueue_indirect_dma source(%dma_start3A_298 : memref<128x128xf32, #tpu.memory_space<vmem>>) target(%dma_start3A_304 : memref<10240x128xf32, #tpu.memory_space<vmem_shared>>) offsets(%dma_start3A_301 : memref<128xi32, #tpu.memory_space<vmem>>) semaphore(%dma_start3A_306 : memref<!tpu.dma_semaphore, #tpu.memory_space<semaphore_mem>>) {add = true}
      %ge3A_307 = arith.constant 1 : i32
      %ge3A_308 = arith.cmpi sge, %add3A_254, %ge3A_307 : i32
      %convert_element_type3A_309 = arith.extui %ge3A_308 : i1 to i32
      %cond3A_310 = arith.constant 0 : i32
      %cond3A_311 = arith.cmpi ne, %convert_element_type3A_309, %cond3A_310 : i32
      scf.if %cond3A_311 {
        %dma_wait3A_1009 = arith.constant 4 : i32
        %dma_wait3A_1010 = arith.constant 0 : i32
        %dma_wait3A_1011 = arith.constant 4 : i32
        %dma_wait3A_1012 = arith.constant 0 : i32
        %dma_wait3A_1013 = tpu.memref_slice %arg11[%dma_wait3A_1009, %dma_wait3A_1012] : memref<8x128xf32, #tpu.memory_space<vmem>> -> memref<1x128xf32, #tpu.memory_space<vmem>>
        %dma_wait3A_1014 = tpu.memref_squeeze %dma_wait3A_1013 : memref<1x128xf32, #tpu.memory_space<vmem>> -> memref<128xf32, #tpu.memory_space<vmem>>
        %dma_wait3A_1015 = arith.constant 0 : i32
        %dma_wait3A_1016 = tpu.memref_slice %arg8[%dma_wait3A_1010, %dma_wait3A_1015] : memref<40x128xi32, #tpu.memory_space<vmem>> -> memref<1x128xi32, #tpu.memory_space<vmem>>
        %dma_wait3A_1017 = tpu.memref_squeeze %dma_wait3A_1016 : memref<1x128xi32, #tpu.memory_space<vmem>> -> memref<128xi32, #tpu.memory_space<vmem>>
        %dma_wait3A_1018 = arith.constant 0 : i32
        %dma_wait3A_1019 = tpu.memref_slice %arg14[%dma_wait3A_1018] : memref<10240xf32, #tpu.memory_space<vmem_shared>> -> memref<10240xf32, #tpu.memory_space<vmem_shared>>
        %dma_wait3A_1020 = tpu.memref_slice %arg18[%dma_wait3A_1011] : memref<8x!tpu.dma_semaphore, #tpu.memory_space<semaphore_mem>> -> memref<1x!tpu.dma_semaphore, #tpu.memory_space<semaphore_mem>>
        %dma_wait3A_1021 = tpu.memref_squeeze %dma_wait3A_1020 : memref<1x!tpu.dma_semaphore, #tpu.memory_space<semaphore_mem>> -> memref<!tpu.dma_semaphore, #tpu.memory_space<semaphore_mem>>
        tpu.wait_indirect_dma semaphore(%dma_wait3A_1021 : memref<!tpu.dma_semaphore, #tpu.memory_space<semaphore_mem>>) src(%dma_wait3A_1014 : memref<128xf32, #tpu.memory_space<vmem>>) dst(%dma_wait3A_1019 : memref<10240xf32, #tpu.memory_space<vmem_shared>>)
      } else {
      }
      %add3A_312 = arith.constant 4 : i32
      %add3A_313 = arith.addi %add3A_258, %add3A_312 : i32
      %dma_start3A_314 = arith.constant 4 : i32
      %dma_start3A_315 = arith.constant 4 : i32
      %dma_start3A_316 = arith.constant 0 : i32
      %dma_start3A_317 = tpu.memref_slice %arg11[%dma_start3A_314, %dma_start3A_316] : memref<8x128xf32, #tpu.memory_space<vmem>> -> memref<1x128xf32, #tpu.memory_space<vmem>>
      %dma_start3A_318 = tpu.memref_squeeze %dma_start3A_317 : memref<1x128xf32, #tpu.memory_space<vmem>> -> memref<128xf32, #tpu.memory_space<vmem>>
      %dma_start3A_319 = arith.constant 0 : i32
      %dma_start3A_320 = tpu.memref_slice %arg9[%add3A_313, %dma_start3A_319] : memref<40x128xi32, #tpu.memory_space<vmem>> -> memref<1x128xi32, #tpu.memory_space<vmem>>
      %dma_start3A_321 = tpu.memref_squeeze %dma_start3A_320 : memref<1x128xi32, #tpu.memory_space<vmem>> -> memref<128xi32, #tpu.memory_space<vmem>>
      %dma_start3A_322 = arith.constant 0 : i32
      %dma_start3A_323 = tpu.memref_slice %arg3[%dma_start3A_322] : memref<10240xf32, #tpu.memory_space<hbm>> -> memref<10240xf32, #tpu.memory_space<hbm>>
      %dma_start3A_324 = tpu.memref_slice %arg17[%dma_start3A_315] : memref<8x!tpu.dma_semaphore, #tpu.memory_space<semaphore_mem>> -> memref<1x!tpu.dma_semaphore, #tpu.memory_space<semaphore_mem>>
      %dma_start3A_325 = tpu.memref_squeeze %dma_start3A_324 : memref<1x!tpu.dma_semaphore, #tpu.memory_space<semaphore_mem>> -> memref<!tpu.dma_semaphore, #tpu.memory_space<semaphore_mem>>
      tpu.enqueue_indirect_dma source(%dma_start3A_323 : memref<10240xf32, #tpu.memory_space<hbm>>) target(%dma_start3A_318 : memref<128xf32, #tpu.memory_space<vmem>>) offsets(%dma_start3A_321 : memref<128xi32, #tpu.memory_space<vmem>>) semaphore(%dma_start3A_325 : memref<!tpu.dma_semaphore, #tpu.memory_space<semaphore_mem>>)
      %dma_wait3A_326 = arith.constant 0 : i32
      %dma_wait3A_327 = arith.constant 0 : i32
      %dma_wait3A_328 = arith.constant 0 : i32
      %dma_wait3A_329 = tpu.memref_slice %arg11[%dma_wait3A_326, %dma_wait3A_328] : memref<8x128xf32, #tpu.memory_space<vmem>> -> memref<1x128xf32, #tpu.memory_space<vmem>>
      %dma_wait3A_330 = tpu.memref_squeeze %dma_wait3A_329 : memref<1x128xf32, #tpu.memory_space<vmem>> -> memref<128xf32, #tpu.memory_space<vmem>>
      %dma_wait3A_331 = arith.constant 0 : i32
      %dma_wait3A_332 = tpu.memref_slice %arg9[%add3A_258, %dma_wait3A_331] : memref<40x128xi32, #tpu.memory_space<vmem>> -> memref<1x128xi32, #tpu.memory_space<vmem>>
      %dma_wait3A_333 = tpu.memref_squeeze %dma_wait3A_332 : memref<1x128xi32, #tpu.memory_space<vmem>> -> memref<128xi32, #tpu.memory_space<vmem>>
      %dma_wait3A_334 = arith.constant 0 : i32
      %dma_wait3A_335 = tpu.memref_slice %arg3[%dma_wait3A_334] : memref<10240xf32, #tpu.memory_space<hbm>> -> memref<10240xf32, #tpu.memory_space<hbm>>
      %dma_wait3A_336 = tpu.memref_slice %arg17[%dma_wait3A_327] : memref<8x!tpu.dma_semaphore, #tpu.memory_space<semaphore_mem>> -> memref<1x!tpu.dma_semaphore, #tpu.memory_space<semaphore_mem>>
      %dma_wait3A_337 = tpu.memref_squeeze %dma_wait3A_336 : memref<1x!tpu.dma_semaphore, #tpu.memory_space<semaphore_mem>> -> memref<!tpu.dma_semaphore, #tpu.memory_space<semaphore_mem>>
      tpu.wait_indirect_dma semaphore(%dma_wait3A_337 : memref<!tpu.dma_semaphore, #tpu.memory_space<semaphore_mem>>) src(%dma_wait3A_335 : memref<10240xf32, #tpu.memory_space<hbm>>) dst(%dma_wait3A_330 : memref<128xf32, #tpu.memory_space<vmem>>)
      %dma_start3A_338 = arith.constant 0 : i32
      %dma_start3A_339 = arith.constant 0 : i32
      %dma_start3A_340 = arith.constant 0 : i32
      %dma_start3A_341 = tpu.memref_slice %arg11[%dma_start3A_338, %dma_start3A_340] : memref<8x128xf32, #tpu.memory_space<vmem>> -> memref<1x128xf32, #tpu.memory_space<vmem>>
      %dma_start3A_342 = tpu.memref_squeeze %dma_start3A_341 : memref<1x128xf32, #tpu.memory_space<vmem>> -> memref<128xf32, #tpu.memory_space<vmem>>
      %dma_start3A_343 = arith.constant 0 : i32
      %dma_start3A_344 = tpu.memref_slice %arg8[%add3A_258, %dma_start3A_343] : memref<40x128xi32, #tpu.memory_space<vmem>> -> memref<1x128xi32, #tpu.memory_space<vmem>>
      %dma_start3A_345 = tpu.memref_squeeze %dma_start3A_344 : memref<1x128xi32, #tpu.memory_space<vmem>> -> memref<128xi32, #tpu.memory_space<vmem>>
      %dma_start3A_346 = arith.constant 0 : i32
      %dma_start3A_347 = tpu.memref_slice %arg14[%dma_start3A_346] : memref<10240xf32, #tpu.memory_space<vmem_shared>> -> memref<10240xf32, #tpu.memory_space<vmem_shared>>
      %dma_start3A_348 = tpu.memref_slice %arg18[%dma_start3A_339] : memref<8x!tpu.dma_semaphore, #tpu.memory_space<semaphore_mem>> -> memref<1x!tpu.dma_semaphore, #tpu.memory_space<semaphore_mem>>
      %dma_start3A_349 = tpu.memref_squeeze %dma_start3A_348 : memref<1x!tpu.dma_semaphore, #tpu.memory_space<semaphore_mem>> -> memref<!tpu.dma_semaphore, #tpu.memory_space<semaphore_mem>>
      tpu.enqueue_indirect_dma source(%dma_start3A_342 : memref<128xf32, #tpu.memory_space<vmem>>) target(%dma_start3A_347 : memref<10240xf32, #tpu.memory_space<vmem_shared>>) offsets(%dma_start3A_345 : memref<128xi32, #tpu.memory_space<vmem>>) semaphore(%dma_start3A_349 : memref<!tpu.dma_semaphore, #tpu.memory_space<semaphore_mem>>) {add = true}
      %mul3A_350 = arith.constant 8 : i32
      %mul3A_351 = arith.muli %add3A_254, %mul3A_350 : i32
      %add3A_352 = arith.constant 1 : i32
      %add3A_353 = arith.addi %mul3A_351, %add3A_352 : i32
      %dma_wait3A_354 = arith.constant 0 : i32
      %dma_wait3A_355 = arith.constant 0 : i32
      %dma_wait3A_356 = arith.constant 0 : i32
      %dma_wait3A_357 = arith.constant 0 : i32
      %dma_wait3A_358 = arith.constant 0 : i32
      %dma_wait3A_359 = tpu.memref_slice %arg10[%dma_wait3A_354, %dma_wait3A_357, %dma_wait3A_358] : memref<2x128x128xf32, #tpu.memory_space<vmem>> -> memref<1x128x128xf32, #tpu.memory_space<vmem>>
      %dma_wait3A_360 = tpu.memref_squeeze %dma_wait3A_359 : memref<1x128x128xf32, #tpu.memory_space<vmem>> -> memref<128x128xf32, #tpu.memory_space<vmem>>
      %dma_wait3A_361 = arith.constant 0 : i32
      %dma_wait3A_362 = tpu.memref_slice %arg9[%dma_wait3A_355, %dma_wait3A_361] : memref<40x128xi32, #tpu.memory_space<vmem>> -> memref<1x128xi32, #tpu.memory_space<vmem>>
      %dma_wait3A_363 = tpu.memref_squeeze %dma_wait3A_362 : memref<1x128xi32, #tpu.memory_space<vmem>> -> memref<128xi32, #tpu.memory_space<vmem>>
      %dma_wait3A_364 = arith.constant 0 : i32
      %dma_wait3A_365 = arith.constant 0 : i32
      %dma_wait3A_366 = tpu.memref_slice %arg13[%dma_wait3A_364, %dma_wait3A_365] : memref<10240x128xf32, #tpu.memory_space<vmem_shared>> -> memref<10240x128xf32, #tpu.memory_space<vmem_shared>>
      %dma_wait3A_367 = tpu.memref_slice %arg16[%dma_wait3A_356] : memref<2x!tpu.dma_semaphore, #tpu.memory_space<semaphore_mem>> -> memref<1x!tpu.dma_semaphore, #tpu.memory_space<semaphore_mem>>
      %dma_wait3A_368 = tpu.memref_squeeze %dma_wait3A_367 : memref<1x!tpu.dma_semaphore, #tpu.memory_space<semaphore_mem>> -> memref<!tpu.dma_semaphore, #tpu.memory_space<semaphore_mem>>
      tpu.wait_indirect_dma semaphore(%dma_wait3A_368 : memref<!tpu.dma_semaphore, #tpu.memory_space<semaphore_mem>>) src(%dma_wait3A_360 : memref<128x128xf32, #tpu.memory_space<vmem>>) dst(%dma_wait3A_366 : memref<10240x128xf32, #tpu.memory_space<vmem_shared>>)
      %add3A_369 = arith.constant 1 : i32
      %add3A_370 = arith.addi %add3A_353, %add3A_369 : i32
      %dma_start3A_371 = arith.constant 0 : i32
      %dma_start3A_372 = arith.constant 0 : i32
      %dma_start3A_373 = arith.constant 0 : i32
      %dma_start3A_374 = arith.constant 0 : i32
      %dma_start3A_375 = tpu.memref_slice %arg10[%dma_start3A_371, %dma_start3A_373, %dma_start3A_374] : memref<2x128x128xf32, #tpu.memory_space<vmem>> -> memref<1x128x128xf32, #tpu.memory_space<vmem>>
      %dma_start3A_376 = tpu.memref_squeeze %dma_start3A_375 : memref<1x128x128xf32, #tpu.memory_space<vmem>> -> memref<128x128xf32, #tpu.memory_space<vmem>>
      %dma_start3A_377 = arith.constant 0 : i32
      %dma_start3A_378 = tpu.memref_slice %arg8[%add3A_370, %dma_start3A_377] : memref<40x128xi32, #tpu.memory_space<vmem>> -> memref<1x128xi32, #tpu.memory_space<vmem>>
      %dma_start3A_379 = tpu.memref_squeeze %dma_start3A_378 : memref<1x128xi32, #tpu.memory_space<vmem>> -> memref<128xi32, #tpu.memory_space<vmem>>
      %dma_start3A_380 = arith.constant 0 : i32
      %dma_start3A_381 = arith.constant 0 : i32
      %dma_start3A_382 = tpu.memref_slice %arg2[%dma_start3A_380, %dma_start3A_381] : memref<10240x128xf32, #tpu.memory_space<hbm>> -> memref<10240x128xf32, #tpu.memory_space<hbm>>
      %dma_start3A_383 = tpu.memref_slice %arg15[%dma_start3A_372] : memref<2x!tpu.dma_semaphore, #tpu.memory_space<semaphore_mem>> -> memref<1x!tpu.dma_semaphore, #tpu.memory_space<semaphore_mem>>
      %dma_start3A_384 = tpu.memref_squeeze %dma_start3A_383 : memref<1x!tpu.dma_semaphore, #tpu.memory_space<semaphore_mem>> -> memref<!tpu.dma_semaphore, #tpu.memory_space<semaphore_mem>>
      tpu.enqueue_indirect_dma source(%dma_start3A_382 : memref<10240x128xf32, #tpu.memory_space<hbm>>) target(%dma_start3A_376 : memref<128x128xf32, #tpu.memory_space<vmem>>) offsets(%dma_start3A_379 : memref<128xi32, #tpu.memory_space<vmem>>) semaphore(%dma_start3A_384 : memref<!tpu.dma_semaphore, #tpu.memory_space<semaphore_mem>>)
      %dma_wait3A_385 = arith.constant 1 : i32
      %dma_wait3A_386 = arith.constant 1 : i32
      %dma_wait3A_387 = arith.constant 0 : i32
      %dma_wait3A_388 = arith.constant 0 : i32
      %dma_wait3A_389 = tpu.memref_slice %arg10[%dma_wait3A_385, %dma_wait3A_387, %dma_wait3A_388] : memref<2x128x128xf32, #tpu.memory_space<vmem>> -> memref<1x128x128xf32, #tpu.memory_space<vmem>>
      %dma_wait3A_390 = tpu.memref_squeeze %dma_wait3A_389 : memref<1x128x128xf32, #tpu.memory_space<vmem>> -> memref<128x128xf32, #tpu.memory_space<vmem>>
      %dma_wait3A_391 = arith.constant 0 : i32
      %dma_wait3A_392 = tpu.memref_slice %arg8[%add3A_353, %dma_wait3A_391] : memref<40x128xi32, #tpu.memory_space<vmem>> -> memref<1x128xi32, #tpu.memory_space<vmem>>
      %dma_wait3A_393 = tpu.memref_squeeze %dma_wait3A_392 : memref<1x128xi32, #tpu.memory_space<vmem>> -> memref<128xi32, #tpu.memory_space<vmem>>
      %dma_wait3A_394 = arith.constant 0 : i32
      %dma_wait3A_395 = arith.constant 0 : i32
      %dma_wait3A_396 = tpu.memref_slice %arg2[%dma_wait3A_394, %dma_wait3A_395] : memref<10240x128xf32, #tpu.memory_space<hbm>> -> memref<10240x128xf32, #tpu.memory_space<hbm>>
      %dma_wait3A_397 = tpu.memref_slice %arg15[%dma_wait3A_386] : memref<2x!tpu.dma_semaphore, #tpu.memory_space<semaphore_mem>> -> memref<1x!tpu.dma_semaphore, #tpu.memory_space<semaphore_mem>>
      %dma_wait3A_398 = tpu.memref_squeeze %dma_wait3A_397 : memref<1x!tpu.dma_semaphore, #tpu.memory_space<semaphore_mem>> -> memref<!tpu.dma_semaphore, #tpu.memory_space<semaphore_mem>>
      tpu.wait_indirect_dma semaphore(%dma_wait3A_398 : memref<!tpu.dma_semaphore, #tpu.memory_space<semaphore_mem>>) src(%dma_wait3A_396 : memref<10240x128xf32, #tpu.memory_space<hbm>>) dst(%dma_wait3A_390 : memref<128x128xf32, #tpu.memory_space<vmem>>)
      %dma_start3A_399 = arith.constant 1 : i32
      %dma_start3A_400 = arith.constant 1 : i32
      %dma_start3A_401 = arith.constant 0 : i32
      %dma_start3A_402 = arith.constant 0 : i32
      %dma_start3A_403 = tpu.memref_slice %arg10[%dma_start3A_399, %dma_start3A_401, %dma_start3A_402] : memref<2x128x128xf32, #tpu.memory_space<vmem>> -> memref<1x128x128xf32, #tpu.memory_space<vmem>>
      %dma_start3A_404 = tpu.memref_squeeze %dma_start3A_403 : memref<1x128x128xf32, #tpu.memory_space<vmem>> -> memref<128x128xf32, #tpu.memory_space<vmem>>
      %dma_start3A_405 = arith.constant 0 : i32
      %dma_start3A_406 = tpu.memref_slice %arg9[%add3A_353, %dma_start3A_405] : memref<40x128xi32, #tpu.memory_space<vmem>> -> memref<1x128xi32, #tpu.memory_space<vmem>>
      %dma_start3A_407 = tpu.memref_squeeze %dma_start3A_406 : memref<1x128xi32, #tpu.memory_space<vmem>> -> memref<128xi32, #tpu.memory_space<vmem>>
      %dma_start3A_408 = arith.constant 0 : i32
      %dma_start3A_409 = arith.constant 0 : i32
      %dma_start3A_410 = tpu.memref_slice %arg13[%dma_start3A_408, %dma_start3A_409] : memref<10240x128xf32, #tpu.memory_space<vmem_shared>> -> memref<10240x128xf32, #tpu.memory_space<vmem_shared>>
      %dma_start3A_411 = tpu.memref_slice %arg16[%dma_start3A_400] : memref<2x!tpu.dma_semaphore, #tpu.memory_space<semaphore_mem>> -> memref<1x!tpu.dma_semaphore, #tpu.memory_space<semaphore_mem>>
      %dma_start3A_412 = tpu.memref_squeeze %dma_start3A_411 : memref<1x!tpu.dma_semaphore, #tpu.memory_space<semaphore_mem>> -> memref<!tpu.dma_semaphore, #tpu.memory_space<semaphore_mem>>
      tpu.enqueue_indirect_dma source(%dma_start3A_404 : memref<128x128xf32, #tpu.memory_space<vmem>>) target(%dma_start3A_410 : memref<10240x128xf32, #tpu.memory_space<vmem_shared>>) offsets(%dma_start3A_407 : memref<128xi32, #tpu.memory_space<vmem>>) semaphore(%dma_start3A_412 : memref<!tpu.dma_semaphore, #tpu.memory_space<semaphore_mem>>) {add = true}
      %ge3A_413 = arith.constant 1 : i32
      %ge3A_414 = arith.cmpi sge, %add3A_254, %ge3A_413 : i32
      %convert_element_type3A_415 = arith.extui %ge3A_414 : i1 to i32
      %cond3A_416 = arith.constant 0 : i32
      %cond3A_417 = arith.cmpi ne, %convert_element_type3A_415, %cond3A_416 : i32
      scf.if %cond3A_417 {
        %dma_wait3A_1009 = arith.constant 5 : i32
        %dma_wait3A_1010 = arith.constant 0 : i32
        %dma_wait3A_1011 = arith.constant 5 : i32
        %dma_wait3A_1012 = arith.constant 0 : i32
        %dma_wait3A_1013 = tpu.memref_slice %arg11[%dma_wait3A_1009, %dma_wait3A_1012] : memref<8x128xf32, #tpu.memory_space<vmem>> -> memref<1x128xf32, #tpu.memory_space<vmem>>
        %dma_wait3A_1014 = tpu.memref_squeeze %dma_wait3A_1013 : memref<1x128xf32, #tpu.memory_space<vmem>> -> memref<128xf32, #tpu.memory_space<vmem>>
        %dma_wait3A_1015 = arith.constant 0 : i32
        %dma_wait3A_1016 = tpu.memref_slice %arg8[%dma_wait3A_1010, %dma_wait3A_1015] : memref<40x128xi32, #tpu.memory_space<vmem>> -> memref<1x128xi32, #tpu.memory_space<vmem>>
        %dma_wait3A_1017 = tpu.memref_squeeze %dma_wait3A_1016 : memref<1x128xi32, #tpu.memory_space<vmem>> -> memref<128xi32, #tpu.memory_space<vmem>>
        %dma_wait3A_1018 = arith.constant 0 : i32
        %dma_wait3A_1019 = tpu.memref_slice %arg14[%dma_wait3A_1018] : memref<10240xf32, #tpu.memory_space<vmem_shared>> -> memref<10240xf32, #tpu.memory_space<vmem_shared>>
        %dma_wait3A_1020 = tpu.memref_slice %arg18[%dma_wait3A_1011] : memref<8x!tpu.dma_semaphore, #tpu.memory_space<semaphore_mem>> -> memref<1x!tpu.dma_semaphore, #tpu.memory_space<semaphore_mem>>
        %dma_wait3A_1021 = tpu.memref_squeeze %dma_wait3A_1020 : memref<1x!tpu.dma_semaphore, #tpu.memory_space<semaphore_mem>> -> memref<!tpu.dma_semaphore, #tpu.memory_space<semaphore_mem>>
        tpu.wait_indirect_dma semaphore(%dma_wait3A_1021 : memref<!tpu.dma_semaphore, #tpu.memory_space<semaphore_mem>>) src(%dma_wait3A_1014 : memref<128xf32, #tpu.memory_space<vmem>>) dst(%dma_wait3A_1019 : memref<10240xf32, #tpu.memory_space<vmem_shared>>)
      } else {
      }
      %add3A_418 = arith.constant 4 : i32
      %add3A_419 = arith.addi %add3A_353, %add3A_418 : i32
      %dma_start3A_420 = arith.constant 5 : i32
      %dma_start3A_421 = arith.constant 5 : i32
      %dma_start3A_422 = arith.constant 0 : i32
      %dma_start3A_423 = tpu.memref_slice %arg11[%dma_start3A_420, %dma_start3A_422] : memref<8x128xf32, #tpu.memory_space<vmem>> -> memref<1x128xf32, #tpu.memory_space<vmem>>
      %dma_start3A_424 = tpu.memref_squeeze %dma_start3A_423 : memref<1x128xf32, #tpu.memory_space<vmem>> -> memref<128xf32, #tpu.memory_space<vmem>>
      %dma_start3A_425 = arith.constant 0 : i32
      %dma_start3A_426 = tpu.memref_slice %arg9[%add3A_419, %dma_start3A_425] : memref<40x128xi32, #tpu.memory_space<vmem>> -> memref<1x128xi32, #tpu.memory_space<vmem>>
      %dma_start3A_427 = tpu.memref_squeeze %dma_start3A_426 : memref<1x128xi32, #tpu.memory_space<vmem>> -> memref<128xi32, #tpu.memory_space<vmem>>
      %dma_start3A_428 = arith.constant 0 : i32
      %dma_start3A_429 = tpu.memref_slice %arg3[%dma_start3A_428] : memref<10240xf32, #tpu.memory_space<hbm>> -> memref<10240xf32, #tpu.memory_space<hbm>>
      %dma_start3A_430 = tpu.memref_slice %arg17[%dma_start3A_421] : memref<8x!tpu.dma_semaphore, #tpu.memory_space<semaphore_mem>> -> memref<1x!tpu.dma_semaphore, #tpu.memory_space<semaphore_mem>>
      %dma_start3A_431 = tpu.memref_squeeze %dma_start3A_430 : memref<1x!tpu.dma_semaphore, #tpu.memory_space<semaphore_mem>> -> memref<!tpu.dma_semaphore, #tpu.memory_space<semaphore_mem>>
      tpu.enqueue_indirect_dma source(%dma_start3A_429 : memref<10240xf32, #tpu.memory_space<hbm>>) target(%dma_start3A_424 : memref<128xf32, #tpu.memory_space<vmem>>) offsets(%dma_start3A_427 : memref<128xi32, #tpu.memory_space<vmem>>) semaphore(%dma_start3A_431 : memref<!tpu.dma_semaphore, #tpu.memory_space<semaphore_mem>>)
      %dma_wait3A_432 = arith.constant 1 : i32
      %dma_wait3A_433 = arith.constant 1 : i32
      %dma_wait3A_434 = arith.constant 0 : i32
      %dma_wait3A_435 = tpu.memref_slice %arg11[%dma_wait3A_432, %dma_wait3A_434] : memref<8x128xf32, #tpu.memory_space<vmem>> -> memref<1x128xf32, #tpu.memory_space<vmem>>
      %dma_wait3A_436 = tpu.memref_squeeze %dma_wait3A_435 : memref<1x128xf32, #tpu.memory_space<vmem>> -> memref<128xf32, #tpu.memory_space<vmem>>
      %dma_wait3A_437 = arith.constant 0 : i32
      %dma_wait3A_438 = tpu.memref_slice %arg9[%add3A_353, %dma_wait3A_437] : memref<40x128xi32, #tpu.memory_space<vmem>> -> memref<1x128xi32, #tpu.memory_space<vmem>>
      %dma_wait3A_439 = tpu.memref_squeeze %dma_wait3A_438 : memref<1x128xi32, #tpu.memory_space<vmem>> -> memref<128xi32, #tpu.memory_space<vmem>>
      %dma_wait3A_440 = arith.constant 0 : i32
      %dma_wait3A_441 = tpu.memref_slice %arg3[%dma_wait3A_440] : memref<10240xf32, #tpu.memory_space<hbm>> -> memref<10240xf32, #tpu.memory_space<hbm>>
      %dma_wait3A_442 = tpu.memref_slice %arg17[%dma_wait3A_433] : memref<8x!tpu.dma_semaphore, #tpu.memory_space<semaphore_mem>> -> memref<1x!tpu.dma_semaphore, #tpu.memory_space<semaphore_mem>>
      %dma_wait3A_443 = tpu.memref_squeeze %dma_wait3A_442 : memref<1x!tpu.dma_semaphore, #tpu.memory_space<semaphore_mem>> -> memref<!tpu.dma_semaphore, #tpu.memory_space<semaphore_mem>>
      tpu.wait_indirect_dma semaphore(%dma_wait3A_443 : memref<!tpu.dma_semaphore, #tpu.memory_space<semaphore_mem>>) src(%dma_wait3A_441 : memref<10240xf32, #tpu.memory_space<hbm>>) dst(%dma_wait3A_436 : memref<128xf32, #tpu.memory_space<vmem>>)
      %dma_start3A_444 = arith.constant 1 : i32
      %dma_start3A_445 = arith.constant 1 : i32
      %dma_start3A_446 = arith.constant 0 : i32
      %dma_start3A_447 = tpu.memref_slice %arg11[%dma_start3A_444, %dma_start3A_446] : memref<8x128xf32, #tpu.memory_space<vmem>> -> memref<1x128xf32, #tpu.memory_space<vmem>>
      %dma_start3A_448 = tpu.memref_squeeze %dma_start3A_447 : memref<1x128xf32, #tpu.memory_space<vmem>> -> memref<128xf32, #tpu.memory_space<vmem>>
      %dma_start3A_449 = arith.constant 0 : i32
      %dma_start3A_450 = tpu.memref_slice %arg8[%add3A_353, %dma_start3A_449] : memref<40x128xi32, #tpu.memory_space<vmem>> -> memref<1x128xi32, #tpu.memory_space<vmem>>
      %dma_start3A_451 = tpu.memref_squeeze %dma_start3A_450 : memref<1x128xi32, #tpu.memory_space<vmem>> -> memref<128xi32, #tpu.memory_space<vmem>>
      %dma_start3A_452 = arith.constant 0 : i32
      %dma_start3A_453 = tpu.memref_slice %arg14[%dma_start3A_452] : memref<10240xf32, #tpu.memory_space<vmem_shared>> -> memref<10240xf32, #tpu.memory_space<vmem_shared>>
      %dma_start3A_454 = tpu.memref_slice %arg18[%dma_start3A_445] : memref<8x!tpu.dma_semaphore, #tpu.memory_space<semaphore_mem>> -> memref<1x!tpu.dma_semaphore, #tpu.memory_space<semaphore_mem>>
      %dma_start3A_455 = tpu.memref_squeeze %dma_start3A_454 : memref<1x!tpu.dma_semaphore, #tpu.memory_space<semaphore_mem>> -> memref<!tpu.dma_semaphore, #tpu.memory_space<semaphore_mem>>
      tpu.enqueue_indirect_dma source(%dma_start3A_448 : memref<128xf32, #tpu.memory_space<vmem>>) target(%dma_start3A_453 : memref<10240xf32, #tpu.memory_space<vmem_shared>>) offsets(%dma_start3A_451 : memref<128xi32, #tpu.memory_space<vmem>>) semaphore(%dma_start3A_455 : memref<!tpu.dma_semaphore, #tpu.memory_space<semaphore_mem>>) {add = true}
      %mul3A_456 = arith.constant 8 : i32
      %mul3A_457 = arith.muli %add3A_254, %mul3A_456 : i32
      %add3A_458 = arith.constant 2 : i32
      %add3A_459 = arith.addi %mul3A_457, %add3A_458 : i32
      %dma_wait3A_460 = arith.constant 1 : i32
      %dma_wait3A_461 = arith.constant 0 : i32
      %dma_wait3A_462 = arith.constant 1 : i32
      %dma_wait3A_463 = arith.constant 0 : i32
      %dma_wait3A_464 = arith.constant 0 : i32
      %dma_wait3A_465 = tpu.memref_slice %arg10[%dma_wait3A_460, %dma_wait3A_463, %dma_wait3A_464] : memref<2x128x128xf32, #tpu.memory_space<vmem>> -> memref<1x128x128xf32, #tpu.memory_space<vmem>>
      %dma_wait3A_466 = tpu.memref_squeeze %dma_wait3A_465 : memref<1x128x128xf32, #tpu.memory_space<vmem>> -> memref<128x128xf32, #tpu.memory_space<vmem>>
      %dma_wait3A_467 = arith.constant 0 : i32
      %dma_wait3A_468 = tpu.memref_slice %arg9[%dma_wait3A_461, %dma_wait3A_467] : memref<40x128xi32, #tpu.memory_space<vmem>> -> memref<1x128xi32, #tpu.memory_space<vmem>>
      %dma_wait3A_469 = tpu.memref_squeeze %dma_wait3A_468 : memref<1x128xi32, #tpu.memory_space<vmem>> -> memref<128xi32, #tpu.memory_space<vmem>>
      %dma_wait3A_470 = arith.constant 0 : i32
      %dma_wait3A_471 = arith.constant 0 : i32
      %dma_wait3A_472 = tpu.memref_slice %arg13[%dma_wait3A_470, %dma_wait3A_471] : memref<10240x128xf32, #tpu.memory_space<vmem_shared>> -> memref<10240x128xf32, #tpu.memory_space<vmem_shared>>
      %dma_wait3A_473 = tpu.memref_slice %arg16[%dma_wait3A_462] : memref<2x!tpu.dma_semaphore, #tpu.memory_space<semaphore_mem>> -> memref<1x!tpu.dma_semaphore, #tpu.memory_space<semaphore_mem>>
      %dma_wait3A_474 = tpu.memref_squeeze %dma_wait3A_473 : memref<1x!tpu.dma_semaphore, #tpu.memory_space<semaphore_mem>> -> memref<!tpu.dma_semaphore, #tpu.memory_space<semaphore_mem>>
      tpu.wait_indirect_dma semaphore(%dma_wait3A_474 : memref<!tpu.dma_semaphore, #tpu.memory_space<semaphore_mem>>) src(%dma_wait3A_466 : memref<128x128xf32, #tpu.memory_space<vmem>>) dst(%dma_wait3A_472 : memref<10240x128xf32, #tpu.memory_space<vmem_shared>>)
      %add3A_475 = arith.constant 1 : i32
      %add3A_476 = arith.addi %add3A_459, %add3A_475 : i32
      %dma_start3A_477 = arith.constant 1 : i32
      %dma_start3A_478 = arith.constant 1 : i32
      %dma_start3A_479 = arith.constant 0 : i32
      %dma_start3A_480 = arith.constant 0 : i32
      %dma_start3A_481 = tpu.memref_slice %arg10[%dma_start3A_477, %dma_start3A_479, %dma_start3A_480] : memref<2x128x128xf32, #tpu.memory_space<vmem>> -> memref<1x128x128xf32, #tpu.memory_space<vmem>>
      %dma_start3A_482 = tpu.memref_squeeze %dma_start3A_481 : memref<1x128x128xf32, #tpu.memory_space<vmem>> -> memref<128x128xf32, #tpu.memory_space<vmem>>
      %dma_start3A_483 = arith.constant 0 : i32
      %dma_start3A_484 = tpu.memref_slice %arg8[%add3A_476, %dma_start3A_483] : memref<40x128xi32, #tpu.memory_space<vmem>> -> memref<1x128xi32, #tpu.memory_space<vmem>>
      %dma_start3A_485 = tpu.memref_squeeze %dma_start3A_484 : memref<1x128xi32, #tpu.memory_space<vmem>> -> memref<128xi32, #tpu.memory_space<vmem>>
      %dma_start3A_486 = arith.constant 0 : i32
      %dma_start3A_487 = arith.constant 0 : i32
      %dma_start3A_488 = tpu.memref_slice %arg2[%dma_start3A_486, %dma_start3A_487] : memref<10240x128xf32, #tpu.memory_space<hbm>> -> memref<10240x128xf32, #tpu.memory_space<hbm>>
      %dma_start3A_489 = tpu.memref_slice %arg15[%dma_start3A_478] : memref<2x!tpu.dma_semaphore, #tpu.memory_space<semaphore_mem>> -> memref<1x!tpu.dma_semaphore, #tpu.memory_space<semaphore_mem>>
      %dma_start3A_490 = tpu.memref_squeeze %dma_start3A_489 : memref<1x!tpu.dma_semaphore, #tpu.memory_space<semaphore_mem>> -> memref<!tpu.dma_semaphore, #tpu.memory_space<semaphore_mem>>
      tpu.enqueue_indirect_dma source(%dma_start3A_488 : memref<10240x128xf32, #tpu.memory_space<hbm>>) target(%dma_start3A_482 : memref<128x128xf32, #tpu.memory_space<vmem>>) offsets(%dma_start3A_485 : memref<128xi32, #tpu.memory_space<vmem>>) semaphore(%dma_start3A_490 : memref<!tpu.dma_semaphore, #tpu.memory_space<semaphore_mem>>)
      %dma_wait3A_491 = arith.constant 0 : i32
      %dma_wait3A_492 = arith.constant 0 : i32
      %dma_wait3A_493 = arith.constant 0 : i32
      %dma_wait3A_494 = arith.constant 0 : i32
      %dma_wait3A_495 = tpu.memref_slice %arg10[%dma_wait3A_491, %dma_wait3A_493, %dma_wait3A_494] : memref<2x128x128xf32, #tpu.memory_space<vmem>> -> memref<1x128x128xf32, #tpu.memory_space<vmem>>
      %dma_wait3A_496 = tpu.memref_squeeze %dma_wait3A_495 : memref<1x128x128xf32, #tpu.memory_space<vmem>> -> memref<128x128xf32, #tpu.memory_space<vmem>>
      %dma_wait3A_497 = arith.constant 0 : i32
      %dma_wait3A_498 = tpu.memref_slice %arg8[%add3A_459, %dma_wait3A_497] : memref<40x128xi32, #tpu.memory_space<vmem>> -> memref<1x128xi32, #tpu.memory_space<vmem>>
      %dma_wait3A_499 = tpu.memref_squeeze %dma_wait3A_498 : memref<1x128xi32, #tpu.memory_space<vmem>> -> memref<128xi32, #tpu.memory_space<vmem>>
      %dma_wait3A_500 = arith.constant 0 : i32
      %dma_wait3A_501 = arith.constant 0 : i32
      %dma_wait3A_502 = tpu.memref_slice %arg2[%dma_wait3A_500, %dma_wait3A_501] : memref<10240x128xf32, #tpu.memory_space<hbm>> -> memref<10240x128xf32, #tpu.memory_space<hbm>>
      %dma_wait3A_503 = tpu.memref_slice %arg15[%dma_wait3A_492] : memref<2x!tpu.dma_semaphore, #tpu.memory_space<semaphore_mem>> -> memref<1x!tpu.dma_semaphore, #tpu.memory_space<semaphore_mem>>
      %dma_wait3A_504 = tpu.memref_squeeze %dma_wait3A_503 : memref<1x!tpu.dma_semaphore, #tpu.memory_space<semaphore_mem>> -> memref<!tpu.dma_semaphore, #tpu.memory_space<semaphore_mem>>
      tpu.wait_indirect_dma semaphore(%dma_wait3A_504 : memref<!tpu.dma_semaphore, #tpu.memory_space<semaphore_mem>>) src(%dma_wait3A_502 : memref<10240x128xf32, #tpu.memory_space<hbm>>) dst(%dma_wait3A_496 : memref<128x128xf32, #tpu.memory_space<vmem>>)
      %dma_start3A_505 = arith.constant 0 : i32
      %dma_start3A_506 = arith.constant 0 : i32
      %dma_start3A_507 = arith.constant 0 : i32
      %dma_start3A_508 = arith.constant 0 : i32
      %dma_start3A_509 = tpu.memref_slice %arg10[%dma_start3A_505, %dma_start3A_507, %dma_start3A_508] : memref<2x128x128xf32, #tpu.memory_space<vmem>> -> memref<1x128x128xf32, #tpu.memory_space<vmem>>
      %dma_start3A_510 = tpu.memref_squeeze %dma_start3A_509 : memref<1x128x128xf32, #tpu.memory_space<vmem>> -> memref<128x128xf32, #tpu.memory_space<vmem>>
      %dma_start3A_511 = arith.constant 0 : i32
      %dma_start3A_512 = tpu.memref_slice %arg9[%add3A_459, %dma_start3A_511] : memref<40x128xi32, #tpu.memory_space<vmem>> -> memref<1x128xi32, #tpu.memory_space<vmem>>
      %dma_start3A_513 = tpu.memref_squeeze %dma_start3A_512 : memref<1x128xi32, #tpu.memory_space<vmem>> -> memref<128xi32, #tpu.memory_space<vmem>>
      %dma_start3A_514 = arith.constant 0 : i32
      %dma_start3A_515 = arith.constant 0 : i32
      %dma_start3A_516 = tpu.memref_slice %arg13[%dma_start3A_514, %dma_start3A_515] : memref<10240x128xf32, #tpu.memory_space<vmem_shared>> -> memref<10240x128xf32, #tpu.memory_space<vmem_shared>>
      %dma_start3A_517 = tpu.memref_slice %arg16[%dma_start3A_506] : memref<2x!tpu.dma_semaphore, #tpu.memory_space<semaphore_mem>> -> memref<1x!tpu.dma_semaphore, #tpu.memory_space<semaphore_mem>>
      %dma_start3A_518 = tpu.memref_squeeze %dma_start3A_517 : memref<1x!tpu.dma_semaphore, #tpu.memory_space<semaphore_mem>> -> memref<!tpu.dma_semaphore, #tpu.memory_space<semaphore_mem>>
      tpu.enqueue_indirect_dma source(%dma_start3A_510 : memref<128x128xf32, #tpu.memory_space<vmem>>) target(%dma_start3A_516 : memref<10240x128xf32, #tpu.memory_space<vmem_shared>>) offsets(%dma_start3A_513 : memref<128xi32, #tpu.memory_space<vmem>>) semaphore(%dma_start3A_518 : memref<!tpu.dma_semaphore, #tpu.memory_space<semaphore_mem>>) {add = true}
      %ge3A_519 = arith.constant 1 : i32
      %ge3A_520 = arith.cmpi sge, %add3A_254, %ge3A_519 : i32
      %convert_element_type3A_521 = arith.extui %ge3A_520 : i1 to i32
      %cond3A_522 = arith.constant 0 : i32
      %cond3A_523 = arith.cmpi ne, %convert_element_type3A_521, %cond3A_522 : i32
      scf.if %cond3A_523 {
        %dma_wait3A_1009 = arith.constant 6 : i32
        %dma_wait3A_1010 = arith.constant 0 : i32
        %dma_wait3A_1011 = arith.constant 6 : i32
        %dma_wait3A_1012 = arith.constant 0 : i32
        %dma_wait3A_1013 = tpu.memref_slice %arg11[%dma_wait3A_1009, %dma_wait3A_1012] : memref<8x128xf32, #tpu.memory_space<vmem>> -> memref<1x128xf32, #tpu.memory_space<vmem>>
        %dma_wait3A_1014 = tpu.memref_squeeze %dma_wait3A_1013 : memref<1x128xf32, #tpu.memory_space<vmem>> -> memref<128xf32, #tpu.memory_space<vmem>>
        %dma_wait3A_1015 = arith.constant 0 : i32
        %dma_wait3A_1016 = tpu.memref_slice %arg8[%dma_wait3A_1010, %dma_wait3A_1015] : memref<40x128xi32, #tpu.memory_space<vmem>> -> memref<1x128xi32, #tpu.memory_space<vmem>>
        %dma_wait3A_1017 = tpu.memref_squeeze %dma_wait3A_1016 : memref<1x128xi32, #tpu.memory_space<vmem>> -> memref<128xi32, #tpu.memory_space<vmem>>
        %dma_wait3A_1018 = arith.constant 0 : i32
        %dma_wait3A_1019 = tpu.memref_slice %arg14[%dma_wait3A_1018] : memref<10240xf32, #tpu.memory_space<vmem_shared>> -> memref<10240xf32, #tpu.memory_space<vmem_shared>>
        %dma_wait3A_1020 = tpu.memref_slice %arg18[%dma_wait3A_1011] : memref<8x!tpu.dma_semaphore, #tpu.memory_space<semaphore_mem>> -> memref<1x!tpu.dma_semaphore, #tpu.memory_space<semaphore_mem>>
        %dma_wait3A_1021 = tpu.memref_squeeze %dma_wait3A_1020 : memref<1x!tpu.dma_semaphore, #tpu.memory_space<semaphore_mem>> -> memref<!tpu.dma_semaphore, #tpu.memory_space<semaphore_mem>>
        tpu.wait_indirect_dma semaphore(%dma_wait3A_1021 : memref<!tpu.dma_semaphore, #tpu.memory_space<semaphore_mem>>) src(%dma_wait3A_1014 : memref<128xf32, #tpu.memory_space<vmem>>) dst(%dma_wait3A_1019 : memref<10240xf32, #tpu.memory_space<vmem_shared>>)
      } else {
      }
      %add3A_524 = arith.constant 4 : i32
      %add3A_525 = arith.addi %add3A_459, %add3A_524 : i32
      %dma_start3A_526 = arith.constant 6 : i32
      %dma_start3A_527 = arith.constant 6 : i32
      %dma_start3A_528 = arith.constant 0 : i32
      %dma_start3A_529 = tpu.memref_slice %arg11[%dma_start3A_526, %dma_start3A_528] : memref<8x128xf32, #tpu.memory_space<vmem>> -> memref<1x128xf32, #tpu.memory_space<vmem>>
      %dma_start3A_530 = tpu.memref_squeeze %dma_start3A_529 : memref<1x128xf32, #tpu.memory_space<vmem>> -> memref<128xf32, #tpu.memory_space<vmem>>
      %dma_start3A_531 = arith.constant 0 : i32
      %dma_start3A_532 = tpu.memref_slice %arg9[%add3A_525, %dma_start3A_531] : memref<40x128xi32, #tpu.memory_space<vmem>> -> memref<1x128xi32, #tpu.memory_space<vmem>>
      %dma_start3A_533 = tpu.memref_squeeze %dma_start3A_532 : memref<1x128xi32, #tpu.memory_space<vmem>> -> memref<128xi32, #tpu.memory_space<vmem>>
      %dma_start3A_534 = arith.constant 0 : i32
      %dma_start3A_535 = tpu.memref_slice %arg3[%dma_start3A_534] : memref<10240xf32, #tpu.memory_space<hbm>> -> memref<10240xf32, #tpu.memory_space<hbm>>
      %dma_start3A_536 = tpu.memref_slice %arg17[%dma_start3A_527] : memref<8x!tpu.dma_semaphore, #tpu.memory_space<semaphore_mem>> -> memref<1x!tpu.dma_semaphore, #tpu.memory_space<semaphore_mem>>
      %dma_start3A_537 = tpu.memref_squeeze %dma_start3A_536 : memref<1x!tpu.dma_semaphore, #tpu.memory_space<semaphore_mem>> -> memref<!tpu.dma_semaphore, #tpu.memory_space<semaphore_mem>>
      tpu.enqueue_indirect_dma source(%dma_start3A_535 : memref<10240xf32, #tpu.memory_space<hbm>>) target(%dma_start3A_530 : memref<128xf32, #tpu.memory_space<vmem>>) offsets(%dma_start3A_533 : memref<128xi32, #tpu.memory_space<vmem>>) semaphore(%dma_start3A_537 : memref<!tpu.dma_semaphore, #tpu.memory_space<semaphore_mem>>)
      %dma_wait3A_538 = arith.constant 2 : i32
      %dma_wait3A_539 = arith.constant 2 : i32
      %dma_wait3A_540 = arith.constant 0 : i32
      %dma_wait3A_541 = tpu.memref_slice %arg11[%dma_wait3A_538, %dma_wait3A_540] : memref<8x128xf32, #tpu.memory_space<vmem>> -> memref<1x128xf32, #tpu.memory_space<vmem>>
      %dma_wait3A_542 = tpu.memref_squeeze %dma_wait3A_541 : memref<1x128xf32, #tpu.memory_space<vmem>> -> memref<128xf32, #tpu.memory_space<vmem>>
      %dma_wait3A_543 = arith.constant 0 : i32
      %dma_wait3A_544 = tpu.memref_slice %arg9[%add3A_459, %dma_wait3A_543] : memref<40x128xi32, #tpu.memory_space<vmem>> -> memref<1x128xi32, #tpu.memory_space<vmem>>
      %dma_wait3A_545 = tpu.memref_squeeze %dma_wait3A_544 : memref<1x128xi32, #tpu.memory_space<vmem>> -> memref<128xi32, #tpu.memory_space<vmem>>
      %dma_wait3A_546 = arith.constant 0 : i32
      %dma_wait3A_547 = tpu.memref_slice %arg3[%dma_wait3A_546] : memref<10240xf32, #tpu.memory_space<hbm>> -> memref<10240xf32, #tpu.memory_space<hbm>>
      %dma_wait3A_548 = tpu.memref_slice %arg17[%dma_wait3A_539] : memref<8x!tpu.dma_semaphore, #tpu.memory_space<semaphore_mem>> -> memref<1x!tpu.dma_semaphore, #tpu.memory_space<semaphore_mem>>
      %dma_wait3A_549 = tpu.memref_squeeze %dma_wait3A_548 : memref<1x!tpu.dma_semaphore, #tpu.memory_space<semaphore_mem>> -> memref<!tpu.dma_semaphore, #tpu.memory_space<semaphore_mem>>
      tpu.wait_indirect_dma semaphore(%dma_wait3A_549 : memref<!tpu.dma_semaphore, #tpu.memory_space<semaphore_mem>>) src(%dma_wait3A_547 : memref<10240xf32, #tpu.memory_space<hbm>>) dst(%dma_wait3A_542 : memref<128xf32, #tpu.memory_space<vmem>>)
      %dma_start3A_550 = arith.constant 2 : i32
      %dma_start3A_551 = arith.constant 2 : i32
      %dma_start3A_552 = arith.constant 0 : i32
      %dma_start3A_553 = tpu.memref_slice %arg11[%dma_start3A_550, %dma_start3A_552] : memref<8x128xf32, #tpu.memory_space<vmem>> -> memref<1x128xf32, #tpu.memory_space<vmem>>
      %dma_start3A_554 = tpu.memref_squeeze %dma_start3A_553 : memref<1x128xf32, #tpu.memory_space<vmem>> -> memref<128xf32, #tpu.memory_space<vmem>>
      %dma_start3A_555 = arith.constant 0 : i32
      %dma_start3A_556 = tpu.memref_slice %arg8[%add3A_459, %dma_start3A_555] : memref<40x128xi32, #tpu.memory_space<vmem>> -> memref<1x128xi32, #tpu.memory_space<vmem>>
      %dma_start3A_557 = tpu.memref_squeeze %dma_start3A_556 : memref<1x128xi32, #tpu.memory_space<vmem>> -> memref<128xi32, #tpu.memory_space<vmem>>
      %dma_start3A_558 = arith.constant 0 : i32
      %dma_start3A_559 = tpu.memref_slice %arg14[%dma_start3A_558] : memref<10240xf32, #tpu.memory_space<vmem_shared>> -> memref<10240xf32, #tpu.memory_space<vmem_shared>>
      %dma_start3A_560 = tpu.memref_slice %arg18[%dma_start3A_551] : memref<8x!tpu.dma_semaphore, #tpu.memory_space<semaphore_mem>> -> memref<1x!tpu.dma_semaphore, #tpu.memory_space<semaphore_mem>>
      %dma_start3A_561 = tpu.memref_squeeze %dma_start3A_560 : memref<1x!tpu.dma_semaphore, #tpu.memory_space<semaphore_mem>> -> memref<!tpu.dma_semaphore, #tpu.memory_space<semaphore_mem>>
      tpu.enqueue_indirect_dma source(%dma_start3A_554 : memref<128xf32, #tpu.memory_space<vmem>>) target(%dma_start3A_559 : memref<10240xf32, #tpu.memory_space<vmem_shared>>) offsets(%dma_start3A_557 : memref<128xi32, #tpu.memory_space<vmem>>) semaphore(%dma_start3A_561 : memref<!tpu.dma_semaphore, #tpu.memory_space<semaphore_mem>>) {add = true}
      %mul3A_562 = arith.constant 8 : i32
      %mul3A_563 = arith.muli %add3A_254, %mul3A_562 : i32
      %add3A_564 = arith.constant 3 : i32
      %add3A_565 = arith.addi %mul3A_563, %add3A_564 : i32
      %dma_wait3A_566 = arith.constant 0 : i32
      %dma_wait3A_567 = arith.constant 0 : i32
      %dma_wait3A_568 = arith.constant 0 : i32
      %dma_wait3A_569 = arith.constant 0 : i32
      %dma_wait3A_570 = arith.constant 0 : i32
      %dma_wait3A_571 = tpu.memref_slice %arg10[%dma_wait3A_566, %dma_wait3A_569, %dma_wait3A_570] : memref<2x128x128xf32, #tpu.memory_space<vmem>> -> memref<1x128x128xf32, #tpu.memory_space<vmem>>
      %dma_wait3A_572 = tpu.memref_squeeze %dma_wait3A_571 : memref<1x128x128xf32, #tpu.memory_space<vmem>> -> memref<128x128xf32, #tpu.memory_space<vmem>>
      %dma_wait3A_573 = arith.constant 0 : i32
      %dma_wait3A_574 = tpu.memref_slice %arg9[%dma_wait3A_567, %dma_wait3A_573] : memref<40x128xi32, #tpu.memory_space<vmem>> -> memref<1x128xi32, #tpu.memory_space<vmem>>
      %dma_wait3A_575 = tpu.memref_squeeze %dma_wait3A_574 : memref<1x128xi32, #tpu.memory_space<vmem>> -> memref<128xi32, #tpu.memory_space<vmem>>
      %dma_wait3A_576 = arith.constant 0 : i32
      %dma_wait3A_577 = arith.constant 0 : i32
      %dma_wait3A_578 = tpu.memref_slice %arg13[%dma_wait3A_576, %dma_wait3A_577] : memref<10240x128xf32, #tpu.memory_space<vmem_shared>> -> memref<10240x128xf32, #tpu.memory_space<vmem_shared>>
      %dma_wait3A_579 = tpu.memref_slice %arg16[%dma_wait3A_568] : memref<2x!tpu.dma_semaphore, #tpu.memory_space<semaphore_mem>> -> memref<1x!tpu.dma_semaphore, #tpu.memory_space<semaphore_mem>>
      %dma_wait3A_580 = tpu.memref_squeeze %dma_wait3A_579 : memref<1x!tpu.dma_semaphore, #tpu.memory_space<semaphore_mem>> -> memref<!tpu.dma_semaphore, #tpu.memory_space<semaphore_mem>>
      tpu.wait_indirect_dma semaphore(%dma_wait3A_580 : memref<!tpu.dma_semaphore, #tpu.memory_space<semaphore_mem>>) src(%dma_wait3A_572 : memref<128x128xf32, #tpu.memory_space<vmem>>) dst(%dma_wait3A_578 : memref<10240x128xf32, #tpu.memory_space<vmem_shared>>)
      %add3A_581 = arith.constant 1 : i32
      %add3A_582 = arith.addi %add3A_565, %add3A_581 : i32
      %dma_start3A_583 = arith.constant 0 : i32
      %dma_start3A_584 = arith.constant 0 : i32
      %dma_start3A_585 = arith.constant 0 : i32
      %dma_start3A_586 = arith.constant 0 : i32
      %dma_start3A_587 = tpu.memref_slice %arg10[%dma_start3A_583, %dma_start3A_585, %dma_start3A_586] : memref<2x128x128xf32, #tpu.memory_space<vmem>> -> memref<1x128x128xf32, #tpu.memory_space<vmem>>
      %dma_start3A_588 = tpu.memref_squeeze %dma_start3A_587 : memref<1x128x128xf32, #tpu.memory_space<vmem>> -> memref<128x128xf32, #tpu.memory_space<vmem>>
      %dma_start3A_589 = arith.constant 0 : i32
      %dma_start3A_590 = tpu.memref_slice %arg8[%add3A_582, %dma_start3A_589] : memref<40x128xi32, #tpu.memory_space<vmem>> -> memref<1x128xi32, #tpu.memory_space<vmem>>
      %dma_start3A_591 = tpu.memref_squeeze %dma_start3A_590 : memref<1x128xi32, #tpu.memory_space<vmem>> -> memref<128xi32, #tpu.memory_space<vmem>>
      %dma_start3A_592 = arith.constant 0 : i32
      %dma_start3A_593 = arith.constant 0 : i32
      %dma_start3A_594 = tpu.memref_slice %arg2[%dma_start3A_592, %dma_start3A_593] : memref<10240x128xf32, #tpu.memory_space<hbm>> -> memref<10240x128xf32, #tpu.memory_space<hbm>>
      %dma_start3A_595 = tpu.memref_slice %arg15[%dma_start3A_584] : memref<2x!tpu.dma_semaphore, #tpu.memory_space<semaphore_mem>> -> memref<1x!tpu.dma_semaphore, #tpu.memory_space<semaphore_mem>>
      %dma_start3A_596 = tpu.memref_squeeze %dma_start3A_595 : memref<1x!tpu.dma_semaphore, #tpu.memory_space<semaphore_mem>> -> memref<!tpu.dma_semaphore, #tpu.memory_space<semaphore_mem>>
      tpu.enqueue_indirect_dma source(%dma_start3A_594 : memref<10240x128xf32, #tpu.memory_space<hbm>>) target(%dma_start3A_588 : memref<128x128xf32, #tpu.memory_space<vmem>>) offsets(%dma_start3A_591 : memref<128xi32, #tpu.memory_space<vmem>>) semaphore(%dma_start3A_596 : memref<!tpu.dma_semaphore, #tpu.memory_space<semaphore_mem>>)
      %dma_wait3A_597 = arith.constant 1 : i32
      %dma_wait3A_598 = arith.constant 1 : i32
      %dma_wait3A_599 = arith.constant 0 : i32
      %dma_wait3A_600 = arith.constant 0 : i32
      %dma_wait3A_601 = tpu.memref_slice %arg10[%dma_wait3A_597, %dma_wait3A_599, %dma_wait3A_600] : memref<2x128x128xf32, #tpu.memory_space<vmem>> -> memref<1x128x128xf32, #tpu.memory_space<vmem>>
      %dma_wait3A_602 = tpu.memref_squeeze %dma_wait3A_601 : memref<1x128x128xf32, #tpu.memory_space<vmem>> -> memref<128x128xf32, #tpu.memory_space<vmem>>
      %dma_wait3A_603 = arith.constant 0 : i32
      %dma_wait3A_604 = tpu.memref_slice %arg8[%add3A_565, %dma_wait3A_603] : memref<40x128xi32, #tpu.memory_space<vmem>> -> memref<1x128xi32, #tpu.memory_space<vmem>>
      %dma_wait3A_605 = tpu.memref_squeeze %dma_wait3A_604 : memref<1x128xi32, #tpu.memory_space<vmem>> -> memref<128xi32, #tpu.memory_space<vmem>>
      %dma_wait3A_606 = arith.constant 0 : i32
      %dma_wait3A_607 = arith.constant 0 : i32
      %dma_wait3A_608 = tpu.memref_slice %arg2[%dma_wait3A_606, %dma_wait3A_607] : memref<10240x128xf32, #tpu.memory_space<hbm>> -> memref<10240x128xf32, #tpu.memory_space<hbm>>
      %dma_wait3A_609 = tpu.memref_slice %arg15[%dma_wait3A_598] : memref<2x!tpu.dma_semaphore, #tpu.memory_space<semaphore_mem>> -> memref<1x!tpu.dma_semaphore, #tpu.memory_space<semaphore_mem>>
      %dma_wait3A_610 = tpu.memref_squeeze %dma_wait3A_609 : memref<1x!tpu.dma_semaphore, #tpu.memory_space<semaphore_mem>> -> memref<!tpu.dma_semaphore, #tpu.memory_space<semaphore_mem>>
      tpu.wait_indirect_dma semaphore(%dma_wait3A_610 : memref<!tpu.dma_semaphore, #tpu.memory_space<semaphore_mem>>) src(%dma_wait3A_608 : memref<10240x128xf32, #tpu.memory_space<hbm>>) dst(%dma_wait3A_602 : memref<128x128xf32, #tpu.memory_space<vmem>>)
      %dma_start3A_611 = arith.constant 1 : i32
      %dma_start3A_612 = arith.constant 1 : i32
      %dma_start3A_613 = arith.constant 0 : i32
      %dma_start3A_614 = arith.constant 0 : i32
      %dma_start3A_615 = tpu.memref_slice %arg10[%dma_start3A_611, %dma_start3A_613, %dma_start3A_614] : memref<2x128x128xf32, #tpu.memory_space<vmem>> -> memref<1x128x128xf32, #tpu.memory_space<vmem>>
      %dma_start3A_616 = tpu.memref_squeeze %dma_start3A_615 : memref<1x128x128xf32, #tpu.memory_space<vmem>> -> memref<128x128xf32, #tpu.memory_space<vmem>>
      %dma_start3A_617 = arith.constant 0 : i32
      %dma_start3A_618 = tpu.memref_slice %arg9[%add3A_565, %dma_start3A_617] : memref<40x128xi32, #tpu.memory_space<vmem>> -> memref<1x128xi32, #tpu.memory_space<vmem>>
      %dma_start3A_619 = tpu.memref_squeeze %dma_start3A_618 : memref<1x128xi32, #tpu.memory_space<vmem>> -> memref<128xi32, #tpu.memory_space<vmem>>
      %dma_start3A_620 = arith.constant 0 : i32
      %dma_start3A_621 = arith.constant 0 : i32
      %dma_start3A_622 = tpu.memref_slice %arg13[%dma_start3A_620, %dma_start3A_621] : memref<10240x128xf32, #tpu.memory_space<vmem_shared>> -> memref<10240x128xf32, #tpu.memory_space<vmem_shared>>
      %dma_start3A_623 = tpu.memref_slice %arg16[%dma_start3A_612] : memref<2x!tpu.dma_semaphore, #tpu.memory_space<semaphore_mem>> -> memref<1x!tpu.dma_semaphore, #tpu.memory_space<semaphore_mem>>
      %dma_start3A_624 = tpu.memref_squeeze %dma_start3A_623 : memref<1x!tpu.dma_semaphore, #tpu.memory_space<semaphore_mem>> -> memref<!tpu.dma_semaphore, #tpu.memory_space<semaphore_mem>>
      tpu.enqueue_indirect_dma source(%dma_start3A_616 : memref<128x128xf32, #tpu.memory_space<vmem>>) target(%dma_start3A_622 : memref<10240x128xf32, #tpu.memory_space<vmem_shared>>) offsets(%dma_start3A_619 : memref<128xi32, #tpu.memory_space<vmem>>) semaphore(%dma_start3A_624 : memref<!tpu.dma_semaphore, #tpu.memory_space<semaphore_mem>>) {add = true}
      %ge3A_625 = arith.constant 1 : i32
      %ge3A_626 = arith.cmpi sge, %add3A_254, %ge3A_625 : i32
      %convert_element_type3A_627 = arith.extui %ge3A_626 : i1 to i32
      %cond3A_628 = arith.constant 0 : i32
      %cond3A_629 = arith.cmpi ne, %convert_element_type3A_627, %cond3A_628 : i32
      scf.if %cond3A_629 {
        %dma_wait3A_1009 = arith.constant 7 : i32
        %dma_wait3A_1010 = arith.constant 0 : i32
        %dma_wait3A_1011 = arith.constant 7 : i32
        %dma_wait3A_1012 = arith.constant 0 : i32
        %dma_wait3A_1013 = tpu.memref_slice %arg11[%dma_wait3A_1009, %dma_wait3A_1012] : memref<8x128xf32, #tpu.memory_space<vmem>> -> memref<1x128xf32, #tpu.memory_space<vmem>>
        %dma_wait3A_1014 = tpu.memref_squeeze %dma_wait3A_1013 : memref<1x128xf32, #tpu.memory_space<vmem>> -> memref<128xf32, #tpu.memory_space<vmem>>
        %dma_wait3A_1015 = arith.constant 0 : i32
        %dma_wait3A_1016 = tpu.memref_slice %arg8[%dma_wait3A_1010, %dma_wait3A_1015] : memref<40x128xi32, #tpu.memory_space<vmem>> -> memref<1x128xi32, #tpu.memory_space<vmem>>
        %dma_wait3A_1017 = tpu.memref_squeeze %dma_wait3A_1016 : memref<1x128xi32, #tpu.memory_space<vmem>> -> memref<128xi32, #tpu.memory_space<vmem>>
        %dma_wait3A_1018 = arith.constant 0 : i32
        %dma_wait3A_1019 = tpu.memref_slice %arg14[%dma_wait3A_1018] : memref<10240xf32, #tpu.memory_space<vmem_shared>> -> memref<10240xf32, #tpu.memory_space<vmem_shared>>
        %dma_wait3A_1020 = tpu.memref_slice %arg18[%dma_wait3A_1011] : memref<8x!tpu.dma_semaphore, #tpu.memory_space<semaphore_mem>> -> memref<1x!tpu.dma_semaphore, #tpu.memory_space<semaphore_mem>>
        %dma_wait3A_1021 = tpu.memref_squeeze %dma_wait3A_1020 : memref<1x!tpu.dma_semaphore, #tpu.memory_space<semaphore_mem>> -> memref<!tpu.dma_semaphore, #tpu.memory_space<semaphore_mem>>
        tpu.wait_indirect_dma semaphore(%dma_wait3A_1021 : memref<!tpu.dma_semaphore, #tpu.memory_space<semaphore_mem>>) src(%dma_wait3A_1014 : memref<128xf32, #tpu.memory_space<vmem>>) dst(%dma_wait3A_1019 : memref<10240xf32, #tpu.memory_space<vmem_shared>>)
      } else {
      }
      %add3A_630 = arith.constant 4 : i32
      %add3A_631 = arith.addi %add3A_565, %add3A_630 : i32
      %dma_start3A_632 = arith.constant 7 : i32
      %dma_start3A_633 = arith.constant 7 : i32
      %dma_start3A_634 = arith.constant 0 : i32
      %dma_start3A_635 = tpu.memref_slice %arg11[%dma_start3A_632, %dma_start3A_634] : memref<8x128xf32, #tpu.memory_space<vmem>> -> memref<1x128xf32, #tpu.memory_space<vmem>>
      %dma_start3A_636 = tpu.memref_squeeze %dma_start3A_635 : memref<1x128xf32, #tpu.memory_space<vmem>> -> memref<128xf32, #tpu.memory_space<vmem>>
      %dma_start3A_637 = arith.constant 0 : i32
      %dma_start3A_638 = tpu.memref_slice %arg9[%add3A_631, %dma_start3A_637] : memref<40x128xi32, #tpu.memory_space<vmem>> -> memref<1x128xi32, #tpu.memory_space<vmem>>
      %dma_start3A_639 = tpu.memref_squeeze %dma_start3A_638 : memref<1x128xi32, #tpu.memory_space<vmem>> -> memref<128xi32, #tpu.memory_space<vmem>>
      %dma_start3A_640 = arith.constant 0 : i32
      %dma_start3A_641 = tpu.memref_slice %arg3[%dma_start3A_640] : memref<10240xf32, #tpu.memory_space<hbm>> -> memref<10240xf32, #tpu.memory_space<hbm>>
      %dma_start3A_642 = tpu.memref_slice %arg17[%dma_start3A_633] : memref<8x!tpu.dma_semaphore, #tpu.memory_space<semaphore_mem>> -> memref<1x!tpu.dma_semaphore, #tpu.memory_space<semaphore_mem>>
      %dma_start3A_643 = tpu.memref_squeeze %dma_start3A_642 : memref<1x!tpu.dma_semaphore, #tpu.memory_space<semaphore_mem>> -> memref<!tpu.dma_semaphore, #tpu.memory_space<semaphore_mem>>
      tpu.enqueue_indirect_dma source(%dma_start3A_641 : memref<10240xf32, #tpu.memory_space<hbm>>) target(%dma_start3A_636 : memref<128xf32, #tpu.memory_space<vmem>>) offsets(%dma_start3A_639 : memref<128xi32, #tpu.memory_space<vmem>>) semaphore(%dma_start3A_643 : memref<!tpu.dma_semaphore, #tpu.memory_space<semaphore_mem>>)
      %dma_wait3A_644 = arith.constant 3 : i32
      %dma_wait3A_645 = arith.constant 3 : i32
      %dma_wait3A_646 = arith.constant 0 : i32
      %dma_wait3A_647 = tpu.memref_slice %arg11[%dma_wait3A_644, %dma_wait3A_646] : memref<8x128xf32, #tpu.memory_space<vmem>> -> memref<1x128xf32, #tpu.memory_space<vmem>>
      %dma_wait3A_648 = tpu.memref_squeeze %dma_wait3A_647 : memref<1x128xf32, #tpu.memory_space<vmem>> -> memref<128xf32, #tpu.memory_space<vmem>>
      %dma_wait3A_649 = arith.constant 0 : i32
      %dma_wait3A_650 = tpu.memref_slice %arg9[%add3A_565, %dma_wait3A_649] : memref<40x128xi32, #tpu.memory_space<vmem>> -> memref<1x128xi32, #tpu.memory_space<vmem>>
      %dma_wait3A_651 = tpu.memref_squeeze %dma_wait3A_650 : memref<1x128xi32, #tpu.memory_space<vmem>> -> memref<128xi32, #tpu.memory_space<vmem>>
      %dma_wait3A_652 = arith.constant 0 : i32
      %dma_wait3A_653 = tpu.memref_slice %arg3[%dma_wait3A_652] : memref<10240xf32, #tpu.memory_space<hbm>> -> memref<10240xf32, #tpu.memory_space<hbm>>
      %dma_wait3A_654 = tpu.memref_slice %arg17[%dma_wait3A_645] : memref<8x!tpu.dma_semaphore, #tpu.memory_space<semaphore_mem>> -> memref<1x!tpu.dma_semaphore, #tpu.memory_space<semaphore_mem>>
      %dma_wait3A_655 = tpu.memref_squeeze %dma_wait3A_654 : memref<1x!tpu.dma_semaphore, #tpu.memory_space<semaphore_mem>> -> memref<!tpu.dma_semaphore, #tpu.memory_space<semaphore_mem>>
      tpu.wait_indirect_dma semaphore(%dma_wait3A_655 : memref<!tpu.dma_semaphore, #tpu.memory_space<semaphore_mem>>) src(%dma_wait3A_653 : memref<10240xf32, #tpu.memory_space<hbm>>) dst(%dma_wait3A_648 : memref<128xf32, #tpu.memory_space<vmem>>)
      %dma_start3A_656 = arith.constant 3 : i32
      %dma_start3A_657 = arith.constant 3 : i32
      %dma_start3A_658 = arith.constant 0 : i32
      %dma_start3A_659 = tpu.memref_slice %arg11[%dma_start3A_656, %dma_start3A_658] : memref<8x128xf32, #tpu.memory_space<vmem>> -> memref<1x128xf32, #tpu.memory_space<vmem>>
      %dma_start3A_660 = tpu.memref_squeeze %dma_start3A_659 : memref<1x128xf32, #tpu.memory_space<vmem>> -> memref<128xf32, #tpu.memory_space<vmem>>
      %dma_start3A_661 = arith.constant 0 : i32
      %dma_start3A_662 = tpu.memref_slice %arg8[%add3A_565, %dma_start3A_661] : memref<40x128xi32, #tpu.memory_space<vmem>> -> memref<1x128xi32, #tpu.memory_space<vmem>>
      %dma_start3A_663 = tpu.memref_squeeze %dma_start3A_662 : memref<1x128xi32, #tpu.memory_space<vmem>> -> memref<128xi32, #tpu.memory_space<vmem>>
      %dma_start3A_664 = arith.constant 0 : i32
      %dma_start3A_665 = tpu.memref_slice %arg14[%dma_start3A_664] : memref<10240xf32, #tpu.memory_space<vmem_shared>> -> memref<10240xf32, #tpu.memory_space<vmem_shared>>
      %dma_start3A_666 = tpu.memref_slice %arg18[%dma_start3A_657] : memref<8x!tpu.dma_semaphore, #tpu.memory_space<semaphore_mem>> -> memref<1x!tpu.dma_semaphore, #tpu.memory_space<semaphore_mem>>
      %dma_start3A_667 = tpu.memref_squeeze %dma_start3A_666 : memref<1x!tpu.dma_semaphore, #tpu.memory_space<semaphore_mem>> -> memref<!tpu.dma_semaphore, #tpu.memory_space<semaphore_mem>>
      tpu.enqueue_indirect_dma source(%dma_start3A_660 : memref<128xf32, #tpu.memory_space<vmem>>) target(%dma_start3A_665 : memref<10240xf32, #tpu.memory_space<vmem_shared>>) offsets(%dma_start3A_663 : memref<128xi32, #tpu.memory_space<vmem>>) semaphore(%dma_start3A_667 : memref<!tpu.dma_semaphore, #tpu.memory_space<semaphore_mem>>) {add = true}
      %mul3A_668 = arith.constant 8 : i32
      %mul3A_669 = arith.muli %add3A_254, %mul3A_668 : i32
      %add3A_670 = arith.constant 4 : i32
      %add3A_671 = arith.addi %mul3A_669, %add3A_670 : i32
      %dma_wait3A_672 = arith.constant 1 : i32
      %dma_wait3A_673 = arith.constant 0 : i32
      %dma_wait3A_674 = arith.constant 1 : i32
      %dma_wait3A_675 = arith.constant 0 : i32
      %dma_wait3A_676 = arith.constant 0 : i32
      %dma_wait3A_677 = tpu.memref_slice %arg10[%dma_wait3A_672, %dma_wait3A_675, %dma_wait3A_676] : memref<2x128x128xf32, #tpu.memory_space<vmem>> -> memref<1x128x128xf32, #tpu.memory_space<vmem>>
      %dma_wait3A_678 = tpu.memref_squeeze %dma_wait3A_677 : memref<1x128x128xf32, #tpu.memory_space<vmem>> -> memref<128x128xf32, #tpu.memory_space<vmem>>
      %dma_wait3A_679 = arith.constant 0 : i32
      %dma_wait3A_680 = tpu.memref_slice %arg9[%dma_wait3A_673, %dma_wait3A_679] : memref<40x128xi32, #tpu.memory_space<vmem>> -> memref<1x128xi32, #tpu.memory_space<vmem>>
      %dma_wait3A_681 = tpu.memref_squeeze %dma_wait3A_680 : memref<1x128xi32, #tpu.memory_space<vmem>> -> memref<128xi32, #tpu.memory_space<vmem>>
      %dma_wait3A_682 = arith.constant 0 : i32
      %dma_wait3A_683 = arith.constant 0 : i32
      %dma_wait3A_684 = tpu.memref_slice %arg13[%dma_wait3A_682, %dma_wait3A_683] : memref<10240x128xf32, #tpu.memory_space<vmem_shared>> -> memref<10240x128xf32, #tpu.memory_space<vmem_shared>>
      %dma_wait3A_685 = tpu.memref_slice %arg16[%dma_wait3A_674] : memref<2x!tpu.dma_semaphore, #tpu.memory_space<semaphore_mem>> -> memref<1x!tpu.dma_semaphore, #tpu.memory_space<semaphore_mem>>
      %dma_wait3A_686 = tpu.memref_squeeze %dma_wait3A_685 : memref<1x!tpu.dma_semaphore, #tpu.memory_space<semaphore_mem>> -> memref<!tpu.dma_semaphore, #tpu.memory_space<semaphore_mem>>
      tpu.wait_indirect_dma semaphore(%dma_wait3A_686 : memref<!tpu.dma_semaphore, #tpu.memory_space<semaphore_mem>>) src(%dma_wait3A_678 : memref<128x128xf32, #tpu.memory_space<vmem>>) dst(%dma_wait3A_684 : memref<10240x128xf32, #tpu.memory_space<vmem_shared>>)
      %add3A_687 = arith.constant 1 : i32
      %add3A_688 = arith.addi %add3A_671, %add3A_687 : i32
      %dma_start3A_689 = arith.constant 1 : i32
      %dma_start3A_690 = arith.constant 1 : i32
      %dma_start3A_691 = arith.constant 0 : i32
      %dma_start3A_692 = arith.constant 0 : i32
      %dma_start3A_693 = tpu.memref_slice %arg10[%dma_start3A_689, %dma_start3A_691, %dma_start3A_692] : memref<2x128x128xf32, #tpu.memory_space<vmem>> -> memref<1x128x128xf32, #tpu.memory_space<vmem>>
      %dma_start3A_694 = tpu.memref_squeeze %dma_start3A_693 : memref<1x128x128xf32, #tpu.memory_space<vmem>> -> memref<128x128xf32, #tpu.memory_space<vmem>>
      %dma_start3A_695 = arith.constant 0 : i32
      %dma_start3A_696 = tpu.memref_slice %arg8[%add3A_688, %dma_start3A_695] : memref<40x128xi32, #tpu.memory_space<vmem>> -> memref<1x128xi32, #tpu.memory_space<vmem>>
      %dma_start3A_697 = tpu.memref_squeeze %dma_start3A_696 : memref<1x128xi32, #tpu.memory_space<vmem>> -> memref<128xi32, #tpu.memory_space<vmem>>
      %dma_start3A_698 = arith.constant 0 : i32
      %dma_start3A_699 = arith.constant 0 : i32
      %dma_start3A_700 = tpu.memref_slice %arg2[%dma_start3A_698, %dma_start3A_699] : memref<10240x128xf32, #tpu.memory_space<hbm>> -> memref<10240x128xf32, #tpu.memory_space<hbm>>
      %dma_start3A_701 = tpu.memref_slice %arg15[%dma_start3A_690] : memref<2x!tpu.dma_semaphore, #tpu.memory_space<semaphore_mem>> -> memref<1x!tpu.dma_semaphore, #tpu.memory_space<semaphore_mem>>
      %dma_start3A_702 = tpu.memref_squeeze %dma_start3A_701 : memref<1x!tpu.dma_semaphore, #tpu.memory_space<semaphore_mem>> -> memref<!tpu.dma_semaphore, #tpu.memory_space<semaphore_mem>>
      tpu.enqueue_indirect_dma source(%dma_start3A_700 : memref<10240x128xf32, #tpu.memory_space<hbm>>) target(%dma_start3A_694 : memref<128x128xf32, #tpu.memory_space<vmem>>) offsets(%dma_start3A_697 : memref<128xi32, #tpu.memory_space<vmem>>) semaphore(%dma_start3A_702 : memref<!tpu.dma_semaphore, #tpu.memory_space<semaphore_mem>>)
      %dma_wait3A_703 = arith.constant 0 : i32
      %dma_wait3A_704 = arith.constant 0 : i32
      %dma_wait3A_705 = arith.constant 0 : i32
      %dma_wait3A_706 = arith.constant 0 : i32
      %dma_wait3A_707 = tpu.memref_slice %arg10[%dma_wait3A_703, %dma_wait3A_705, %dma_wait3A_706] : memref<2x128x128xf32, #tpu.memory_space<vmem>> -> memref<1x128x128xf32, #tpu.memory_space<vmem>>
      %dma_wait3A_708 = tpu.memref_squeeze %dma_wait3A_707 : memref<1x128x128xf32, #tpu.memory_space<vmem>> -> memref<128x128xf32, #tpu.memory_space<vmem>>
      %dma_wait3A_709 = arith.constant 0 : i32
      %dma_wait3A_710 = tpu.memref_slice %arg8[%add3A_671, %dma_wait3A_709] : memref<40x128xi32, #tpu.memory_space<vmem>> -> memref<1x128xi32, #tpu.memory_space<vmem>>
      %dma_wait3A_711 = tpu.memref_squeeze %dma_wait3A_710 : memref<1x128xi32, #tpu.memory_space<vmem>> -> memref<128xi32, #tpu.memory_space<vmem>>
      %dma_wait3A_712 = arith.constant 0 : i32
      %dma_wait3A_713 = arith.constant 0 : i32
      %dma_wait3A_714 = tpu.memref_slice %arg2[%dma_wait3A_712, %dma_wait3A_713] : memref<10240x128xf32, #tpu.memory_space<hbm>> -> memref<10240x128xf32, #tpu.memory_space<hbm>>
      %dma_wait3A_715 = tpu.memref_slice %arg15[%dma_wait3A_704] : memref<2x!tpu.dma_semaphore, #tpu.memory_space<semaphore_mem>> -> memref<1x!tpu.dma_semaphore, #tpu.memory_space<semaphore_mem>>
      %dma_wait3A_716 = tpu.memref_squeeze %dma_wait3A_715 : memref<1x!tpu.dma_semaphore, #tpu.memory_space<semaphore_mem>> -> memref<!tpu.dma_semaphore, #tpu.memory_space<semaphore_mem>>
      tpu.wait_indirect_dma semaphore(%dma_wait3A_716 : memref<!tpu.dma_semaphore, #tpu.memory_space<semaphore_mem>>) src(%dma_wait3A_714 : memref<10240x128xf32, #tpu.memory_space<hbm>>) dst(%dma_wait3A_708 : memref<128x128xf32, #tpu.memory_space<vmem>>)
      %dma_start3A_717 = arith.constant 0 : i32
      %dma_start3A_718 = arith.constant 0 : i32
      %dma_start3A_719 = arith.constant 0 : i32
      %dma_start3A_720 = arith.constant 0 : i32
      %dma_start3A_721 = tpu.memref_slice %arg10[%dma_start3A_717, %dma_start3A_719, %dma_start3A_720] : memref<2x128x128xf32, #tpu.memory_space<vmem>> -> memref<1x128x128xf32, #tpu.memory_space<vmem>>
      %dma_start3A_722 = tpu.memref_squeeze %dma_start3A_721 : memref<1x128x128xf32, #tpu.memory_space<vmem>> -> memref<128x128xf32, #tpu.memory_space<vmem>>
      %dma_start3A_723 = arith.constant 0 : i32
      %dma_start3A_724 = tpu.memref_slice %arg9[%add3A_671, %dma_start3A_723] : memref<40x128xi32, #tpu.memory_space<vmem>> -> memref<1x128xi32, #tpu.memory_space<vmem>>
      %dma_start3A_725 = tpu.memref_squeeze %dma_start3A_724 : memref<1x128xi32, #tpu.memory_space<vmem>> -> memref<128xi32, #tpu.memory_space<vmem>>
      %dma_start3A_726 = arith.constant 0 : i32
      %dma_start3A_727 = arith.constant 0 : i32
      %dma_start3A_728 = tpu.memref_slice %arg13[%dma_start3A_726, %dma_start3A_727] : memref<10240x128xf32, #tpu.memory_space<vmem_shared>> -> memref<10240x128xf32, #tpu.memory_space<vmem_shared>>
      %dma_start3A_729 = tpu.memref_slice %arg16[%dma_start3A_718] : memref<2x!tpu.dma_semaphore, #tpu.memory_space<semaphore_mem>> -> memref<1x!tpu.dma_semaphore, #tpu.memory_space<semaphore_mem>>
      %dma_start3A_730 = tpu.memref_squeeze %dma_start3A_729 : memref<1x!tpu.dma_semaphore, #tpu.memory_space<semaphore_mem>> -> memref<!tpu.dma_semaphore, #tpu.memory_space<semaphore_mem>>
      tpu.enqueue_indirect_dma source(%dma_start3A_722 : memref<128x128xf32, #tpu.memory_space<vmem>>) target(%dma_start3A_728 : memref<10240x128xf32, #tpu.memory_space<vmem_shared>>) offsets(%dma_start3A_725 : memref<128xi32, #tpu.memory_space<vmem>>) semaphore(%dma_start3A_730 : memref<!tpu.dma_semaphore, #tpu.memory_space<semaphore_mem>>) {add = true}
      %lt3A = arith.constant 4 : i32
      %lt3A_731 = arith.cmpi slt, %add3A_254, %lt3A : i32
      %convert_element_type3A_732 = arith.extui %lt3A_731 : i1 to i32
      %cond3A_733 = arith.constant 0 : i32
      %cond3A_734 = arith.cmpi ne, %convert_element_type3A_732, %cond3A_733 : i32
      scf.if %cond3A_734 {
        %dma_wait3A_1009 = arith.constant 0 : i32
        %dma_wait3A_1010 = arith.constant 0 : i32
        %dma_wait3A_1011 = arith.constant 0 : i32
        %dma_wait3A_1012 = arith.constant 0 : i32
        %dma_wait3A_1013 = tpu.memref_slice %arg11[%dma_wait3A_1009, %dma_wait3A_1012] : memref<8x128xf32, #tpu.memory_space<vmem>> -> memref<1x128xf32, #tpu.memory_space<vmem>>
        %dma_wait3A_1014 = tpu.memref_squeeze %dma_wait3A_1013 : memref<1x128xf32, #tpu.memory_space<vmem>> -> memref<128xf32, #tpu.memory_space<vmem>>
        %dma_wait3A_1015 = arith.constant 0 : i32
        %dma_wait3A_1016 = tpu.memref_slice %arg8[%dma_wait3A_1010, %dma_wait3A_1015] : memref<40x128xi32, #tpu.memory_space<vmem>> -> memref<1x128xi32, #tpu.memory_space<vmem>>
        %dma_wait3A_1017 = tpu.memref_squeeze %dma_wait3A_1016 : memref<1x128xi32, #tpu.memory_space<vmem>> -> memref<128xi32, #tpu.memory_space<vmem>>
        %dma_wait3A_1018 = arith.constant 0 : i32
        %dma_wait3A_1019 = tpu.memref_slice %arg14[%dma_wait3A_1018] : memref<10240xf32, #tpu.memory_space<vmem_shared>> -> memref<10240xf32, #tpu.memory_space<vmem_shared>>
        %dma_wait3A_1020 = tpu.memref_slice %arg18[%dma_wait3A_1011] : memref<8x!tpu.dma_semaphore, #tpu.memory_space<semaphore_mem>> -> memref<1x!tpu.dma_semaphore, #tpu.memory_space<semaphore_mem>>
        %dma_wait3A_1021 = tpu.memref_squeeze %dma_wait3A_1020 : memref<1x!tpu.dma_semaphore, #tpu.memory_space<semaphore_mem>> -> memref<!tpu.dma_semaphore, #tpu.memory_space<semaphore_mem>>
        tpu.wait_indirect_dma semaphore(%dma_wait3A_1021 : memref<!tpu.dma_semaphore, #tpu.memory_space<semaphore_mem>>) src(%dma_wait3A_1014 : memref<128xf32, #tpu.memory_space<vmem>>) dst(%dma_wait3A_1019 : memref<10240xf32, #tpu.memory_space<vmem_shared>>)
        %add3A_1022 = arith.constant 4 : i32
        %add3A_1023 = arith.addi %add3A_671, %add3A_1022 : i32
        %dma_start3A_1024 = arith.constant 0 : i32
        %dma_start3A_1025 = arith.constant 0 : i32
        %dma_start3A_1026 = arith.constant 0 : i32
        %dma_start3A_1027 = tpu.memref_slice %arg11[%dma_start3A_1024, %dma_start3A_1026] : memref<8x128xf32, #tpu.memory_space<vmem>> -> memref<1x128xf32, #tpu.memory_space<vmem>>
        %dma_start3A_1028 = tpu.memref_squeeze %dma_start3A_1027 : memref<1x128xf32, #tpu.memory_space<vmem>> -> memref<128xf32, #tpu.memory_space<vmem>>
        %dma_start3A_1029 = arith.constant 0 : i32
        %dma_start3A_1030 = tpu.memref_slice %arg9[%add3A_1023, %dma_start3A_1029] : memref<40x128xi32, #tpu.memory_space<vmem>> -> memref<1x128xi32, #tpu.memory_space<vmem>>
        %dma_start3A_1031 = tpu.memref_squeeze %dma_start3A_1030 : memref<1x128xi32, #tpu.memory_space<vmem>> -> memref<128xi32, #tpu.memory_space<vmem>>
        %dma_start3A_1032 = arith.constant 0 : i32
        %dma_start3A_1033 = tpu.memref_slice %arg3[%dma_start3A_1032] : memref<10240xf32, #tpu.memory_space<hbm>> -> memref<10240xf32, #tpu.memory_space<hbm>>
        %dma_start3A_1034 = tpu.memref_slice %arg17[%dma_start3A_1025] : memref<8x!tpu.dma_semaphore, #tpu.memory_space<semaphore_mem>> -> memref<1x!tpu.dma_semaphore, #tpu.memory_space<semaphore_mem>>
        %dma_start3A_1035 = tpu.memref_squeeze %dma_start3A_1034 : memref<1x!tpu.dma_semaphore, #tpu.memory_space<semaphore_mem>> -> memref<!tpu.dma_semaphore, #tpu.memory_space<semaphore_mem>>
        tpu.enqueue_indirect_dma source(%dma_start3A_1033 : memref<10240xf32, #tpu.memory_space<hbm>>) target(%dma_start3A_1028 : memref<128xf32, #tpu.memory_space<vmem>>) offsets(%dma_start3A_1031 : memref<128xi32, #tpu.memory_space<vmem>>) semaphore(%dma_start3A_1035 : memref<!tpu.dma_semaphore, #tpu.memory_space<semaphore_mem>>)
      } else {
      }
      %dma_wait3A_735 = arith.constant 4 : i32
      %dma_wait3A_736 = arith.constant 4 : i32
      %dma_wait3A_737 = arith.constant 0 : i32
      %dma_wait3A_738 = tpu.memref_slice %arg11[%dma_wait3A_735, %dma_wait3A_737] : memref<8x128xf32, #tpu.memory_space<vmem>> -> memref<1x128xf32, #tpu.memory_space<vmem>>
      %dma_wait3A_739 = tpu.memref_squeeze %dma_wait3A_738 : memref<1x128xf32, #tpu.memory_space<vmem>> -> memref<128xf32, #tpu.memory_space<vmem>>
      %dma_wait3A_740 = arith.constant 0 : i32
      %dma_wait3A_741 = tpu.memref_slice %arg9[%add3A_671, %dma_wait3A_740] : memref<40x128xi32, #tpu.memory_space<vmem>> -> memref<1x128xi32, #tpu.memory_space<vmem>>
      %dma_wait3A_742 = tpu.memref_squeeze %dma_wait3A_741 : memref<1x128xi32, #tpu.memory_space<vmem>> -> memref<128xi32, #tpu.memory_space<vmem>>
      %dma_wait3A_743 = arith.constant 0 : i32
      %dma_wait3A_744 = tpu.memref_slice %arg3[%dma_wait3A_743] : memref<10240xf32, #tpu.memory_space<hbm>> -> memref<10240xf32, #tpu.memory_space<hbm>>
      %dma_wait3A_745 = tpu.memref_slice %arg17[%dma_wait3A_736] : memref<8x!tpu.dma_semaphore, #tpu.memory_space<semaphore_mem>> -> memref<1x!tpu.dma_semaphore, #tpu.memory_space<semaphore_mem>>
      %dma_wait3A_746 = tpu.memref_squeeze %dma_wait3A_745 : memref<1x!tpu.dma_semaphore, #tpu.memory_space<semaphore_mem>> -> memref<!tpu.dma_semaphore, #tpu.memory_space<semaphore_mem>>
      tpu.wait_indirect_dma semaphore(%dma_wait3A_746 : memref<!tpu.dma_semaphore, #tpu.memory_space<semaphore_mem>>) src(%dma_wait3A_744 : memref<10240xf32, #tpu.memory_space<hbm>>) dst(%dma_wait3A_739 : memref<128xf32, #tpu.memory_space<vmem>>)
      %dma_start3A_747 = arith.constant 4 : i32
      %dma_start3A_748 = arith.constant 4 : i32
      %dma_start3A_749 = arith.constant 0 : i32
      %dma_start3A_750 = tpu.memref_slice %arg11[%dma_start3A_747, %dma_start3A_749] : memref<8x128xf32, #tpu.memory_space<vmem>> -> memref<1x128xf32, #tpu.memory_space<vmem>>
      %dma_start3A_751 = tpu.memref_squeeze %dma_start3A_750 : memref<1x128xf32, #tpu.memory_space<vmem>> -> memref<128xf32, #tpu.memory_space<vmem>>
      %dma_start3A_752 = arith.constant 0 : i32
      %dma_start3A_753 = tpu.memref_slice %arg8[%add3A_671, %dma_start3A_752] : memref<40x128xi32, #tpu.memory_space<vmem>> -> memref<1x128xi32, #tpu.memory_space<vmem>>
      %dma_start3A_754 = tpu.memref_squeeze %dma_start3A_753 : memref<1x128xi32, #tpu.memory_space<vmem>> -> memref<128xi32, #tpu.memory_space<vmem>>
      %dma_start3A_755 = arith.constant 0 : i32
      %dma_start3A_756 = tpu.memref_slice %arg14[%dma_start3A_755] : memref<10240xf32, #tpu.memory_space<vmem_shared>> -> memref<10240xf32, #tpu.memory_space<vmem_shared>>
      %dma_start3A_757 = tpu.memref_slice %arg18[%dma_start3A_748] : memref<8x!tpu.dma_semaphore, #tpu.memory_space<semaphore_mem>> -> memref<1x!tpu.dma_semaphore, #tpu.memory_space<semaphore_mem>>
      %dma_start3A_758 = tpu.memref_squeeze %dma_start3A_757 : memref<1x!tpu.dma_semaphore, #tpu.memory_space<semaphore_mem>> -> memref<!tpu.dma_semaphore, #tpu.memory_space<semaphore_mem>>
      tpu.enqueue_indirect_dma source(%dma_start3A_751 : memref<128xf32, #tpu.memory_space<vmem>>) target(%dma_start3A_756 : memref<10240xf32, #tpu.memory_space<vmem_shared>>) offsets(%dma_start3A_754 : memref<128xi32, #tpu.memory_space<vmem>>) semaphore(%dma_start3A_758 : memref<!tpu.dma_semaphore, #tpu.memory_space<semaphore_mem>>) {add = true}
      %mul3A_759 = arith.constant 8 : i32
      %mul3A_760 = arith.muli %add3A_254, %mul3A_759 : i32
      %add3A_761 = arith.constant 5 : i32
      %add3A_762 = arith.addi %mul3A_760, %add3A_761 : i32
      %dma_wait3A_763 = arith.constant 0 : i32
      %dma_wait3A_764 = arith.constant 0 : i32
      %dma_wait3A_765 = arith.constant 0 : i32
      %dma_wait3A_766 = arith.constant 0 : i32
      %dma_wait3A_767 = arith.constant 0 : i32
      %dma_wait3A_768 = tpu.memref_slice %arg10[%dma_wait3A_763, %dma_wait3A_766, %dma_wait3A_767] : memref<2x128x128xf32, #tpu.memory_space<vmem>> -> memref<1x128x128xf32, #tpu.memory_space<vmem>>
      %dma_wait3A_769 = tpu.memref_squeeze %dma_wait3A_768 : memref<1x128x128xf32, #tpu.memory_space<vmem>> -> memref<128x128xf32, #tpu.memory_space<vmem>>
      %dma_wait3A_770 = arith.constant 0 : i32
      %dma_wait3A_771 = tpu.memref_slice %arg9[%dma_wait3A_764, %dma_wait3A_770] : memref<40x128xi32, #tpu.memory_space<vmem>> -> memref<1x128xi32, #tpu.memory_space<vmem>>
      %dma_wait3A_772 = tpu.memref_squeeze %dma_wait3A_771 : memref<1x128xi32, #tpu.memory_space<vmem>> -> memref<128xi32, #tpu.memory_space<vmem>>
      %dma_wait3A_773 = arith.constant 0 : i32
      %dma_wait3A_774 = arith.constant 0 : i32
      %dma_wait3A_775 = tpu.memref_slice %arg13[%dma_wait3A_773, %dma_wait3A_774] : memref<10240x128xf32, #tpu.memory_space<vmem_shared>> -> memref<10240x128xf32, #tpu.memory_space<vmem_shared>>
      %dma_wait3A_776 = tpu.memref_slice %arg16[%dma_wait3A_765] : memref<2x!tpu.dma_semaphore, #tpu.memory_space<semaphore_mem>> -> memref<1x!tpu.dma_semaphore, #tpu.memory_space<semaphore_mem>>
      %dma_wait3A_777 = tpu.memref_squeeze %dma_wait3A_776 : memref<1x!tpu.dma_semaphore, #tpu.memory_space<semaphore_mem>> -> memref<!tpu.dma_semaphore, #tpu.memory_space<semaphore_mem>>
      tpu.wait_indirect_dma semaphore(%dma_wait3A_777 : memref<!tpu.dma_semaphore, #tpu.memory_space<semaphore_mem>>) src(%dma_wait3A_769 : memref<128x128xf32, #tpu.memory_space<vmem>>) dst(%dma_wait3A_775 : memref<10240x128xf32, #tpu.memory_space<vmem_shared>>)
      %add3A_778 = arith.constant 1 : i32
      %add3A_779 = arith.addi %add3A_762, %add3A_778 : i32
      %dma_start3A_780 = arith.constant 0 : i32
      %dma_start3A_781 = arith.constant 0 : i32
      %dma_start3A_782 = arith.constant 0 : i32
      %dma_start3A_783 = arith.constant 0 : i32
      %dma_start3A_784 = tpu.memref_slice %arg10[%dma_start3A_780, %dma_start3A_782, %dma_start3A_783] : memref<2x128x128xf32, #tpu.memory_space<vmem>> -> memref<1x128x128xf32, #tpu.memory_space<vmem>>
      %dma_start3A_785 = tpu.memref_squeeze %dma_start3A_784 : memref<1x128x128xf32, #tpu.memory_space<vmem>> -> memref<128x128xf32, #tpu.memory_space<vmem>>
      %dma_start3A_786 = arith.constant 0 : i32
      %dma_start3A_787 = tpu.memref_slice %arg8[%add3A_779, %dma_start3A_786] : memref<40x128xi32, #tpu.memory_space<vmem>> -> memref<1x128xi32, #tpu.memory_space<vmem>>
      %dma_start3A_788 = tpu.memref_squeeze %dma_start3A_787 : memref<1x128xi32, #tpu.memory_space<vmem>> -> memref<128xi32, #tpu.memory_space<vmem>>
      %dma_start3A_789 = arith.constant 0 : i32
      %dma_start3A_790 = arith.constant 0 : i32
      %dma_start3A_791 = tpu.memref_slice %arg2[%dma_start3A_789, %dma_start3A_790] : memref<10240x128xf32, #tpu.memory_space<hbm>> -> memref<10240x128xf32, #tpu.memory_space<hbm>>
      %dma_start3A_792 = tpu.memref_slice %arg15[%dma_start3A_781] : memref<2x!tpu.dma_semaphore, #tpu.memory_space<semaphore_mem>> -> memref<1x!tpu.dma_semaphore, #tpu.memory_space<semaphore_mem>>
      %dma_start3A_793 = tpu.memref_squeeze %dma_start3A_792 : memref<1x!tpu.dma_semaphore, #tpu.memory_space<semaphore_mem>> -> memref<!tpu.dma_semaphore, #tpu.memory_space<semaphore_mem>>
      tpu.enqueue_indirect_dma source(%dma_start3A_791 : memref<10240x128xf32, #tpu.memory_space<hbm>>) target(%dma_start3A_785 : memref<128x128xf32, #tpu.memory_space<vmem>>) offsets(%dma_start3A_788 : memref<128xi32, #tpu.memory_space<vmem>>) semaphore(%dma_start3A_793 : memref<!tpu.dma_semaphore, #tpu.memory_space<semaphore_mem>>)
      %dma_wait3A_794 = arith.constant 1 : i32
      %dma_wait3A_795 = arith.constant 1 : i32
      %dma_wait3A_796 = arith.constant 0 : i32
      %dma_wait3A_797 = arith.constant 0 : i32
      %dma_wait3A_798 = tpu.memref_slice %arg10[%dma_wait3A_794, %dma_wait3A_796, %dma_wait3A_797] : memref<2x128x128xf32, #tpu.memory_space<vmem>> -> memref<1x128x128xf32, #tpu.memory_space<vmem>>
      %dma_wait3A_799 = tpu.memref_squeeze %dma_wait3A_798 : memref<1x128x128xf32, #tpu.memory_space<vmem>> -> memref<128x128xf32, #tpu.memory_space<vmem>>
      %dma_wait3A_800 = arith.constant 0 : i32
      %dma_wait3A_801 = tpu.memref_slice %arg8[%add3A_762, %dma_wait3A_800] : memref<40x128xi32, #tpu.memory_space<vmem>> -> memref<1x128xi32, #tpu.memory_space<vmem>>
      %dma_wait3A_802 = tpu.memref_squeeze %dma_wait3A_801 : memref<1x128xi32, #tpu.memory_space<vmem>> -> memref<128xi32, #tpu.memory_space<vmem>>
      %dma_wait3A_803 = arith.constant 0 : i32
      %dma_wait3A_804 = arith.constant 0 : i32
      %dma_wait3A_805 = tpu.memref_slice %arg2[%dma_wait3A_803, %dma_wait3A_804] : memref<10240x128xf32, #tpu.memory_space<hbm>> -> memref<10240x128xf32, #tpu.memory_space<hbm>>
      %dma_wait3A_806 = tpu.memref_slice %arg15[%dma_wait3A_795] : memref<2x!tpu.dma_semaphore, #tpu.memory_space<semaphore_mem>> -> memref<1x!tpu.dma_semaphore, #tpu.memory_space<semaphore_mem>>
      %dma_wait3A_807 = tpu.memref_squeeze %dma_wait3A_806 : memref<1x!tpu.dma_semaphore, #tpu.memory_space<semaphore_mem>> -> memref<!tpu.dma_semaphore, #tpu.memory_space<semaphore_mem>>
      tpu.wait_indirect_dma semaphore(%dma_wait3A_807 : memref<!tpu.dma_semaphore, #tpu.memory_space<semaphore_mem>>) src(%dma_wait3A_805 : memref<10240x128xf32, #tpu.memory_space<hbm>>) dst(%dma_wait3A_799 : memref<128x128xf32, #tpu.memory_space<vmem>>)
      %dma_start3A_808 = arith.constant 1 : i32
      %dma_start3A_809 = arith.constant 1 : i32
      %dma_start3A_810 = arith.constant 0 : i32
      %dma_start3A_811 = arith.constant 0 : i32
      %dma_start3A_812 = tpu.memref_slice %arg10[%dma_start3A_808, %dma_start3A_810, %dma_start3A_811] : memref<2x128x128xf32, #tpu.memory_space<vmem>> -> memref<1x128x128xf32, #tpu.memory_space<vmem>>
      %dma_start3A_813 = tpu.memref_squeeze %dma_start3A_812 : memref<1x128x128xf32, #tpu.memory_space<vmem>> -> memref<128x128xf32, #tpu.memory_space<vmem>>
      %dma_start3A_814 = arith.constant 0 : i32
      %dma_start3A_815 = tpu.memref_slice %arg9[%add3A_762, %dma_start3A_814] : memref<40x128xi32, #tpu.memory_space<vmem>> -> memref<1x128xi32, #tpu.memory_space<vmem>>
      %dma_start3A_816 = tpu.memref_squeeze %dma_start3A_815 : memref<1x128xi32, #tpu.memory_space<vmem>> -> memref<128xi32, #tpu.memory_space<vmem>>
      %dma_start3A_817 = arith.constant 0 : i32
      %dma_start3A_818 = arith.constant 0 : i32
      %dma_start3A_819 = tpu.memref_slice %arg13[%dma_start3A_817, %dma_start3A_818] : memref<10240x128xf32, #tpu.memory_space<vmem_shared>> -> memref<10240x128xf32, #tpu.memory_space<vmem_shared>>
      %dma_start3A_820 = tpu.memref_slice %arg16[%dma_start3A_809] : memref<2x!tpu.dma_semaphore, #tpu.memory_space<semaphore_mem>> -> memref<1x!tpu.dma_semaphore, #tpu.memory_space<semaphore_mem>>
      %dma_start3A_821 = tpu.memref_squeeze %dma_start3A_820 : memref<1x!tpu.dma_semaphore, #tpu.memory_space<semaphore_mem>> -> memref<!tpu.dma_semaphore, #tpu.memory_space<semaphore_mem>>
      tpu.enqueue_indirect_dma source(%dma_start3A_813 : memref<128x128xf32, #tpu.memory_space<vmem>>) target(%dma_start3A_819 : memref<10240x128xf32, #tpu.memory_space<vmem_shared>>) offsets(%dma_start3A_816 : memref<128xi32, #tpu.memory_space<vmem>>) semaphore(%dma_start3A_821 : memref<!tpu.dma_semaphore, #tpu.memory_space<semaphore_mem>>) {add = true}
      %lt3A_822 = arith.constant 4 : i32
      %lt3A_823 = arith.cmpi slt, %add3A_254, %lt3A_822 : i32
      %convert_element_type3A_824 = arith.extui %lt3A_823 : i1 to i32
      %cond3A_825 = arith.constant 0 : i32
      %cond3A_826 = arith.cmpi ne, %convert_element_type3A_824, %cond3A_825 : i32
      scf.if %cond3A_826 {
        %dma_wait3A_1009 = arith.constant 1 : i32
        %dma_wait3A_1010 = arith.constant 0 : i32
        %dma_wait3A_1011 = arith.constant 1 : i32
        %dma_wait3A_1012 = arith.constant 0 : i32
        %dma_wait3A_1013 = tpu.memref_slice %arg11[%dma_wait3A_1009, %dma_wait3A_1012] : memref<8x128xf32, #tpu.memory_space<vmem>> -> memref<1x128xf32, #tpu.memory_space<vmem>>
        %dma_wait3A_1014 = tpu.memref_squeeze %dma_wait3A_1013 : memref<1x128xf32, #tpu.memory_space<vmem>> -> memref<128xf32, #tpu.memory_space<vmem>>
        %dma_wait3A_1015 = arith.constant 0 : i32
        %dma_wait3A_1016 = tpu.memref_slice %arg8[%dma_wait3A_1010, %dma_wait3A_1015] : memref<40x128xi32, #tpu.memory_space<vmem>> -> memref<1x128xi32, #tpu.memory_space<vmem>>
        %dma_wait3A_1017 = tpu.memref_squeeze %dma_wait3A_1016 : memref<1x128xi32, #tpu.memory_space<vmem>> -> memref<128xi32, #tpu.memory_space<vmem>>
        %dma_wait3A_1018 = arith.constant 0 : i32
        %dma_wait3A_1019 = tpu.memref_slice %arg14[%dma_wait3A_1018] : memref<10240xf32, #tpu.memory_space<vmem_shared>> -> memref<10240xf32, #tpu.memory_space<vmem_shared>>
        %dma_wait3A_1020 = tpu.memref_slice %arg18[%dma_wait3A_1011] : memref<8x!tpu.dma_semaphore, #tpu.memory_space<semaphore_mem>> -> memref<1x!tpu.dma_semaphore, #tpu.memory_space<semaphore_mem>>
        %dma_wait3A_1021 = tpu.memref_squeeze %dma_wait3A_1020 : memref<1x!tpu.dma_semaphore, #tpu.memory_space<semaphore_mem>> -> memref<!tpu.dma_semaphore, #tpu.memory_space<semaphore_mem>>
        tpu.wait_indirect_dma semaphore(%dma_wait3A_1021 : memref<!tpu.dma_semaphore, #tpu.memory_space<semaphore_mem>>) src(%dma_wait3A_1014 : memref<128xf32, #tpu.memory_space<vmem>>) dst(%dma_wait3A_1019 : memref<10240xf32, #tpu.memory_space<vmem_shared>>)
        %add3A_1022 = arith.constant 4 : i32
        %add3A_1023 = arith.addi %add3A_762, %add3A_1022 : i32
        %dma_start3A_1024 = arith.constant 1 : i32
        %dma_start3A_1025 = arith.constant 1 : i32
        %dma_start3A_1026 = arith.constant 0 : i32
        %dma_start3A_1027 = tpu.memref_slice %arg11[%dma_start3A_1024, %dma_start3A_1026] : memref<8x128xf32, #tpu.memory_space<vmem>> -> memref<1x128xf32, #tpu.memory_space<vmem>>
        %dma_start3A_1028 = tpu.memref_squeeze %dma_start3A_1027 : memref<1x128xf32, #tpu.memory_space<vmem>> -> memref<128xf32, #tpu.memory_space<vmem>>
        %dma_start3A_1029 = arith.constant 0 : i32
        %dma_start3A_1030 = tpu.memref_slice %arg9[%add3A_1023, %dma_start3A_1029] : memref<40x128xi32, #tpu.memory_space<vmem>> -> memref<1x128xi32, #tpu.memory_space<vmem>>
        %dma_start3A_1031 = tpu.memref_squeeze %dma_start3A_1030 : memref<1x128xi32, #tpu.memory_space<vmem>> -> memref<128xi32, #tpu.memory_space<vmem>>
        %dma_start3A_1032 = arith.constant 0 : i32
        %dma_start3A_1033 = tpu.memref_slice %arg3[%dma_start3A_1032] : memref<10240xf32, #tpu.memory_space<hbm>> -> memref<10240xf32, #tpu.memory_space<hbm>>
        %dma_start3A_1034 = tpu.memref_slice %arg17[%dma_start3A_1025] : memref<8x!tpu.dma_semaphore, #tpu.memory_space<semaphore_mem>> -> memref<1x!tpu.dma_semaphore, #tpu.memory_space<semaphore_mem>>
        %dma_start3A_1035 = tpu.memref_squeeze %dma_start3A_1034 : memref<1x!tpu.dma_semaphore, #tpu.memory_space<semaphore_mem>> -> memref<!tpu.dma_semaphore, #tpu.memory_space<semaphore_mem>>
        tpu.enqueue_indirect_dma source(%dma_start3A_1033 : memref<10240xf32, #tpu.memory_space<hbm>>) target(%dma_start3A_1028 : memref<128xf32, #tpu.memory_space<vmem>>) offsets(%dma_start3A_1031 : memref<128xi32, #tpu.memory_space<vmem>>) semaphore(%dma_start3A_1035 : memref<!tpu.dma_semaphore, #tpu.memory_space<semaphore_mem>>)
      } else {
      }
      %dma_wait3A_827 = arith.constant 5 : i32
      %dma_wait3A_828 = arith.constant 5 : i32
      %dma_wait3A_829 = arith.constant 0 : i32
      %dma_wait3A_830 = tpu.memref_slice %arg11[%dma_wait3A_827, %dma_wait3A_829] : memref<8x128xf32, #tpu.memory_space<vmem>> -> memref<1x128xf32, #tpu.memory_space<vmem>>
      %dma_wait3A_831 = tpu.memref_squeeze %dma_wait3A_830 : memref<1x128xf32, #tpu.memory_space<vmem>> -> memref<128xf32, #tpu.memory_space<vmem>>
      %dma_wait3A_832 = arith.constant 0 : i32
      %dma_wait3A_833 = tpu.memref_slice %arg9[%add3A_762, %dma_wait3A_832] : memref<40x128xi32, #tpu.memory_space<vmem>> -> memref<1x128xi32, #tpu.memory_space<vmem>>
      %dma_wait3A_834 = tpu.memref_squeeze %dma_wait3A_833 : memref<1x128xi32, #tpu.memory_space<vmem>> -> memref<128xi32, #tpu.memory_space<vmem>>
      %dma_wait3A_835 = arith.constant 0 : i32
      %dma_wait3A_836 = tpu.memref_slice %arg3[%dma_wait3A_835] : memref<10240xf32, #tpu.memory_space<hbm>> -> memref<10240xf32, #tpu.memory_space<hbm>>
      %dma_wait3A_837 = tpu.memref_slice %arg17[%dma_wait3A_828] : memref<8x!tpu.dma_semaphore, #tpu.memory_space<semaphore_mem>> -> memref<1x!tpu.dma_semaphore, #tpu.memory_space<semaphore_mem>>
      %dma_wait3A_838 = tpu.memref_squeeze %dma_wait3A_837 : memref<1x!tpu.dma_semaphore, #tpu.memory_space<semaphore_mem>> -> memref<!tpu.dma_semaphore, #tpu.memory_space<semaphore_mem>>
      tpu.wait_indirect_dma semaphore(%dma_wait3A_838 : memref<!tpu.dma_semaphore, #tpu.memory_space<semaphore_mem>>) src(%dma_wait3A_836 : memref<10240xf32, #tpu.memory_space<hbm>>) dst(%dma_wait3A_831 : memref<128xf32, #tpu.memory_space<vmem>>)
      %dma_start3A_839 = arith.constant 5 : i32
      %dma_start3A_840 = arith.constant 5 : i32
      %dma_start3A_841 = arith.constant 0 : i32
      %dma_start3A_842 = tpu.memref_slice %arg11[%dma_start3A_839, %dma_start3A_841] : memref<8x128xf32, #tpu.memory_space<vmem>> -> memref<1x128xf32, #tpu.memory_space<vmem>>
      %dma_start3A_843 = tpu.memref_squeeze %dma_start3A_842 : memref<1x128xf32, #tpu.memory_space<vmem>> -> memref<128xf32, #tpu.memory_space<vmem>>
      %dma_start3A_844 = arith.constant 0 : i32
      %dma_start3A_845 = tpu.memref_slice %arg8[%add3A_762, %dma_start3A_844] : memref<40x128xi32, #tpu.memory_space<vmem>> -> memref<1x128xi32, #tpu.memory_space<vmem>>
      %dma_start3A_846 = tpu.memref_squeeze %dma_start3A_845 : memref<1x128xi32, #tpu.memory_space<vmem>> -> memref<128xi32, #tpu.memory_space<vmem>>
      %dma_start3A_847 = arith.constant 0 : i32
      %dma_start3A_848 = tpu.memref_slice %arg14[%dma_start3A_847] : memref<10240xf32, #tpu.memory_space<vmem_shared>> -> memref<10240xf32, #tpu.memory_space<vmem_shared>>
      %dma_start3A_849 = tpu.memref_slice %arg18[%dma_start3A_840] : memref<8x!tpu.dma_semaphore, #tpu.memory_space<semaphore_mem>> -> memref<1x!tpu.dma_semaphore, #tpu.memory_space<semaphore_mem>>
      %dma_start3A_850 = tpu.memref_squeeze %dma_start3A_849 : memref<1x!tpu.dma_semaphore, #tpu.memory_space<semaphore_mem>> -> memref<!tpu.dma_semaphore, #tpu.memory_space<semaphore_mem>>
      tpu.enqueue_indirect_dma source(%dma_start3A_843 : memref<128xf32, #tpu.memory_space<vmem>>) target(%dma_start3A_848 : memref<10240xf32, #tpu.memory_space<vmem_shared>>) offsets(%dma_start3A_846 : memref<128xi32, #tpu.memory_space<vmem>>) semaphore(%dma_start3A_850 : memref<!tpu.dma_semaphore, #tpu.memory_space<semaphore_mem>>) {add = true}
      %mul3A_851 = arith.constant 8 : i32
      %mul3A_852 = arith.muli %add3A_254, %mul3A_851 : i32
      %add3A_853 = arith.constant 6 : i32
      %add3A_854 = arith.addi %mul3A_852, %add3A_853 : i32
      %dma_wait3A_855 = arith.constant 1 : i32
      %dma_wait3A_856 = arith.constant 0 : i32
      %dma_wait3A_857 = arith.constant 1 : i32
      %dma_wait3A_858 = arith.constant 0 : i32
      %dma_wait3A_859 = arith.constant 0 : i32
      %dma_wait3A_860 = tpu.memref_slice %arg10[%dma_wait3A_855, %dma_wait3A_858, %dma_wait3A_859] : memref<2x128x128xf32, #tpu.memory_space<vmem>> -> memref<1x128x128xf32, #tpu.memory_space<vmem>>
      %dma_wait3A_861 = tpu.memref_squeeze %dma_wait3A_860 : memref<1x128x128xf32, #tpu.memory_space<vmem>> -> memref<128x128xf32, #tpu.memory_space<vmem>>
      %dma_wait3A_862 = arith.constant 0 : i32
      %dma_wait3A_863 = tpu.memref_slice %arg9[%dma_wait3A_856, %dma_wait3A_862] : memref<40x128xi32, #tpu.memory_space<vmem>> -> memref<1x128xi32, #tpu.memory_space<vmem>>
      %dma_wait3A_864 = tpu.memref_squeeze %dma_wait3A_863 : memref<1x128xi32, #tpu.memory_space<vmem>> -> memref<128xi32, #tpu.memory_space<vmem>>
      %dma_wait3A_865 = arith.constant 0 : i32
      %dma_wait3A_866 = arith.constant 0 : i32
      %dma_wait3A_867 = tpu.memref_slice %arg13[%dma_wait3A_865, %dma_wait3A_866] : memref<10240x128xf32, #tpu.memory_space<vmem_shared>> -> memref<10240x128xf32, #tpu.memory_space<vmem_shared>>
      %dma_wait3A_868 = tpu.memref_slice %arg16[%dma_wait3A_857] : memref<2x!tpu.dma_semaphore, #tpu.memory_space<semaphore_mem>> -> memref<1x!tpu.dma_semaphore, #tpu.memory_space<semaphore_mem>>
      %dma_wait3A_869 = tpu.memref_squeeze %dma_wait3A_868 : memref<1x!tpu.dma_semaphore, #tpu.memory_space<semaphore_mem>> -> memref<!tpu.dma_semaphore, #tpu.memory_space<semaphore_mem>>
      tpu.wait_indirect_dma semaphore(%dma_wait3A_869 : memref<!tpu.dma_semaphore, #tpu.memory_space<semaphore_mem>>) src(%dma_wait3A_861 : memref<128x128xf32, #tpu.memory_space<vmem>>) dst(%dma_wait3A_867 : memref<10240x128xf32, #tpu.memory_space<vmem_shared>>)
      %add3A_870 = arith.constant 1 : i32
      %add3A_871 = arith.addi %add3A_854, %add3A_870 : i32
      %dma_start3A_872 = arith.constant 1 : i32
      %dma_start3A_873 = arith.constant 1 : i32
      %dma_start3A_874 = arith.constant 0 : i32
      %dma_start3A_875 = arith.constant 0 : i32
      %dma_start3A_876 = tpu.memref_slice %arg10[%dma_start3A_872, %dma_start3A_874, %dma_start3A_875] : memref<2x128x128xf32, #tpu.memory_space<vmem>> -> memref<1x128x128xf32, #tpu.memory_space<vmem>>
      %dma_start3A_877 = tpu.memref_squeeze %dma_start3A_876 : memref<1x128x128xf32, #tpu.memory_space<vmem>> -> memref<128x128xf32, #tpu.memory_space<vmem>>
      %dma_start3A_878 = arith.constant 0 : i32
      %dma_start3A_879 = tpu.memref_slice %arg8[%add3A_871, %dma_start3A_878] : memref<40x128xi32, #tpu.memory_space<vmem>> -> memref<1x128xi32, #tpu.memory_space<vmem>>
      %dma_start3A_880 = tpu.memref_squeeze %dma_start3A_879 : memref<1x128xi32, #tpu.memory_space<vmem>> -> memref<128xi32, #tpu.memory_space<vmem>>
      %dma_start3A_881 = arith.constant 0 : i32
      %dma_start3A_882 = arith.constant 0 : i32
      %dma_start3A_883 = tpu.memref_slice %arg2[%dma_start3A_881, %dma_start3A_882] : memref<10240x128xf32, #tpu.memory_space<hbm>> -> memref<10240x128xf32, #tpu.memory_space<hbm>>
      %dma_start3A_884 = tpu.memref_slice %arg15[%dma_start3A_873] : memref<2x!tpu.dma_semaphore, #tpu.memory_space<semaphore_mem>> -> memref<1x!tpu.dma_semaphore, #tpu.memory_space<semaphore_mem>>
      %dma_start3A_885 = tpu.memref_squeeze %dma_start3A_884 : memref<1x!tpu.dma_semaphore, #tpu.memory_space<semaphore_mem>> -> memref<!tpu.dma_semaphore, #tpu.memory_space<semaphore_mem>>
      tpu.enqueue_indirect_dma source(%dma_start3A_883 : memref<10240x128xf32, #tpu.memory_space<hbm>>) target(%dma_start3A_877 : memref<128x128xf32, #tpu.memory_space<vmem>>) offsets(%dma_start3A_880 : memref<128xi32, #tpu.memory_space<vmem>>) semaphore(%dma_start3A_885 : memref<!tpu.dma_semaphore, #tpu.memory_space<semaphore_mem>>)
      %dma_wait3A_886 = arith.constant 0 : i32
      %dma_wait3A_887 = arith.constant 0 : i32
      %dma_wait3A_888 = arith.constant 0 : i32
      %dma_wait3A_889 = arith.constant 0 : i32
      %dma_wait3A_890 = tpu.memref_slice %arg10[%dma_wait3A_886, %dma_wait3A_888, %dma_wait3A_889] : memref<2x128x128xf32, #tpu.memory_space<vmem>> -> memref<1x128x128xf32, #tpu.memory_space<vmem>>
      %dma_wait3A_891 = tpu.memref_squeeze %dma_wait3A_890 : memref<1x128x128xf32, #tpu.memory_space<vmem>> -> memref<128x128xf32, #tpu.memory_space<vmem>>
      %dma_wait3A_892 = arith.constant 0 : i32
      %dma_wait3A_893 = tpu.memref_slice %arg8[%add3A_854, %dma_wait3A_892] : memref<40x128xi32, #tpu.memory_space<vmem>> -> memref<1x128xi32, #tpu.memory_space<vmem>>
      %dma_wait3A_894 = tpu.memref_squeeze %dma_wait3A_893 : memref<1x128xi32, #tpu.memory_space<vmem>> -> memref<128xi32, #tpu.memory_space<vmem>>
      %dma_wait3A_895 = arith.constant 0 : i32
      %dma_wait3A_896 = arith.constant 0 : i32
      %dma_wait3A_897 = tpu.memref_slice %arg2[%dma_wait3A_895, %dma_wait3A_896] : memref<10240x128xf32, #tpu.memory_space<hbm>> -> memref<10240x128xf32, #tpu.memory_space<hbm>>
      %dma_wait3A_898 = tpu.memref_slice %arg15[%dma_wait3A_887] : memref<2x!tpu.dma_semaphore, #tpu.memory_space<semaphore_mem>> -> memref<1x!tpu.dma_semaphore, #tpu.memory_space<semaphore_mem>>
      %dma_wait3A_899 = tpu.memref_squeeze %dma_wait3A_898 : memref<1x!tpu.dma_semaphore, #tpu.memory_space<semaphore_mem>> -> memref<!tpu.dma_semaphore, #tpu.memory_space<semaphore_mem>>
      tpu.wait_indirect_dma semaphore(%dma_wait3A_899 : memref<!tpu.dma_semaphore, #tpu.memory_space<semaphore_mem>>) src(%dma_wait3A_897 : memref<10240x128xf32, #tpu.memory_space<hbm>>) dst(%dma_wait3A_891 : memref<128x128xf32, #tpu.memory_space<vmem>>)
      %dma_start3A_900 = arith.constant 0 : i32
      %dma_start3A_901 = arith.constant 0 : i32
      %dma_start3A_902 = arith.constant 0 : i32
      %dma_start3A_903 = arith.constant 0 : i32
      %dma_start3A_904 = tpu.memref_slice %arg10[%dma_start3A_900, %dma_start3A_902, %dma_start3A_903] : memref<2x128x128xf32, #tpu.memory_space<vmem>> -> memref<1x128x128xf32, #tpu.memory_space<vmem>>
      %dma_start3A_905 = tpu.memref_squeeze %dma_start3A_904 : memref<1x128x128xf32, #tpu.memory_space<vmem>> -> memref<128x128xf32, #tpu.memory_space<vmem>>
      %dma_start3A_906 = arith.constant 0 : i32
      %dma_start3A_907 = tpu.memref_slice %arg9[%add3A_854, %dma_start3A_906] : memref<40x128xi32, #tpu.memory_space<vmem>> -> memref<1x128xi32, #tpu.memory_space<vmem>>
      %dma_start3A_908 = tpu.memref_squeeze %dma_start3A_907 : memref<1x128xi32, #tpu.memory_space<vmem>> -> memref<128xi32, #tpu.memory_space<vmem>>
      %dma_start3A_909 = arith.constant 0 : i32
      %dma_start3A_910 = arith.constant 0 : i32
      %dma_start3A_911 = tpu.memref_slice %arg13[%dma_start3A_909, %dma_start3A_910] : memref<10240x128xf32, #tpu.memory_space<vmem_shared>> -> memref<10240x128xf32, #tpu.memory_space<vmem_shared>>
      %dma_start3A_912 = tpu.memref_slice %arg16[%dma_start3A_901] : memref<2x!tpu.dma_semaphore, #tpu.memory_space<semaphore_mem>> -> memref<1x!tpu.dma_semaphore, #tpu.memory_space<semaphore_mem>>
      %dma_start3A_913 = tpu.memref_squeeze %dma_start3A_912 : memref<1x!tpu.dma_semaphore, #tpu.memory_space<semaphore_mem>> -> memref<!tpu.dma_semaphore, #tpu.memory_space<semaphore_mem>>
      tpu.enqueue_indirect_dma source(%dma_start3A_905 : memref<128x128xf32, #tpu.memory_space<vmem>>) target(%dma_start3A_911 : memref<10240x128xf32, #tpu.memory_space<vmem_shared>>) offsets(%dma_start3A_908 : memref<128xi32, #tpu.memory_space<vmem>>) semaphore(%dma_start3A_913 : memref<!tpu.dma_semaphore, #tpu.memory_space<semaphore_mem>>) {add = true}
      %lt3A_914 = arith.constant 4 : i32
      %lt3A_915 = arith.cmpi slt, %add3A_254, %lt3A_914 : i32
      %convert_element_type3A_916 = arith.extui %lt3A_915 : i1 to i32
      %cond3A_917 = arith.constant 0 : i32
      %cond3A_918 = arith.cmpi ne, %convert_element_type3A_916, %cond3A_917 : i32
      scf.if %cond3A_918 {
        %dma_wait3A_1009 = arith.constant 2 : i32
        %dma_wait3A_1010 = arith.constant 0 : i32
        %dma_wait3A_1011 = arith.constant 2 : i32
        %dma_wait3A_1012 = arith.constant 0 : i32
        %dma_wait3A_1013 = tpu.memref_slice %arg11[%dma_wait3A_1009, %dma_wait3A_1012] : memref<8x128xf32, #tpu.memory_space<vmem>> -> memref<1x128xf32, #tpu.memory_space<vmem>>
        %dma_wait3A_1014 = tpu.memref_squeeze %dma_wait3A_1013 : memref<1x128xf32, #tpu.memory_space<vmem>> -> memref<128xf32, #tpu.memory_space<vmem>>
        %dma_wait3A_1015 = arith.constant 0 : i32
        %dma_wait3A_1016 = tpu.memref_slice %arg8[%dma_wait3A_1010, %dma_wait3A_1015] : memref<40x128xi32, #tpu.memory_space<vmem>> -> memref<1x128xi32, #tpu.memory_space<vmem>>
        %dma_wait3A_1017 = tpu.memref_squeeze %dma_wait3A_1016 : memref<1x128xi32, #tpu.memory_space<vmem>> -> memref<128xi32, #tpu.memory_space<vmem>>
        %dma_wait3A_1018 = arith.constant 0 : i32
        %dma_wait3A_1019 = tpu.memref_slice %arg14[%dma_wait3A_1018] : memref<10240xf32, #tpu.memory_space<vmem_shared>> -> memref<10240xf32, #tpu.memory_space<vmem_shared>>
        %dma_wait3A_1020 = tpu.memref_slice %arg18[%dma_wait3A_1011] : memref<8x!tpu.dma_semaphore, #tpu.memory_space<semaphore_mem>> -> memref<1x!tpu.dma_semaphore, #tpu.memory_space<semaphore_mem>>
        %dma_wait3A_1021 = tpu.memref_squeeze %dma_wait3A_1020 : memref<1x!tpu.dma_semaphore, #tpu.memory_space<semaphore_mem>> -> memref<!tpu.dma_semaphore, #tpu.memory_space<semaphore_mem>>
        tpu.wait_indirect_dma semaphore(%dma_wait3A_1021 : memref<!tpu.dma_semaphore, #tpu.memory_space<semaphore_mem>>) src(%dma_wait3A_1014 : memref<128xf32, #tpu.memory_space<vmem>>) dst(%dma_wait3A_1019 : memref<10240xf32, #tpu.memory_space<vmem_shared>>)
        %add3A_1022 = arith.constant 4 : i32
        %add3A_1023 = arith.addi %add3A_854, %add3A_1022 : i32
        %dma_start3A_1024 = arith.constant 2 : i32
        %dma_start3A_1025 = arith.constant 2 : i32
        %dma_start3A_1026 = arith.constant 0 : i32
        %dma_start3A_1027 = tpu.memref_slice %arg11[%dma_start3A_1024, %dma_start3A_1026] : memref<8x128xf32, #tpu.memory_space<vmem>> -> memref<1x128xf32, #tpu.memory_space<vmem>>
        %dma_start3A_1028 = tpu.memref_squeeze %dma_start3A_1027 : memref<1x128xf32, #tpu.memory_space<vmem>> -> memref<128xf32, #tpu.memory_space<vmem>>
        %dma_start3A_1029 = arith.constant 0 : i32
        %dma_start3A_1030 = tpu.memref_slice %arg9[%add3A_1023, %dma_start3A_1029] : memref<40x128xi32, #tpu.memory_space<vmem>> -> memref<1x128xi32, #tpu.memory_space<vmem>>
        %dma_start3A_1031 = tpu.memref_squeeze %dma_start3A_1030 : memref<1x128xi32, #tpu.memory_space<vmem>> -> memref<128xi32, #tpu.memory_space<vmem>>
        %dma_start3A_1032 = arith.constant 0 : i32
        %dma_start3A_1033 = tpu.memref_slice %arg3[%dma_start3A_1032] : memref<10240xf32, #tpu.memory_space<hbm>> -> memref<10240xf32, #tpu.memory_space<hbm>>
        %dma_start3A_1034 = tpu.memref_slice %arg17[%dma_start3A_1025] : memref<8x!tpu.dma_semaphore, #tpu.memory_space<semaphore_mem>> -> memref<1x!tpu.dma_semaphore, #tpu.memory_space<semaphore_mem>>
        %dma_start3A_1035 = tpu.memref_squeeze %dma_start3A_1034 : memref<1x!tpu.dma_semaphore, #tpu.memory_space<semaphore_mem>> -> memref<!tpu.dma_semaphore, #tpu.memory_space<semaphore_mem>>
        tpu.enqueue_indirect_dma source(%dma_start3A_1033 : memref<10240xf32, #tpu.memory_space<hbm>>) target(%dma_start3A_1028 : memref<128xf32, #tpu.memory_space<vmem>>) offsets(%dma_start3A_1031 : memref<128xi32, #tpu.memory_space<vmem>>) semaphore(%dma_start3A_1035 : memref<!tpu.dma_semaphore, #tpu.memory_space<semaphore_mem>>)
      } else {
      }
      %dma_wait3A_919 = arith.constant 6 : i32
      %dma_wait3A_920 = arith.constant 6 : i32
      %dma_wait3A_921 = arith.constant 0 : i32
      %dma_wait3A_922 = tpu.memref_slice %arg11[%dma_wait3A_919, %dma_wait3A_921] : memref<8x128xf32, #tpu.memory_space<vmem>> -> memref<1x128xf32, #tpu.memory_space<vmem>>
      %dma_wait3A_923 = tpu.memref_squeeze %dma_wait3A_922 : memref<1x128xf32, #tpu.memory_space<vmem>> -> memref<128xf32, #tpu.memory_space<vmem>>
      %dma_wait3A_924 = arith.constant 0 : i32
      %dma_wait3A_925 = tpu.memref_slice %arg9[%add3A_854, %dma_wait3A_924] : memref<40x128xi32, #tpu.memory_space<vmem>> -> memref<1x128xi32, #tpu.memory_space<vmem>>
      %dma_wait3A_926 = tpu.memref_squeeze %dma_wait3A_925 : memref<1x128xi32, #tpu.memory_space<vmem>> -> memref<128xi32, #tpu.memory_space<vmem>>
      %dma_wait3A_927 = arith.constant 0 : i32
      %dma_wait3A_928 = tpu.memref_slice %arg3[%dma_wait3A_927] : memref<10240xf32, #tpu.memory_space<hbm>> -> memref<10240xf32, #tpu.memory_space<hbm>>
      %dma_wait3A_929 = tpu.memref_slice %arg17[%dma_wait3A_920] : memref<8x!tpu.dma_semaphore, #tpu.memory_space<semaphore_mem>> -> memref<1x!tpu.dma_semaphore, #tpu.memory_space<semaphore_mem>>
      %dma_wait3A_930 = tpu.memref_squeeze %dma_wait3A_929 : memref<1x!tpu.dma_semaphore, #tpu.memory_space<semaphore_mem>> -> memref<!tpu.dma_semaphore, #tpu.memory_space<semaphore_mem>>
      tpu.wait_indirect_dma semaphore(%dma_wait3A_930 : memref<!tpu.dma_semaphore, #tpu.memory_space<semaphore_mem>>) src(%dma_wait3A_928 : memref<10240xf32, #tpu.memory_space<hbm>>) dst(%dma_wait3A_923 : memref<128xf32, #tpu.memory_space<vmem>>)
      %dma_start3A_931 = arith.constant 6 : i32
      %dma_start3A_932 = arith.constant 6 : i32
      %dma_start3A_933 = arith.constant 0 : i32
      %dma_start3A_934 = tpu.memref_slice %arg11[%dma_start3A_931, %dma_start3A_933] : memref<8x128xf32, #tpu.memory_space<vmem>> -> memref<1x128xf32, #tpu.memory_space<vmem>>
      %dma_start3A_935 = tpu.memref_squeeze %dma_start3A_934 : memref<1x128xf32, #tpu.memory_space<vmem>> -> memref<128xf32, #tpu.memory_space<vmem>>
      %dma_start3A_936 = arith.constant 0 : i32
      %dma_start3A_937 = tpu.memref_slice %arg8[%add3A_854, %dma_start3A_936] : memref<40x128xi32, #tpu.memory_space<vmem>> -> memref<1x128xi32, #tpu.memory_space<vmem>>
      %dma_start3A_938 = tpu.memref_squeeze %dma_start3A_937 : memref<1x128xi32, #tpu.memory_space<vmem>> -> memref<128xi32, #tpu.memory_space<vmem>>
      %dma_start3A_939 = arith.constant 0 : i32
      %dma_start3A_940 = tpu.memref_slice %arg14[%dma_start3A_939] : memref<10240xf32, #tpu.memory_space<vmem_shared>> -> memref<10240xf32, #tpu.memory_space<vmem_shared>>
      %dma_start3A_941 = tpu.memref_slice %arg18[%dma_start3A_932] : memref<8x!tpu.dma_semaphore, #tpu.memory_space<semaphore_mem>> -> memref<1x!tpu.dma_semaphore, #tpu.memory_space<semaphore_mem>>
      %dma_start3A_942 = tpu.memref_squeeze %dma_start3A_941 : memref<1x!tpu.dma_semaphore, #tpu.memory_space<semaphore_mem>> -> memref<!tpu.dma_semaphore, #tpu.memory_space<semaphore_mem>>
      tpu.enqueue_indirect_dma source(%dma_start3A_935 : memref<128xf32, #tpu.memory_space<vmem>>) target(%dma_start3A_940 : memref<10240xf32, #tpu.memory_space<vmem_shared>>) offsets(%dma_start3A_938 : memref<128xi32, #tpu.memory_space<vmem>>) semaphore(%dma_start3A_942 : memref<!tpu.dma_semaphore, #tpu.memory_space<semaphore_mem>>) {add = true}
      %mul3A_943 = arith.constant 8 : i32
      %mul3A_944 = arith.muli %add3A_254, %mul3A_943 : i32
      %add3A_945 = arith.constant 7 : i32
      %add3A_946 = arith.addi %mul3A_944, %add3A_945 : i32
      %lt3A_947 = arith.constant 4 : i32
      %lt3A_948 = arith.cmpi slt, %add3A_254, %lt3A_947 : i32
      %convert_element_type3A_949 = arith.extui %lt3A_948 : i1 to i32
      %cond3A_950 = arith.constant 0 : i32
      %cond3A_951 = arith.cmpi ne, %convert_element_type3A_949, %cond3A_950 : i32
      scf.if %cond3A_951 {
        %dma_wait3A_1009 = arith.constant 0 : i32
        %dma_wait3A_1010 = arith.constant 0 : i32
        %dma_wait3A_1011 = arith.constant 0 : i32
        %dma_wait3A_1012 = arith.constant 0 : i32
        %dma_wait3A_1013 = arith.constant 0 : i32
        %dma_wait3A_1014 = tpu.memref_slice %arg10[%dma_wait3A_1009, %dma_wait3A_1012, %dma_wait3A_1013] : memref<2x128x128xf32, #tpu.memory_space<vmem>> -> memref<1x128x128xf32, #tpu.memory_space<vmem>>
        %dma_wait3A_1015 = tpu.memref_squeeze %dma_wait3A_1014 : memref<1x128x128xf32, #tpu.memory_space<vmem>> -> memref<128x128xf32, #tpu.memory_space<vmem>>
        %dma_wait3A_1016 = arith.constant 0 : i32
        %dma_wait3A_1017 = tpu.memref_slice %arg9[%dma_wait3A_1010, %dma_wait3A_1016] : memref<40x128xi32, #tpu.memory_space<vmem>> -> memref<1x128xi32, #tpu.memory_space<vmem>>
        %dma_wait3A_1018 = tpu.memref_squeeze %dma_wait3A_1017 : memref<1x128xi32, #tpu.memory_space<vmem>> -> memref<128xi32, #tpu.memory_space<vmem>>
        %dma_wait3A_1019 = arith.constant 0 : i32
        %dma_wait3A_1020 = arith.constant 0 : i32
        %dma_wait3A_1021 = tpu.memref_slice %arg13[%dma_wait3A_1019, %dma_wait3A_1020] : memref<10240x128xf32, #tpu.memory_space<vmem_shared>> -> memref<10240x128xf32, #tpu.memory_space<vmem_shared>>
        %dma_wait3A_1022 = tpu.memref_slice %arg16[%dma_wait3A_1011] : memref<2x!tpu.dma_semaphore, #tpu.memory_space<semaphore_mem>> -> memref<1x!tpu.dma_semaphore, #tpu.memory_space<semaphore_mem>>
        %dma_wait3A_1023 = tpu.memref_squeeze %dma_wait3A_1022 : memref<1x!tpu.dma_semaphore, #tpu.memory_space<semaphore_mem>> -> memref<!tpu.dma_semaphore, #tpu.memory_space<semaphore_mem>>
        tpu.wait_indirect_dma semaphore(%dma_wait3A_1023 : memref<!tpu.dma_semaphore, #tpu.memory_space<semaphore_mem>>) src(%dma_wait3A_1015 : memref<128x128xf32, #tpu.memory_space<vmem>>) dst(%dma_wait3A_1021 : memref<10240x128xf32, #tpu.memory_space<vmem_shared>>)
        %add3A_1024 = arith.constant 1 : i32
        %add3A_1025 = arith.addi %add3A_946, %add3A_1024 : i32
        %dma_start3A_1026 = arith.constant 0 : i32
        %dma_start3A_1027 = arith.constant 0 : i32
        %dma_start3A_1028 = arith.constant 0 : i32
        %dma_start3A_1029 = arith.constant 0 : i32
        %dma_start3A_1030 = tpu.memref_slice %arg10[%dma_start3A_1026, %dma_start3A_1028, %dma_start3A_1029] : memref<2x128x128xf32, #tpu.memory_space<vmem>> -> memref<1x128x128xf32, #tpu.memory_space<vmem>>
        %dma_start3A_1031 = tpu.memref_squeeze %dma_start3A_1030 : memref<1x128x128xf32, #tpu.memory_space<vmem>> -> memref<128x128xf32, #tpu.memory_space<vmem>>
        %dma_start3A_1032 = arith.constant 0 : i32
        %dma_start3A_1033 = tpu.memref_slice %arg8[%add3A_1025, %dma_start3A_1032] : memref<40x128xi32, #tpu.memory_space<vmem>> -> memref<1x128xi32, #tpu.memory_space<vmem>>
        %dma_start3A_1034 = tpu.memref_squeeze %dma_start3A_1033 : memref<1x128xi32, #tpu.memory_space<vmem>> -> memref<128xi32, #tpu.memory_space<vmem>>
        %dma_start3A_1035 = arith.constant 0 : i32
        %dma_start3A_1036 = arith.constant 0 : i32
        %dma_start3A_1037 = tpu.memref_slice %arg2[%dma_start3A_1035, %dma_start3A_1036] : memref<10240x128xf32, #tpu.memory_space<hbm>> -> memref<10240x128xf32, #tpu.memory_space<hbm>>
        %dma_start3A_1038 = tpu.memref_slice %arg15[%dma_start3A_1027] : memref<2x!tpu.dma_semaphore, #tpu.memory_space<semaphore_mem>> -> memref<1x!tpu.dma_semaphore, #tpu.memory_space<semaphore_mem>>
        %dma_start3A_1039 = tpu.memref_squeeze %dma_start3A_1038 : memref<1x!tpu.dma_semaphore, #tpu.memory_space<semaphore_mem>> -> memref<!tpu.dma_semaphore, #tpu.memory_space<semaphore_mem>>
        tpu.enqueue_indirect_dma source(%dma_start3A_1037 : memref<10240x128xf32, #tpu.memory_space<hbm>>) target(%dma_start3A_1031 : memref<128x128xf32, #tpu.memory_space<vmem>>) offsets(%dma_start3A_1034 : memref<128xi32, #tpu.memory_space<vmem>>) semaphore(%dma_start3A_1039 : memref<!tpu.dma_semaphore, #tpu.memory_space<semaphore_mem>>)
      } else {
      }
      %dma_wait3A_952 = arith.constant 1 : i32
      %dma_wait3A_953 = arith.constant 1 : i32
      %dma_wait3A_954 = arith.constant 0 : i32
      %dma_wait3A_955 = arith.constant 0 : i32
      %dma_wait3A_956 = tpu.memref_slice %arg10[%dma_wait3A_952, %dma_wait3A_954, %dma_wait3A_955] : memref<2x128x128xf32, #tpu.memory_space<vmem>> -> memref<1x128x128xf32, #tpu.memory_space<vmem>>
      %dma_wait3A_957 = tpu.memref_squeeze %dma_wait3A_956 : memref<1x128x128xf32, #tpu.memory_space<vmem>> -> memref<128x128xf32, #tpu.memory_space<vmem>>
      %dma_wait3A_958 = arith.constant 0 : i32
      %dma_wait3A_959 = tpu.memref_slice %arg8[%add3A_946, %dma_wait3A_958] : memref<40x128xi32, #tpu.memory_space<vmem>> -> memref<1x128xi32, #tpu.memory_space<vmem>>
      %dma_wait3A_960 = tpu.memref_squeeze %dma_wait3A_959 : memref<1x128xi32, #tpu.memory_space<vmem>> -> memref<128xi32, #tpu.memory_space<vmem>>
      %dma_wait3A_961 = arith.constant 0 : i32
      %dma_wait3A_962 = arith.constant 0 : i32
      %dma_wait3A_963 = tpu.memref_slice %arg2[%dma_wait3A_961, %dma_wait3A_962] : memref<10240x128xf32, #tpu.memory_space<hbm>> -> memref<10240x128xf32, #tpu.memory_space<hbm>>
      %dma_wait3A_964 = tpu.memref_slice %arg15[%dma_wait3A_953] : memref<2x!tpu.dma_semaphore, #tpu.memory_space<semaphore_mem>> -> memref<1x!tpu.dma_semaphore, #tpu.memory_space<semaphore_mem>>
      %dma_wait3A_965 = tpu.memref_squeeze %dma_wait3A_964 : memref<1x!tpu.dma_semaphore, #tpu.memory_space<semaphore_mem>> -> memref<!tpu.dma_semaphore, #tpu.memory_space<semaphore_mem>>
      tpu.wait_indirect_dma semaphore(%dma_wait3A_965 : memref<!tpu.dma_semaphore, #tpu.memory_space<semaphore_mem>>) src(%dma_wait3A_963 : memref<10240x128xf32, #tpu.memory_space<hbm>>) dst(%dma_wait3A_957 : memref<128x128xf32, #tpu.memory_space<vmem>>)
      %dma_start3A_966 = arith.constant 1 : i32
      %dma_start3A_967 = arith.constant 1 : i32
      %dma_start3A_968 = arith.constant 0 : i32
      %dma_start3A_969 = arith.constant 0 : i32
      %dma_start3A_970 = tpu.memref_slice %arg10[%dma_start3A_966, %dma_start3A_968, %dma_start3A_969] : memref<2x128x128xf32, #tpu.memory_space<vmem>> -> memref<1x128x128xf32, #tpu.memory_space<vmem>>
      %dma_start3A_971 = tpu.memref_squeeze %dma_start3A_970 : memref<1x128x128xf32, #tpu.memory_space<vmem>> -> memref<128x128xf32, #tpu.memory_space<vmem>>
      %dma_start3A_972 = arith.constant 0 : i32
      %dma_start3A_973 = tpu.memref_slice %arg9[%add3A_946, %dma_start3A_972] : memref<40x128xi32, #tpu.memory_space<vmem>> -> memref<1x128xi32, #tpu.memory_space<vmem>>
      %dma_start3A_974 = tpu.memref_squeeze %dma_start3A_973 : memref<1x128xi32, #tpu.memory_space<vmem>> -> memref<128xi32, #tpu.memory_space<vmem>>
      %dma_start3A_975 = arith.constant 0 : i32
      %dma_start3A_976 = arith.constant 0 : i32
      %dma_start3A_977 = tpu.memref_slice %arg13[%dma_start3A_975, %dma_start3A_976] : memref<10240x128xf32, #tpu.memory_space<vmem_shared>> -> memref<10240x128xf32, #tpu.memory_space<vmem_shared>>
      %dma_start3A_978 = tpu.memref_slice %arg16[%dma_start3A_967] : memref<2x!tpu.dma_semaphore, #tpu.memory_space<semaphore_mem>> -> memref<1x!tpu.dma_semaphore, #tpu.memory_space<semaphore_mem>>
      %dma_start3A_979 = tpu.memref_squeeze %dma_start3A_978 : memref<1x!tpu.dma_semaphore, #tpu.memory_space<semaphore_mem>> -> memref<!tpu.dma_semaphore, #tpu.memory_space<semaphore_mem>>
      tpu.enqueue_indirect_dma source(%dma_start3A_971 : memref<128x128xf32, #tpu.memory_space<vmem>>) target(%dma_start3A_977 : memref<10240x128xf32, #tpu.memory_space<vmem_shared>>) offsets(%dma_start3A_974 : memref<128xi32, #tpu.memory_space<vmem>>) semaphore(%dma_start3A_979 : memref<!tpu.dma_semaphore, #tpu.memory_space<semaphore_mem>>) {add = true}
      %lt3A_980 = arith.constant 4 : i32
      %lt3A_981 = arith.cmpi slt, %add3A_254, %lt3A_980 : i32
      %convert_element_type3A_982 = arith.extui %lt3A_981 : i1 to i32
      %cond3A_983 = arith.constant 0 : i32
      %cond3A_984 = arith.cmpi ne, %convert_element_type3A_982, %cond3A_983 : i32
      scf.if %cond3A_984 {
        %dma_wait3A_1009 = arith.constant 3 : i32
        %dma_wait3A_1010 = arith.constant 0 : i32
        %dma_wait3A_1011 = arith.constant 3 : i32
        %dma_wait3A_1012 = arith.constant 0 : i32
        %dma_wait3A_1013 = tpu.memref_slice %arg11[%dma_wait3A_1009, %dma_wait3A_1012] : memref<8x128xf32, #tpu.memory_space<vmem>> -> memref<1x128xf32, #tpu.memory_space<vmem>>
        %dma_wait3A_1014 = tpu.memref_squeeze %dma_wait3A_1013 : memref<1x128xf32, #tpu.memory_space<vmem>> -> memref<128xf32, #tpu.memory_space<vmem>>
        %dma_wait3A_1015 = arith.constant 0 : i32
        %dma_wait3A_1016 = tpu.memref_slice %arg8[%dma_wait3A_1010, %dma_wait3A_1015] : memref<40x128xi32, #tpu.memory_space<vmem>> -> memref<1x128xi32, #tpu.memory_space<vmem>>
        %dma_wait3A_1017 = tpu.memref_squeeze %dma_wait3A_1016 : memref<1x128xi32, #tpu.memory_space<vmem>> -> memref<128xi32, #tpu.memory_space<vmem>>
        %dma_wait3A_1018 = arith.constant 0 : i32
        %dma_wait3A_1019 = tpu.memref_slice %arg14[%dma_wait3A_1018] : memref<10240xf32, #tpu.memory_space<vmem_shared>> -> memref<10240xf32, #tpu.memory_space<vmem_shared>>
        %dma_wait3A_1020 = tpu.memref_slice %arg18[%dma_wait3A_1011] : memref<8x!tpu.dma_semaphore, #tpu.memory_space<semaphore_mem>> -> memref<1x!tpu.dma_semaphore, #tpu.memory_space<semaphore_mem>>
        %dma_wait3A_1021 = tpu.memref_squeeze %dma_wait3A_1020 : memref<1x!tpu.dma_semaphore, #tpu.memory_space<semaphore_mem>> -> memref<!tpu.dma_semaphore, #tpu.memory_space<semaphore_mem>>
        tpu.wait_indirect_dma semaphore(%dma_wait3A_1021 : memref<!tpu.dma_semaphore, #tpu.memory_space<semaphore_mem>>) src(%dma_wait3A_1014 : memref<128xf32, #tpu.memory_space<vmem>>) dst(%dma_wait3A_1019 : memref<10240xf32, #tpu.memory_space<vmem_shared>>)
        %add3A_1022 = arith.constant 4 : i32
        %add3A_1023 = arith.addi %add3A_946, %add3A_1022 : i32
        %dma_start3A_1024 = arith.constant 3 : i32
        %dma_start3A_1025 = arith.constant 3 : i32
        %dma_start3A_1026 = arith.constant 0 : i32
        %dma_start3A_1027 = tpu.memref_slice %arg11[%dma_start3A_1024, %dma_start3A_1026] : memref<8x128xf32, #tpu.memory_space<vmem>> -> memref<1x128xf32, #tpu.memory_space<vmem>>
        %dma_start3A_1028 = tpu.memref_squeeze %dma_start3A_1027 : memref<1x128xf32, #tpu.memory_space<vmem>> -> memref<128xf32, #tpu.memory_space<vmem>>
        %dma_start3A_1029 = arith.constant 0 : i32
        %dma_start3A_1030 = tpu.memref_slice %arg9[%add3A_1023, %dma_start3A_1029] : memref<40x128xi32, #tpu.memory_space<vmem>> -> memref<1x128xi32, #tpu.memory_space<vmem>>
        %dma_start3A_1031 = tpu.memref_squeeze %dma_start3A_1030 : memref<1x128xi32, #tpu.memory_space<vmem>> -> memref<128xi32, #tpu.memory_space<vmem>>
        %dma_start3A_1032 = arith.constant 0 : i32
        %dma_start3A_1033 = tpu.memref_slice %arg3[%dma_start3A_1032] : memref<10240xf32, #tpu.memory_space<hbm>> -> memref<10240xf32, #tpu.memory_space<hbm>>
        %dma_start3A_1034 = tpu.memref_slice %arg17[%dma_start3A_1025] : memref<8x!tpu.dma_semaphore, #tpu.memory_space<semaphore_mem>> -> memref<1x!tpu.dma_semaphore, #tpu.memory_space<semaphore_mem>>
        %dma_start3A_1035 = tpu.memref_squeeze %dma_start3A_1034 : memref<1x!tpu.dma_semaphore, #tpu.memory_space<semaphore_mem>> -> memref<!tpu.dma_semaphore, #tpu.memory_space<semaphore_mem>>
        tpu.enqueue_indirect_dma source(%dma_start3A_1033 : memref<10240xf32, #tpu.memory_space<hbm>>) target(%dma_start3A_1028 : memref<128xf32, #tpu.memory_space<vmem>>) offsets(%dma_start3A_1031 : memref<128xi32, #tpu.memory_space<vmem>>) semaphore(%dma_start3A_1035 : memref<!tpu.dma_semaphore, #tpu.memory_space<semaphore_mem>>)
      } else {
      }
      %dma_wait3A_985 = arith.constant 7 : i32
      %dma_wait3A_986 = arith.constant 7 : i32
      %dma_wait3A_987 = arith.constant 0 : i32
      %dma_wait3A_988 = tpu.memref_slice %arg11[%dma_wait3A_985, %dma_wait3A_987] : memref<8x128xf32, #tpu.memory_space<vmem>> -> memref<1x128xf32, #tpu.memory_space<vmem>>
      %dma_wait3A_989 = tpu.memref_squeeze %dma_wait3A_988 : memref<1x128xf32, #tpu.memory_space<vmem>> -> memref<128xf32, #tpu.memory_space<vmem>>
      %dma_wait3A_990 = arith.constant 0 : i32
      %dma_wait3A_991 = tpu.memref_slice %arg9[%add3A_946, %dma_wait3A_990] : memref<40x128xi32, #tpu.memory_space<vmem>> -> memref<1x128xi32, #tpu.memory_space<vmem>>
      %dma_wait3A_992 = tpu.memref_squeeze %dma_wait3A_991 : memref<1x128xi32, #tpu.memory_space<vmem>> -> memref<128xi32, #tpu.memory_space<vmem>>
      %dma_wait3A_993 = arith.constant 0 : i32
      %dma_wait3A_994 = tpu.memref_slice %arg3[%dma_wait3A_993] : memref<10240xf32, #tpu.memory_space<hbm>> -> memref<10240xf32, #tpu.memory_space<hbm>>
      %dma_wait3A_995 = tpu.memref_slice %arg17[%dma_wait3A_986] : memref<8x!tpu.dma_semaphore, #tpu.memory_space<semaphore_mem>> -> memref<1x!tpu.dma_semaphore, #tpu.memory_space<semaphore_mem>>
      %dma_wait3A_996 = tpu.memref_squeeze %dma_wait3A_995 : memref<1x!tpu.dma_semaphore, #tpu.memory_space<semaphore_mem>> -> memref<!tpu.dma_semaphore, #tpu.memory_space<semaphore_mem>>
      tpu.wait_indirect_dma semaphore(%dma_wait3A_996 : memref<!tpu.dma_semaphore, #tpu.memory_space<semaphore_mem>>) src(%dma_wait3A_994 : memref<10240xf32, #tpu.memory_space<hbm>>) dst(%dma_wait3A_989 : memref<128xf32, #tpu.memory_space<vmem>>)
      %dma_start3A_997 = arith.constant 7 : i32
      %dma_start3A_998 = arith.constant 7 : i32
      %dma_start3A_999 = arith.constant 0 : i32
      %dma_start3A_1000 = tpu.memref_slice %arg11[%dma_start3A_997, %dma_start3A_999] : memref<8x128xf32, #tpu.memory_space<vmem>> -> memref<1x128xf32, #tpu.memory_space<vmem>>
      %dma_start3A_1001 = tpu.memref_squeeze %dma_start3A_1000 : memref<1x128xf32, #tpu.memory_space<vmem>> -> memref<128xf32, #tpu.memory_space<vmem>>
      %dma_start3A_1002 = arith.constant 0 : i32
      %dma_start3A_1003 = tpu.memref_slice %arg8[%add3A_946, %dma_start3A_1002] : memref<40x128xi32, #tpu.memory_space<vmem>> -> memref<1x128xi32, #tpu.memory_space<vmem>>
      %dma_start3A_1004 = tpu.memref_squeeze %dma_start3A_1003 : memref<1x128xi32, #tpu.memory_space<vmem>> -> memref<128xi32, #tpu.memory_space<vmem>>
      %dma_start3A_1005 = arith.constant 0 : i32
      %dma_start3A_1006 = tpu.memref_slice %arg14[%dma_start3A_1005] : memref<10240xf32, #tpu.memory_space<vmem_shared>> -> memref<10240xf32, #tpu.memory_space<vmem_shared>>
      %dma_start3A_1007 = tpu.memref_slice %arg18[%dma_start3A_998] : memref<8x!tpu.dma_semaphore, #tpu.memory_space<semaphore_mem>> -> memref<1x!tpu.dma_semaphore, #tpu.memory_space<semaphore_mem>>
      %dma_start3A_1008 = tpu.memref_squeeze %dma_start3A_1007 : memref<1x!tpu.dma_semaphore, #tpu.memory_space<semaphore_mem>> -> memref<!tpu.dma_semaphore, #tpu.memory_space<semaphore_mem>>
      tpu.enqueue_indirect_dma source(%dma_start3A_1001 : memref<128xf32, #tpu.memory_space<vmem>>) target(%dma_start3A_1006 : memref<10240xf32, #tpu.memory_space<vmem_shared>>) offsets(%dma_start3A_1004 : memref<128xi32, #tpu.memory_space<vmem>>) semaphore(%dma_start3A_1008 : memref<!tpu.dma_semaphore, #tpu.memory_space<semaphore_mem>>) {add = true}
    }
    %scan3A_112 = arith.constant 5 : i32
    %dma_wait3A = arith.constant 0 : i32
    %dma_wait3A_113 = arith.constant 0 : i32
    %dma_wait3A_114 = arith.constant 0 : i32
    %dma_wait3A_115 = arith.constant 0 : i32
    %dma_wait3A_116 = arith.constant 0 : i32
    %dma_wait3A_117 = tpu.memref_slice %arg10[%dma_wait3A, %dma_wait3A_115, %dma_wait3A_116] : memref<2x128x128xf32, #tpu.memory_space<vmem>> -> memref<1x128x128xf32, #tpu.memory_space<vmem>>
    %dma_wait3A_118 = tpu.memref_squeeze %dma_wait3A_117 : memref<1x128x128xf32, #tpu.memory_space<vmem>> -> memref<128x128xf32, #tpu.memory_space<vmem>>
    %dma_wait3A_119 = arith.constant 0 : i32
    %dma_wait3A_120 = tpu.memref_slice %arg9[%dma_wait3A_113, %dma_wait3A_119] : memref<40x128xi32, #tpu.memory_space<vmem>> -> memref<1x128xi32, #tpu.memory_space<vmem>>
    %dma_wait3A_121 = tpu.memref_squeeze %dma_wait3A_120 : memref<1x128xi32, #tpu.memory_space<vmem>> -> memref<128xi32, #tpu.memory_space<vmem>>
    %dma_wait3A_122 = arith.constant 0 : i32
    %dma_wait3A_123 = arith.constant 0 : i32
    %dma_wait3A_124 = tpu.memref_slice %arg13[%dma_wait3A_122, %dma_wait3A_123] : memref<10240x128xf32, #tpu.memory_space<vmem_shared>> -> memref<10240x128xf32, #tpu.memory_space<vmem_shared>>
    %dma_wait3A_125 = tpu.memref_slice %arg16[%dma_wait3A_114] : memref<2x!tpu.dma_semaphore, #tpu.memory_space<semaphore_mem>> -> memref<1x!tpu.dma_semaphore, #tpu.memory_space<semaphore_mem>>
    %dma_wait3A_126 = tpu.memref_squeeze %dma_wait3A_125 : memref<1x!tpu.dma_semaphore, #tpu.memory_space<semaphore_mem>> -> memref<!tpu.dma_semaphore, #tpu.memory_space<semaphore_mem>>
    tpu.wait_indirect_dma semaphore(%dma_wait3A_126 : memref<!tpu.dma_semaphore, #tpu.memory_space<semaphore_mem>>) src(%dma_wait3A_118 : memref<128x128xf32, #tpu.memory_space<vmem>>) dst(%dma_wait3A_124 : memref<10240x128xf32, #tpu.memory_space<vmem_shared>>)
    %dma_wait3A_127 = arith.constant 1 : i32
    %dma_wait3A_128 = arith.constant 0 : i32
    %dma_wait3A_129 = arith.constant 1 : i32
    %dma_wait3A_130 = arith.constant 0 : i32
    %dma_wait3A_131 = arith.constant 0 : i32
    %dma_wait3A_132 = tpu.memref_slice %arg10[%dma_wait3A_127, %dma_wait3A_130, %dma_wait3A_131] : memref<2x128x128xf32, #tpu.memory_space<vmem>> -> memref<1x128x128xf32, #tpu.memory_space<vmem>>
    %dma_wait3A_133 = tpu.memref_squeeze %dma_wait3A_132 : memref<1x128x128xf32, #tpu.memory_space<vmem>> -> memref<128x128xf32, #tpu.memory_space<vmem>>
    %dma_wait3A_134 = arith.constant 0 : i32
    %dma_wait3A_135 = tpu.memref_slice %arg9[%dma_wait3A_128, %dma_wait3A_134] : memref<40x128xi32, #tpu.memory_space<vmem>> -> memref<1x128xi32, #tpu.memory_space<vmem>>
    %dma_wait3A_136 = tpu.memref_squeeze %dma_wait3A_135 : memref<1x128xi32, #tpu.memory_space<vmem>> -> memref<128xi32, #tpu.memory_space<vmem>>
    %dma_wait3A_137 = arith.constant 0 : i32
    %dma_wait3A_138 = arith.constant 0 : i32
    %dma_wait3A_139 = tpu.memref_slice %arg13[%dma_wait3A_137, %dma_wait3A_138] : memref<10240x128xf32, #tpu.memory_space<vmem_shared>> -> memref<10240x128xf32, #tpu.memory_space<vmem_shared>>
    %dma_wait3A_140 = tpu.memref_slice %arg16[%dma_wait3A_129] : memref<2x!tpu.dma_semaphore, #tpu.memory_space<semaphore_mem>> -> memref<1x!tpu.dma_semaphore, #tpu.memory_space<semaphore_mem>>
    %dma_wait3A_141 = tpu.memref_squeeze %dma_wait3A_140 : memref<1x!tpu.dma_semaphore, #tpu.memory_space<semaphore_mem>> -> memref<!tpu.dma_semaphore, #tpu.memory_space<semaphore_mem>>
    tpu.wait_indirect_dma semaphore(%dma_wait3A_141 : memref<!tpu.dma_semaphore, #tpu.memory_space<semaphore_mem>>) src(%dma_wait3A_133 : memref<128x128xf32, #tpu.memory_space<vmem>>) dst(%dma_wait3A_139 : memref<10240x128xf32, #tpu.memory_space<vmem_shared>>)
    %dma_wait3A_142 = arith.constant 0 : i32
    %dma_wait3A_143 = arith.constant 0 : i32
    %dma_wait3A_144 = arith.constant 0 : i32
    %dma_wait3A_145 = arith.constant 0 : i32
    %dma_wait3A_146 = tpu.memref_slice %arg11[%dma_wait3A_142, %dma_wait3A_145] : memref<8x128xf32, #tpu.memory_space<vmem>> -> memref<1x128xf32, #tpu.memory_space<vmem>>
    %dma_wait3A_147 = tpu.memref_squeeze %dma_wait3A_146 : memref<1x128xf32, #tpu.memory_space<vmem>> -> memref<128xf32, #tpu.memory_space<vmem>>
    %dma_wait3A_148 = arith.constant 0 : i32
    %dma_wait3A_149 = tpu.memref_slice %arg8[%dma_wait3A_143, %dma_wait3A_148] : memref<40x128xi32, #tpu.memory_space<vmem>> -> memref<1x128xi32, #tpu.memory_space<vmem>>
    %dma_wait3A_150 = tpu.memref_squeeze %dma_wait3A_149 : memref<1x128xi32, #tpu.memory_space<vmem>> -> memref<128xi32, #tpu.memory_space<vmem>>
    %dma_wait3A_151 = arith.constant 0 : i32
    %dma_wait3A_152 = tpu.memref_slice %arg14[%dma_wait3A_151] : memref<10240xf32, #tpu.memory_space<vmem_shared>> -> memref<10240xf32, #tpu.memory_space<vmem_shared>>
    %dma_wait3A_153 = tpu.memref_slice %arg18[%dma_wait3A_144] : memref<8x!tpu.dma_semaphore, #tpu.memory_space<semaphore_mem>> -> memref<1x!tpu.dma_semaphore, #tpu.memory_space<semaphore_mem>>
    %dma_wait3A_154 = tpu.memref_squeeze %dma_wait3A_153 : memref<1x!tpu.dma_semaphore, #tpu.memory_space<semaphore_mem>> -> memref<!tpu.dma_semaphore, #tpu.memory_space<semaphore_mem>>
    tpu.wait_indirect_dma semaphore(%dma_wait3A_154 : memref<!tpu.dma_semaphore, #tpu.memory_space<semaphore_mem>>) src(%dma_wait3A_147 : memref<128xf32, #tpu.memory_space<vmem>>) dst(%dma_wait3A_152 : memref<10240xf32, #tpu.memory_space<vmem_shared>>)
    %dma_wait3A_155 = arith.constant 1 : i32
    %dma_wait3A_156 = arith.constant 0 : i32
    %dma_wait3A_157 = arith.constant 1 : i32
    %dma_wait3A_158 = arith.constant 0 : i32
    %dma_wait3A_159 = tpu.memref_slice %arg11[%dma_wait3A_155, %dma_wait3A_158] : memref<8x128xf32, #tpu.memory_space<vmem>> -> memref<1x128xf32, #tpu.memory_space<vmem>>
    %dma_wait3A_160 = tpu.memref_squeeze %dma_wait3A_159 : memref<1x128xf32, #tpu.memory_space<vmem>> -> memref<128xf32, #tpu.memory_space<vmem>>
    %dma_wait3A_161 = arith.constant 0 : i32
    %dma_wait3A_162 = tpu.memref_slice %arg8[%dma_wait3A_156, %dma_wait3A_161] : memref<40x128xi32, #tpu.memory_space<vmem>> -> memref<1x128xi32, #tpu.memory_space<vmem>>
    %dma_wait3A_163 = tpu.memref_squeeze %dma_wait3A_162 : memref<1x128xi32, #tpu.memory_space<vmem>> -> memref<128xi32, #tpu.memory_space<vmem>>
    %dma_wait3A_164 = arith.constant 0 : i32
    %dma_wait3A_165 = tpu.memref_slice %arg14[%dma_wait3A_164] : memref<10240xf32, #tpu.memory_space<vmem_shared>> -> memref<10240xf32, #tpu.memory_space<vmem_shared>>
    %dma_wait3A_166 = tpu.memref_slice %arg18[%dma_wait3A_157] : memref<8x!tpu.dma_semaphore, #tpu.memory_space<semaphore_mem>> -> memref<1x!tpu.dma_semaphore, #tpu.memory_space<semaphore_mem>>
    %dma_wait3A_167 = tpu.memref_squeeze %dma_wait3A_166 : memref<1x!tpu.dma_semaphore, #tpu.memory_space<semaphore_mem>> -> memref<!tpu.dma_semaphore, #tpu.memory_space<semaphore_mem>>
    tpu.wait_indirect_dma semaphore(%dma_wait3A_167 : memref<!tpu.dma_semaphore, #tpu.memory_space<semaphore_mem>>) src(%dma_wait3A_160 : memref<128xf32, #tpu.memory_space<vmem>>) dst(%dma_wait3A_165 : memref<10240xf32, #tpu.memory_space<vmem_shared>>)
    %dma_wait3A_168 = arith.constant 2 : i32
    %dma_wait3A_169 = arith.constant 0 : i32
    %dma_wait3A_170 = arith.constant 2 : i32
    %dma_wait3A_171 = arith.constant 0 : i32
    %dma_wait3A_172 = tpu.memref_slice %arg11[%dma_wait3A_168, %dma_wait3A_171] : memref<8x128xf32, #tpu.memory_space<vmem>> -> memref<1x128xf32, #tpu.memory_space<vmem>>
    %dma_wait3A_173 = tpu.memref_squeeze %dma_wait3A_172 : memref<1x128xf32, #tpu.memory_space<vmem>> -> memref<128xf32, #tpu.memory_space<vmem>>
    %dma_wait3A_174 = arith.constant 0 : i32
    %dma_wait3A_175 = tpu.memref_slice %arg8[%dma_wait3A_169, %dma_wait3A_174] : memref<40x128xi32, #tpu.memory_space<vmem>> -> memref<1x128xi32, #tpu.memory_space<vmem>>
    %dma_wait3A_176 = tpu.memref_squeeze %dma_wait3A_175 : memref<1x128xi32, #tpu.memory_space<vmem>> -> memref<128xi32, #tpu.memory_space<vmem>>
    %dma_wait3A_177 = arith.constant 0 : i32
    %dma_wait3A_178 = tpu.memref_slice %arg14[%dma_wait3A_177] : memref<10240xf32, #tpu.memory_space<vmem_shared>> -> memref<10240xf32, #tpu.memory_space<vmem_shared>>
    %dma_wait3A_179 = tpu.memref_slice %arg18[%dma_wait3A_170] : memref<8x!tpu.dma_semaphore, #tpu.memory_space<semaphore_mem>> -> memref<1x!tpu.dma_semaphore, #tpu.memory_space<semaphore_mem>>
    %dma_wait3A_180 = tpu.memref_squeeze %dma_wait3A_179 : memref<1x!tpu.dma_semaphore, #tpu.memory_space<semaphore_mem>> -> memref<!tpu.dma_semaphore, #tpu.memory_space<semaphore_mem>>
    tpu.wait_indirect_dma semaphore(%dma_wait3A_180 : memref<!tpu.dma_semaphore, #tpu.memory_space<semaphore_mem>>) src(%dma_wait3A_173 : memref<128xf32, #tpu.memory_space<vmem>>) dst(%dma_wait3A_178 : memref<10240xf32, #tpu.memory_space<vmem_shared>>)
    %dma_wait3A_181 = arith.constant 3 : i32
    %dma_wait3A_182 = arith.constant 0 : i32
    %dma_wait3A_183 = arith.constant 3 : i32
    %dma_wait3A_184 = arith.constant 0 : i32
    %dma_wait3A_185 = tpu.memref_slice %arg11[%dma_wait3A_181, %dma_wait3A_184] : memref<8x128xf32, #tpu.memory_space<vmem>> -> memref<1x128xf32, #tpu.memory_space<vmem>>
    %dma_wait3A_186 = tpu.memref_squeeze %dma_wait3A_185 : memref<1x128xf32, #tpu.memory_space<vmem>> -> memref<128xf32, #tpu.memory_space<vmem>>
    %dma_wait3A_187 = arith.constant 0 : i32
    %dma_wait3A_188 = tpu.memref_slice %arg8[%dma_wait3A_182, %dma_wait3A_187] : memref<40x128xi32, #tpu.memory_space<vmem>> -> memref<1x128xi32, #tpu.memory_space<vmem>>
    %dma_wait3A_189 = tpu.memref_squeeze %dma_wait3A_188 : memref<1x128xi32, #tpu.memory_space<vmem>> -> memref<128xi32, #tpu.memory_space<vmem>>
    %dma_wait3A_190 = arith.constant 0 : i32
    %dma_wait3A_191 = tpu.memref_slice %arg14[%dma_wait3A_190] : memref<10240xf32, #tpu.memory_space<vmem_shared>> -> memref<10240xf32, #tpu.memory_space<vmem_shared>>
    %dma_wait3A_192 = tpu.memref_slice %arg18[%dma_wait3A_183] : memref<8x!tpu.dma_semaphore, #tpu.memory_space<semaphore_mem>> -> memref<1x!tpu.dma_semaphore, #tpu.memory_space<semaphore_mem>>
    %dma_wait3A_193 = tpu.memref_squeeze %dma_wait3A_192 : memref<1x!tpu.dma_semaphore, #tpu.memory_space<semaphore_mem>> -> memref<!tpu.dma_semaphore, #tpu.memory_space<semaphore_mem>>
    tpu.wait_indirect_dma semaphore(%dma_wait3A_193 : memref<!tpu.dma_semaphore, #tpu.memory_space<semaphore_mem>>) src(%dma_wait3A_186 : memref<128xf32, #tpu.memory_space<vmem>>) dst(%dma_wait3A_191 : memref<10240xf32, #tpu.memory_space<vmem_shared>>)
    %dma_wait3A_194 = arith.constant 4 : i32
    %dma_wait3A_195 = arith.constant 0 : i32
    %dma_wait3A_196 = arith.constant 4 : i32
    %dma_wait3A_197 = arith.constant 0 : i32
    %dma_wait3A_198 = tpu.memref_slice %arg11[%dma_wait3A_194, %dma_wait3A_197] : memref<8x128xf32, #tpu.memory_space<vmem>> -> memref<1x128xf32, #tpu.memory_space<vmem>>
    %dma_wait3A_199 = tpu.memref_squeeze %dma_wait3A_198 : memref<1x128xf32, #tpu.memory_space<vmem>> -> memref<128xf32, #tpu.memory_space<vmem>>
    %dma_wait3A_200 = arith.constant 0 : i32
    %dma_wait3A_201 = tpu.memref_slice %arg8[%dma_wait3A_195, %dma_wait3A_200] : memref<40x128xi32, #tpu.memory_space<vmem>> -> memref<1x128xi32, #tpu.memory_space<vmem>>
    %dma_wait3A_202 = tpu.memref_squeeze %dma_wait3A_201 : memref<1x128xi32, #tpu.memory_space<vmem>> -> memref<128xi32, #tpu.memory_space<vmem>>
    %dma_wait3A_203 = arith.constant 0 : i32
    %dma_wait3A_204 = tpu.memref_slice %arg14[%dma_wait3A_203] : memref<10240xf32, #tpu.memory_space<vmem_shared>> -> memref<10240xf32, #tpu.memory_space<vmem_shared>>
    %dma_wait3A_205 = tpu.memref_slice %arg18[%dma_wait3A_196] : memref<8x!tpu.dma_semaphore, #tpu.memory_space<semaphore_mem>> -> memref<1x!tpu.dma_semaphore, #tpu.memory_space<semaphore_mem>>
    %dma_wait3A_206 = tpu.memref_squeeze %dma_wait3A_205 : memref<1x!tpu.dma_semaphore, #tpu.memory_space<semaphore_mem>> -> memref<!tpu.dma_semaphore, #tpu.memory_space<semaphore_mem>>
    tpu.wait_indirect_dma semaphore(%dma_wait3A_206 : memref<!tpu.dma_semaphore, #tpu.memory_space<semaphore_mem>>) src(%dma_wait3A_199 : memref<128xf32, #tpu.memory_space<vmem>>) dst(%dma_wait3A_204 : memref<10240xf32, #tpu.memory_space<vmem_shared>>)
    %dma_wait3A_207 = arith.constant 5 : i32
    %dma_wait3A_208 = arith.constant 0 : i32
    %dma_wait3A_209 = arith.constant 5 : i32
    %dma_wait3A_210 = arith.constant 0 : i32
    %dma_wait3A_211 = tpu.memref_slice %arg11[%dma_wait3A_207, %dma_wait3A_210] : memref<8x128xf32, #tpu.memory_space<vmem>> -> memref<1x128xf32, #tpu.memory_space<vmem>>
    %dma_wait3A_212 = tpu.memref_squeeze %dma_wait3A_211 : memref<1x128xf32, #tpu.memory_space<vmem>> -> memref<128xf32, #tpu.memory_space<vmem>>
    %dma_wait3A_213 = arith.constant 0 : i32
    %dma_wait3A_214 = tpu.memref_slice %arg8[%dma_wait3A_208, %dma_wait3A_213] : memref<40x128xi32, #tpu.memory_space<vmem>> -> memref<1x128xi32, #tpu.memory_space<vmem>>
    %dma_wait3A_215 = tpu.memref_squeeze %dma_wait3A_214 : memref<1x128xi32, #tpu.memory_space<vmem>> -> memref<128xi32, #tpu.memory_space<vmem>>
    %dma_wait3A_216 = arith.constant 0 : i32
    %dma_wait3A_217 = tpu.memref_slice %arg14[%dma_wait3A_216] : memref<10240xf32, #tpu.memory_space<vmem_shared>> -> memref<10240xf32, #tpu.memory_space<vmem_shared>>
    %dma_wait3A_218 = tpu.memref_slice %arg18[%dma_wait3A_209] : memref<8x!tpu.dma_semaphore, #tpu.memory_space<semaphore_mem>> -> memref<1x!tpu.dma_semaphore, #tpu.memory_space<semaphore_mem>>
    %dma_wait3A_219 = tpu.memref_squeeze %dma_wait3A_218 : memref<1x!tpu.dma_semaphore, #tpu.memory_space<semaphore_mem>> -> memref<!tpu.dma_semaphore, #tpu.memory_space<semaphore_mem>>
    tpu.wait_indirect_dma semaphore(%dma_wait3A_219 : memref<!tpu.dma_semaphore, #tpu.memory_space<semaphore_mem>>) src(%dma_wait3A_212 : memref<128xf32, #tpu.memory_space<vmem>>) dst(%dma_wait3A_217 : memref<10240xf32, #tpu.memory_space<vmem_shared>>)
    %dma_wait3A_220 = arith.constant 6 : i32
    %dma_wait3A_221 = arith.constant 0 : i32
    %dma_wait3A_222 = arith.constant 6 : i32
    %dma_wait3A_223 = arith.constant 0 : i32
    %dma_wait3A_224 = tpu.memref_slice %arg11[%dma_wait3A_220, %dma_wait3A_223] : memref<8x128xf32, #tpu.memory_space<vmem>> -> memref<1x128xf32, #tpu.memory_space<vmem>>
    %dma_wait3A_225 = tpu.memref_squeeze %dma_wait3A_224 : memref<1x128xf32, #tpu.memory_space<vmem>> -> memref<128xf32, #tpu.memory_space<vmem>>
    %dma_wait3A_226 = arith.constant 0 : i32
    %dma_wait3A_227 = tpu.memref_slice %arg8[%dma_wait3A_221, %dma_wait3A_226] : memref<40x128xi32, #tpu.memory_space<vmem>> -> memref<1x128xi32, #tpu.memory_space<vmem>>
    %dma_wait3A_228 = tpu.memref_squeeze %dma_wait3A_227 : memref<1x128xi32, #tpu.memory_space<vmem>> -> memref<128xi32, #tpu.memory_space<vmem>>
    %dma_wait3A_229 = arith.constant 0 : i32
    %dma_wait3A_230 = tpu.memref_slice %arg14[%dma_wait3A_229] : memref<10240xf32, #tpu.memory_space<vmem_shared>> -> memref<10240xf32, #tpu.memory_space<vmem_shared>>
    %dma_wait3A_231 = tpu.memref_slice %arg18[%dma_wait3A_222] : memref<8x!tpu.dma_semaphore, #tpu.memory_space<semaphore_mem>> -> memref<1x!tpu.dma_semaphore, #tpu.memory_space<semaphore_mem>>
    %dma_wait3A_232 = tpu.memref_squeeze %dma_wait3A_231 : memref<1x!tpu.dma_semaphore, #tpu.memory_space<semaphore_mem>> -> memref<!tpu.dma_semaphore, #tpu.memory_space<semaphore_mem>>
    tpu.wait_indirect_dma semaphore(%dma_wait3A_232 : memref<!tpu.dma_semaphore, #tpu.memory_space<semaphore_mem>>) src(%dma_wait3A_225 : memref<128xf32, #tpu.memory_space<vmem>>) dst(%dma_wait3A_230 : memref<10240xf32, #tpu.memory_space<vmem_shared>>)
    %dma_wait3A_233 = arith.constant 7 : i32
    %dma_wait3A_234 = arith.constant 0 : i32
    %dma_wait3A_235 = arith.constant 7 : i32
    %dma_wait3A_236 = arith.constant 0 : i32
    %dma_wait3A_237 = tpu.memref_slice %arg11[%dma_wait3A_233, %dma_wait3A_236] : memref<8x128xf32, #tpu.memory_space<vmem>> -> memref<1x128xf32, #tpu.memory_space<vmem>>
    %dma_wait3A_238 = tpu.memref_squeeze %dma_wait3A_237 : memref<1x128xf32, #tpu.memory_space<vmem>> -> memref<128xf32, #tpu.memory_space<vmem>>
    %dma_wait3A_239 = arith.constant 0 : i32
    %dma_wait3A_240 = tpu.memref_slice %arg8[%dma_wait3A_234, %dma_wait3A_239] : memref<40x128xi32, #tpu.memory_space<vmem>> -> memref<1x128xi32, #tpu.memory_space<vmem>>
    %dma_wait3A_241 = tpu.memref_squeeze %dma_wait3A_240 : memref<1x128xi32, #tpu.memory_space<vmem>> -> memref<128xi32, #tpu.memory_space<vmem>>
    %dma_wait3A_242 = arith.constant 0 : i32
    %dma_wait3A_243 = tpu.memref_slice %arg14[%dma_wait3A_242] : memref<10240xf32, #tpu.memory_space<vmem_shared>> -> memref<10240xf32, #tpu.memory_space<vmem_shared>>
    %dma_wait3A_244 = tpu.memref_slice %arg18[%dma_wait3A_235] : memref<8x!tpu.dma_semaphore, #tpu.memory_space<semaphore_mem>> -> memref<1x!tpu.dma_semaphore, #tpu.memory_space<semaphore_mem>>
    %dma_wait3A_245 = tpu.memref_squeeze %dma_wait3A_244 : memref<1x!tpu.dma_semaphore, #tpu.memory_space<semaphore_mem>> -> memref<!tpu.dma_semaphore, #tpu.memory_space<semaphore_mem>>
    tpu.wait_indirect_dma semaphore(%dma_wait3A_245 : memref<!tpu.dma_semaphore, #tpu.memory_space<semaphore_mem>>) src(%dma_wait3A_238 : memref<128xf32, #tpu.memory_space<vmem>>) dst(%dma_wait3A_243 : memref<10240xf32, #tpu.memory_space<vmem_shared>>)
    %barrier3A_246 = arith.constant 0 : index
    tpu.barrier barrier_id(%barrier3A_246)
    "tpu.region"() ({
      %run_scoped3A_250 = tpu.sem_alloc : memref<!tpu.dma_semaphore, #tpu.memory_space<semaphore_mem>>
      %dma_start3A_251 = arith.constant 0 : i32
      %dma_start3A_252 = tpu.memref_slice %arg6[%arg0, %mul3A_2, %dma_start3A_251] : memref<2x10240x128xf32, #tpu.memory_space<hbm>> -> memref<1x640x128xf32, #tpu.memory_space<hbm>>
      %dma_start3A_253 = tpu.memref_squeeze %dma_start3A_252 : memref<1x640x128xf32, #tpu.memory_space<hbm>> -> memref<640x128xf32, #tpu.memory_space<hbm>>
      %dma_start3A_254 = arith.constant 0 : i32
      %dma_start3A_255 = tpu.memref_slice %arg13[%mul3A_2, %dma_start3A_254] : memref<10240x128xf32, #tpu.memory_space<vmem_shared>> -> memref<640x128xf32, #tpu.memory_space<vmem_shared>>
      tpu.enqueue_dma source(%dma_start3A_255 : memref<640x128xf32, #tpu.memory_space<vmem_shared>>) target(%dma_start3A_253 : memref<640x128xf32, #tpu.memory_space<hbm>>) target_semaphore(%run_scoped3A_250 : memref<!tpu.dma_semaphore, #tpu.memory_space<semaphore_mem>>)
      %dma_wait3A_256 = arith.constant 0 : i32
      %dma_wait3A_257 = tpu.memref_slice %arg6[%arg0, %mul3A_2, %dma_wait3A_256] : memref<2x10240x128xf32, #tpu.memory_space<hbm>> -> memref<1x640x128xf32, #tpu.memory_space<hbm>>
      %dma_wait3A_258 = tpu.memref_squeeze %dma_wait3A_257 : memref<1x640x128xf32, #tpu.memory_space<hbm>> -> memref<640x128xf32, #tpu.memory_space<hbm>>
      %dma_wait3A_259 = arith.constant 0 : i32
      %dma_wait3A_260 = tpu.memref_slice %arg13[%mul3A_2, %dma_wait3A_259] : memref<10240x128xf32, #tpu.memory_space<vmem_shared>> -> memref<640x128xf32, #tpu.memory_space<vmem_shared>>
      tpu.wait_dma2 semaphore(%run_scoped3A_250 : memref<!tpu.dma_semaphore, #tpu.memory_space<semaphore_mem>>) src(%dma_wait3A_260 : memref<640x128xf32, #tpu.memory_space<vmem_shared>>) dst(%dma_wait3A_258 : memref<640x128xf32, #tpu.memory_space<hbm>>)
      tpu.yield
    }) : () -> ()
    %mul3A_247 = arith.constant 10240 : i32
    %mul3A_248 = arith.muli %arg0, %mul3A_247 : i32
    %add3A_249 = arith.addi %mul3A_248, %mul3A_2 : i32
    "tpu.region"() ({
      %run_scoped3A_250 = tpu.sem_alloc : memref<!tpu.dma_semaphore, #tpu.memory_space<semaphore_mem>>
      %dma_start3A_251 = tpu.memref_slice %arg7[%add3A_249] : memref<20480xf32, #tpu.memory_space<hbm>> -> memref<640xf32, #tpu.memory_space<hbm>>
      %dma_start3A_252 = tpu.memref_slice %arg14[%mul3A_2] : memref<10240xf32, #tpu.memory_space<vmem_shared>> -> memref<640xf32, #tpu.memory_space<vmem_shared>>
      tpu.enqueue_dma source(%dma_start3A_252 : memref<640xf32, #tpu.memory_space<vmem_shared>>) target(%dma_start3A_251 : memref<640xf32, #tpu.memory_space<hbm>>) target_semaphore(%run_scoped3A_250 : memref<!tpu.dma_semaphore, #tpu.memory_space<semaphore_mem>>)
      %dma_wait3A_253 = tpu.memref_slice %arg7[%add3A_249] : memref<20480xf32, #tpu.memory_space<hbm>> -> memref<640xf32, #tpu.memory_space<hbm>>
      %dma_wait3A_254 = tpu.memref_slice %arg14[%mul3A_2] : memref<10240xf32, #tpu.memory_space<vmem_shared>> -> memref<640xf32, #tpu.memory_space<vmem_shared>>
      tpu.wait_dma2 semaphore(%run_scoped3A_250 : memref<!tpu.dma_semaphore, #tpu.memory_space<semaphore_mem>>) src(%dma_wait3A_254 : memref<640xf32, #tpu.memory_space<vmem_shared>>) dst(%dma_wait3A_253 : memref<640xf32, #tpu.memory_space<hbm>>)
      tpu.yield
    }) : () -> ()
    return
  }
}

module attributes {stable_mosaic.version = 14 : i64} {
  func.func @body(%arg0: i32, %arg1: memref<2x16x128xf32, #tpu.memory_space<vmem>>, %arg2: memref<2048x128xf32, #tpu.memory_space<vmem>>, %arg3: memref<16x128xf32, #tpu.memory_space<vmem>>, %arg4: memref<2048x128xf32, #tpu.memory_space<vmem>>) attributes {dimension_semantics = [#tpu.dimension_semantics<arbitrary>], iteration_bounds = array<i64: 5>, scalar_prefetch = 0 : i64, scratch_operands = 0 : i64, tpu.core_type = #tpu.core_type<tc>, window_params = [{transform_indices = @transform_0, window_bounds = array<i64: 2, 16, 128>}, {transform_indices = @transform_1, window_bounds = array<i64: 2048, 128>}, {transform_indices = @transform_2, window_bounds = array<i64: 16, 128>}, {transform_indices = @transform_3, window_bounds = array<i64: 2048, 128>}]} {
    %get3A = arith.constant 0 : index
    %get3A_0 = arith.constant 0 : index
    %get3A_1 = arith.constant 0 : index
    %get3A_2 = vector.load %arg1[%get3A, %get3A_0, %get3A_1] : memref<2x16x128xf32, #tpu.memory_space<vmem>>, vector<1x16x128xf32>
    %get3A_3 = vector.shape_cast %get3A_2 : vector<1x16x128xf32> to vector<16x128xf32>
    %get3A_4 = arith.constant 1 : index
    %get3A_5 = arith.constant 0 : index
    %get3A_6 = arith.constant 0 : index
    %get3A_7 = vector.load %arg1[%get3A_4, %get3A_5, %get3A_6] : memref<2x16x128xf32, #tpu.memory_space<vmem>>, vector<1x16x128xf32>
    %get3A_8 = vector.shape_cast %get3A_7 : vector<1x16x128xf32> to vector<16x128xf32>
    %add3A = arith.addf %get3A_3, %get3A_8 : vector<16x128xf32>
    %add3A_9 = arith.constant 1.000000e+00 : f32
    %add3A_10 = vector.broadcast %add3A_9 : f32 to vector<16x128xf32>
    %add3A_11 = arith.addf %add3A, %add3A_10 : vector<16x128xf32>
    %iota3A = tpu.iota {dimensions = array<i32: 0>} : vector<16x128xi32>
    %mul3A = arith.constant 128 : i32
    %mul3A_12 = vector.broadcast %mul3A : i32 to vector<16x128xi32>
    %mul3A_13 = arith.muli %iota3A, %mul3A_12 : vector<16x128xi32>
    %iota3A_14 = tpu.iota {dimensions = array<i32: 1>} : vector<16x128xi32>
    %add3A_15 = arith.addi %mul3A_13, %iota3A_14 : vector<16x128xi32>
    %mul3A_16 = arith.constant 2048 : i32
    %mul3A_17 = arith.muli %arg0, %mul3A_16 : i32
    %add3A_18 = vector.broadcast %mul3A_17 : i32 to vector<16x128xi32>
    %add3A_19 = arith.addi %add3A_15, %add3A_18 : vector<16x128xi32>
    %lt3A = arith.constant 10000 : i32
    %lt3A_20 = vector.broadcast %lt3A : i32 to vector<16x128xi32>
    %lt3A_21 = arith.cmpi slt, %add3A_19, %lt3A_20 : vector<16x128xi32>
    %rsqrt3A = math.rsqrt %add3A_11 : vector<16x128xf32>
    %jit3A = arith.constant 0.000000e+00 : f32
    %broadcast_in_dim3A = vector.broadcast %jit3A : f32 to vector<16x128xf32>
    %select_n3A = arith.select %lt3A_21, %rsqrt3A, %broadcast_in_dim3A : vector<16x128xi1>, vector<16x128xf32>
    %jit3A_22 = arith.constant 1.000000e+00 : f32
    %jit3A_23 = arith.constant 0.000000e+00 : f32
    %broadcast_in_dim3A_24 = vector.broadcast %jit3A_22 : f32 to vector<16x128xf32>
    %broadcast_in_dim3A_25 = vector.broadcast %jit3A_23 : f32 to vector<16x128xf32>
    %select_n3A_26 = arith.select %lt3A_21, %broadcast_in_dim3A_24, %broadcast_in_dim3A_25 : vector<16x128xi1>, vector<16x128xf32>
    %swap3A = arith.constant 0 : index
    %swap3A_27 = arith.constant 0 : index
    %swap3A_28 = vector.load %arg3[%swap3A, %swap3A_27] : memref<16x128xf32, #tpu.memory_space<vmem>>, vector<16x128xf32>
    tpu.vector_store %arg3[%swap3A, %swap3A_27], %select_n3A {strides = array<i32>} : memref<16x128xf32, #tpu.memory_space<vmem>>, vector<16x128xf32>,
    %slice3A = vector.extract_strided_slice %select_n3A {offsets = [0, 0], sizes = [1, 128], strides = [1, 1]} : vector<16x128xf32> to vector<1x128xf32>
    %transpose3A = tpu.transpose %slice3A, [1, 0] : vector<1x128xf32> -> vector<128x1xf32>
    %slice3A_29 = vector.extract_strided_slice %select_n3A_26 {offsets = [0, 0], sizes = [1, 128], strides = [1, 1]} : vector<16x128xf32> to vector<1x128xf32>
    %transpose3A_30 = tpu.transpose %slice3A_29, [1, 0] : vector<1x128xf32> -> vector<128x1xf32>
    %gt3A = arith.constant 0.000000e+00 : f32
    %gt3A_31 = vector.broadcast %gt3A : f32 to vector<128x1xf32>
    %gt3A_32 = arith.cmpf ogt, %transpose3A_30, %gt3A_31 : vector<128x1xf32>
    %get3A_33 = arith.constant 0 : index
    %get3A_34 = arith.constant 0 : index
    %get3A_35 = vector.load %arg2[%get3A_33, %get3A_34] : memref<2048x128xf32, #tpu.memory_space<vmem>>, vector<128x128xf32>
    %mul3A_36 = vector.broadcast %transpose3A : vector<128x1xf32> to vector<128x128xf32>
    %mul3A_37 = arith.mulf %get3A_35, %mul3A_36 : vector<128x128xf32>
    %jit3A_38 = arith.constant 0.000000e+00 : f32
    %broadcast_in_dim3A_39 = vector.shape_cast %gt3A_32 : vector<128x1xi1> to vector<128x1xi1>
    %broadcast_in_dim3A_40 = vector.broadcast %broadcast_in_dim3A_39 : vector<128x1xi1> to vector<128x128xi1>
    %broadcast_in_dim3A_41 = vector.broadcast %jit3A_38 : f32 to vector<128x128xf32>
    %select_n3A_42 = arith.select %broadcast_in_dim3A_40, %mul3A_37, %broadcast_in_dim3A_41 : vector<128x128xi1>, vector<128x128xf32>
    %swap3A_43 = arith.constant 0 : index
    %swap3A_44 = arith.constant 0 : index
    %swap3A_45 = vector.load %arg4[%swap3A_43, %swap3A_44] : memref<2048x128xf32, #tpu.memory_space<vmem>>, vector<128x128xf32>
    tpu.vector_store %arg4[%swap3A_43, %swap3A_44], %select_n3A_42 {strides = array<i32>} : memref<2048x128xf32, #tpu.memory_space<vmem>>, vector<128x128xf32>,
    %slice3A_46 = vector.extract_strided_slice %select_n3A {offsets = [1, 0], sizes = [1, 128], strides = [1, 1]} : vector<16x128xf32> to vector<1x128xf32>
    %transpose3A_47 = tpu.transpose %slice3A_46, [1, 0] : vector<1x128xf32> -> vector<128x1xf32>
    %slice3A_48 = vector.extract_strided_slice %select_n3A_26 {offsets = [1, 0], sizes = [1, 128], strides = [1, 1]} : vector<16x128xf32> to vector<1x128xf32>
    %transpose3A_49 = tpu.transpose %slice3A_48, [1, 0] : vector<1x128xf32> -> vector<128x1xf32>
    %gt3A_50 = arith.constant 0.000000e+00 : f32
    %gt3A_51 = vector.broadcast %gt3A_50 : f32 to vector<128x1xf32>
    %gt3A_52 = arith.cmpf ogt, %transpose3A_49, %gt3A_51 : vector<128x1xf32>
    %get3A_53 = arith.constant 128 : index
    %get3A_54 = arith.constant 0 : index
    %get3A_55 = vector.load %arg2[%get3A_53, %get3A_54] : memref<2048x128xf32, #tpu.memory_space<vmem>>, vector<128x128xf32>
    %mul3A_56 = vector.broadcast %transpose3A_47 : vector<128x1xf32> to vector<128x128xf32>
    %mul3A_57 = arith.mulf %get3A_55, %mul3A_56 : vector<128x128xf32>
    %jit3A_58 = arith.constant 0.000000e+00 : f32
    %broadcast_in_dim3A_59 = vector.shape_cast %gt3A_52 : vector<128x1xi1> to vector<128x1xi1>
    %broadcast_in_dim3A_60 = vector.broadcast %broadcast_in_dim3A_59 : vector<128x1xi1> to vector<128x128xi1>
    %broadcast_in_dim3A_61 = vector.broadcast %jit3A_58 : f32 to vector<128x128xf32>
    %select_n3A_62 = arith.select %broadcast_in_dim3A_60, %mul3A_57, %broadcast_in_dim3A_61 : vector<128x128xi1>, vector<128x128xf32>
    %swap3A_63 = arith.constant 128 : index
    %swap3A_64 = arith.constant 0 : index
    %swap3A_65 = vector.load %arg4[%swap3A_63, %swap3A_64] : memref<2048x128xf32, #tpu.memory_space<vmem>>, vector<128x128xf32>
    tpu.vector_store %arg4[%swap3A_63, %swap3A_64], %select_n3A_62 {strides = array<i32>} : memref<2048x128xf32, #tpu.memory_space<vmem>>, vector<128x128xf32>,
    %slice3A_66 = vector.extract_strided_slice %select_n3A {offsets = [2, 0], sizes = [1, 128], strides = [1, 1]} : vector<16x128xf32> to vector<1x128xf32>
    %transpose3A_67 = tpu.transpose %slice3A_66, [1, 0] : vector<1x128xf32> -> vector<128x1xf32>
    %slice3A_68 = vector.extract_strided_slice %select_n3A_26 {offsets = [2, 0], sizes = [1, 128], strides = [1, 1]} : vector<16x128xf32> to vector<1x128xf32>
    %transpose3A_69 = tpu.transpose %slice3A_68, [1, 0] : vector<1x128xf32> -> vector<128x1xf32>
    %gt3A_70 = arith.constant 0.000000e+00 : f32
    %gt3A_71 = vector.broadcast %gt3A_70 : f32 to vector<128x1xf32>
    %gt3A_72 = arith.cmpf ogt, %transpose3A_69, %gt3A_71 : vector<128x1xf32>
    %get3A_73 = arith.constant 256 : index
    %get3A_74 = arith.constant 0 : index
    %get3A_75 = vector.load %arg2[%get3A_73, %get3A_74] : memref<2048x128xf32, #tpu.memory_space<vmem>>, vector<128x128xf32>
    %mul3A_76 = vector.broadcast %transpose3A_67 : vector<128x1xf32> to vector<128x128xf32>
    %mul3A_77 = arith.mulf %get3A_75, %mul3A_76 : vector<128x128xf32>
    %jit3A_78 = arith.constant 0.000000e+00 : f32
    %broadcast_in_dim3A_79 = vector.shape_cast %gt3A_72 : vector<128x1xi1> to vector<128x1xi1>
    %broadcast_in_dim3A_80 = vector.broadcast %broadcast_in_dim3A_79 : vector<128x1xi1> to vector<128x128xi1>
    %broadcast_in_dim3A_81 = vector.broadcast %jit3A_78 : f32 to vector<128x128xf32>
    %select_n3A_82 = arith.select %broadcast_in_dim3A_80, %mul3A_77, %broadcast_in_dim3A_81 : vector<128x128xi1>, vector<128x128xf32>
    %swap3A_83 = arith.constant 256 : index
    %swap3A_84 = arith.constant 0 : index
    %swap3A_85 = vector.load %arg4[%swap3A_83, %swap3A_84] : memref<2048x128xf32, #tpu.memory_space<vmem>>, vector<128x128xf32>
    tpu.vector_store %arg4[%swap3A_83, %swap3A_84], %select_n3A_82 {strides = array<i32>} : memref<2048x128xf32, #tpu.memory_space<vmem>>, vector<128x128xf32>,
    %slice3A_86 = vector.extract_strided_slice %select_n3A {offsets = [3, 0], sizes = [1, 128], strides = [1, 1]} : vector<16x128xf32> to vector<1x128xf32>
    %transpose3A_87 = tpu.transpose %slice3A_86, [1, 0] : vector<1x128xf32> -> vector<128x1xf32>
    %slice3A_88 = vector.extract_strided_slice %select_n3A_26 {offsets = [3, 0], sizes = [1, 128], strides = [1, 1]} : vector<16x128xf32> to vector<1x128xf32>
    %transpose3A_89 = tpu.transpose %slice3A_88, [1, 0] : vector<1x128xf32> -> vector<128x1xf32>
    %gt3A_90 = arith.constant 0.000000e+00 : f32
    %gt3A_91 = vector.broadcast %gt3A_90 : f32 to vector<128x1xf32>
    %gt3A_92 = arith.cmpf ogt, %transpose3A_89, %gt3A_91 : vector<128x1xf32>
    %get3A_93 = arith.constant 384 : index
    %get3A_94 = arith.constant 0 : index
    %get3A_95 = vector.load %arg2[%get3A_93, %get3A_94] : memref<2048x128xf32, #tpu.memory_space<vmem>>, vector<128x128xf32>
    %mul3A_96 = vector.broadcast %transpose3A_87 : vector<128x1xf32> to vector<128x128xf32>
    %mul3A_97 = arith.mulf %get3A_95, %mul3A_96 : vector<128x128xf32>
    %jit3A_98 = arith.constant 0.000000e+00 : f32
    %broadcast_in_dim3A_99 = vector.shape_cast %gt3A_92 : vector<128x1xi1> to vector<128x1xi1>
    %broadcast_in_dim3A_100 = vector.broadcast %broadcast_in_dim3A_99 : vector<128x1xi1> to vector<128x128xi1>
    %broadcast_in_dim3A_101 = vector.broadcast %jit3A_98 : f32 to vector<128x128xf32>
    %select_n3A_102 = arith.select %broadcast_in_dim3A_100, %mul3A_97, %broadcast_in_dim3A_101 : vector<128x128xi1>, vector<128x128xf32>
    %swap3A_103 = arith.constant 384 : index
    %swap3A_104 = arith.constant 0 : index
    %swap3A_105 = vector.load %arg4[%swap3A_103, %swap3A_104] : memref<2048x128xf32, #tpu.memory_space<vmem>>, vector<128x128xf32>
    tpu.vector_store %arg4[%swap3A_103, %swap3A_104], %select_n3A_102 {strides = array<i32>} : memref<2048x128xf32, #tpu.memory_space<vmem>>, vector<128x128xf32>,
    %slice3A_106 = vector.extract_strided_slice %select_n3A {offsets = [4, 0], sizes = [1, 128], strides = [1, 1]} : vector<16x128xf32> to vector<1x128xf32>
    %transpose3A_107 = tpu.transpose %slice3A_106, [1, 0] : vector<1x128xf32> -> vector<128x1xf32>
    %slice3A_108 = vector.extract_strided_slice %select_n3A_26 {offsets = [4, 0], sizes = [1, 128], strides = [1, 1]} : vector<16x128xf32> to vector<1x128xf32>
    %transpose3A_109 = tpu.transpose %slice3A_108, [1, 0] : vector<1x128xf32> -> vector<128x1xf32>
    %gt3A_110 = arith.constant 0.000000e+00 : f32
    %gt3A_111 = vector.broadcast %gt3A_110 : f32 to vector<128x1xf32>
    %gt3A_112 = arith.cmpf ogt, %transpose3A_109, %gt3A_111 : vector<128x1xf32>
    %get3A_113 = arith.constant 512 : index
    %get3A_114 = arith.constant 0 : index
    %get3A_115 = vector.load %arg2[%get3A_113, %get3A_114] : memref<2048x128xf32, #tpu.memory_space<vmem>>, vector<128x128xf32>
    %mul3A_116 = vector.broadcast %transpose3A_107 : vector<128x1xf32> to vector<128x128xf32>
    %mul3A_117 = arith.mulf %get3A_115, %mul3A_116 : vector<128x128xf32>
    %jit3A_118 = arith.constant 0.000000e+00 : f32
    %broadcast_in_dim3A_119 = vector.shape_cast %gt3A_112 : vector<128x1xi1> to vector<128x1xi1>
    %broadcast_in_dim3A_120 = vector.broadcast %broadcast_in_dim3A_119 : vector<128x1xi1> to vector<128x128xi1>
    %broadcast_in_dim3A_121 = vector.broadcast %jit3A_118 : f32 to vector<128x128xf32>
    %select_n3A_122 = arith.select %broadcast_in_dim3A_120, %mul3A_117, %broadcast_in_dim3A_121 : vector<128x128xi1>, vector<128x128xf32>
    %swap3A_123 = arith.constant 512 : index
    %swap3A_124 = arith.constant 0 : index
    %swap3A_125 = vector.load %arg4[%swap3A_123, %swap3A_124] : memref<2048x128xf32, #tpu.memory_space<vmem>>, vector<128x128xf32>
    tpu.vector_store %arg4[%swap3A_123, %swap3A_124], %select_n3A_122 {strides = array<i32>} : memref<2048x128xf32, #tpu.memory_space<vmem>>, vector<128x128xf32>,
    %slice3A_126 = vector.extract_strided_slice %select_n3A {offsets = [5, 0], sizes = [1, 128], strides = [1, 1]} : vector<16x128xf32> to vector<1x128xf32>
    %transpose3A_127 = tpu.transpose %slice3A_126, [1, 0] : vector<1x128xf32> -> vector<128x1xf32>
    %slice3A_128 = vector.extract_strided_slice %select_n3A_26 {offsets = [5, 0], sizes = [1, 128], strides = [1, 1]} : vector<16x128xf32> to vector<1x128xf32>
    %transpose3A_129 = tpu.transpose %slice3A_128, [1, 0] : vector<1x128xf32> -> vector<128x1xf32>
    %gt3A_130 = arith.constant 0.000000e+00 : f32
    %gt3A_131 = vector.broadcast %gt3A_130 : f32 to vector<128x1xf32>
    %gt3A_132 = arith.cmpf ogt, %transpose3A_129, %gt3A_131 : vector<128x1xf32>
    %get3A_133 = arith.constant 640 : index
    %get3A_134 = arith.constant 0 : index
    %get3A_135 = vector.load %arg2[%get3A_133, %get3A_134] : memref<2048x128xf32, #tpu.memory_space<vmem>>, vector<128x128xf32>
    %mul3A_136 = vector.broadcast %transpose3A_127 : vector<128x1xf32> to vector<128x128xf32>
    %mul3A_137 = arith.mulf %get3A_135, %mul3A_136 : vector<128x128xf32>
    %jit3A_138 = arith.constant 0.000000e+00 : f32
    %broadcast_in_dim3A_139 = vector.shape_cast %gt3A_132 : vector<128x1xi1> to vector<128x1xi1>
    %broadcast_in_dim3A_140 = vector.broadcast %broadcast_in_dim3A_139 : vector<128x1xi1> to vector<128x128xi1>
    %broadcast_in_dim3A_141 = vector.broadcast %jit3A_138 : f32 to vector<128x128xf32>
    %select_n3A_142 = arith.select %broadcast_in_dim3A_140, %mul3A_137, %broadcast_in_dim3A_141 : vector<128x128xi1>, vector<128x128xf32>
    %swap3A_143 = arith.constant 640 : index
    %swap3A_144 = arith.constant 0 : index
    %swap3A_145 = vector.load %arg4[%swap3A_143, %swap3A_144] : memref<2048x128xf32, #tpu.memory_space<vmem>>, vector<128x128xf32>
    tpu.vector_store %arg4[%swap3A_143, %swap3A_144], %select_n3A_142 {strides = array<i32>} : memref<2048x128xf32, #tpu.memory_space<vmem>>, vector<128x128xf32>,
    %slice3A_146 = vector.extract_strided_slice %select_n3A {offsets = [6, 0], sizes = [1, 128], strides = [1, 1]} : vector<16x128xf32> to vector<1x128xf32>
    %transpose3A_147 = tpu.transpose %slice3A_146, [1, 0] : vector<1x128xf32> -> vector<128x1xf32>
    %slice3A_148 = vector.extract_strided_slice %select_n3A_26 {offsets = [6, 0], sizes = [1, 128], strides = [1, 1]} : vector<16x128xf32> to vector<1x128xf32>
    %transpose3A_149 = tpu.transpose %slice3A_148, [1, 0] : vector<1x128xf32> -> vector<128x1xf32>
    %gt3A_150 = arith.constant 0.000000e+00 : f32
    %gt3A_151 = vector.broadcast %gt3A_150 : f32 to vector<128x1xf32>
    %gt3A_152 = arith.cmpf ogt, %transpose3A_149, %gt3A_151 : vector<128x1xf32>
    %get3A_153 = arith.constant 768 : index
    %get3A_154 = arith.constant 0 : index
    %get3A_155 = vector.load %arg2[%get3A_153, %get3A_154] : memref<2048x128xf32, #tpu.memory_space<vmem>>, vector<128x128xf32>
    %mul3A_156 = vector.broadcast %transpose3A_147 : vector<128x1xf32> to vector<128x128xf32>
    %mul3A_157 = arith.mulf %get3A_155, %mul3A_156 : vector<128x128xf32>
    %jit3A_158 = arith.constant 0.000000e+00 : f32
    %broadcast_in_dim3A_159 = vector.shape_cast %gt3A_152 : vector<128x1xi1> to vector<128x1xi1>
    %broadcast_in_dim3A_160 = vector.broadcast %broadcast_in_dim3A_159 : vector<128x1xi1> to vector<128x128xi1>
    %broadcast_in_dim3A_161 = vector.broadcast %jit3A_158 : f32 to vector<128x128xf32>
    %select_n3A_162 = arith.select %broadcast_in_dim3A_160, %mul3A_157, %broadcast_in_dim3A_161 : vector<128x128xi1>, vector<128x128xf32>
    %swap3A_163 = arith.constant 768 : index
    %swap3A_164 = arith.constant 0 : index
    %swap3A_165 = vector.load %arg4[%swap3A_163, %swap3A_164] : memref<2048x128xf32, #tpu.memory_space<vmem>>, vector<128x128xf32>
    tpu.vector_store %arg4[%swap3A_163, %swap3A_164], %select_n3A_162 {strides = array<i32>} : memref<2048x128xf32, #tpu.memory_space<vmem>>, vector<128x128xf32>,
    %slice3A_166 = vector.extract_strided_slice %select_n3A {offsets = [7, 0], sizes = [1, 128], strides = [1, 1]} : vector<16x128xf32> to vector<1x128xf32>
    %transpose3A_167 = tpu.transpose %slice3A_166, [1, 0] : vector<1x128xf32> -> vector<128x1xf32>
    %slice3A_168 = vector.extract_strided_slice %select_n3A_26 {offsets = [7, 0], sizes = [1, 128], strides = [1, 1]} : vector<16x128xf32> to vector<1x128xf32>
    %transpose3A_169 = tpu.transpose %slice3A_168, [1, 0] : vector<1x128xf32> -> vector<128x1xf32>
    %gt3A_170 = arith.constant 0.000000e+00 : f32
    %gt3A_171 = vector.broadcast %gt3A_170 : f32 to vector<128x1xf32>
    %gt3A_172 = arith.cmpf ogt, %transpose3A_169, %gt3A_171 : vector<128x1xf32>
    %get3A_173 = arith.constant 896 : index
    %get3A_174 = arith.constant 0 : index
    %get3A_175 = vector.load %arg2[%get3A_173, %get3A_174] : memref<2048x128xf32, #tpu.memory_space<vmem>>, vector<128x128xf32>
    %mul3A_176 = vector.broadcast %transpose3A_167 : vector<128x1xf32> to vector<128x128xf32>
    %mul3A_177 = arith.mulf %get3A_175, %mul3A_176 : vector<128x128xf32>
    %jit3A_178 = arith.constant 0.000000e+00 : f32
    %broadcast_in_dim3A_179 = vector.shape_cast %gt3A_172 : vector<128x1xi1> to vector<128x1xi1>
    %broadcast_in_dim3A_180 = vector.broadcast %broadcast_in_dim3A_179 : vector<128x1xi1> to vector<128x128xi1>
    %broadcast_in_dim3A_181 = vector.broadcast %jit3A_178 : f32 to vector<128x128xf32>
    %select_n3A_182 = arith.select %broadcast_in_dim3A_180, %mul3A_177, %broadcast_in_dim3A_181 : vector<128x128xi1>, vector<128x128xf32>
    %swap3A_183 = arith.constant 896 : index
    %swap3A_184 = arith.constant 0 : index
    %swap3A_185 = vector.load %arg4[%swap3A_183, %swap3A_184] : memref<2048x128xf32, #tpu.memory_space<vmem>>, vector<128x128xf32>
    tpu.vector_store %arg4[%swap3A_183, %swap3A_184], %select_n3A_182 {strides = array<i32>} : memref<2048x128xf32, #tpu.memory_space<vmem>>, vector<128x128xf32>,
    %slice3A_186 = vector.extract_strided_slice %select_n3A {offsets = [8, 0], sizes = [1, 128], strides = [1, 1]} : vector<16x128xf32> to vector<1x128xf32>
    %transpose3A_187 = tpu.transpose %slice3A_186, [1, 0] : vector<1x128xf32> -> vector<128x1xf32>
    %slice3A_188 = vector.extract_strided_slice %select_n3A_26 {offsets = [8, 0], sizes = [1, 128], strides = [1, 1]} : vector<16x128xf32> to vector<1x128xf32>
    %transpose3A_189 = tpu.transpose %slice3A_188, [1, 0] : vector<1x128xf32> -> vector<128x1xf32>
    %gt3A_190 = arith.constant 0.000000e+00 : f32
    %gt3A_191 = vector.broadcast %gt3A_190 : f32 to vector<128x1xf32>
    %gt3A_192 = arith.cmpf ogt, %transpose3A_189, %gt3A_191 : vector<128x1xf32>
    %get3A_193 = arith.constant 1024 : index
    %get3A_194 = arith.constant 0 : index
    %get3A_195 = vector.load %arg2[%get3A_193, %get3A_194] : memref<2048x128xf32, #tpu.memory_space<vmem>>, vector<128x128xf32>
    %mul3A_196 = vector.broadcast %transpose3A_187 : vector<128x1xf32> to vector<128x128xf32>
    %mul3A_197 = arith.mulf %get3A_195, %mul3A_196 : vector<128x128xf32>
    %jit3A_198 = arith.constant 0.000000e+00 : f32
    %broadcast_in_dim3A_199 = vector.shape_cast %gt3A_192 : vector<128x1xi1> to vector<128x1xi1>
    %broadcast_in_dim3A_200 = vector.broadcast %broadcast_in_dim3A_199 : vector<128x1xi1> to vector<128x128xi1>
    %broadcast_in_dim3A_201 = vector.broadcast %jit3A_198 : f32 to vector<128x128xf32>
    %select_n3A_202 = arith.select %broadcast_in_dim3A_200, %mul3A_197, %broadcast_in_dim3A_201 : vector<128x128xi1>, vector<128x128xf32>
    %swap3A_203 = arith.constant 1024 : index
    %swap3A_204 = arith.constant 0 : index
    %swap3A_205 = vector.load %arg4[%swap3A_203, %swap3A_204] : memref<2048x128xf32, #tpu.memory_space<vmem>>, vector<128x128xf32>
    tpu.vector_store %arg4[%swap3A_203, %swap3A_204], %select_n3A_202 {strides = array<i32>} : memref<2048x128xf32, #tpu.memory_space<vmem>>, vector<128x128xf32>,
    %slice3A_206 = vector.extract_strided_slice %select_n3A {offsets = [9, 0], sizes = [1, 128], strides = [1, 1]} : vector<16x128xf32> to vector<1x128xf32>
    %transpose3A_207 = tpu.transpose %slice3A_206, [1, 0] : vector<1x128xf32> -> vector<128x1xf32>
    %slice3A_208 = vector.extract_strided_slice %select_n3A_26 {offsets = [9, 0], sizes = [1, 128], strides = [1, 1]} : vector<16x128xf32> to vector<1x128xf32>
    %transpose3A_209 = tpu.transpose %slice3A_208, [1, 0] : vector<1x128xf32> -> vector<128x1xf32>
    %gt3A_210 = arith.constant 0.000000e+00 : f32
    %gt3A_211 = vector.broadcast %gt3A_210 : f32 to vector<128x1xf32>
    %gt3A_212 = arith.cmpf ogt, %transpose3A_209, %gt3A_211 : vector<128x1xf32>
    %get3A_213 = arith.constant 1152 : index
    %get3A_214 = arith.constant 0 : index
    %get3A_215 = vector.load %arg2[%get3A_213, %get3A_214] : memref<2048x128xf32, #tpu.memory_space<vmem>>, vector<128x128xf32>
    %mul3A_216 = vector.broadcast %transpose3A_207 : vector<128x1xf32> to vector<128x128xf32>
    %mul3A_217 = arith.mulf %get3A_215, %mul3A_216 : vector<128x128xf32>
    %jit3A_218 = arith.constant 0.000000e+00 : f32
    %broadcast_in_dim3A_219 = vector.shape_cast %gt3A_212 : vector<128x1xi1> to vector<128x1xi1>
    %broadcast_in_dim3A_220 = vector.broadcast %broadcast_in_dim3A_219 : vector<128x1xi1> to vector<128x128xi1>
    %broadcast_in_dim3A_221 = vector.broadcast %jit3A_218 : f32 to vector<128x128xf32>
    %select_n3A_222 = arith.select %broadcast_in_dim3A_220, %mul3A_217, %broadcast_in_dim3A_221 : vector<128x128xi1>, vector<128x128xf32>
    %swap3A_223 = arith.constant 1152 : index
    %swap3A_224 = arith.constant 0 : index
    %swap3A_225 = vector.load %arg4[%swap3A_223, %swap3A_224] : memref<2048x128xf32, #tpu.memory_space<vmem>>, vector<128x128xf32>
    tpu.vector_store %arg4[%swap3A_223, %swap3A_224], %select_n3A_222 {strides = array<i32>} : memref<2048x128xf32, #tpu.memory_space<vmem>>, vector<128x128xf32>,
    %slice3A_226 = vector.extract_strided_slice %select_n3A {offsets = [10, 0], sizes = [1, 128], strides = [1, 1]} : vector<16x128xf32> to vector<1x128xf32>
    %transpose3A_227 = tpu.transpose %slice3A_226, [1, 0] : vector<1x128xf32> -> vector<128x1xf32>
    %slice3A_228 = vector.extract_strided_slice %select_n3A_26 {offsets = [10, 0], sizes = [1, 128], strides = [1, 1]} : vector<16x128xf32> to vector<1x128xf32>
    %transpose3A_229 = tpu.transpose %slice3A_228, [1, 0] : vector<1x128xf32> -> vector<128x1xf32>
    %gt3A_230 = arith.constant 0.000000e+00 : f32
    %gt3A_231 = vector.broadcast %gt3A_230 : f32 to vector<128x1xf32>
    %gt3A_232 = arith.cmpf ogt, %transpose3A_229, %gt3A_231 : vector<128x1xf32>
    %get3A_233 = arith.constant 1280 : index
    %get3A_234 = arith.constant 0 : index
    %get3A_235 = vector.load %arg2[%get3A_233, %get3A_234] : memref<2048x128xf32, #tpu.memory_space<vmem>>, vector<128x128xf32>
    %mul3A_236 = vector.broadcast %transpose3A_227 : vector<128x1xf32> to vector<128x128xf32>
    %mul3A_237 = arith.mulf %get3A_235, %mul3A_236 : vector<128x128xf32>
    %jit3A_238 = arith.constant 0.000000e+00 : f32
    %broadcast_in_dim3A_239 = vector.shape_cast %gt3A_232 : vector<128x1xi1> to vector<128x1xi1>
    %broadcast_in_dim3A_240 = vector.broadcast %broadcast_in_dim3A_239 : vector<128x1xi1> to vector<128x128xi1>
    %broadcast_in_dim3A_241 = vector.broadcast %jit3A_238 : f32 to vector<128x128xf32>
    %select_n3A_242 = arith.select %broadcast_in_dim3A_240, %mul3A_237, %broadcast_in_dim3A_241 : vector<128x128xi1>, vector<128x128xf32>
    %swap3A_243 = arith.constant 1280 : index
    %swap3A_244 = arith.constant 0 : index
    %swap3A_245 = vector.load %arg4[%swap3A_243, %swap3A_244] : memref<2048x128xf32, #tpu.memory_space<vmem>>, vector<128x128xf32>
    tpu.vector_store %arg4[%swap3A_243, %swap3A_244], %select_n3A_242 {strides = array<i32>} : memref<2048x128xf32, #tpu.memory_space<vmem>>, vector<128x128xf32>,
    %slice3A_246 = vector.extract_strided_slice %select_n3A {offsets = [11, 0], sizes = [1, 128], strides = [1, 1]} : vector<16x128xf32> to vector<1x128xf32>
    %transpose3A_247 = tpu.transpose %slice3A_246, [1, 0] : vector<1x128xf32> -> vector<128x1xf32>
    %slice3A_248 = vector.extract_strided_slice %select_n3A_26 {offsets = [11, 0], sizes = [1, 128], strides = [1, 1]} : vector<16x128xf32> to vector<1x128xf32>
    %transpose3A_249 = tpu.transpose %slice3A_248, [1, 0] : vector<1x128xf32> -> vector<128x1xf32>
    %gt3A_250 = arith.constant 0.000000e+00 : f32
    %gt3A_251 = vector.broadcast %gt3A_250 : f32 to vector<128x1xf32>
    %gt3A_252 = arith.cmpf ogt, %transpose3A_249, %gt3A_251 : vector<128x1xf32>
    %get3A_253 = arith.constant 1408 : index
    %get3A_254 = arith.constant 0 : index
    %get3A_255 = vector.load %arg2[%get3A_253, %get3A_254] : memref<2048x128xf32, #tpu.memory_space<vmem>>, vector<128x128xf32>
    %mul3A_256 = vector.broadcast %transpose3A_247 : vector<128x1xf32> to vector<128x128xf32>
    %mul3A_257 = arith.mulf %get3A_255, %mul3A_256 : vector<128x128xf32>
    %jit3A_258 = arith.constant 0.000000e+00 : f32
    %broadcast_in_dim3A_259 = vector.shape_cast %gt3A_252 : vector<128x1xi1> to vector<128x1xi1>
    %broadcast_in_dim3A_260 = vector.broadcast %broadcast_in_dim3A_259 : vector<128x1xi1> to vector<128x128xi1>
    %broadcast_in_dim3A_261 = vector.broadcast %jit3A_258 : f32 to vector<128x128xf32>
    %select_n3A_262 = arith.select %broadcast_in_dim3A_260, %mul3A_257, %broadcast_in_dim3A_261 : vector<128x128xi1>, vector<128x128xf32>
    %swap3A_263 = arith.constant 1408 : index
    %swap3A_264 = arith.constant 0 : index
    %swap3A_265 = vector.load %arg4[%swap3A_263, %swap3A_264] : memref<2048x128xf32, #tpu.memory_space<vmem>>, vector<128x128xf32>
    tpu.vector_store %arg4[%swap3A_263, %swap3A_264], %select_n3A_262 {strides = array<i32>} : memref<2048x128xf32, #tpu.memory_space<vmem>>, vector<128x128xf32>,
    %slice3A_266 = vector.extract_strided_slice %select_n3A {offsets = [12, 0], sizes = [1, 128], strides = [1, 1]} : vector<16x128xf32> to vector<1x128xf32>
    %transpose3A_267 = tpu.transpose %slice3A_266, [1, 0] : vector<1x128xf32> -> vector<128x1xf32>
    %slice3A_268 = vector.extract_strided_slice %select_n3A_26 {offsets = [12, 0], sizes = [1, 128], strides = [1, 1]} : vector<16x128xf32> to vector<1x128xf32>
    %transpose3A_269 = tpu.transpose %slice3A_268, [1, 0] : vector<1x128xf32> -> vector<128x1xf32>
    %gt3A_270 = arith.constant 0.000000e+00 : f32
    %gt3A_271 = vector.broadcast %gt3A_270 : f32 to vector<128x1xf32>
    %gt3A_272 = arith.cmpf ogt, %transpose3A_269, %gt3A_271 : vector<128x1xf32>
    %get3A_273 = arith.constant 1536 : index
    %get3A_274 = arith.constant 0 : index
    %get3A_275 = vector.load %arg2[%get3A_273, %get3A_274] : memref<2048x128xf32, #tpu.memory_space<vmem>>, vector<128x128xf32>
    %mul3A_276 = vector.broadcast %transpose3A_267 : vector<128x1xf32> to vector<128x128xf32>
    %mul3A_277 = arith.mulf %get3A_275, %mul3A_276 : vector<128x128xf32>
    %jit3A_278 = arith.constant 0.000000e+00 : f32
    %broadcast_in_dim3A_279 = vector.shape_cast %gt3A_272 : vector<128x1xi1> to vector<128x1xi1>
    %broadcast_in_dim3A_280 = vector.broadcast %broadcast_in_dim3A_279 : vector<128x1xi1> to vector<128x128xi1>
    %broadcast_in_dim3A_281 = vector.broadcast %jit3A_278 : f32 to vector<128x128xf32>
    %select_n3A_282 = arith.select %broadcast_in_dim3A_280, %mul3A_277, %broadcast_in_dim3A_281 : vector<128x128xi1>, vector<128x128xf32>
    %swap3A_283 = arith.constant 1536 : index
    %swap3A_284 = arith.constant 0 : index
    %swap3A_285 = vector.load %arg4[%swap3A_283, %swap3A_284] : memref<2048x128xf32, #tpu.memory_space<vmem>>, vector<128x128xf32>
    tpu.vector_store %arg4[%swap3A_283, %swap3A_284], %select_n3A_282 {strides = array<i32>} : memref<2048x128xf32, #tpu.memory_space<vmem>>, vector<128x128xf32>,
    %slice3A_286 = vector.extract_strided_slice %select_n3A {offsets = [13, 0], sizes = [1, 128], strides = [1, 1]} : vector<16x128xf32> to vector<1x128xf32>
    %transpose3A_287 = tpu.transpose %slice3A_286, [1, 0] : vector<1x128xf32> -> vector<128x1xf32>
    %slice3A_288 = vector.extract_strided_slice %select_n3A_26 {offsets = [13, 0], sizes = [1, 128], strides = [1, 1]} : vector<16x128xf32> to vector<1x128xf32>
    %transpose3A_289 = tpu.transpose %slice3A_288, [1, 0] : vector<1x128xf32> -> vector<128x1xf32>
    %gt3A_290 = arith.constant 0.000000e+00 : f32
    %gt3A_291 = vector.broadcast %gt3A_290 : f32 to vector<128x1xf32>
    %gt3A_292 = arith.cmpf ogt, %transpose3A_289, %gt3A_291 : vector<128x1xf32>
    %get3A_293 = arith.constant 1664 : index
    %get3A_294 = arith.constant 0 : index
    %get3A_295 = vector.load %arg2[%get3A_293, %get3A_294] : memref<2048x128xf32, #tpu.memory_space<vmem>>, vector<128x128xf32>
    %mul3A_296 = vector.broadcast %transpose3A_287 : vector<128x1xf32> to vector<128x128xf32>
    %mul3A_297 = arith.mulf %get3A_295, %mul3A_296 : vector<128x128xf32>
    %jit3A_298 = arith.constant 0.000000e+00 : f32
    %broadcast_in_dim3A_299 = vector.shape_cast %gt3A_292 : vector<128x1xi1> to vector<128x1xi1>
    %broadcast_in_dim3A_300 = vector.broadcast %broadcast_in_dim3A_299 : vector<128x1xi1> to vector<128x128xi1>
    %broadcast_in_dim3A_301 = vector.broadcast %jit3A_298 : f32 to vector<128x128xf32>
    %select_n3A_302 = arith.select %broadcast_in_dim3A_300, %mul3A_297, %broadcast_in_dim3A_301 : vector<128x128xi1>, vector<128x128xf32>
    %swap3A_303 = arith.constant 1664 : index
    %swap3A_304 = arith.constant 0 : index
    %swap3A_305 = vector.load %arg4[%swap3A_303, %swap3A_304] : memref<2048x128xf32, #tpu.memory_space<vmem>>, vector<128x128xf32>
    tpu.vector_store %arg4[%swap3A_303, %swap3A_304], %select_n3A_302 {strides = array<i32>} : memref<2048x128xf32, #tpu.memory_space<vmem>>, vector<128x128xf32>,
    %slice3A_306 = vector.extract_strided_slice %select_n3A {offsets = [14, 0], sizes = [1, 128], strides = [1, 1]} : vector<16x128xf32> to vector<1x128xf32>
    %transpose3A_307 = tpu.transpose %slice3A_306, [1, 0] : vector<1x128xf32> -> vector<128x1xf32>
    %slice3A_308 = vector.extract_strided_slice %select_n3A_26 {offsets = [14, 0], sizes = [1, 128], strides = [1, 1]} : vector<16x128xf32> to vector<1x128xf32>
    %transpose3A_309 = tpu.transpose %slice3A_308, [1, 0] : vector<1x128xf32> -> vector<128x1xf32>
    %gt3A_310 = arith.constant 0.000000e+00 : f32
    %gt3A_311 = vector.broadcast %gt3A_310 : f32 to vector<128x1xf32>
    %gt3A_312 = arith.cmpf ogt, %transpose3A_309, %gt3A_311 : vector<128x1xf32>
    %get3A_313 = arith.constant 1792 : index
    %get3A_314 = arith.constant 0 : index
    %get3A_315 = vector.load %arg2[%get3A_313, %get3A_314] : memref<2048x128xf32, #tpu.memory_space<vmem>>, vector<128x128xf32>
    %mul3A_316 = vector.broadcast %transpose3A_307 : vector<128x1xf32> to vector<128x128xf32>
    %mul3A_317 = arith.mulf %get3A_315, %mul3A_316 : vector<128x128xf32>
    %jit3A_318 = arith.constant 0.000000e+00 : f32
    %broadcast_in_dim3A_319 = vector.shape_cast %gt3A_312 : vector<128x1xi1> to vector<128x1xi1>
    %broadcast_in_dim3A_320 = vector.broadcast %broadcast_in_dim3A_319 : vector<128x1xi1> to vector<128x128xi1>
    %broadcast_in_dim3A_321 = vector.broadcast %jit3A_318 : f32 to vector<128x128xf32>
    %select_n3A_322 = arith.select %broadcast_in_dim3A_320, %mul3A_317, %broadcast_in_dim3A_321 : vector<128x128xi1>, vector<128x128xf32>
    %swap3A_323 = arith.constant 1792 : index
    %swap3A_324 = arith.constant 0 : index
    %swap3A_325 = vector.load %arg4[%swap3A_323, %swap3A_324] : memref<2048x128xf32, #tpu.memory_space<vmem>>, vector<128x128xf32>
    tpu.vector_store %arg4[%swap3A_323, %swap3A_324], %select_n3A_322 {strides = array<i32>} : memref<2048x128xf32, #tpu.memory_space<vmem>>, vector<128x128xf32>,
    %slice3A_326 = vector.extract_strided_slice %select_n3A {offsets = [15, 0], sizes = [1, 128], strides = [1, 1]} : vector<16x128xf32> to vector<1x128xf32>
    %transpose3A_327 = tpu.transpose %slice3A_326, [1, 0] : vector<1x128xf32> -> vector<128x1xf32>
    %slice3A_328 = vector.extract_strided_slice %select_n3A_26 {offsets = [15, 0], sizes = [1, 128], strides = [1, 1]} : vector<16x128xf32> to vector<1x128xf32>
    %transpose3A_329 = tpu.transpose %slice3A_328, [1, 0] : vector<1x128xf32> -> vector<128x1xf32>
    %gt3A_330 = arith.constant 0.000000e+00 : f32
    %gt3A_331 = vector.broadcast %gt3A_330 : f32 to vector<128x1xf32>
    %gt3A_332 = arith.cmpf ogt, %transpose3A_329, %gt3A_331 : vector<128x1xf32>
    %get3A_333 = arith.constant 1920 : index
    %get3A_334 = arith.constant 0 : index
    %get3A_335 = vector.load %arg2[%get3A_333, %get3A_334] : memref<2048x128xf32, #tpu.memory_space<vmem>>, vector<128x128xf32>
    %mul3A_336 = vector.broadcast %transpose3A_327 : vector<128x1xf32> to vector<128x128xf32>
    %mul3A_337 = arith.mulf %get3A_335, %mul3A_336 : vector<128x128xf32>
    %jit3A_338 = arith.constant 0.000000e+00 : f32
    %broadcast_in_dim3A_339 = vector.shape_cast %gt3A_332 : vector<128x1xi1> to vector<128x1xi1>
    %broadcast_in_dim3A_340 = vector.broadcast %broadcast_in_dim3A_339 : vector<128x1xi1> to vector<128x128xi1>
    %broadcast_in_dim3A_341 = vector.broadcast %jit3A_338 : f32 to vector<128x128xf32>
    %select_n3A_342 = arith.select %broadcast_in_dim3A_340, %mul3A_337, %broadcast_in_dim3A_341 : vector<128x128xi1>, vector<128x128xf32>
    %swap3A_343 = arith.constant 1920 : index
    %swap3A_344 = arith.constant 0 : index
    %swap3A_345 = vector.load %arg4[%swap3A_343, %swap3A_344] : memref<2048x128xf32, #tpu.memory_space<vmem>>, vector<128x128xf32>
    tpu.vector_store %arg4[%swap3A_343, %swap3A_344], %select_n3A_342 {strides = array<i32>} : memref<2048x128xf32, #tpu.memory_space<vmem>>, vector<128x128xf32>,
    return
  }
  func.func @transform_0(%arg0: i32) -> (i32, i32, i32) {
    %c0_i32 = arith.constant 0 : i32
    %c0_i32_0 = arith.constant 0 : i32
    %c0_i32_1 = arith.constant 0 : i32
    return %c0_i32, %arg0, %c0_i32_0 : i32, i32, i32
  }
  func.func @transform_1(%arg0: i32) -> (i32, i32) {
    %c0_i32 = arith.constant 0 : i32
    %c0_i32_0 = arith.constant 0 : i32
    return %arg0, %c0_i32 : i32, i32
  }
  func.func @transform_2(%arg0: i32) -> (i32, i32) {
    %c0_i32 = arith.constant 0 : i32
    %c0_i32_0 = arith.constant 0 : i32
    return %arg0, %c0_i32 : i32, i32
  }
  func.func @transform_3(%arg0: i32) -> (i32, i32) {
    %c0_i32 = arith.constant 0 : i32
    %c0_i32_0 = arith.constant 0 : i32
    return %arg0, %c0_i32 : i32, i32
  }
}

module attributes {stable_mosaic.version = 14 : i64} {
  func.func @body(%arg0: i32, %arg1: memref<2048x256xf32, #tpu.memory_space<vmem>>, %arg2: memref<256x128xf32, #tpu.memory_space<vmem>>, %arg3: memref<2048x128xf32, #tpu.memory_space<vmem>>) attributes {dimension_semantics = [#tpu.dimension_semantics<arbitrary>], iteration_bounds = array<i64: 5>, scalar_prefetch = 0 : i64, scratch_operands = 0 : i64, tpu.core_type = #tpu.core_type<tc>, window_params = [{transform_indices = @transform_0, window_bounds = array<i64: 2048, 256>}, {pipeline_mode = #tpu.pipeline_mode<synchronous>, transform_indices = @transform_1, window_bounds = array<i64: 256, 128>}, {transform_indices = @transform_2, window_bounds = array<i64: 2048, 128>}]} {
    %get3A = arith.constant 0 : index
    %get3A_0 = arith.constant 0 : index
    %get3A_1 = vector.load %arg1[%get3A, %get3A_0] : memref<2048x256xf32, #tpu.memory_space<vmem>>, vector<2048x256xf32>
    %get3A_2 = arith.constant 0 : index
    %get3A_3 = arith.constant 0 : index
    %get3A_4 = vector.load %arg2[%get3A_2, %get3A_3] : memref<256x128xf32, #tpu.memory_space<vmem>>, vector<256x128xf32>
    %dot_general3A = arith.constant dense<0.000000e+00> : vector<2048x128xf32>
    %dot_general3A_5 = tpu.matmul %get3A_1, %get3A_4, %dot_general3A {dimension_numbers = #tpu.dot_dimension_numbers<[1], [0], [0], [1], [0, 0, 1, 1], [], []>, transpose_lhs_hint = false} : vector<2048x256xf32>, vector<256x128xf32>, vector<2048x128xf32> -> vector<2048x128xf32>
    %swap3A = arith.constant 0 : index
    %swap3A_6 = arith.constant 0 : index
    %swap3A_7 = vector.load %arg3[%swap3A, %swap3A_6] : memref<2048x128xf32, #tpu.memory_space<vmem>>, vector<2048x128xf32>
    tpu.vector_store %arg3[%swap3A, %swap3A_6], %dot_general3A_5 {strides = array<i32>} : memref<2048x128xf32, #tpu.memory_space<vmem>>, vector<2048x128xf32>,
    return
  }
  func.func @transform_0(%arg0: i32) -> (i32, i32) {
    %c0_i32 = arith.constant 0 : i32
    %c0_i32_0 = arith.constant 0 : i32
    return %arg0, %c0_i32 : i32, i32
  }
  func.func @transform_1(%arg0: i32) -> (i32, i32) {
    %c0_i32 = arith.constant 0 : i32
    %c0_i32_0 = arith.constant 0 : i32
    %c0_i32_1 = arith.constant 0 : i32
    return %c0_i32, %c0_i32_0 : i32, i32
  }
  func.func @transform_2(%arg0: i32) -> (i32, i32) {
    %c0_i32 = arith.constant 0 : i32
    %c0_i32_0 = arith.constant 0 : i32
    return %arg0, %c0_i32 : i32, i32
  }
}

module attributes {stable_mosaic.version = 14 : i64} {
  func.func @body(%arg0: i32, %arg1: memref<2x2048x128xf32, #tpu.memory_space<vmem>>, %arg2: memref<2048x128xf32, #tpu.memory_space<vmem>>, %arg3: memref<16x128xf32, #tpu.memory_space<vmem>>, %arg4: memref<2x16x128xf32, #tpu.memory_space<vmem>>, %arg5: memref<1x128xf32, #tpu.memory_space<vmem>>, %arg6: memref<128x64xf32, #tpu.memory_space<vmem>>, %arg7: memref<1x64xf32, #tpu.memory_space<vmem>>, %arg8: memref<1x64xf32, #tpu.memory_space<vmem>>, %arg9: memref<1x128xf32, #tpu.memory_space<vmem>>) attributes {dimension_semantics = [#tpu.dimension_semantics<arbitrary>], iteration_bounds = array<i64: 5>, scalar_prefetch = 0 : i64, scratch_operands = 1 : i64, tpu.core_type = #tpu.core_type<tc>, window_params = [{transform_indices = @transform_0, window_bounds = array<i64: 2, 2048, 128>}, {transform_indices = @transform_1, window_bounds = array<i64: 2048, 128>}, {transform_indices = @transform_2, window_bounds = array<i64: 16, 128>}, {transform_indices = @transform_3, window_bounds = array<i64: 2, 16, 128>}, {pipeline_mode = #tpu.pipeline_mode<synchronous>, transform_indices = @transform_4, window_bounds = array<i64: 1, 128>}, {pipeline_mode = #tpu.pipeline_mode<synchronous>, transform_indices = @transform_5, window_bounds = array<i64: 128, 64>}, {pipeline_mode = #tpu.pipeline_mode<synchronous>, transform_indices = @transform_6, window_bounds = array<i64: 1, 64>}, {pipeline_mode = #tpu.pipeline_mode<synchronous>, transform_indices = @transform_7, window_bounds = array<i64: 1, 64>}]} {
    %get3A = arith.constant 0 : index
    %get3A_0 = arith.constant 0 : index
    %get3A_1 = arith.constant 0 : index
    %get3A_2 = vector.load %arg1[%get3A, %get3A_0, %get3A_1] : memref<2x2048x128xf32, #tpu.memory_space<vmem>>, vector<1x2048x128xf32>
    %get3A_3 = vector.shape_cast %get3A_2 : vector<1x2048x128xf32> to vector<2048x128xf32>
    %get3A_4 = arith.constant 1 : index
    %get3A_5 = arith.constant 0 : index
    %get3A_6 = arith.constant 0 : index
    %get3A_7 = vector.load %arg1[%get3A_4, %get3A_5, %get3A_6] : memref<2x2048x128xf32, #tpu.memory_space<vmem>>, vector<1x2048x128xf32>
    %get3A_8 = vector.shape_cast %get3A_7 : vector<1x2048x128xf32> to vector<2048x128xf32>
    %add3A = arith.addf %get3A_3, %get3A_8 : vector<2048x128xf32>
    %get3A_9 = arith.constant 0 : index
    %get3A_10 = arith.constant 0 : index
    %get3A_11 = arith.constant 0 : index
    %get3A_12 = vector.load %arg4[%get3A_9, %get3A_10, %get3A_11] : memref<2x16x128xf32, #tpu.memory_space<vmem>>, vector<1x16x128xf32>
    %get3A_13 = vector.shape_cast %get3A_12 : vector<1x16x128xf32> to vector<16x128xf32>
    %get3A_14 = arith.constant 1 : index
    %get3A_15 = arith.constant 0 : index
    %get3A_16 = arith.constant 0 : index
    %get3A_17 = vector.load %arg4[%get3A_14, %get3A_15, %get3A_16] : memref<2x16x128xf32, #tpu.memory_space<vmem>>, vector<1x16x128xf32>
    %get3A_18 = vector.shape_cast %get3A_17 : vector<1x16x128xf32> to vector<16x128xf32>
    %add3A_19 = arith.addf %get3A_13, %get3A_18 : vector<16x128xf32>
    %get3A_20 = arith.constant 0 : index
    %get3A_21 = arith.constant 0 : index
    %get3A_22 = vector.load %arg3[%get3A_20, %get3A_21] : memref<16x128xf32, #tpu.memory_space<vmem>>, vector<16x128xf32>
    %broadcast_in_dim3A = arith.constant 0.000000e+00 : f32
    %broadcast_in_dim3A_23 = vector.broadcast %broadcast_in_dim3A : f32 to vector<1x128xf32>
    %slice3A = vector.extract_strided_slice %get3A_22 {offsets = [0, 0], sizes = [1, 128], strides = [1, 1]} : vector<16x128xf32> to vector<1x128xf32>
    %transpose3A = tpu.transpose %slice3A, [1, 0] : vector<1x128xf32> -> vector<128x1xf32>
    %slice3A_24 = vector.extract_strided_slice %add3A_19 {offsets = [0, 0], sizes = [1, 128], strides = [1, 1]} : vector<16x128xf32> to vector<1x128xf32>
    %transpose3A_25 = tpu.transpose %slice3A_24, [1, 0] : vector<1x128xf32> -> vector<128x1xf32>
    %slice3A_26 = vector.extract_strided_slice %add3A {offsets = [0, 0], sizes = [128, 128], strides = [1, 1]} : vector<2048x128xf32> to vector<128x128xf32>
    %get3A_27 = arith.constant 0 : index
    %get3A_28 = arith.constant 0 : index
    %get3A_29 = vector.load %arg2[%get3A_27, %get3A_28] : memref<2048x128xf32, #tpu.memory_space<vmem>>, vector<128x128xf32>
    %add3A_30 = arith.addf %slice3A_26, %get3A_29 : vector<128x128xf32>
    %mul3A = vector.broadcast %transpose3A : vector<128x1xf32> to vector<128x128xf32>
    %mul3A_31 = arith.mulf %mul3A, %add3A_30 : vector<128x128xf32>
    %get3A_32 = arith.constant 0 : index
    %get3A_33 = arith.constant 0 : index
    %get3A_34 = vector.load %arg5[%get3A_32, %get3A_33] : memref<1x128xf32, #tpu.memory_space<vmem>>, vector<1x128xf32>
    %add3A_35 = vector.broadcast %get3A_34 : vector<1x128xf32> to vector<128x128xf32>
    %add3A_36 = arith.addf %mul3A_31, %add3A_35 : vector<128x128xf32>
    %max3A = arith.constant 0.000000e+00 : f32
    %max3A_37 = vector.broadcast %max3A : f32 to vector<128x128xf32>
    %max3A_38 = arith.maximumf %add3A_36, %max3A_37 : vector<128x128xf32>
    %add3A_39 = arith.addf %transpose3A_25, %transpose3A : vector<128x1xf32>
    %mul3A_40 = arith.mulf %transpose3A, %add3A_39 : vector<128x1xf32>
    %mul3A_41 = vector.broadcast %mul3A_40 : vector<128x1xf32> to vector<128x128xf32>
    %mul3A_42 = arith.mulf %mul3A_41, %max3A_38 : vector<128x128xf32>
    %reduce_sum3A = arith.constant dense<0.000000e+00> : vector<128xf32>
    %reduce_sum3A_43 = vector.multi_reduction <add>, %mul3A_42, %reduce_sum3A [0] : vector<128x128xf32> to vector<128xf32>
    %broadcast_in_dim3A_44 = vector.shape_cast %reduce_sum3A_43 : vector<128xf32> to vector<1x128xf32>
    %add3A_45 = arith.addf %broadcast_in_dim3A_23, %broadcast_in_dim3A_44 : vector<1x128xf32>
    %slice3A_46 = vector.extract_strided_slice %get3A_22 {offsets = [1, 0], sizes = [1, 128], strides = [1, 1]} : vector<16x128xf32> to vector<1x128xf32>
    %transpose3A_47 = tpu.transpose %slice3A_46, [1, 0] : vector<1x128xf32> -> vector<128x1xf32>
    %slice3A_48 = vector.extract_strided_slice %add3A_19 {offsets = [1, 0], sizes = [1, 128], strides = [1, 1]} : vector<16x128xf32> to vector<1x128xf32>
    %transpose3A_49 = tpu.transpose %slice3A_48, [1, 0] : vector<1x128xf32> -> vector<128x1xf32>
    %slice3A_50 = vector.extract_strided_slice %add3A {offsets = [128, 0], sizes = [128, 128], strides = [1, 1]} : vector<2048x128xf32> to vector<128x128xf32>
    %get3A_51 = arith.constant 128 : index
    %get3A_52 = arith.constant 0 : index
    %get3A_53 = vector.load %arg2[%get3A_51, %get3A_52] : memref<2048x128xf32, #tpu.memory_space<vmem>>, vector<128x128xf32>
    %add3A_54 = arith.addf %slice3A_50, %get3A_53 : vector<128x128xf32>
    %mul3A_55 = vector.broadcast %transpose3A_47 : vector<128x1xf32> to vector<128x128xf32>
    %mul3A_56 = arith.mulf %mul3A_55, %add3A_54 : vector<128x128xf32>
    %get3A_57 = arith.constant 0 : index
    %get3A_58 = arith.constant 0 : index
    %get3A_59 = vector.load %arg5[%get3A_57, %get3A_58] : memref<1x128xf32, #tpu.memory_space<vmem>>, vector<1x128xf32>
    %add3A_60 = vector.broadcast %get3A_59 : vector<1x128xf32> to vector<128x128xf32>
    %add3A_61 = arith.addf %mul3A_56, %add3A_60 : vector<128x128xf32>
    %max3A_62 = arith.constant 0.000000e+00 : f32
    %max3A_63 = vector.broadcast %max3A_62 : f32 to vector<128x128xf32>
    %max3A_64 = arith.maximumf %add3A_61, %max3A_63 : vector<128x128xf32>
    %add3A_65 = arith.addf %transpose3A_49, %transpose3A_47 : vector<128x1xf32>
    %mul3A_66 = arith.mulf %transpose3A_47, %add3A_65 : vector<128x1xf32>
    %mul3A_67 = vector.broadcast %mul3A_66 : vector<128x1xf32> to vector<128x128xf32>
    %mul3A_68 = arith.mulf %mul3A_67, %max3A_64 : vector<128x128xf32>
    %reduce_sum3A_69 = arith.constant dense<0.000000e+00> : vector<128xf32>
    %reduce_sum3A_70 = vector.multi_reduction <add>, %mul3A_68, %reduce_sum3A_69 [0] : vector<128x128xf32> to vector<128xf32>
    %broadcast_in_dim3A_71 = vector.shape_cast %reduce_sum3A_70 : vector<128xf32> to vector<1x128xf32>
    %add3A_72 = arith.addf %add3A_45, %broadcast_in_dim3A_71 : vector<1x128xf32>
    %slice3A_73 = vector.extract_strided_slice %get3A_22 {offsets = [2, 0], sizes = [1, 128], strides = [1, 1]} : vector<16x128xf32> to vector<1x128xf32>
    %transpose3A_74 = tpu.transpose %slice3A_73, [1, 0] : vector<1x128xf32> -> vector<128x1xf32>
    %slice3A_75 = vector.extract_strided_slice %add3A_19 {offsets = [2, 0], sizes = [1, 128], strides = [1, 1]} : vector<16x128xf32> to vector<1x128xf32>
    %transpose3A_76 = tpu.transpose %slice3A_75, [1, 0] : vector<1x128xf32> -> vector<128x1xf32>
    %slice3A_77 = vector.extract_strided_slice %add3A {offsets = [256, 0], sizes = [128, 128], strides = [1, 1]} : vector<2048x128xf32> to vector<128x128xf32>
    %get3A_78 = arith.constant 256 : index
    %get3A_79 = arith.constant 0 : index
    %get3A_80 = vector.load %arg2[%get3A_78, %get3A_79] : memref<2048x128xf32, #tpu.memory_space<vmem>>, vector<128x128xf32>
    %add3A_81 = arith.addf %slice3A_77, %get3A_80 : vector<128x128xf32>
    %mul3A_82 = vector.broadcast %transpose3A_74 : vector<128x1xf32> to vector<128x128xf32>
    %mul3A_83 = arith.mulf %mul3A_82, %add3A_81 : vector<128x128xf32>
    %get3A_84 = arith.constant 0 : index
    %get3A_85 = arith.constant 0 : index
    %get3A_86 = vector.load %arg5[%get3A_84, %get3A_85] : memref<1x128xf32, #tpu.memory_space<vmem>>, vector<1x128xf32>
    %add3A_87 = vector.broadcast %get3A_86 : vector<1x128xf32> to vector<128x128xf32>
    %add3A_88 = arith.addf %mul3A_83, %add3A_87 : vector<128x128xf32>
    %max3A_89 = arith.constant 0.000000e+00 : f32
    %max3A_90 = vector.broadcast %max3A_89 : f32 to vector<128x128xf32>
    %max3A_91 = arith.maximumf %add3A_88, %max3A_90 : vector<128x128xf32>
    %add3A_92 = arith.addf %transpose3A_76, %transpose3A_74 : vector<128x1xf32>
    %mul3A_93 = arith.mulf %transpose3A_74, %add3A_92 : vector<128x1xf32>
    %mul3A_94 = vector.broadcast %mul3A_93 : vector<128x1xf32> to vector<128x128xf32>
    %mul3A_95 = arith.mulf %mul3A_94, %max3A_91 : vector<128x128xf32>
    %reduce_sum3A_96 = arith.constant dense<0.000000e+00> : vector<128xf32>
    %reduce_sum3A_97 = vector.multi_reduction <add>, %mul3A_95, %reduce_sum3A_96 [0] : vector<128x128xf32> to vector<128xf32>
    %broadcast_in_dim3A_98 = vector.shape_cast %reduce_sum3A_97 : vector<128xf32> to vector<1x128xf32>
    %add3A_99 = arith.addf %add3A_72, %broadcast_in_dim3A_98 : vector<1x128xf32>
    %slice3A_100 = vector.extract_strided_slice %get3A_22 {offsets = [3, 0], sizes = [1, 128], strides = [1, 1]} : vector<16x128xf32> to vector<1x128xf32>
    %transpose3A_101 = tpu.transpose %slice3A_100, [1, 0] : vector<1x128xf32> -> vector<128x1xf32>
    %slice3A_102 = vector.extract_strided_slice %add3A_19 {offsets = [3, 0], sizes = [1, 128], strides = [1, 1]} : vector<16x128xf32> to vector<1x128xf32>
    %transpose3A_103 = tpu.transpose %slice3A_102, [1, 0] : vector<1x128xf32> -> vector<128x1xf32>
    %slice3A_104 = vector.extract_strided_slice %add3A {offsets = [384, 0], sizes = [128, 128], strides = [1, 1]} : vector<2048x128xf32> to vector<128x128xf32>
    %get3A_105 = arith.constant 384 : index
    %get3A_106 = arith.constant 0 : index
    %get3A_107 = vector.load %arg2[%get3A_105, %get3A_106] : memref<2048x128xf32, #tpu.memory_space<vmem>>, vector<128x128xf32>
    %add3A_108 = arith.addf %slice3A_104, %get3A_107 : vector<128x128xf32>
    %mul3A_109 = vector.broadcast %transpose3A_101 : vector<128x1xf32> to vector<128x128xf32>
    %mul3A_110 = arith.mulf %mul3A_109, %add3A_108 : vector<128x128xf32>
    %get3A_111 = arith.constant 0 : index
    %get3A_112 = arith.constant 0 : index
    %get3A_113 = vector.load %arg5[%get3A_111, %get3A_112] : memref<1x128xf32, #tpu.memory_space<vmem>>, vector<1x128xf32>
    %add3A_114 = vector.broadcast %get3A_113 : vector<1x128xf32> to vector<128x128xf32>
    %add3A_115 = arith.addf %mul3A_110, %add3A_114 : vector<128x128xf32>
    %max3A_116 = arith.constant 0.000000e+00 : f32
    %max3A_117 = vector.broadcast %max3A_116 : f32 to vector<128x128xf32>
    %max3A_118 = arith.maximumf %add3A_115, %max3A_117 : vector<128x128xf32>
    %add3A_119 = arith.addf %transpose3A_103, %transpose3A_101 : vector<128x1xf32>
    %mul3A_120 = arith.mulf %transpose3A_101, %add3A_119 : vector<128x1xf32>
    %mul3A_121 = vector.broadcast %mul3A_120 : vector<128x1xf32> to vector<128x128xf32>
    %mul3A_122 = arith.mulf %mul3A_121, %max3A_118 : vector<128x128xf32>
    %reduce_sum3A_123 = arith.constant dense<0.000000e+00> : vector<128xf32>
    %reduce_sum3A_124 = vector.multi_reduction <add>, %mul3A_122, %reduce_sum3A_123 [0] : vector<128x128xf32> to vector<128xf32>
    %broadcast_in_dim3A_125 = vector.shape_cast %reduce_sum3A_124 : vector<128xf32> to vector<1x128xf32>
    %add3A_126 = arith.addf %add3A_99, %broadcast_in_dim3A_125 : vector<1x128xf32>
    %slice3A_127 = vector.extract_strided_slice %get3A_22 {offsets = [4, 0], sizes = [1, 128], strides = [1, 1]} : vector<16x128xf32> to vector<1x128xf32>
    %transpose3A_128 = tpu.transpose %slice3A_127, [1, 0] : vector<1x128xf32> -> vector<128x1xf32>
    %slice3A_129 = vector.extract_strided_slice %add3A_19 {offsets = [4, 0], sizes = [1, 128], strides = [1, 1]} : vector<16x128xf32> to vector<1x128xf32>
    %transpose3A_130 = tpu.transpose %slice3A_129, [1, 0] : vector<1x128xf32> -> vector<128x1xf32>
    %slice3A_131 = vector.extract_strided_slice %add3A {offsets = [512, 0], sizes = [128, 128], strides = [1, 1]} : vector<2048x128xf32> to vector<128x128xf32>
    %get3A_132 = arith.constant 512 : index
    %get3A_133 = arith.constant 0 : index
    %get3A_134 = vector.load %arg2[%get3A_132, %get3A_133] : memref<2048x128xf32, #tpu.memory_space<vmem>>, vector<128x128xf32>
    %add3A_135 = arith.addf %slice3A_131, %get3A_134 : vector<128x128xf32>
    %mul3A_136 = vector.broadcast %transpose3A_128 : vector<128x1xf32> to vector<128x128xf32>
    %mul3A_137 = arith.mulf %mul3A_136, %add3A_135 : vector<128x128xf32>
    %get3A_138 = arith.constant 0 : index
    %get3A_139 = arith.constant 0 : index
    %get3A_140 = vector.load %arg5[%get3A_138, %get3A_139] : memref<1x128xf32, #tpu.memory_space<vmem>>, vector<1x128xf32>
    %add3A_141 = vector.broadcast %get3A_140 : vector<1x128xf32> to vector<128x128xf32>
    %add3A_142 = arith.addf %mul3A_137, %add3A_141 : vector<128x128xf32>
    %max3A_143 = arith.constant 0.000000e+00 : f32
    %max3A_144 = vector.broadcast %max3A_143 : f32 to vector<128x128xf32>
    %max3A_145 = arith.maximumf %add3A_142, %max3A_144 : vector<128x128xf32>
    %add3A_146 = arith.addf %transpose3A_130, %transpose3A_128 : vector<128x1xf32>
    %mul3A_147 = arith.mulf %transpose3A_128, %add3A_146 : vector<128x1xf32>
    %mul3A_148 = vector.broadcast %mul3A_147 : vector<128x1xf32> to vector<128x128xf32>
    %mul3A_149 = arith.mulf %mul3A_148, %max3A_145 : vector<128x128xf32>
    %reduce_sum3A_150 = arith.constant dense<0.000000e+00> : vector<128xf32>
    %reduce_sum3A_151 = vector.multi_reduction <add>, %mul3A_149, %reduce_sum3A_150 [0] : vector<128x128xf32> to vector<128xf32>
    %broadcast_in_dim3A_152 = vector.shape_cast %reduce_sum3A_151 : vector<128xf32> to vector<1x128xf32>
    %add3A_153 = arith.addf %add3A_126, %broadcast_in_dim3A_152 : vector<1x128xf32>
    %slice3A_154 = vector.extract_strided_slice %get3A_22 {offsets = [5, 0], sizes = [1, 128], strides = [1, 1]} : vector<16x128xf32> to vector<1x128xf32>
    %transpose3A_155 = tpu.transpose %slice3A_154, [1, 0] : vector<1x128xf32> -> vector<128x1xf32>
    %slice3A_156 = vector.extract_strided_slice %add3A_19 {offsets = [5, 0], sizes = [1, 128], strides = [1, 1]} : vector<16x128xf32> to vector<1x128xf32>
    %transpose3A_157 = tpu.transpose %slice3A_156, [1, 0] : vector<1x128xf32> -> vector<128x1xf32>
    %slice3A_158 = vector.extract_strided_slice %add3A {offsets = [640, 0], sizes = [128, 128], strides = [1, 1]} : vector<2048x128xf32> to vector<128x128xf32>
    %get3A_159 = arith.constant 640 : index
    %get3A_160 = arith.constant 0 : index
    %get3A_161 = vector.load %arg2[%get3A_159, %get3A_160] : memref<2048x128xf32, #tpu.memory_space<vmem>>, vector<128x128xf32>
    %add3A_162 = arith.addf %slice3A_158, %get3A_161 : vector<128x128xf32>
    %mul3A_163 = vector.broadcast %transpose3A_155 : vector<128x1xf32> to vector<128x128xf32>
    %mul3A_164 = arith.mulf %mul3A_163, %add3A_162 : vector<128x128xf32>
    %get3A_165 = arith.constant 0 : index
    %get3A_166 = arith.constant 0 : index
    %get3A_167 = vector.load %arg5[%get3A_165, %get3A_166] : memref<1x128xf32, #tpu.memory_space<vmem>>, vector<1x128xf32>
    %add3A_168 = vector.broadcast %get3A_167 : vector<1x128xf32> to vector<128x128xf32>
    %add3A_169 = arith.addf %mul3A_164, %add3A_168 : vector<128x128xf32>
    %max3A_170 = arith.constant 0.000000e+00 : f32
    %max3A_171 = vector.broadcast %max3A_170 : f32 to vector<128x128xf32>
    %max3A_172 = arith.maximumf %add3A_169, %max3A_171 : vector<128x128xf32>
    %add3A_173 = arith.addf %transpose3A_157, %transpose3A_155 : vector<128x1xf32>
    %mul3A_174 = arith.mulf %transpose3A_155, %add3A_173 : vector<128x1xf32>
    %mul3A_175 = vector.broadcast %mul3A_174 : vector<128x1xf32> to vector<128x128xf32>
    %mul3A_176 = arith.mulf %mul3A_175, %max3A_172 : vector<128x128xf32>
    %reduce_sum3A_177 = arith.constant dense<0.000000e+00> : vector<128xf32>
    %reduce_sum3A_178 = vector.multi_reduction <add>, %mul3A_176, %reduce_sum3A_177 [0] : vector<128x128xf32> to vector<128xf32>
    %broadcast_in_dim3A_179 = vector.shape_cast %reduce_sum3A_178 : vector<128xf32> to vector<1x128xf32>
    %add3A_180 = arith.addf %add3A_153, %broadcast_in_dim3A_179 : vector<1x128xf32>
    %slice3A_181 = vector.extract_strided_slice %get3A_22 {offsets = [6, 0], sizes = [1, 128], strides = [1, 1]} : vector<16x128xf32> to vector<1x128xf32>
    %transpose3A_182 = tpu.transpose %slice3A_181, [1, 0] : vector<1x128xf32> -> vector<128x1xf32>
    %slice3A_183 = vector.extract_strided_slice %add3A_19 {offsets = [6, 0], sizes = [1, 128], strides = [1, 1]} : vector<16x128xf32> to vector<1x128xf32>
    %transpose3A_184 = tpu.transpose %slice3A_183, [1, 0] : vector<1x128xf32> -> vector<128x1xf32>
    %slice3A_185 = vector.extract_strided_slice %add3A {offsets = [768, 0], sizes = [128, 128], strides = [1, 1]} : vector<2048x128xf32> to vector<128x128xf32>
    %get3A_186 = arith.constant 768 : index
    %get3A_187 = arith.constant 0 : index
    %get3A_188 = vector.load %arg2[%get3A_186, %get3A_187] : memref<2048x128xf32, #tpu.memory_space<vmem>>, vector<128x128xf32>
    %add3A_189 = arith.addf %slice3A_185, %get3A_188 : vector<128x128xf32>
    %mul3A_190 = vector.broadcast %transpose3A_182 : vector<128x1xf32> to vector<128x128xf32>
    %mul3A_191 = arith.mulf %mul3A_190, %add3A_189 : vector<128x128xf32>
    %get3A_192 = arith.constant 0 : index
    %get3A_193 = arith.constant 0 : index
    %get3A_194 = vector.load %arg5[%get3A_192, %get3A_193] : memref<1x128xf32, #tpu.memory_space<vmem>>, vector<1x128xf32>
    %add3A_195 = vector.broadcast %get3A_194 : vector<1x128xf32> to vector<128x128xf32>
    %add3A_196 = arith.addf %mul3A_191, %add3A_195 : vector<128x128xf32>
    %max3A_197 = arith.constant 0.000000e+00 : f32
    %max3A_198 = vector.broadcast %max3A_197 : f32 to vector<128x128xf32>
    %max3A_199 = arith.maximumf %add3A_196, %max3A_198 : vector<128x128xf32>
    %add3A_200 = arith.addf %transpose3A_184, %transpose3A_182 : vector<128x1xf32>
    %mul3A_201 = arith.mulf %transpose3A_182, %add3A_200 : vector<128x1xf32>
    %mul3A_202 = vector.broadcast %mul3A_201 : vector<128x1xf32> to vector<128x128xf32>
    %mul3A_203 = arith.mulf %mul3A_202, %max3A_199 : vector<128x128xf32>
    %reduce_sum3A_204 = arith.constant dense<0.000000e+00> : vector<128xf32>
    %reduce_sum3A_205 = vector.multi_reduction <add>, %mul3A_203, %reduce_sum3A_204 [0] : vector<128x128xf32> to vector<128xf32>
    %broadcast_in_dim3A_206 = vector.shape_cast %reduce_sum3A_205 : vector<128xf32> to vector<1x128xf32>
    %add3A_207 = arith.addf %add3A_180, %broadcast_in_dim3A_206 : vector<1x128xf32>
    %slice3A_208 = vector.extract_strided_slice %get3A_22 {offsets = [7, 0], sizes = [1, 128], strides = [1, 1]} : vector<16x128xf32> to vector<1x128xf32>
    %transpose3A_209 = tpu.transpose %slice3A_208, [1, 0] : vector<1x128xf32> -> vector<128x1xf32>
    %slice3A_210 = vector.extract_strided_slice %add3A_19 {offsets = [7, 0], sizes = [1, 128], strides = [1, 1]} : vector<16x128xf32> to vector<1x128xf32>
    %transpose3A_211 = tpu.transpose %slice3A_210, [1, 0] : vector<1x128xf32> -> vector<128x1xf32>
    %slice3A_212 = vector.extract_strided_slice %add3A {offsets = [896, 0], sizes = [128, 128], strides = [1, 1]} : vector<2048x128xf32> to vector<128x128xf32>
    %get3A_213 = arith.constant 896 : index
    %get3A_214 = arith.constant 0 : index
    %get3A_215 = vector.load %arg2[%get3A_213, %get3A_214] : memref<2048x128xf32, #tpu.memory_space<vmem>>, vector<128x128xf32>
    %add3A_216 = arith.addf %slice3A_212, %get3A_215 : vector<128x128xf32>
    %mul3A_217 = vector.broadcast %transpose3A_209 : vector<128x1xf32> to vector<128x128xf32>
    %mul3A_218 = arith.mulf %mul3A_217, %add3A_216 : vector<128x128xf32>
    %get3A_219 = arith.constant 0 : index
    %get3A_220 = arith.constant 0 : index
    %get3A_221 = vector.load %arg5[%get3A_219, %get3A_220] : memref<1x128xf32, #tpu.memory_space<vmem>>, vector<1x128xf32>
    %add3A_222 = vector.broadcast %get3A_221 : vector<1x128xf32> to vector<128x128xf32>
    %add3A_223 = arith.addf %mul3A_218, %add3A_222 : vector<128x128xf32>
    %max3A_224 = arith.constant 0.000000e+00 : f32
    %max3A_225 = vector.broadcast %max3A_224 : f32 to vector<128x128xf32>
    %max3A_226 = arith.maximumf %add3A_223, %max3A_225 : vector<128x128xf32>
    %add3A_227 = arith.addf %transpose3A_211, %transpose3A_209 : vector<128x1xf32>
    %mul3A_228 = arith.mulf %transpose3A_209, %add3A_227 : vector<128x1xf32>
    %mul3A_229 = vector.broadcast %mul3A_228 : vector<128x1xf32> to vector<128x128xf32>
    %mul3A_230 = arith.mulf %mul3A_229, %max3A_226 : vector<128x128xf32>
    %reduce_sum3A_231 = arith.constant dense<0.000000e+00> : vector<128xf32>
    %reduce_sum3A_232 = vector.multi_reduction <add>, %mul3A_230, %reduce_sum3A_231 [0] : vector<128x128xf32> to vector<128xf32>
    %broadcast_in_dim3A_233 = vector.shape_cast %reduce_sum3A_232 : vector<128xf32> to vector<1x128xf32>
    %add3A_234 = arith.addf %add3A_207, %broadcast_in_dim3A_233 : vector<1x128xf32>
    %slice3A_235 = vector.extract_strided_slice %get3A_22 {offsets = [8, 0], sizes = [1, 128], strides = [1, 1]} : vector<16x128xf32> to vector<1x128xf32>
    %transpose3A_236 = tpu.transpose %slice3A_235, [1, 0] : vector<1x128xf32> -> vector<128x1xf32>
    %slice3A_237 = vector.extract_strided_slice %add3A_19 {offsets = [8, 0], sizes = [1, 128], strides = [1, 1]} : vector<16x128xf32> to vector<1x128xf32>
    %transpose3A_238 = tpu.transpose %slice3A_237, [1, 0] : vector<1x128xf32> -> vector<128x1xf32>
    %slice3A_239 = vector.extract_strided_slice %add3A {offsets = [1024, 0], sizes = [128, 128], strides = [1, 1]} : vector<2048x128xf32> to vector<128x128xf32>
    %get3A_240 = arith.constant 1024 : index
    %get3A_241 = arith.constant 0 : index
    %get3A_242 = vector.load %arg2[%get3A_240, %get3A_241] : memref<2048x128xf32, #tpu.memory_space<vmem>>, vector<128x128xf32>
    %add3A_243 = arith.addf %slice3A_239, %get3A_242 : vector<128x128xf32>
    %mul3A_244 = vector.broadcast %transpose3A_236 : vector<128x1xf32> to vector<128x128xf32>
    %mul3A_245 = arith.mulf %mul3A_244, %add3A_243 : vector<128x128xf32>
    %get3A_246 = arith.constant 0 : index
    %get3A_247 = arith.constant 0 : index
    %get3A_248 = vector.load %arg5[%get3A_246, %get3A_247] : memref<1x128xf32, #tpu.memory_space<vmem>>, vector<1x128xf32>
    %add3A_249 = vector.broadcast %get3A_248 : vector<1x128xf32> to vector<128x128xf32>
    %add3A_250 = arith.addf %mul3A_245, %add3A_249 : vector<128x128xf32>
    %max3A_251 = arith.constant 0.000000e+00 : f32
    %max3A_252 = vector.broadcast %max3A_251 : f32 to vector<128x128xf32>
    %max3A_253 = arith.maximumf %add3A_250, %max3A_252 : vector<128x128xf32>
    %add3A_254 = arith.addf %transpose3A_238, %transpose3A_236 : vector<128x1xf32>
    %mul3A_255 = arith.mulf %transpose3A_236, %add3A_254 : vector<128x1xf32>
    %mul3A_256 = vector.broadcast %mul3A_255 : vector<128x1xf32> to vector<128x128xf32>
    %mul3A_257 = arith.mulf %mul3A_256, %max3A_253 : vector<128x128xf32>
    %reduce_sum3A_258 = arith.constant dense<0.000000e+00> : vector<128xf32>
    %reduce_sum3A_259 = vector.multi_reduction <add>, %mul3A_257, %reduce_sum3A_258 [0] : vector<128x128xf32> to vector<128xf32>
    %broadcast_in_dim3A_260 = vector.shape_cast %reduce_sum3A_259 : vector<128xf32> to vector<1x128xf32>
    %add3A_261 = arith.addf %add3A_234, %broadcast_in_dim3A_260 : vector<1x128xf32>
    %slice3A_262 = vector.extract_strided_slice %get3A_22 {offsets = [9, 0], sizes = [1, 128], strides = [1, 1]} : vector<16x128xf32> to vector<1x128xf32>
    %transpose3A_263 = tpu.transpose %slice3A_262, [1, 0] : vector<1x128xf32> -> vector<128x1xf32>
    %slice3A_264 = vector.extract_strided_slice %add3A_19 {offsets = [9, 0], sizes = [1, 128], strides = [1, 1]} : vector<16x128xf32> to vector<1x128xf32>
    %transpose3A_265 = tpu.transpose %slice3A_264, [1, 0] : vector<1x128xf32> -> vector<128x1xf32>
    %slice3A_266 = vector.extract_strided_slice %add3A {offsets = [1152, 0], sizes = [128, 128], strides = [1, 1]} : vector<2048x128xf32> to vector<128x128xf32>
    %get3A_267 = arith.constant 1152 : index
    %get3A_268 = arith.constant 0 : index
    %get3A_269 = vector.load %arg2[%get3A_267, %get3A_268] : memref<2048x128xf32, #tpu.memory_space<vmem>>, vector<128x128xf32>
    %add3A_270 = arith.addf %slice3A_266, %get3A_269 : vector<128x128xf32>
    %mul3A_271 = vector.broadcast %transpose3A_263 : vector<128x1xf32> to vector<128x128xf32>
    %mul3A_272 = arith.mulf %mul3A_271, %add3A_270 : vector<128x128xf32>
    %get3A_273 = arith.constant 0 : index
    %get3A_274 = arith.constant 0 : index
    %get3A_275 = vector.load %arg5[%get3A_273, %get3A_274] : memref<1x128xf32, #tpu.memory_space<vmem>>, vector<1x128xf32>
    %add3A_276 = vector.broadcast %get3A_275 : vector<1x128xf32> to vector<128x128xf32>
    %add3A_277 = arith.addf %mul3A_272, %add3A_276 : vector<128x128xf32>
    %max3A_278 = arith.constant 0.000000e+00 : f32
    %max3A_279 = vector.broadcast %max3A_278 : f32 to vector<128x128xf32>
    %max3A_280 = arith.maximumf %add3A_277, %max3A_279 : vector<128x128xf32>
    %add3A_281 = arith.addf %transpose3A_265, %transpose3A_263 : vector<128x1xf32>
    %mul3A_282 = arith.mulf %transpose3A_263, %add3A_281 : vector<128x1xf32>
    %mul3A_283 = vector.broadcast %mul3A_282 : vector<128x1xf32> to vector<128x128xf32>
    %mul3A_284 = arith.mulf %mul3A_283, %max3A_280 : vector<128x128xf32>
    %reduce_sum3A_285 = arith.constant dense<0.000000e+00> : vector<128xf32>
    %reduce_sum3A_286 = vector.multi_reduction <add>, %mul3A_284, %reduce_sum3A_285 [0] : vector<128x128xf32> to vector<128xf32>
    %broadcast_in_dim3A_287 = vector.shape_cast %reduce_sum3A_286 : vector<128xf32> to vector<1x128xf32>
    %add3A_288 = arith.addf %add3A_261, %broadcast_in_dim3A_287 : vector<1x128xf32>
    %slice3A_289 = vector.extract_strided_slice %get3A_22 {offsets = [10, 0], sizes = [1, 128], strides = [1, 1]} : vector<16x128xf32> to vector<1x128xf32>
    %transpose3A_290 = tpu.transpose %slice3A_289, [1, 0] : vector<1x128xf32> -> vector<128x1xf32>
    %slice3A_291 = vector.extract_strided_slice %add3A_19 {offsets = [10, 0], sizes = [1, 128], strides = [1, 1]} : vector<16x128xf32> to vector<1x128xf32>
    %transpose3A_292 = tpu.transpose %slice3A_291, [1, 0] : vector<1x128xf32> -> vector<128x1xf32>
    %slice3A_293 = vector.extract_strided_slice %add3A {offsets = [1280, 0], sizes = [128, 128], strides = [1, 1]} : vector<2048x128xf32> to vector<128x128xf32>
    %get3A_294 = arith.constant 1280 : index
    %get3A_295 = arith.constant 0 : index
    %get3A_296 = vector.load %arg2[%get3A_294, %get3A_295] : memref<2048x128xf32, #tpu.memory_space<vmem>>, vector<128x128xf32>
    %add3A_297 = arith.addf %slice3A_293, %get3A_296 : vector<128x128xf32>
    %mul3A_298 = vector.broadcast %transpose3A_290 : vector<128x1xf32> to vector<128x128xf32>
    %mul3A_299 = arith.mulf %mul3A_298, %add3A_297 : vector<128x128xf32>
    %get3A_300 = arith.constant 0 : index
    %get3A_301 = arith.constant 0 : index
    %get3A_302 = vector.load %arg5[%get3A_300, %get3A_301] : memref<1x128xf32, #tpu.memory_space<vmem>>, vector<1x128xf32>
    %add3A_303 = vector.broadcast %get3A_302 : vector<1x128xf32> to vector<128x128xf32>
    %add3A_304 = arith.addf %mul3A_299, %add3A_303 : vector<128x128xf32>
    %max3A_305 = arith.constant 0.000000e+00 : f32
    %max3A_306 = vector.broadcast %max3A_305 : f32 to vector<128x128xf32>
    %max3A_307 = arith.maximumf %add3A_304, %max3A_306 : vector<128x128xf32>
    %add3A_308 = arith.addf %transpose3A_292, %transpose3A_290 : vector<128x1xf32>
    %mul3A_309 = arith.mulf %transpose3A_290, %add3A_308 : vector<128x1xf32>
    %mul3A_310 = vector.broadcast %mul3A_309 : vector<128x1xf32> to vector<128x128xf32>
    %mul3A_311 = arith.mulf %mul3A_310, %max3A_307 : vector<128x128xf32>
    %reduce_sum3A_312 = arith.constant dense<0.000000e+00> : vector<128xf32>
    %reduce_sum3A_313 = vector.multi_reduction <add>, %mul3A_311, %reduce_sum3A_312 [0] : vector<128x128xf32> to vector<128xf32>
    %broadcast_in_dim3A_314 = vector.shape_cast %reduce_sum3A_313 : vector<128xf32> to vector<1x128xf32>
    %add3A_315 = arith.addf %add3A_288, %broadcast_in_dim3A_314 : vector<1x128xf32>
    %slice3A_316 = vector.extract_strided_slice %get3A_22 {offsets = [11, 0], sizes = [1, 128], strides = [1, 1]} : vector<16x128xf32> to vector<1x128xf32>
    %transpose3A_317 = tpu.transpose %slice3A_316, [1, 0] : vector<1x128xf32> -> vector<128x1xf32>
    %slice3A_318 = vector.extract_strided_slice %add3A_19 {offsets = [11, 0], sizes = [1, 128], strides = [1, 1]} : vector<16x128xf32> to vector<1x128xf32>
    %transpose3A_319 = tpu.transpose %slice3A_318, [1, 0] : vector<1x128xf32> -> vector<128x1xf32>
    %slice3A_320 = vector.extract_strided_slice %add3A {offsets = [1408, 0], sizes = [128, 128], strides = [1, 1]} : vector<2048x128xf32> to vector<128x128xf32>
    %get3A_321 = arith.constant 1408 : index
    %get3A_322 = arith.constant 0 : index
    %get3A_323 = vector.load %arg2[%get3A_321, %get3A_322] : memref<2048x128xf32, #tpu.memory_space<vmem>>, vector<128x128xf32>
    %add3A_324 = arith.addf %slice3A_320, %get3A_323 : vector<128x128xf32>
    %mul3A_325 = vector.broadcast %transpose3A_317 : vector<128x1xf32> to vector<128x128xf32>
    %mul3A_326 = arith.mulf %mul3A_325, %add3A_324 : vector<128x128xf32>
    %get3A_327 = arith.constant 0 : index
    %get3A_328 = arith.constant 0 : index
    %get3A_329 = vector.load %arg5[%get3A_327, %get3A_328] : memref<1x128xf32, #tpu.memory_space<vmem>>, vector<1x128xf32>
    %add3A_330 = vector.broadcast %get3A_329 : vector<1x128xf32> to vector<128x128xf32>
    %add3A_331 = arith.addf %mul3A_326, %add3A_330 : vector<128x128xf32>
    %max3A_332 = arith.constant 0.000000e+00 : f32
    %max3A_333 = vector.broadcast %max3A_332 : f32 to vector<128x128xf32>
    %max3A_334 = arith.maximumf %add3A_331, %max3A_333 : vector<128x128xf32>
    %add3A_335 = arith.addf %transpose3A_319, %transpose3A_317 : vector<128x1xf32>
    %mul3A_336 = arith.mulf %transpose3A_317, %add3A_335 : vector<128x1xf32>
    %mul3A_337 = vector.broadcast %mul3A_336 : vector<128x1xf32> to vector<128x128xf32>
    %mul3A_338 = arith.mulf %mul3A_337, %max3A_334 : vector<128x128xf32>
    %reduce_sum3A_339 = arith.constant dense<0.000000e+00> : vector<128xf32>
    %reduce_sum3A_340 = vector.multi_reduction <add>, %mul3A_338, %reduce_sum3A_339 [0] : vector<128x128xf32> to vector<128xf32>
    %broadcast_in_dim3A_341 = vector.shape_cast %reduce_sum3A_340 : vector<128xf32> to vector<1x128xf32>
    %add3A_342 = arith.addf %add3A_315, %broadcast_in_dim3A_341 : vector<1x128xf32>
    %slice3A_343 = vector.extract_strided_slice %get3A_22 {offsets = [12, 0], sizes = [1, 128], strides = [1, 1]} : vector<16x128xf32> to vector<1x128xf32>
    %transpose3A_344 = tpu.transpose %slice3A_343, [1, 0] : vector<1x128xf32> -> vector<128x1xf32>
    %slice3A_345 = vector.extract_strided_slice %add3A_19 {offsets = [12, 0], sizes = [1, 128], strides = [1, 1]} : vector<16x128xf32> to vector<1x128xf32>
    %transpose3A_346 = tpu.transpose %slice3A_345, [1, 0] : vector<1x128xf32> -> vector<128x1xf32>
    %slice3A_347 = vector.extract_strided_slice %add3A {offsets = [1536, 0], sizes = [128, 128], strides = [1, 1]} : vector<2048x128xf32> to vector<128x128xf32>
    %get3A_348 = arith.constant 1536 : index
    %get3A_349 = arith.constant 0 : index
    %get3A_350 = vector.load %arg2[%get3A_348, %get3A_349] : memref<2048x128xf32, #tpu.memory_space<vmem>>, vector<128x128xf32>
    %add3A_351 = arith.addf %slice3A_347, %get3A_350 : vector<128x128xf32>
    %mul3A_352 = vector.broadcast %transpose3A_344 : vector<128x1xf32> to vector<128x128xf32>
    %mul3A_353 = arith.mulf %mul3A_352, %add3A_351 : vector<128x128xf32>
    %get3A_354 = arith.constant 0 : index
    %get3A_355 = arith.constant 0 : index
    %get3A_356 = vector.load %arg5[%get3A_354, %get3A_355] : memref<1x128xf32, #tpu.memory_space<vmem>>, vector<1x128xf32>
    %add3A_357 = vector.broadcast %get3A_356 : vector<1x128xf32> to vector<128x128xf32>
    %add3A_358 = arith.addf %mul3A_353, %add3A_357 : vector<128x128xf32>
    %max3A_359 = arith.constant 0.000000e+00 : f32
    %max3A_360 = vector.broadcast %max3A_359 : f32 to vector<128x128xf32>
    %max3A_361 = arith.maximumf %add3A_358, %max3A_360 : vector<128x128xf32>
    %add3A_362 = arith.addf %transpose3A_346, %transpose3A_344 : vector<128x1xf32>
    %mul3A_363 = arith.mulf %transpose3A_344, %add3A_362 : vector<128x1xf32>
    %mul3A_364 = vector.broadcast %mul3A_363 : vector<128x1xf32> to vector<128x128xf32>
    %mul3A_365 = arith.mulf %mul3A_364, %max3A_361 : vector<128x128xf32>
    %reduce_sum3A_366 = arith.constant dense<0.000000e+00> : vector<128xf32>
    %reduce_sum3A_367 = vector.multi_reduction <add>, %mul3A_365, %reduce_sum3A_366 [0] : vector<128x128xf32> to vector<128xf32>
    %broadcast_in_dim3A_368 = vector.shape_cast %reduce_sum3A_367 : vector<128xf32> to vector<1x128xf32>
    %add3A_369 = arith.addf %add3A_342, %broadcast_in_dim3A_368 : vector<1x128xf32>
    %slice3A_370 = vector.extract_strided_slice %get3A_22 {offsets = [13, 0], sizes = [1, 128], strides = [1, 1]} : vector<16x128xf32> to vector<1x128xf32>
    %transpose3A_371 = tpu.transpose %slice3A_370, [1, 0] : vector<1x128xf32> -> vector<128x1xf32>
    %slice3A_372 = vector.extract_strided_slice %add3A_19 {offsets = [13, 0], sizes = [1, 128], strides = [1, 1]} : vector<16x128xf32> to vector<1x128xf32>
    %transpose3A_373 = tpu.transpose %slice3A_372, [1, 0] : vector<1x128xf32> -> vector<128x1xf32>
    %slice3A_374 = vector.extract_strided_slice %add3A {offsets = [1664, 0], sizes = [128, 128], strides = [1, 1]} : vector<2048x128xf32> to vector<128x128xf32>
    %get3A_375 = arith.constant 1664 : index
    %get3A_376 = arith.constant 0 : index
    %get3A_377 = vector.load %arg2[%get3A_375, %get3A_376] : memref<2048x128xf32, #tpu.memory_space<vmem>>, vector<128x128xf32>
    %add3A_378 = arith.addf %slice3A_374, %get3A_377 : vector<128x128xf32>
    %mul3A_379 = vector.broadcast %transpose3A_371 : vector<128x1xf32> to vector<128x128xf32>
    %mul3A_380 = arith.mulf %mul3A_379, %add3A_378 : vector<128x128xf32>
    %get3A_381 = arith.constant 0 : index
    %get3A_382 = arith.constant 0 : index
    %get3A_383 = vector.load %arg5[%get3A_381, %get3A_382] : memref<1x128xf32, #tpu.memory_space<vmem>>, vector<1x128xf32>
    %add3A_384 = vector.broadcast %get3A_383 : vector<1x128xf32> to vector<128x128xf32>
    %add3A_385 = arith.addf %mul3A_380, %add3A_384 : vector<128x128xf32>
    %max3A_386 = arith.constant 0.000000e+00 : f32
    %max3A_387 = vector.broadcast %max3A_386 : f32 to vector<128x128xf32>
    %max3A_388 = arith.maximumf %add3A_385, %max3A_387 : vector<128x128xf32>
    %add3A_389 = arith.addf %transpose3A_373, %transpose3A_371 : vector<128x1xf32>
    %mul3A_390 = arith.mulf %transpose3A_371, %add3A_389 : vector<128x1xf32>
    %mul3A_391 = vector.broadcast %mul3A_390 : vector<128x1xf32> to vector<128x128xf32>
    %mul3A_392 = arith.mulf %mul3A_391, %max3A_388 : vector<128x128xf32>
    %reduce_sum3A_393 = arith.constant dense<0.000000e+00> : vector<128xf32>
    %reduce_sum3A_394 = vector.multi_reduction <add>, %mul3A_392, %reduce_sum3A_393 [0] : vector<128x128xf32> to vector<128xf32>
    %broadcast_in_dim3A_395 = vector.shape_cast %reduce_sum3A_394 : vector<128xf32> to vector<1x128xf32>
    %add3A_396 = arith.addf %add3A_369, %broadcast_in_dim3A_395 : vector<1x128xf32>
    %slice3A_397 = vector.extract_strided_slice %get3A_22 {offsets = [14, 0], sizes = [1, 128], strides = [1, 1]} : vector<16x128xf32> to vector<1x128xf32>
    %transpose3A_398 = tpu.transpose %slice3A_397, [1, 0] : vector<1x128xf32> -> vector<128x1xf32>
    %slice3A_399 = vector.extract_strided_slice %add3A_19 {offsets = [14, 0], sizes = [1, 128], strides = [1, 1]} : vector<16x128xf32> to vector<1x128xf32>
    %transpose3A_400 = tpu.transpose %slice3A_399, [1, 0] : vector<1x128xf32> -> vector<128x1xf32>
    %slice3A_401 = vector.extract_strided_slice %add3A {offsets = [1792, 0], sizes = [128, 128], strides = [1, 1]} : vector<2048x128xf32> to vector<128x128xf32>
    %get3A_402 = arith.constant 1792 : index
    %get3A_403 = arith.constant 0 : index
    %get3A_404 = vector.load %arg2[%get3A_402, %get3A_403] : memref<2048x128xf32, #tpu.memory_space<vmem>>, vector<128x128xf32>
    %add3A_405 = arith.addf %slice3A_401, %get3A_404 : vector<128x128xf32>
    %mul3A_406 = vector.broadcast %transpose3A_398 : vector<128x1xf32> to vector<128x128xf32>
    %mul3A_407 = arith.mulf %mul3A_406, %add3A_405 : vector<128x128xf32>
    %get3A_408 = arith.constant 0 : index
    %get3A_409 = arith.constant 0 : index
    %get3A_410 = vector.load %arg5[%get3A_408, %get3A_409] : memref<1x128xf32, #tpu.memory_space<vmem>>, vector<1x128xf32>
    %add3A_411 = vector.broadcast %get3A_410 : vector<1x128xf32> to vector<128x128xf32>
    %add3A_412 = arith.addf %mul3A_407, %add3A_411 : vector<128x128xf32>
    %max3A_413 = arith.constant 0.000000e+00 : f32
    %max3A_414 = vector.broadcast %max3A_413 : f32 to vector<128x128xf32>
    %max3A_415 = arith.maximumf %add3A_412, %max3A_414 : vector<128x128xf32>
    %add3A_416 = arith.addf %transpose3A_400, %transpose3A_398 : vector<128x1xf32>
    %mul3A_417 = arith.mulf %transpose3A_398, %add3A_416 : vector<128x1xf32>
    %mul3A_418 = vector.broadcast %mul3A_417 : vector<128x1xf32> to vector<128x128xf32>
    %mul3A_419 = arith.mulf %mul3A_418, %max3A_415 : vector<128x128xf32>
    %reduce_sum3A_420 = arith.constant dense<0.000000e+00> : vector<128xf32>
    %reduce_sum3A_421 = vector.multi_reduction <add>, %mul3A_419, %reduce_sum3A_420 [0] : vector<128x128xf32> to vector<128xf32>
    %broadcast_in_dim3A_422 = vector.shape_cast %reduce_sum3A_421 : vector<128xf32> to vector<1x128xf32>
    %add3A_423 = arith.addf %add3A_396, %broadcast_in_dim3A_422 : vector<1x128xf32>
    %slice3A_424 = vector.extract_strided_slice %get3A_22 {offsets = [15, 0], sizes = [1, 128], strides = [1, 1]} : vector<16x128xf32> to vector<1x128xf32>
    %transpose3A_425 = tpu.transpose %slice3A_424, [1, 0] : vector<1x128xf32> -> vector<128x1xf32>
    %slice3A_426 = vector.extract_strided_slice %add3A_19 {offsets = [15, 0], sizes = [1, 128], strides = [1, 1]} : vector<16x128xf32> to vector<1x128xf32>
    %transpose3A_427 = tpu.transpose %slice3A_426, [1, 0] : vector<1x128xf32> -> vector<128x1xf32>
    %slice3A_428 = vector.extract_strided_slice %add3A {offsets = [1920, 0], sizes = [128, 128], strides = [1, 1]} : vector<2048x128xf32> to vector<128x128xf32>
    %get3A_429 = arith.constant 1920 : index
    %get3A_430 = arith.constant 0 : index
    %get3A_431 = vector.load %arg2[%get3A_429, %get3A_430] : memref<2048x128xf32, #tpu.memory_space<vmem>>, vector<128x128xf32>
    %add3A_432 = arith.addf %slice3A_428, %get3A_431 : vector<128x128xf32>
    %mul3A_433 = vector.broadcast %transpose3A_425 : vector<128x1xf32> to vector<128x128xf32>
    %mul3A_434 = arith.mulf %mul3A_433, %add3A_432 : vector<128x128xf32>
    %get3A_435 = arith.constant 0 : index
    %get3A_436 = arith.constant 0 : index
    %get3A_437 = vector.load %arg5[%get3A_435, %get3A_436] : memref<1x128xf32, #tpu.memory_space<vmem>>, vector<1x128xf32>
    %add3A_438 = vector.broadcast %get3A_437 : vector<1x128xf32> to vector<128x128xf32>
    %add3A_439 = arith.addf %mul3A_434, %add3A_438 : vector<128x128xf32>
    %max3A_440 = arith.constant 0.000000e+00 : f32
    %max3A_441 = vector.broadcast %max3A_440 : f32 to vector<128x128xf32>
    %max3A_442 = arith.maximumf %add3A_439, %max3A_441 : vector<128x128xf32>
    %add3A_443 = arith.addf %transpose3A_427, %transpose3A_425 : vector<128x1xf32>
    %mul3A_444 = arith.mulf %transpose3A_425, %add3A_443 : vector<128x1xf32>
    %mul3A_445 = vector.broadcast %mul3A_444 : vector<128x1xf32> to vector<128x128xf32>
    %mul3A_446 = arith.mulf %mul3A_445, %max3A_442 : vector<128x128xf32>
    %reduce_sum3A_447 = arith.constant dense<0.000000e+00> : vector<128xf32>
    %reduce_sum3A_448 = vector.multi_reduction <add>, %mul3A_446, %reduce_sum3A_447 [0] : vector<128x128xf32> to vector<128xf32>
    %broadcast_in_dim3A_449 = vector.shape_cast %reduce_sum3A_448 : vector<128xf32> to vector<1x128xf32>
    %add3A_450 = arith.addf %add3A_423, %broadcast_in_dim3A_449 : vector<1x128xf32>
    %eq3A = arith.constant 0 : i32
    %eq3A_451 = arith.cmpi eq, %arg0, %eq3A : i32
    %convert_element_type3A = arith.extui %eq3A_451 : i1 to i32
    %cond3A = arith.constant 0 : i32
    %cond3A_452 = arith.cmpi ne, %convert_element_type3A, %cond3A : i32
    scf.if %cond3A_452 {
      %broadcast_in_dim3A_464 = arith.constant 0.000000e+00 : f32
      %broadcast_in_dim3A_465 = vector.broadcast %broadcast_in_dim3A_464 : f32 to vector<1x128xf32>
      %swap3A_466 = arith.constant 0 : index
      %swap3A_467 = arith.constant 0 : index
      %swap3A_468 = vector.load %arg9[%swap3A_466, %swap3A_467] : memref<1x128xf32, #tpu.memory_space<vmem>>, vector<1x128xf32>
      tpu.vector_store %arg9[%swap3A_466, %swap3A_467], %broadcast_in_dim3A_465 {strides = array<i32>} : memref<1x128xf32, #tpu.memory_space<vmem>>, vector<1x128xf32>,
    } else {
    }
    %get3A_453 = arith.constant 0 : index
    %get3A_454 = arith.constant 0 : index
    %get3A_455 = vector.load %arg9[%get3A_453, %get3A_454] : memref<1x128xf32, #tpu.memory_space<vmem>>, vector<1x128xf32>
    %add3A_456 = arith.addf %get3A_455, %add3A_450 : vector<1x128xf32>
    %swap3A = arith.constant 0 : index
    %swap3A_457 = arith.constant 0 : index
    %swap3A_458 = vector.load %arg9[%swap3A, %swap3A_457] : memref<1x128xf32, #tpu.memory_space<vmem>>, vector<1x128xf32>
    tpu.vector_store %arg9[%swap3A, %swap3A_457], %add3A_456 {strides = array<i32>} : memref<1x128xf32, #tpu.memory_space<vmem>>, vector<1x128xf32>,
    %eq3A_459 = arith.constant 4 : i32
    %eq3A_460 = arith.cmpi eq, %arg0, %eq3A_459 : i32
    %convert_element_type3A_461 = arith.extui %eq3A_460 : i1 to i32
    %cond3A_462 = arith.constant 0 : i32
    %cond3A_463 = arith.cmpi ne, %convert_element_type3A_461, %cond3A_462 : i32
    scf.if %cond3A_463 {
      %get3A_464 = arith.constant 0 : index
      %get3A_465 = arith.constant 0 : index
      %get3A_466 = vector.load %arg9[%get3A_464, %get3A_465] : memref<1x128xf32, #tpu.memory_space<vmem>>, vector<1x128xf32>
      %mul3A_467 = arith.constant 9.99999974E-5 : f32
      %mul3A_468 = vector.broadcast %mul3A_467 : f32 to vector<1x128xf32>
      %mul3A_469 = arith.mulf %get3A_466, %mul3A_468 : vector<1x128xf32>
      %get3A_470 = arith.constant 0 : index
      %get3A_471 = arith.constant 0 : index
      %get3A_472 = vector.load %arg6[%get3A_470, %get3A_471] : memref<128x64xf32, #tpu.memory_space<vmem>>, vector<128x64xf32>
      %dot_general3A = arith.constant dense<0.000000e+00> : vector<1x64xf32>
      %dot_general3A_473 = tpu.matmul %mul3A_469, %get3A_472, %dot_general3A {dimension_numbers = #tpu.dot_dimension_numbers<[1], [0], [0], [1], [0, 0, 1, 1], [], []>, transpose_lhs_hint = false} : vector<1x128xf32>, vector<128x64xf32>, vector<1x64xf32> -> vector<1x64xf32>
      %get3A_474 = arith.constant 0 : index
      %get3A_475 = arith.constant 0 : index
      %get3A_476 = vector.load %arg7[%get3A_474, %get3A_475] : memref<1x64xf32, #tpu.memory_space<vmem>>, vector<1x64xf32>
      %add3A_477 = arith.addf %dot_general3A_473, %get3A_476 : vector<1x64xf32>
      %swap3A_478 = arith.constant 0 : index
      %swap3A_479 = arith.constant 0 : index
      %swap3A_480 = vector.load %arg8[%swap3A_478, %swap3A_479] : memref<1x64xf32, #tpu.memory_space<vmem>>, vector<1x64xf32>
      tpu.vector_store %arg8[%swap3A_478, %swap3A_479], %add3A_477 {strides = array<i32>} : memref<1x64xf32, #tpu.memory_space<vmem>>, vector<1x64xf32>,
    } else {
    }
    return
  }
  func.func @transform_0(%arg0: i32) -> (i32, i32, i32) {
    %c0_i32 = arith.constant 0 : i32
    %c0_i32_0 = arith.constant 0 : i32
    %c0_i32_1 = arith.constant 0 : i32
    return %c0_i32, %arg0, %c0_i32_0 : i32, i32, i32
  }
  func.func @transform_1(%arg0: i32) -> (i32, i32) {
    %c0_i32 = arith.constant 0 : i32
    %c0_i32_0 = arith.constant 0 : i32
    return %arg0, %c0_i32 : i32, i32
  }
  func.func @transform_2(%arg0: i32) -> (i32, i32) {
    %c0_i32 = arith.constant 0 : i32
    %c0_i32_0 = arith.constant 0 : i32
    return %arg0, %c0_i32 : i32, i32
  }
  func.func @transform_3(%arg0: i32) -> (i32, i32, i32) {
    %c0_i32 = arith.constant 0 : i32
    %c0_i32_0 = arith.constant 0 : i32
    %c0_i32_1 = arith.constant 0 : i32
    return %c0_i32, %arg0, %c0_i32_0 : i32, i32, i32
  }
  func.func @transform_4(%arg0: i32) -> (i32, i32) {
    %c0_i32 = arith.constant 0 : i32
    %c0_i32_0 = arith.constant 0 : i32
    %c0_i32_1 = arith.constant 0 : i32
    return %c0_i32, %c0_i32_0 : i32, i32
  }
  func.func @transform_5(%arg0: i32) -> (i32, i32) {
    %c0_i32 = arith.constant 0 : i32
    %c0_i32_0 = arith.constant 0 : i32
    %c0_i32_1 = arith.constant 0 : i32
    return %c0_i32, %c0_i32_0 : i32, i32
  }
  func.func @transform_6(%arg0: i32) -> (i32, i32) {
    %c0_i32 = arith.constant 0 : i32
    %c0_i32_0 = arith.constant 0 : i32
    %c0_i32_1 = arith.constant 0 : i32
    return %c0_i32, %c0_i32_0 : i32, i32
  }
  func.func @transform_7(%arg0: i32) -> (i32, i32) {
    %c0_i32 = arith.constant 0 : i32
    %c0_i32_0 = arith.constant 0 : i32
    %c0_i32_1 = arith.constant 0 : i32
    return %c0_i32, %c0_i32_0 : i32, i32
  }
}

</mosaic_0001>

<sc_bundles>
// kernel: kernel.10.cloned.1.call-start
scs
__scs_entry_jumppad:
0x0: {  	(pc) =	sbr.rel $0x88, $3  }
0x1: {  	(tag) =	ssettag $0x0;
	lr =	simm.s32 $0x1  }
0x2: {  	[smem:$0x3F9B] =	sst lr;
	_ =	strace $0xD0000000  }
0x3: {  	_ = 	snop  }
0x4: {  	_ = 	snop  }
0x5: {  	_ = 	snop  }
0x6: {  	_ = 	snop  }
0x7: {  	_ = 	snop  }
__scs_overlays_trampoline_lowered:
0x8: {  	[smem:$0x3FAA] =	sst s0  }
0x9: {  	[smem:$0x3FAB] =	sst s1  }
0xa: {  	[smem:$0x3FAC] =	sst s2  }
0xb: {  	[smem:$0x3FAD] =	sst s3  }
0xc: {  	[smem:$0x3FAE] =	sst s4  }
0xd: {  	[smem:$0x3FAF] =	sst s5  }
0xe: {  	[smem:$0x3FB0] =	sst s6  }
0xf: {  	[smem:$0x3FB1] =	sst s7  }
0x10: {  	[smem:$0x3FB2] =	sst s8  }
0x11: {  	[smem:$0x3FB3] =	sst s9;
	s0 =	simm.s32 @!p0 $0x0  }
0x12: {  	s1 =	sld [smem:$0x3F99];
	s0 =	simm.s32 @p0 $0x1  }
0x13: {  	[smem:$0x3FB4] =	sst s0;
	s0 =	simm.s32 @!p1 $0x0  }
0x14: {  	s2 =	sld [smem:$0x3F98];
	s0 =	simm.s32 @p1 $0x1  }
0x15: {  	[smem:$0x3FB5] =	sst s0;
	s0 =	simm.s32 @!p2 $0x0  }
0x16: {  	s3 =	sld [smem:$0x3FDB];
	s0 =	simm.s32 @p2 $0x1  }
0x17: {  	s4 =	simm.s32 $0x1BF5;
	[smem:$0x3FB7] =	sst s0  }
0x18: {  	s0 =	sld [smem:$0x3F9A];
	_ =	swait.ge [sflag:s4], $0x0  }
0x19: {  	s7 =	sld [smem:$0x3F9B]  }
0x1a: {  	s8 =	sadd.s32 $0xFFFFE003, lr  }
0x1b: {  	s9 =	sadd.s32 $0xFFFFFEF7, lr;
	s5 =	simm.s32 $0xFFFFFFFF;
	p2 =	slt.u32 s8, $0xFFFFF086  }
0x1c: {  	p1 =	slt.u32 s9, $0xF7A;
	s5 =	simm.s32 @!p2 $0x0  }
0x1d: {  	s5 =	simm.s32 @p1 $0x1;
	p0 =	seq.s32 s7, s2  }
0x1e: {  	s7 =	smul.u32 @!p0 $0xF7A, s2;
	p2 =	seq.s32 @!p0 s5, $0x0  }
0x1f: {  	s9 =	smul.u32 $0xF7A, s1;
	s8 =	simm.s32 @!p0 $0x1BF5;
	p2 =	por !p2, p0  }
0x20: {  	[sflag:s8] =	ssyncset.s32 @!p0 $0xFFFFF086;
	s6 =	sadd.s32 @!p0 s3, s7;
	s7 =	simm.s32 @!p0 $0x108  }
0x21: {  	s3 =	sadd.s32 s3, s9;
	s6 =	sadd.s32 @!p0 $0x88, s6;
	s7 =	simm.s32 @p2 $0x1082  }
0x22: {  	[simem:s7], [sflag:s8] =	dma.local @!p0 [hbm:s6], $0xF7A  }
0x23: {  	s9 =	sor.u32 $0xD0000000, s2;
	s6 =	simm.s32 $0x108;
	_ =	swait.ge @!p0 [sflag:s8], $0x0  }
0x24: {  	s3 =	sadd.s32 $0x88, s3;
	s6 =	simm.s32 @!p1 $0x1082;
	[sflag:s4] =	ssyncset.s32 $0xFFFFF086  }
0x25: {  	[simem:s6], [sflag:s4] =	dma.local [hbm:s3], $0xF7A  }
0x26: {  	[smem:$0x3F9B] =	sst s1;
	(tag) =	ssettag s2;
	_ =	strace s9  }
0x27: {  	s1 =	sld [smem:$0x3FAB]  }
0x28: {  	s2 =	sld [smem:$0x3FAC]  }
0x29: {  	s4 =	sld [smem:$0x3FAE]  }
0x2a: {  	p0 =	seq.s32 s5, $0x0;
	s5 =	sld [smem:$0x3FAF]  }
0x2b: {  	s6 =	sld [smem:$0x3FB0]  }
0x2c: {  	s7 =	sld [smem:$0x3FB1]  }
0x2d: {  	s3 =	simm.s32 $0x108;
	s8 =	sld [smem:$0x3FB2]  }
0x2e: {  	s3 =	simm.s32 @!p0 $0x1082;
	s9 =	sld [smem:$0x3FB3]  }
0x2f: {  	lr =	sadd.s32 s0, s3;
	s0 =	sld [smem:$0x3FAA]  }
0x30: {  	s3 =	sld [smem:$0x3FAD]  }
0x31: {  	[smem:$0x3FB6] =	sst s10  }
0x32: {  	s10 =	sld [smem:$0x3FB4];
	_ =	sdelay $0x3  }
0x33: {  	p0 =	seq.s32 s10, $0x1;
	s10 =	sld [smem:$0x3FB6];
	_ =	sdelay $0x3  }
0x34: {  	[smem:$0x3FB6] =	sst s10  }
0x35: {  	s10 =	sld [smem:$0x3FB5];
	_ =	sdelay $0x3  }
0x36: {  	p1 =	seq.s32 s10, $0x1;
	s10 =	sld [smem:$0x3FB6];
	_ =	sdelay $0x3  }
0x37: {  	[smem:$0x3FB6] =	sst s10  }
0x38: {  	s10 =	sld [smem:$0x3FB7]  }
0x39: {  	_ = 	snop;
	(pc) =	sbr.ind lr, $3  }
0x3a: {  	_ = 	snop  }
0x3b: {  	_ = 	snop  }
0x3c: {  	p2 =	seq.s32 s10, $0x1;
	s10 =	sld [smem:$0x3FB6]  }
0x3d: {  	_ =	shalt  }
0x3e: {  	_ =	shalt  }
0x3f: {  	_ =	shalt  }
0x40: {  	_ =	shalt  }
0x41: {  	_ =	shalt  }
0x42: {  	_ =	shalt  }
0x43: {  	_ =	shalt  }
0x44: {  	_ =	shalt  }
0x45: {  	_ =	shalt  }
0x46: {  	_ =	shalt  }
0x47: {  	_ =	shalt  }
0x48: {  	_ =	shalt  }
0x49: {  	_ =	shalt  }
0x4a: {  	_ =	shalt  }
0x4b: {  	_ =	shalt  }
0x4c: {  	_ =	shalt  }
0x4d: {  	_ =	shalt  }
0x4e: {  	_ =	shalt  }
0x4f: {  	_ =	shalt  }
0x50: {  	_ =	shalt  }
0x51: {  	_ =	shalt  }
0x52: {  	_ =	shalt  }
0x53: {  	_ =	shalt  }
0x54: {  	_ =	shalt  }
0x55: {  	_ =	shalt  }
0x56: {  	_ =	shalt  }
0x57: {  	_ =	shalt  }
0x58: {  	_ =	shalt  }
0x59: {  	_ =	shalt  }
0x5a: {  	_ =	shalt  }
0x5b: {  	_ =	shalt  }
0x5c: {  	_ =	shalt  }
0x5d: {  	_ =	shalt  }
0x5e: {  	_ =	shalt  }
0x5f: {  	_ =	shalt  }
0x60: {  	_ =	shalt  }
0x61: {  	_ =	shalt  }
0x62: {  	_ =	shalt  }
0x63: {  	_ =	shalt  }
0x64: {  	_ =	shalt  }
0x65: {  	_ =	shalt  }
0x66: {  	_ =	shalt  }
0x67: {  	_ =	shalt  }
0x68: {  	_ =	shalt  }
0x69: {  	_ =	shalt  }
0x6a: {  	_ =	shalt  }
0x6b: {  	_ =	shalt  }
0x6c: {  	_ =	shalt  }
0x6d: {  	_ =	shalt  }
0x6e: {  	_ =	shalt  }
0x6f: {  	_ =	shalt  }
0x70: {  	_ =	shalt  }
0x71: {  	_ =	shalt  }
0x72: {  	_ =	shalt  }
0x73: {  	_ =	shalt  }
0x74: {  	_ =	shalt  }
0x75: {  	_ =	shalt  }
0x76: {  	_ =	shalt  }
0x77: {  	_ =	shalt  }
0x78: {  	_ =	shalt  }
0x79: {  	_ =	shalt  }
0x7a: {  	_ =	shalt  }
0x7b: {  	_ =	shalt  }
0x7c: {  	_ =	shalt  }
0x7d: {  	_ =	shalt  }
0x7e: {  	_ =	shalt  }
0x7f: {  	_ =	shalt  }
0x80: {  	_ =	shalt  }
0x81: {  	_ =	shalt  }
0x82: {  	_ =	shalt  }
0x83: {  	_ =	shalt  }
0x84: {  	_ =	shalt  }
0x85: {  	_ =	shalt  }
0x86: {  	_ =	shalt  }
0x87: {  	_ =	shalt  }
.Lfunc_end0:
.L_simem_size_0:
called_computation.1_lowered:
.L_overlay_start_0:
0x88: {  	s2 =	sld [smem:$0x3FD9]  }
0x89: {  	s3 =	sld [smem:$0x3FFE];
	_ =	sdelay $0x1  }
0x8a: {  	s1 =	srdreg.scid  }
0x8b: {  	s0 =	sand.u32 $0x1, s1  }
0x8c: {  	s16 =	sshll.u32 s0, $0xA;
	s2 =	sadd.s32 s3, s2  }
0x8d: {  	s2 =	sadd.s32 s2, s16  }
0x8e: {  	[smem:$0x3FC2] =	sst s2  }
0x8f: {  	_ = 	snop  }
0x90: {  	(tm) =	ssettm $0x1  }
0x91: {  	s17 =	sld [smem:$0x3FFB];
	_ =	sdelay $0x3  }
0x92: {  	_ =	strace s17  }
0x93: {  	s2 =	sld [smem:$0x3FFC];
	_ =	sdelay $0x3  }
0x94: {  	_ =	strace s2  }
0x95: {  	s2 =	sld [smem:$0x3FFD];
	_ =	sdelay $0x3  }
0x96: {  	_ =	strace s2  }
0x97: {  	_ =	strace $0x8FFFFFFF  }
0x98: {  	s18 =	sld [smem:$0x3FDB];
	_ =	sdelay $0x1  }
0x99: {  	s19 =	simm.s32 $_scs_section_size  }
0x9a: {  	s4 =	simm.s32 $_size__tile_overlayer_lowered;
	s5 =	simm.s32 $_tile_overlayer_lowered  }
0x9b: {  	s22 =	simm.s32 $0x1BFF;
	s21 =	sshll.u32 s5, $0x1;
	s2 =	sadd.s32 s19, s18  }
0x9c: {  	s6 =	simm.s32 $0x0;
	s20 =	sshll.u32 s4, $0x1;
	s4 =	sadd.s32 s21, s2  }
0x9d: {  	[timem:s6], [sflag:s22] =	dma.local [hbm:s4], s20  }
0x9e: {  	_ =	swait.ge [sflag:s22], s20  }
0x9f: {  	s3 =	ssub.s32 $0x0, s20;
	[sflag:s22] =	ssyncset.done $0x0  }
0xa0: {  	[sflag:s22] =	ssyncadd.s32 s3;
	_ =	sdelay $0x1  }
0xa1: {  	s23 =	simm.s32 $0x1B8B  }
0xa2: {  	_ =	swait.ge [sflag:s23], $0x1  }
0xa3: {  	[sflag:s23] =	ssyncset.done $0x0  }
0xa4: {  	s25 =	simm.s32 $0x1B8E;
	s24 =	sld [smem:$0x3FFE];
	[sflag:s23] =	ssyncadd.s32 $0xFFFFFFFF  }
0xa5: {  	s26 =	simm.s32 $execute0_lowered;
	[smem:$0x3FD2] =	sst s25  }
0xa6: {  	s4 =	sshll.u32 s26, $0x1;
	_ =	strace $0x80000049;
	[dreg:$0x1] =	wrdreg $0xFFFFFFFF  }
0xa7: {  	s28 =	simm.s32 $_size_execute0_lowered;
	s2 =	sadd.s32 s2, s4;
	[dreg:$0x0] =	wrdreg $0x0  }
0xa8: {  	s4 =	sshll.u32 s28, $0x1;
	[dreg:$0x2] =	wrdreg s2  }
0xa9: {  	[dreg:$0x3] =	wrdreg s4  }
0xaa: {  	[dreg:$0x4] =	wrdreg $0xC0  }
0xab: {  	_ =	task [dreg:s6], $0x5FFFF  }
0xac: {  	[dreg:$0x1] =	wrdreg $0xFFFFFFFF  }
0xad: {  	[dreg:$0x0] =	wrdreg $0x60  }
0xae: {  	[dreg:$0x2] =	wrdreg s24  }
0xaf: {  	[dreg:$0x3] =	wrdreg $0xAE800  }
0xb0: {  	[dreg:$0x4] =	wrdreg $0x1EE800  }
0xb1: {  	[dreg:$0x5] =	wrdreg $0x9  }
0xb2: {  	_ =	task.clear_ibuf [dreg:s6], $0x6FFFF;
	_ =	strace $0x90000049  }
0xb3: {  	s29 =	simm.s32 $0x9;
	_ =	strace $0x8000004B  }
0xb4: {  	_ =	swait.ge [sflag:s29], $0x1  }
0xb5: {  	[sflag:s29] =	ssyncadd.s32 $0xFFFFFFFF  }
0xb6: {  	_ =	strace $0x9000004B  }
0xb7: {  	_ =	sfence  }
0xb8: {  	s30 =	sld [smem:$0x0];
	_ =	sdelay $0x2  }
0xb9: {  	s31 =	sshll.u32 s1, $0xD;
	s1 =	sshrl.u32 s1, $0x2  }
0xba: {  	s3 =	sand.u32 $0x4000, s31;
	s1 =	sadd.s32 s1, s30  }
0xbb: {  	s0 =	sor.u32 s3, s0;
	s1 =	sshll.u32 s1, $0x11  }
0xbc: {  	s0 =	sor.u32 s1, s0  }
0xbd: {  	s0 =	sadd.s32 $0x8F2B, s0  }
0xbe: {  	[sflag:s0] =	ssyncadd.remote.s32 $0x1  }
0xbf: {  	_ =	sfence.sel $0xFFFF  }
0xc0: {  	[dreg:$0x0] =	wrdreg $0xFFFFFFFF;
	(pc) =	sbr.abs _section_cstart, $3  }
0xc1: {  	[dreg:$0x1] =	wrdreg $0xFFFFFFFF  }
0xc2: {  	_ =	task.clear_ibuf [dreg:s6], $0x2FFFF;
	_ =	strace $0x9FFFFFFF  }
0xc3: {  	(tm) =	ssettm $0x7FFFFFFF  }
tec
execute0_lowered:
.L_overlay_start_1:
0x0: {  	(tag) =	ssettag $0x1  }
0x1: {  	s0 =	rddreg [dreg:$0x0]  }
0x2: {  	s1 =	rddreg [dreg:$0x1]  }
0x3: {  	s2 =	rddreg [dreg:$0x2]  }
0x4: {  	s4 =	simm.s32 $0x0;
	s3 =	srdreg.scid;
	s13 =	stileid.u32  }
0x5: {  	s26 =	simm.s32 $0xAB00;
	s28 =	simm.s32 $0xA880;
	s30 =	simm.s32 $0xA900  }
0x6: {  	s31 =	simm.s32 $0x6800;
	s29 =	simm.s32 $0x2;
	s16 =	simm.s32 $0xAB80  }
0x7: {  	[smem:$0x7FF] =	sst s4;
	s3 =	sand.u32 $0x1, s3;
	s7 =	smul.u32 $0x14000, s13  }
0x8: {  	s5 =	sadd.s32 $0xCA00, s0;
	s6 =	sadd.s32 $0x34A00, s0;
	s9 =	smul.u32 $0x280, s13  }
0x9: {  	s8 =	sadd.s32 $0x2600, s0;
	s10 =	sshll.u32 s13, $0x1;
	s13 =	smul.u32 $0x50000, s13  }
0xa: {  	s11 =	sadd.s32 $0xC400, s0;
	s19 =	smul.u32 $0x140000, s3;
	_ =	strace $0x8000004A  }
0xb: {  	s20 =	smul.u32 $0x2800, s3;
	s10 =	sor.u32 s3, s10;
	s3 =	ssub.s32 $0x2, s3  }
0xc: {  	[dreg:$0x4] =	wrdreg s26;
	s26 =	simm.s32 $0x3;
	s12 =	smul.u32 $0x1400, s10  }
0xd: {  	s14 =	sshrl.u32 s3, $0x1;
	s15 =	smul.u32 $0x280, s10;
	s13 =	sshrl.u32 s13, $0x2  }
0xe: {  	p0 =	seq.s32 s10, $0x1F;
	s10 =	simm.s32 $0xAA00;
	s4 =	sadd.s32 s7, s19  }
0xf: {  	s7 =	sadd.s32 s9, s20;
	s3 =	ssub.s32 s3, s14;
	s17 =	sadd.s32 s13, s1  }
0x10: {  	s9 =	sadd.s32 s9, s2;
	s20 =	simm.s32 $0x2800;
	s13 =	simm.s32 $0xAA80  }
0x11: {  	s19 =	simm.s32 $0x4;
	s4 =	sshrl.u32 s4, $0x3;
	s7 =	sshrl.u32 s7, $0x3  }
0x12: {  	s12 =	sshrl.u32 s12, $0x3;
	s14 =	sadd.s32 s8, s15;
	[dreg:$0x6] =	wrdreg s17  }
0x13: {  	s21 =	sadd.s32 $0x4000, s17;
	s22 =	sadd.s32 $0x8000, s17;
	[dreg:$0xc] =	wrdreg s9  }
0x14: {  	s23 =	sadd.s32 $0xC000, s17;
	s24 =	sadd.s32 $0x10000, s17;
	[dreg:$0x8] =	wrdreg s21  }
0x15: {  	s3 =	smax.u32 s3, $0x1;
	s15 =	simm.s32 $0x7;
	[dreg:$0x9] =	wrdreg s22  }
0x16: {  	s4 =	sadd.s32 s4, s0;
	s7 =	sadd.s32 s7, s0;
	[dreg:$0xa] =	wrdreg s23  }
0x17: {  	s8 =	sadd.s32 s8, s12;
	s0 =	sadd.s32 $0xC680, s0;
	[dreg:$0xb] =	wrdreg s24  }
0x18: {  	[dreg:$0xf] =	wrdreg s3;
	s14 =	smov.u32 @p0 s11;
	s11 =	simm.s32 $0x1400  }
0x19: {  	s22 =	simm.s32 $0x80;
	s24 =	simm.s32 $0xA800;
	s21 =	simm.s32 $0xA980  }
0x1a: {  	s12 =	simm.s32 $0x5;
	s4 =	sadd.s32 $0x35000, s4;
	[dreg:$0x5] =	wrdreg s14  }
0x1b: {  	s23 =	simm.s32 $0x8;
	s25 =	sadd.s32 $0x85000, s7;
	[dreg:$0xd] =	wrdreg s4  }
0x1c: {  	s8 =	sadd.s32 $0x4E80, s8;
	s14 =	simm.s32 $0x6;
	[dreg:$0xe] =	wrdreg s25  }
0x1d: {  	s8 =	smov.u32 @p0 s0;
	s0 =	simm.s32 $0x1;
	s25 =	simm.s32 $0x9  }
0x1e: {  	v0 =	vimm.f32 $0.0e+00;
	s4 =	simm.s32 $0x0;
	[dreg:$0x7] =	wrdreg s8;
	s8 =	simm.s32 $0x15  }
.LBB2_1:
0x1f: {  	[dreg:$0x10] =	wrdreg s4  }
0x20: {  	s3 =	simm.s32 $0x0;
	s7 =	rddreg [dreg:$0x5]  }
0x21: {  	[tilespmem:s3], [sflag:$0x15] =	stream.linear.gather [hbm4b:s7+s3], $0x1400, $0x38;
	[tilespmem:$0x1F100] =	vst v63  }
0x22: {  	_ =	swait.ge [sflag:s8], $0x1400  }
0x23: {  	[sflag:s8] =	ssyncset.done $0x0  }
0x24: {  	s18 =	rddreg [dreg:$0x7];
	[sflag:s8] =	ssyncadd.s32 $0xFFFFEC00  }
0x25: {  	[tilespmem:s11], [sflag:$0x15] =	stream.linear.gather [hbm4b:s18+s3], $0x1400, $0x38;
	[tilespmem:$0x1F100] =	vst v63  }
0x26: {  	_ =	swait.ge [sflag:s8], $0x1400  }
0x27: {  	[sflag:s8] =	ssyncset.done $0x0  }
0x28: {  	s7 =	simm.s32 $0x200;
	s3 =	simm.s32 $0x0;
	[sflag:s8] =	ssyncadd.s32 $0xFFFFEC00  }
.LBB2_2:
0x29: {  	p0 =	sne.s32 s7, $0xFE00;
	[tilespmem:s3+$0x2870] =	vst v0  }
0x2a: {  	[tilespmem:s3+$0x2800] =	vst v0  }
0x2b: {  	[tilespmem:s3+$0x2810] =	vst v0  }
.Ltmp0:
0x2c: {  	[tilespmem:s3+$0x2820] =	vst v0;
	(pc) =	sbr.rel @p0 .LBB2_2-.Ltmp0, $4  }
0x2d: {  	[tilespmem:s3+$0x2830] =	vst v0  }
0x2e: {  	[tilespmem:s3+$0x2840] =	vst v0  }
0x2f: {  	[tilespmem:s3+$0x2850] =	vst v0  }
0x30: {  	[tilespmem:s3+$0x2860] =	vst v0;
	s3 =	sshra.s32 s7, $0x2;
	s7 =	sadd.s32 $0x200, s7  }
0x31: {  	[tilespmem:s3+$0x2870] =	vst v0  }
0x32: {  	[tilespmem:s3+$0x2800] =	vst v0  }
0x33: {  	[tilespmem:s3+$0x2810] =	vst v0  }
0x34: {  	[tilespmem:s3+$0x2820] =	vst v0  }
0x35: {  	[tilespmem:s3+$0x2830] =	vst v0  }
0x36: {  	[tilespmem:s3+$0x2840] =	vst v0  }
0x37: {  	[tilespmem:s3+$0x2850] =	vst v0  }
0x38: {  	[tilespmem:s3+$0x2860] =	vst v0  }
0x39: {  	[tilespmem:$0xAC00] =	vst v0  }
0x3a: {  	[tilespmem:$0xAC10] =	vst v0  }
0x3b: {  	[tilespmem:$0xAC20] =	vst v0  }
0x3c: {  	[tilespmem:$0xAC30] =	vst v0  }
0x3d: {  	[tilespmem:$0xAC40] =	vst v0  }
0x3e: {  	[tilespmem:$0xAC50] =	vst v0  }
0x3f: {  	[tilespmem:$0xAC60] =	vst v0  }
0x40: {  	[tilespmem:$0xAC70] =	vst v0  }
0x41: {  	[tilespmem:$0xAC80] =	vst v0  }
0x42: {  	[tilespmem:$0xAC90] =	vst v0  }
0x43: {  	[tilespmem:$0xACA0] =	vst v0  }
0x44: {  	[tilespmem:$0xACB0] =	vst v0  }
0x45: {  	[tilespmem:$0xACC0] =	vst v0  }
0x46: {  	[tilespmem:$0xACD0] =	vst v0  }
0x47: {  	[tilespmem:$0xACE0] =	vst v0  }
0x48: {  	[tilespmem:$0xACF0] =	vst v0  }
0x49: {  	[tilespmem:$0xAD00] =	vst v0  }
0x4a: {  	[tilespmem:$0xAD10] =	vst v0  }
0x4b: {  	[tilespmem:$0xAD20] =	vst v0  }
0x4c: {  	[tilespmem:$0xAD30] =	vst v0  }
0x4d: {  	[tilespmem:$0xAD40] =	vst v0  }
0x4e: {  	[tilespmem:$0xAD50] =	vst v0  }
0x4f: {  	[tilespmem:$0xAD60] =	vst v0  }
0x50: {  	[tilespmem:$0xAD70] =	vst v0  }
0x51: {  	[tilespmem:$0xAD80] =	vst v0  }
0x52: {  	[tilespmem:$0xAD90] =	vst v0  }
0x53: {  	[tilespmem:$0xADA0] =	vst v0  }
0x54: {  	[tilespmem:$0xADB0] =	vst v0  }
0x55: {  	[tilespmem:$0xADC0] =	vst v0  }
0x56: {  	[tilespmem:$0xADD0] =	vst v0  }
0x57: {  	[tilespmem:$0xADE0] =	vst v0  }
0x58: {  	[tilespmem:$0xADF0] =	vst v0  }
0x59: {  	[tilespmem:$0xAE00] =	vst v0  }
0x5a: {  	[tilespmem:$0xAE10] =	vst v0  }
0x5b: {  	[tilespmem:$0xAE20] =	vst v0  }
0x5c: {  	[tilespmem:$0xAE30] =	vst v0  }
0x5d: {  	[tilespmem:$0xAE40] =	vst v0  }
0x5e: {  	[tilespmem:$0xAE50] =	vst v0  }
0x5f: {  	[tilespmem:$0xAE60] =	vst v0  }
0x60: {  	[tilespmem:$0xAE70] =	vst v0  }
0x61: {  	[spmem:s17] =	stream.linear.scatter [tilespmem:s20], [sflag:$0x15], $0x4000, $0x38;
	[tilespmem:$0x1F100] =	vst v63  }
0x62: {  	_ =	swait.ge [sflag:s8], $0x4000  }
0x63: {  	[sflag:s8] =	ssyncset.done $0x0  }
0x64: {  	s7 =	rddreg [dreg:$0x8];
	[sflag:s8] =	ssyncadd.s32 $0xFFFFC000  }
0x65: {  	[spmem:s7] =	stream.linear.scatter [tilespmem:s20], [sflag:$0x15], $0x4000, $0x38;
	[tilespmem:$0x1F100] =	vst v63  }
0x66: {  	_ =	swait.ge [sflag:s8], $0x4000  }
0x67: {  	[sflag:s8] =	ssyncset.done $0x0  }
0x68: {  	s17 =	rddreg [dreg:$0x9];
	[sflag:s8] =	ssyncadd.s32 $0xFFFFC000  }
0x69: {  	[spmem:s17] =	stream.linear.scatter [tilespmem:s20], [sflag:$0x15], $0x4000, $0x38;
	[tilespmem:$0x1F100] =	vst v63  }
0x6a: {  	_ =	swait.ge [sflag:s8], $0x4000  }
0x6b: {  	[sflag:s8] =	ssyncset.done $0x0  }
0x6c: {  	s18 =	rddreg [dreg:$0xa];
	[sflag:s8] =	ssyncadd.s32 $0xFFFFC000  }
0x6d: {  	[spmem:s18] =	stream.linear.scatter [tilespmem:s20], [sflag:$0x15], $0x4000, $0x38;
	[tilespmem:$0x1F100] =	vst v63  }
0x6e: {  	_ =	swait.ge [sflag:s8], $0x4000  }
0x6f: {  	[sflag:s8] =	ssyncset.done $0x0  }
0x70: {  	s4 =	rddreg [dreg:$0xb];
	[sflag:s8] =	ssyncadd.s32 $0xFFFFC000  }
0x71: {  	[spmem:s4] =	stream.linear.scatter [tilespmem:s20], [sflag:$0x15], $0x4000, $0x38;
	[tilespmem:$0x1F100] =	vst v63  }
0x72: {  	_ =	swait.ge [sflag:s8], $0x4000  }
0x73: {  	[sflag:s8] =	ssyncset.done $0x0  }
0x74: {  	s7 =	simm.s32 $0xAC00;
	[sflag:s8] =	ssyncadd.s32 $0xFFFFC000  }
0x75: {  	[spmem:s9] =	stream.linear.scatter [tilespmem:s7], [sflag:$0x15], $0x280, $0x38;
	[tilespmem:$0x1F100] =	vst v63  }
0x76: {  	_ =	swait.ge [sflag:s8], $0x280  }
0x77: {  	[sflag:s8] =	ssyncset.done $0x0  }
0x78: {  	[sflag:s8] =	ssyncadd.s32 $0xFFFFFD80  }
0x79: {  	s17 =	simm.s32 $0x0;
	[bflag:$0x0] =	sbarrier.arrive $0xFFFF  }
0x7a: {  	[tilespmem:s20], [sflag:$0x1] =	stream.indirect.gather [hbm4b:s5+s22], $0x80, s17, s22, $0xb8;
	[tilespmem:$0x1F100] =	vst v63  }
0x7b: {  	_ = 	snop  }
0x7c: {  	[tilespmem:s24], [sflag:$0x5] =	stream.indirect.gather [hbm4b:s6+s22], $0x1, s11, s22, $0xb8;
	[tilespmem:$0x1F100] =	vst v63  }
0x7d: {  	s18 =	simm.s32 $0x1480  }
0x7e: {  	[tilespmem:s28], [sflag:$0x6] =	stream.indirect.gather [hbm4b:s6+s22], $0x1, s18, s22, $0xb8;
	[tilespmem:$0x1F100] =	vst v63  }
0x7f: {  	p0 =	por $0x1, $0x1;
	s4 =	simm.s32 $0x1500  }
0x80: {  	[tilespmem:s30], [sflag:$0x7] =	stream.indirect.gather [hbm4b:s6+s22], $0x1, s4, s22, $0xb8;
	[tilespmem:$0x1F100] =	vst v63  }
0x81: {  	s3 =	simm.s32 @!p0 $0x4;
	s7 =	simm.s32 $0x1580  }
0x82: {  	[tilespmem:s21], [sflag:$0x8] =	stream.indirect.gather [hbm4b:s6+s22], $0x1, s7, s22, $0xb8;
	[tilespmem:$0x1F100] =	vst v63  }
0x83: {  	_ =	swait.ge @!p0 [sflag:s3], $0x4000  }
0x84: {  	[sflag:s3] =	ssyncset.done @!p0 $0x0  }
0x85: {  	s7 =	simm.s32 $0x80;
	[sflag:s3] =	ssyncadd.s32 @!p0 $0xFFFFC000  }
0x86: {  	[tilespmem:s31], [sflag:$0x2] =	stream.indirect.gather [hbm4b:s5+s22], $0x80, s7, s22, $0xb8;
	[tilespmem:$0x1F100] =	vst v63  }
0x87: {  	_ =	swait.ge [sflag:s0], $0x4000  }
0x88: {  	[sflag:s0] =	ssyncset.done $0x0  }
0x89: {  	s9 =	simm.s32 @!p0 $0x11;
	s8 =	simm.s32 $0x1400;
	[sflag:s0] =	ssyncadd.s32 $0xFFFFC000  }
0x8a: {  	[spmem:s1] =	stream.indirect.scatter.add.f32 [tilespmem:s20], [sflag:$0x3], $0x80, s8, s22, $0xb8;
	[tilespmem:$0x1F100] =	vst v63  }
0x8b: {  	_ =	swait.ge @!p0 [sflag:s9], $0x80  }
0x8c: {  	[sflag:s9] =	ssyncset.done @!p0 $0x0  }
0x8d: {  	s8 =	simm.s32 $0x1600;
	[sflag:s9] =	ssyncadd.s32 @!p0 $0xFFFFFF80  }
0x8e: {  	[tilespmem:s10], [sflag:$0x9] =	stream.indirect.gather [hbm4b:s6+s22], $0x1, s8, s22, $0xb8;
	[tilespmem:$0x1F100] =	vst v63  }
0x8f: {  	_ =	swait.ge [sflag:s12], $0x80  }
0x90: {  	[sflag:s12] =	ssyncset.done $0x0  }
0x91: {  	s11 =	simm.s32 $0x0;
	[sflag:s12] =	ssyncadd.s32 $0xFFFFFF80  }
0x92: {  	[spmem:s2] =	stream.indirect.scatter.add.f32 [tilespmem:s24], [sflag:$0xD], $0x1, s11, s22, $0xb8;
	[tilespmem:$0x1F100] =	vst v63  }
0x93: {  	_ =	swait.ge [sflag:s26], $0x4000  }
0x94: {  	[sflag:s26] =	ssyncset.done $0x0  }
0x95: {  	s12 =	simm.s32 $0x100;
	[sflag:s26] =	ssyncadd.s32 $0xFFFFC000  }
0x96: {  	[tilespmem:s20], [sflag:$0x1] =	stream.indirect.gather [hbm4b:s5+s22], $0x80, s12, s22, $0xb8;
	[tilespmem:$0x1F100] =	vst v63  }
0x97: {  	_ =	swait.ge [sflag:s29], $0x4000  }
0x98: {  	[sflag:s29] =	ssyncset.done $0x0  }
0x99: {  	s17 =	simm.s32 $0x1480;
	s11 =	simm.s32 @!p0 $0x12;
	[sflag:s29] =	ssyncadd.s32 $0xFFFFC000  }
0x9a: {  	[spmem:s1] =	stream.indirect.scatter.add.f32 [tilespmem:s31], [sflag:$0x4], $0x80, s17, s22, $0xb8;
	[tilespmem:$0x1F100] =	vst v63  }
0x9b: {  	_ =	swait.ge @!p0 [sflag:s11], $0x80  }
0x9c: {  	[sflag:s11] =	ssyncset.done @!p0 $0x0  }
0x9d: {  	s9 =	simm.s32 $0x1680;
	[sflag:s11] =	ssyncadd.s32 @!p0 $0xFFFFFF80  }
0x9e: {  	[tilespmem:s13], [sflag:$0xA] =	stream.indirect.gather [hbm4b:s6+s22], $0x1, s9, s22, $0xb8;
	[tilespmem:$0x1F100] =	vst v63  }
0x9f: {  	_ =	swait.ge [sflag:s14], $0x80  }
0xa0: {  	[sflag:s14] =	ssyncset.done $0x0  }
0xa1: {  	[sflag:s14] =	ssyncadd.s32 $0xFFFFFF80  }
0xa2: {  	[spmem:s2] =	stream.indirect.scatter.add.f32 [tilespmem:s28], [sflag:$0xE], $0x1, s7, s22, $0xb8;
	[tilespmem:$0x1F100] =	vst v63  }
0xa3: {  	_ =	swait.ge [sflag:s19], $0x4000  }
0xa4: {  	[sflag:s19] =	ssyncset.done $0x0  }
0xa5: {  	s11 =	simm.s32 $0x180;
	[sflag:s19] =	ssyncadd.s32 $0xFFFFC000  }
0xa6: {  	[tilespmem:s31], [sflag:$0x2] =	stream.indirect.gather [hbm4b:s5+s22], $0x80, s11, s22, $0xb8;
	[tilespmem:$0x1F100] =	vst v63  }
0xa7: {  	_ =	swait.ge [sflag:s0], $0x4000  }
0xa8: {  	[sflag:s0] =	ssyncset.done $0x0  }
0xa9: {  	s18 =	simm.s32 $0x1500;
	s14 =	simm.s32 @!p0 $0x13;
	[sflag:s0] =	ssyncadd.s32 $0xFFFFC000  }
0xaa: {  	[spmem:s1] =	stream.indirect.scatter.add.f32 [tilespmem:s20], [sflag:$0x3], $0x80, s18, s22, $0xb8;
	[tilespmem:$0x1F100] =	vst v63  }
0xab: {  	_ =	swait.ge @!p0 [sflag:s14], $0x80  }
0xac: {  	[sflag:s14] =	ssyncset.done @!p0 $0x0  }
0xad: {  	s17 =	simm.s32 $0x1700;
	s4 =	rddreg [dreg:$0x4];
	[sflag:s14] =	ssyncadd.s32 @!p0 $0xFFFFFF80  }
0xae: {  	[tilespmem:s4], [sflag:$0xB] =	stream.indirect.gather [hbm4b:s6+s22], $0x1, s17, s22, $0xb8;
	[tilespmem:$0x1F100] =	vst v63  }
0xaf: {  	_ =	swait.ge [sflag:s15], $0x80  }
0xb0: {  	[sflag:s15] =	ssyncset.done $0x0  }
0xb1: {  	[sflag:s15] =	ssyncadd.s32 $0xFFFFFF80  }
0xb2: {  	[spmem:s2] =	stream.indirect.scatter.add.f32 [tilespmem:s30], [sflag:$0xF], $0x1, s12, s22, $0xb8;
	[tilespmem:$0x1F100] =	vst v63  }
0xb3: {  	_ =	swait.ge [sflag:s26], $0x4000  }
0xb4: {  	[sflag:s26] =	ssyncset.done $0x0  }
0xb5: {  	s7 =	simm.s32 $0x200;
	[sflag:s26] =	ssyncadd.s32 $0xFFFFC000  }
0xb6: {  	[tilespmem:s20], [sflag:$0x1] =	stream.indirect.gather [hbm4b:s5+s22], $0x80, s7, s22, $0xb8;
	[tilespmem:$0x1F100] =	vst v63  }
0xb7: {  	_ =	swait.ge [sflag:s29], $0x4000  }
0xb8: {  	[sflag:s29] =	ssyncset.done $0x0  }
0xb9: {  	s18 =	simm.s32 @!p0 $0x14;
	s12 =	simm.s32 $0x1580;
	[sflag:s29] =	ssyncadd.s32 $0xFFFFC000  }
0xba: {  	[spmem:s1] =	stream.indirect.scatter.add.f32 [tilespmem:s31], [sflag:$0x4], $0x80, s12, s22, $0xb8;
	[tilespmem:$0x1F100] =	vst v63  }
0xbb: {  	_ =	swait.ge @!p0 [sflag:s18], $0x80  }
0xbc: {  	[sflag:s18] =	ssyncset.done @!p0 $0x0  }
0xbd: {  	s15 =	simm.s32 $0x1780;
	[sflag:s18] =	ssyncadd.s32 @!p0 $0xFFFFFF80  }
0xbe: {  	[tilespmem:s16], [sflag:$0xC] =	stream.indirect.gather [hbm4b:s6+s22], $0x1, s15, s22, $0xb8;
	[tilespmem:$0x1F100] =	vst v63  }
0xbf: {  	_ =	swait.ge [sflag:s23], $0x80  }
0xc0: {  	[sflag:s23] =	ssyncset.done $0x0  }
0xc1: {  	[sflag:s23] =	ssyncadd.s32 $0xFFFFFF80  }
0xc2: {  	[spmem:s2] =	stream.indirect.scatter.add.f32 [tilespmem:s21], [sflag:$0x10], $0x1, s11, s22, $0xb8;
	[tilespmem:$0x1F100] =	vst v63  }
0xc3: {  	_ =	swait.ge [sflag:s19], $0x4000  }
0xc4: {  	[sflag:s19] =	ssyncset.done $0x0  }
0xc5: {  	s23 =	simm.s32 $0x280;
	[sflag:s19] =	ssyncadd.s32 $0xFFFFC000  }
0xc6: {  	[tilespmem:s31], [sflag:$0x2] =	stream.indirect.gather [hbm4b:s5+s22], $0x80, s23, s22, $0xb8;
	[tilespmem:$0x1F100] =	vst v63  }
0xc7: {  	_ =	swait.ge [sflag:s0], $0x4000  }
0xc8: {  	p0 =	por $0x0, $0x0;
	[sflag:s0] =	ssyncset.done $0x0  }
0xc9: {  	s18 =	simm.s32 @!p0 $0xD;
	[sflag:s0] =	ssyncadd.s32 $0xFFFFC000  }
0xca: {  	[spmem:s1] =	stream.indirect.scatter.add.f32 [tilespmem:s20], [sflag:$0x3], $0x80, s8, s22, $0xb8;
	[tilespmem:$0x1F100] =	vst v63  }
0xcb: {  	_ =	swait.ge @!p0 [sflag:s18], $0x80  }
0xcc: {  	s3 =	simm.s32 @!p0 $0x80;
	[sflag:s18] =	ssyncset.done @!p0 $0x0  }
0xcd: {  	s8 =	simm.s32 @!p0 $0x1800;
	[sflag:s18] =	ssyncadd.s32 @!p0 $0xFFFFFF80;
	s18 =	simm.s32 @!p0 $0xA800  }
0xce: {  	[tilespmem:s18], [sflag:$0x5] =	stream.indirect.gather @!p0 [hbm4b:s6+s3], $0x1, s8, s3, $0xb8;
	[tilespmem:$0x1F100] =	vst v63  }
0xcf: {  	_ =	swait.ge [sflag:s25], $0x80  }
0xd0: {  	[sflag:s25] =	ssyncset.done $0x0  }
0xd1: {  	[sflag:s25] =	ssyncadd.s32 $0xFFFFFF80  }
0xd2: {  	[spmem:s2] =	stream.indirect.scatter.add.f32 [tilespmem:s10], [sflag:$0x11], $0x1, s7, s22, $0xb8;
	[tilespmem:$0x1F100] =	vst v63  }
0xd3: {  	_ =	swait.ge [sflag:s26], $0x4000  }
0xd4: {  	[sflag:s26] =	ssyncset.done $0x0  }
0xd5: {  	s8 =	simm.s32 $0x300;
	[sflag:s26] =	ssyncadd.s32 $0xFFFFC000  }
0xd6: {  	[tilespmem:s20], [sflag:$0x1] =	stream.indirect.gather [hbm4b:s5+s22], $0x80, s8, s22, $0xb8;
	[tilespmem:$0x1F100] =	vst v63  }
0xd7: {  	_ =	swait.ge [sflag:s29], $0x4000  }
0xd8: {  	[sflag:s29] =	ssyncset.done $0x0  }
0xd9: {  	s14 =	simm.s32 @!p0 $0xE;
	[sflag:s29] =	ssyncadd.s32 $0xFFFFC000  }
0xda: {  	[spmem:s1] =	stream.indirect.scatter.add.f32 [tilespmem:s31], [sflag:$0x4], $0x80, s9, s22, $0xb8;
	[tilespmem:$0x1F100] =	vst v63  }
0xdb: {  	_ =	swait.ge @!p0 [sflag:s14], $0x80  }
0xdc: {  	s4 =	simm.s32 $0xA;
	[sflag:s14] =	ssyncset.done @!p0 $0x0  }
0xdd: {  	s9 =	simm.s32 @!p0 $0x1880;
	[sflag:s14] =	ssyncadd.s32 @!p0 $0xFFFFFF80;
	s14 =	simm.s32 @!p0 $0xA880  }
0xde: {  	[tilespmem:s14], [sflag:$0x6] =	stream.indirect.gather @!p0 [hbm4b:s6+s3], $0x1, s9, s3, $0xb8;
	[tilespmem:$0x1F100] =	vst v63  }
0xdf: {  	_ =	swait.ge [sflag:s4], $0x80  }
0xe0: {  	[sflag:s4] =	ssyncset.done $0x0  }
0xe1: {  	[sflag:s4] =	ssyncadd.s32 $0xFFFFFF80  }
0xe2: {  	[spmem:s2] =	stream.indirect.scatter.add.f32 [tilespmem:s13], [sflag:$0x12], $0x1, s23, s22, $0xb8;
	[tilespmem:$0x1F100] =	vst v63  }
0xe3: {  	_ =	swait.ge [sflag:s19], $0x4000  }
0xe4: {  	[sflag:s19] =	ssyncset.done $0x0  }
0xe5: {  	s14 =	simm.s32 $0x380;
	[sflag:s19] =	ssyncadd.s32 $0xFFFFC000  }
0xe6: {  	[tilespmem:s31], [sflag:$0x2] =	stream.indirect.gather [hbm4b:s5+s22], $0x80, s14, s22, $0xb8;
	[tilespmem:$0x1F100] =	vst v63  }
0xe7: {  	_ =	swait.ge [sflag:s0], $0x4000  }
0xe8: {  	[sflag:s0] =	ssyncset.done $0x0  }
0xe9: {  	s9 =	simm.s32 @p0 $0xB;
	[sflag:s0] =	ssyncadd.s32 $0xFFFFC000  }
0xea: {  	[spmem:s1] =	stream.indirect.scatter.add.f32 [tilespmem:s20], [sflag:$0x3], $0x80, s17, s22, $0xb8;
	[tilespmem:$0x1F100] =	vst v63  }
0xeb: {  	_ =	swait.ge @p0 [sflag:s9], $0x80  }
0xec: {  	[sflag:s9] =	ssyncset.done @p0 $0x0  }
0xed: {  	s11 =	simm.s32 @p0 $0x80;
	[sflag:s9] =	ssyncadd.s32 @p0 $0xFFFFFF80;
	s9 =	simm.s32 @p0 $0xAB00  }
0xee: {  	[spmem:s2] =	stream.indirect.scatter.add.f32 @p0 [tilespmem:s9], [sflag:$0x13], $0x1, s8, s11, $0xb8;
	[tilespmem:$0x1F100] =	vst v63  }
0xef: {  	s9 =	simm.s32 @!p0 $0xF  }
0xf0: {  	_ =	swait.ge @!p0 [sflag:s9], $0x80  }
0xf1: {  	[sflag:s9] =	ssyncset.done @!p0 $0x0  }
0xf2: {  	s11 =	simm.s32 @!p0 $0x1900;
	[sflag:s9] =	ssyncadd.s32 @!p0 $0xFFFFFF80;
	s9 =	simm.s32 @!p0 $0xA900  }
0xf3: {  	[tilespmem:s9], [sflag:$0x7] =	stream.indirect.gather @!p0 [hbm4b:s6+s3], $0x1, s11, s3, $0xb8;
	[tilespmem:$0x1F100] =	vst v63  }
0xf4: {  	s9 =	simm.s32 @!p0 $0xB  }
0xf5: {  	_ =	swait.ge @!p0 [sflag:s9], $0x80  }
0xf6: {  	[sflag:s9] =	ssyncset.done @!p0 $0x0  }
0xf7: {  	[sflag:s9] =	ssyncadd.s32 @!p0 $0xFFFFFF80;
	s9 =	simm.s32 @!p0 $0xAB00  }
0xf8: {  	[spmem:s2] =	stream.indirect.scatter.add.f32 @!p0 [tilespmem:s9], [sflag:$0x13], $0x1, s8, s3, $0xb8;
	[tilespmem:$0x1F100] =	vst v63  }
0xf9: {  	s8 =	simm.s32 @!p0 $0x3  }
0xfa: {  	_ =	swait.ge @!p0 [sflag:s8], $0x4000  }
0xfb: {  	[sflag:s8] =	ssyncset.done @!p0 $0x0  }
0xfc: {  	s9 =	simm.s32 @!p0 $0x400;
	[sflag:s8] =	ssyncadd.s32 @!p0 $0xFFFFC000;
	s8 =	simm.s32 @!p0 $0x2800  }
0xfd: {  	[tilespmem:s8], [sflag:$0x1] =	stream.indirect.gather @!p0 [hbm4b:s5+s3], $0x80, s9, s3, $0xb8;
	[tilespmem:$0x1F100] =	vst v63  }
0xfe: {  	_ =	swait.ge [sflag:s29], $0x4000  }
0xff: {  	[sflag:s29] =	ssyncset.done $0x0  }
0x100: {  	p1 =	por $0x0, $0x0;
	s8 =	simm.s32 @!p0 $0x10;
	[sflag:s29] =	ssyncadd.s32 $0xFFFFC000  }
0x101: {  	[spmem:s1] =	stream.indirect.scatter.add.f32 [tilespmem:s31], [sflag:$0x4], $0x80, s15, s22, $0xb8;
	[tilespmem:$0x1F100] =	vst v63  }
0x102: {  	s12 =	simm.s32 $0x5;
	s16 =	simm.s32 $0x7;
	_ =	swait.ge @!p0 [sflag:s8], $0x80  }
0x103: {  	s25 =	simm.s32 $0xC;
	s7 =	simm.s32 @!p0 $0x1980;
	[sflag:s8] =	ssyncset.done @!p0 $0x0  }
0x104: {  	s17 =	simm.s32 $0x1000;
	[sflag:s8] =	ssyncadd.s32 @!p0 $0xFFFFFF80;
	s8 =	simm.s32 @!p0 $0xA980  }
0x105: {  	[tilespmem:s8], [sflag:$0x8] =	stream.indirect.gather @!p0 [hbm4b:s6+s3], $0x1, s7, s3, $0xb8;
	[tilespmem:$0x1F100] =	vst v63  }
0x106: {  	s15 =	simm.s32 $0x6;
	s7 =	simm.s32 $0x2000;
	_ =	swait.ge [sflag:s25], $0x80  }
.LBB2_4:
0x107: {  	[sflag:s25] =	ssyncset.done $0x0  }
0x108: {  	s3 =	simm.s32 @!p1 $0x4;
	s4 =	simm.s32 $0xAB80;
	[sflag:s25] =	ssyncadd.s32 $0xFFFFFF80  }
0x109: {  	[spmem:s2] =	stream.indirect.scatter.add.f32 [tilespmem:s4], [sflag:$0x14], $0x1, s14, s22, $0xb8;
	[tilespmem:$0x1F100] =	vst v63  }
0x10a: {  	_ =	swait.ge @!p1 [sflag:s3], $0x4000  }
0x10b: {  	s14 =	sshra.s32 s17, $0x2;
	[sflag:s3] =	ssyncset.done @!p1 $0x0  }
0x10c: {  	s9 =	sadd.s32 $0x80, s14;
	[sflag:s3] =	ssyncadd.s32 @!p1 $0xFFFFC000  }
0x10d: {  	[tilespmem:s31], [sflag:$0x2] =	stream.indirect.gather [hbm4b:s5+s22], $0x80, s9, s22, $0xb8;
	[tilespmem:$0x1F100] =	vst v63  }
0x10e: {  	_ =	swait.ge [sflag:s0], $0x4000  }
0x10f: {  	[sflag:s0] =	ssyncset.done $0x0  }
0x110: {  	s11 =	simm.s32 @!p1 $0x11;
	s13 =	sadd.s32 $0x1400, s14;
	[sflag:s0] =	ssyncadd.s32 $0xFFFFC000  }
0x111: {  	[spmem:s1] =	stream.indirect.scatter.add.f32 [tilespmem:s20], [sflag:$0x3], $0x80, s13, s22, $0xb8;
	[tilespmem:$0x1F100] =	vst v63  }
0x112: {  	_ =	swait.ge @!p1 [sflag:s11], $0x80  }
0x113: {  	[sflag:s11] =	ssyncset.done @!p1 $0x0  }
0x114: {  	s25 =	sadd.s32 $0x1600, s14;
	s13 =	simm.s32 $0xAA00;
	[sflag:s11] =	ssyncadd.s32 @!p1 $0xFFFFFF80  }
0x115: {  	[tilespmem:s13], [sflag:$0x9] =	stream.indirect.gather [hbm4b:s6+s22], $0x1, s25, s22, $0xb8;
	[tilespmem:$0x1F100] =	vst v63  }
0x116: {  	_ =	swait.ge [sflag:s12], $0x80  }
0x117: {  	[sflag:s12] =	ssyncset.done $0x0  }
0x118: {  	[sflag:s12] =	ssyncadd.s32 $0xFFFFFF80  }
0x119: {  	[spmem:s2] =	stream.indirect.scatter.add.f32 [tilespmem:s24], [sflag:$0xD], $0x1, s14, s22, $0xb8;
	[tilespmem:$0x1F100] =	vst v63  }
0x11a: {  	_ =	swait.ge [sflag:s26], $0x4000  }
0x11b: {  	[sflag:s26] =	ssyncset.done $0x0  }
0x11c: {  	s3 =	sadd.s32 $0x100, s14;
	[sflag:s26] =	ssyncadd.s32 $0xFFFFC000  }
0x11d: {  	[tilespmem:s20], [sflag:$0x1] =	stream.indirect.gather [hbm4b:s5+s22], $0x80, s3, s22, $0xb8;
	[tilespmem:$0x1F100] =	vst v63  }
0x11e: {  	_ =	swait.ge [sflag:s29], $0x4000  }
0x11f: {  	[sflag:s29] =	ssyncset.done $0x0  }
0x120: {  	s21 =	simm.s32 @!p1 $0x12;
	s18 =	sadd.s32 $0x1480, s14;
	[sflag:s29] =	ssyncadd.s32 $0xFFFFC000  }
0x121: {  	[spmem:s1] =	stream.indirect.scatter.add.f32 [tilespmem:s31], [sflag:$0x4], $0x80, s18, s22, $0xb8;
	[tilespmem:$0x1F100] =	vst v63  }
0x122: {  	_ =	swait.ge @!p1 [sflag:s21], $0x80  }
0x123: {  	[sflag:s21] =	ssyncset.done @!p1 $0x0  }
0x124: {  	s10 =	simm.s32 $0xAA80;
	s18 =	sadd.s32 $0x1680, s14;
	[sflag:s21] =	ssyncadd.s32 @!p1 $0xFFFFFF80  }
0x125: {  	[tilespmem:s10], [sflag:$0xA] =	stream.indirect.gather [hbm4b:s6+s22], $0x1, s18, s22, $0xb8;
	[tilespmem:$0x1F100] =	vst v63  }
0x126: {  	_ =	swait.ge [sflag:s15], $0x80  }
0x127: {  	[sflag:s15] =	ssyncset.done $0x0  }
0x128: {  	[sflag:s15] =	ssyncadd.s32 $0xFFFFFF80  }
0x129: {  	[spmem:s2] =	stream.indirect.scatter.add.f32 [tilespmem:s28], [sflag:$0xE], $0x1, s9, s22, $0xb8;
	[tilespmem:$0x1F100] =	vst v63  }
0x12a: {  	_ =	swait.ge [sflag:s19], $0x4000  }
0x12b: {  	[sflag:s19] =	ssyncset.done $0x0  }
0x12c: {  	s11 =	sadd.s32 $0x180, s14;
	[sflag:s19] =	ssyncadd.s32 $0xFFFFC000  }
0x12d: {  	[tilespmem:s31], [sflag:$0x2] =	stream.indirect.gather [hbm4b:s5+s22], $0x80, s11, s22, $0xb8;
	[tilespmem:$0x1F100] =	vst v63  }
0x12e: {  	_ =	swait.ge [sflag:s0], $0x4000  }
0x12f: {  	[sflag:s0] =	ssyncset.done $0x0  }
0x130: {  	s23 =	sadd.s32 $0x1500, s14;
	s21 =	simm.s32 @!p1 $0x13;
	[sflag:s0] =	ssyncadd.s32 $0xFFFFC000  }
0x131: {  	[spmem:s1] =	stream.indirect.scatter.add.f32 [tilespmem:s20], [sflag:$0x3], $0x80, s23, s22, $0xb8;
	[tilespmem:$0x1F100] =	vst v63  }
0x132: {  	_ =	swait.ge @!p1 [sflag:s21], $0x80  }
0x133: {  	[sflag:s21] =	ssyncset.done @!p1 $0x0  }
0x134: {  	s23 =	sadd.s32 $0x1700, s14;
	s24 =	rddreg [dreg:$0x4];
	[sflag:s21] =	ssyncadd.s32 @!p1 $0xFFFFFF80  }
0x135: {  	[tilespmem:s24], [sflag:$0xB] =	stream.indirect.gather [hbm4b:s6+s22], $0x1, s23, s22, $0xb8;
	[tilespmem:$0x1F100] =	vst v63  }
0x136: {  	_ =	swait.ge [sflag:s16], $0x80  }
0x137: {  	[sflag:s16] =	ssyncset.done $0x0  }
0x138: {  	[sflag:s16] =	ssyncadd.s32 $0xFFFFFF80  }
0x139: {  	[spmem:s2] =	stream.indirect.scatter.add.f32 [tilespmem:s30], [sflag:$0xF], $0x1, s3, s22, $0xb8;
	[tilespmem:$0x1F100] =	vst v63  }
0x13a: {  	_ =	swait.ge [sflag:s26], $0x4000  }
0x13b: {  	[sflag:s26] =	ssyncset.done $0x0  }
0x13c: {  	s3 =	sadd.s32 $0x200, s14;
	[sflag:s26] =	ssyncadd.s32 $0xFFFFC000  }
0x13d: {  	[tilespmem:s20], [sflag:$0x1] =	stream.indirect.gather [hbm4b:s5+s22], $0x80, s3, s22, $0xb8;
	[tilespmem:$0x1F100] =	vst v63  }
0x13e: {  	_ =	swait.ge [sflag:s29], $0x4000  }
0x13f: {  	[sflag:s29] =	ssyncset.done $0x0  }
0x140: {  	s21 =	simm.s32 @!p1 $0x14;
	s24 =	sadd.s32 $0x1580, s14;
	[sflag:s29] =	ssyncadd.s32 $0xFFFFC000  }
0x141: {  	[spmem:s1] =	stream.indirect.scatter.add.f32 [tilespmem:s31], [sflag:$0x4], $0x80, s24, s22, $0xb8;
	[tilespmem:$0x1F100] =	vst v63  }
0x142: {  	_ =	swait.ge @!p1 [sflag:s21], $0x80  }
0x143: {  	[sflag:s21] =	ssyncset.done @!p1 $0x0  }
0x144: {  	s9 =	sadd.s32 $0x1780, s14;
	[sflag:s21] =	ssyncadd.s32 @!p1 $0xFFFFFF80;
	s21 =	simm.s32 $0x8  }
0x145: {  	[tilespmem:s4], [sflag:$0xC] =	stream.indirect.gather [hbm4b:s6+s22], $0x1, s9, s22, $0xb8;
	[tilespmem:$0x1F100] =	vst v63  }
0x146: {  	_ =	swait.ge [sflag:s21], $0x80  }
0x147: {  	[sflag:s21] =	ssyncset.done $0x0  }
0x148: {  	s24 =	simm.s32 $0xA980;
	[sflag:s21] =	ssyncadd.s32 $0xFFFFFF80  }
0x149: {  	[spmem:s2] =	stream.indirect.scatter.add.f32 [tilespmem:s24], [sflag:$0x10], $0x1, s11, s22, $0xb8;
	[tilespmem:$0x1F100] =	vst v63  }
0x14a: {  	_ =	swait.ge [sflag:s19], $0x4000  }
0x14b: {  	[sflag:s19] =	ssyncset.done $0x0  }
0x14c: {  	s11 =	sadd.s32 $0x280, s14;
	[sflag:s19] =	ssyncadd.s32 $0xFFFFC000  }
0x14d: {  	[tilespmem:s31], [sflag:$0x2] =	stream.indirect.gather [hbm4b:s5+s22], $0x80, s11, s22, $0xb8;
	[tilespmem:$0x1F100] =	vst v63  }
0x14e: {  	_ =	swait.ge [sflag:s0], $0x4000  }
0x14f: {  	p1 =	seq.s32 s17, $0x4000;
	[sflag:s0] =	ssyncset.done $0x0  }
0x150: {  	s21 =	simm.s32 @!p1 $0xD;
	[sflag:s0] =	ssyncadd.s32 $0xFFFFC000  }
0x151: {  	[spmem:s1] =	stream.indirect.scatter.add.f32 [tilespmem:s20], [sflag:$0x3], $0x80, s25, s22, $0xb8;
	[tilespmem:$0x1F100] =	vst v63  }
0x152: {  	_ =	swait.ge @!p1 [sflag:s21], $0x80  }
0x153: {  	s17 =	sshra.s32 @!p1 s17, $0x2;
	s4 =	simm.s32 @!p1 $0xA800;
	[sflag:s21] =	ssyncset.done @!p1 $0x0  }
0x154: {  	s28 =	sadd.s32 @!p1 $0x1800, s17;
	s25 =	simm.s32 @!p1 $0x80;
	[sflag:s21] =	ssyncadd.s32 @!p1 $0xFFFFFF80  }
0x155: {  	[tilespmem:s4], [sflag:$0x5] =	stream.indirect.gather @!p1 [hbm4b:s6+s25], $0x1, s28, s25, $0xb8;
	[tilespmem:$0x1F100] =	vst v63  }
0x156: {  	s4 =	simm.s32 $0x9  }
0x157: {  	_ =	swait.ge [sflag:s4], $0x80  }
0x158: {  	[sflag:s4] =	ssyncset.done $0x0  }
0x159: {  	s8 =	smov.u32 s7;
	[sflag:s4] =	ssyncadd.s32 $0xFFFFFF80  }
0x15a: {  	[spmem:s2] =	stream.indirect.scatter.add.f32 [tilespmem:s13], [sflag:$0x11], $0x1, s3, s22, $0xb8;
	[tilespmem:$0x1F100] =	vst v63  }
0x15b: {  	s30 =	sadd.s32 @!p1 $0x400, s17;
	s24 =	sadd.s32 @!p1 $0x1880, s17;
	_ =	swait.ge [sflag:s26], $0x4000  }
0x15c: {  	s21 =	sadd.s32 @!p1 $0x1900, s17;
	s28 =	sadd.s32 @!p1 $0x1980, s17;
	[sflag:s26] =	ssyncset.done $0x0  }
0x15d: {  	s17 =	smov.u32 s8;
	s8 =	sadd.s32 $0x300, s14;
	[sflag:s26] =	ssyncadd.s32 $0xFFFFC000  }
0x15e: {  	[tilespmem:s20], [sflag:$0x1] =	stream.indirect.gather [hbm4b:s5+s22], $0x80, s8, s22, $0xb8;
	[tilespmem:$0x1F100] =	vst v63  }
0x15f: {  	_ =	swait.ge [sflag:s29], $0x4000  }
0x160: {  	[sflag:s29] =	ssyncset.done $0x0  }
0x161: {  	s3 =	simm.s32 @!p1 $0xE;
	[sflag:s29] =	ssyncadd.s32 $0xFFFFC000  }
0x162: {  	[spmem:s1] =	stream.indirect.scatter.add.f32 [tilespmem:s31], [sflag:$0x4], $0x80, s18, s22, $0xb8;
	[tilespmem:$0x1F100] =	vst v63  }
0x163: {  	_ =	swait.ge @!p1 [sflag:s3], $0x80  }
0x164: {  	[sflag:s3] =	ssyncset.done @!p1 $0x0  }
0x165: {  	s4 =	simm.s32 @!p1 $0xA880;
	s18 =	simm.s32 $0xA;
	[sflag:s3] =	ssyncadd.s32 @!p1 $0xFFFFFF80  }
0x166: {  	[tilespmem:s4], [sflag:$0x6] =	stream.indirect.gather @!p1 [hbm4b:s6+s25], $0x1, s24, s25, $0xb8;
	[tilespmem:$0x1F100] =	vst v63  }
0x167: {  	_ =	swait.ge [sflag:s18], $0x80  }
0x168: {  	[sflag:s18] =	ssyncset.done $0x0  }
0x169: {  	[sflag:s18] =	ssyncadd.s32 $0xFFFFFF80  }
0x16a: {  	[spmem:s2] =	stream.indirect.scatter.add.f32 [tilespmem:s10], [sflag:$0x12], $0x1, s11, s22, $0xb8;
	[tilespmem:$0x1F100] =	vst v63  }
0x16b: {  	_ =	swait.ge [sflag:s19], $0x4000  }
0x16c: {  	[sflag:s19] =	ssyncset.done $0x0  }
0x16d: {  	s14 =	sadd.s32 $0x380, s14;
	[sflag:s19] =	ssyncadd.s32 $0xFFFFC000  }
0x16e: {  	[tilespmem:s31], [sflag:$0x2] =	stream.indirect.gather [hbm4b:s5+s22], $0x80, s14, s22, $0xb8;
	[tilespmem:$0x1F100] =	vst v63  }
0x16f: {  	_ =	swait.ge [sflag:s0], $0x4000  }
0x170: {  	[sflag:s0] =	ssyncset.done $0x0  }
0x171: {  	s3 =	simm.s32 @p1 $0xB;
	[sflag:s0] =	ssyncadd.s32 $0xFFFFC000  }
0x172: {  	[spmem:s1] =	stream.indirect.scatter.add.f32 [tilespmem:s20], [sflag:$0x3], $0x80, s23, s22, $0xb8;
	[tilespmem:$0x1F100] =	vst v63  }
0x173: {  	_ =	swait.ge @p1 [sflag:s3], $0x80  }
0x174: {  	s4 =	simm.s32 @p1 $0x80;
	[sflag:s3] =	ssyncset.done @p1 $0x0  }
0x175: {  	s11 =	simm.s32 @p1 $0xAB00;
	[sflag:s3] =	ssyncadd.s32 @p1 $0xFFFFFF80;
	s3 =	simm.s32 @!p1 $0xF  }
0x176: {  	[spmem:s2] =	stream.indirect.scatter.add.f32 @p1 [tilespmem:s11], [sflag:$0x13], $0x1, s8, s4, $0xb8;
	[tilespmem:$0x1F100] =	vst v63  }
0x177: {  	_ =	swait.ge @!p1 [sflag:s3], $0x80  }
0x178: {  	[sflag:s3] =	ssyncset.done @!p1 $0x0  }
0x179: {  	s4 =	simm.s32 @!p1 $0xA900;
	[sflag:s3] =	ssyncadd.s32 @!p1 $0xFFFFFF80;
	s3 =	simm.s32 @!p1 $0xB  }
0x17a: {  	[tilespmem:s4], [sflag:$0x7] =	stream.indirect.gather @!p1 [hbm4b:s6+s25], $0x1, s21, s25, $0xb8;
	[tilespmem:$0x1F100] =	vst v63  }
0x17b: {  	_ =	swait.ge @!p1 [sflag:s3], $0x80  }
0x17c: {  	[sflag:s3] =	ssyncset.done @!p1 $0x0  }
0x17d: {  	s4 =	simm.s32 @!p1 $0xAB00;
	[sflag:s3] =	ssyncadd.s32 @!p1 $0xFFFFFF80;
	s3 =	simm.s32 @!p1 $0x3  }
0x17e: {  	[spmem:s2] =	stream.indirect.scatter.add.f32 @!p1 [tilespmem:s4], [sflag:$0x13], $0x1, s8, s25, $0xb8;
	[tilespmem:$0x1F100] =	vst v63  }
0x17f: {  	_ =	swait.ge @!p1 [sflag:s3], $0x4000  }
0x180: {  	[sflag:s3] =	ssyncset.done @!p1 $0x0  }
0x181: {  	s4 =	simm.s32 @!p1 $0x2800;
	[sflag:s3] =	ssyncadd.s32 @!p1 $0xFFFFC000  }
0x182: {  	[tilespmem:s4], [sflag:$0x1] =	stream.indirect.gather @!p1 [hbm4b:s5+s25], $0x80, s30, s25, $0xb8;
	[tilespmem:$0x1F100] =	vst v63  }
0x183: {  	_ =	swait.ge [sflag:s29], $0x4000  }
0x184: {  	[sflag:s29] =	ssyncset.done $0x0  }
0x185: {  	s7 =	sadd.s32 $0x1000, s7;
	s3 =	simm.s32 @!p1 $0x10;
	[sflag:s29] =	ssyncadd.s32 $0xFFFFC000  }
0x186: {  	[spmem:s1] =	stream.indirect.scatter.add.f32 [tilespmem:s31], [sflag:$0x4], $0x80, s9, s22, $0xb8;
	[tilespmem:$0x1F100] =	vst v63  }
0x187: {  	p0 =	sne.s32 s7, $0x5000;
	_ =	swait.ge @!p1 [sflag:s3], $0x80  }
.Ltmp1:
0x188: {  	[sflag:s3] =	ssyncset.done @!p1 $0x0;
	(pc) =	sbr.rel @p0 .LBB2_4-.Ltmp1, $4  }
0x189: {  	s4 =	simm.s32 @!p1 $0xA980;
	[sflag:s3] =	ssyncadd.s32 @!p1 $0xFFFFFF80  }
0x18a: {  	[tilespmem:s4], [sflag:$0x8] =	stream.indirect.gather @!p1 [hbm4b:s6+s25], $0x1, s28, s25, $0xb8;
	[tilespmem:$0x1F100] =	vst v63  }
0x18b: {  	s24 =	simm.s32 $0xA800;
	s30 =	simm.s32 $0xA900;
	s25 =	simm.s32 $0xC  }
0x18c: {  	s28 =	simm.s32 $0xA880;
	p1 =	seq.s32 s17, $0x0;
	_ =	swait.ge [sflag:s25], $0x80  }
0x18d: {  	[sflag:s25] =	ssyncset.done $0x0  }
0x18e: {  	s3 =	simm.s32 @!p1 $0x4;
	s4 =	simm.s32 $0xAB80;
	[sflag:s25] =	ssyncadd.s32 $0xFFFFFF80  }
0x18f: {  	[spmem:s2] =	stream.indirect.scatter.add.f32 [tilespmem:s4], [sflag:$0x14], $0x1, s14, s22, $0xb8;
	[tilespmem:$0x1F100] =	vst v63  }
0x190: {  	_ =	swait.ge @!p1 [sflag:s3], $0x4000  }
0x191: {  	s7 =	sshra.s32 s17, $0x2;
	[sflag:s3] =	ssyncset.done @!p1 $0x0  }
0x192: {  	s21 =	sadd.s32 $0x80, s7;
	[sflag:s3] =	ssyncadd.s32 @!p1 $0xFFFFC000  }
0x193: {  	[tilespmem:s31], [sflag:$0x2] =	stream.indirect.gather [hbm4b:s5+s22], $0x80, s21, s22, $0xb8;
	[tilespmem:$0x1F100] =	vst v63  }
0x194: {  	_ =	swait.ge [sflag:s0], $0x4000  }
0x195: {  	[sflag:s0] =	ssyncset.done $0x0  }
0x196: {  	s8 =	simm.s32 @!p1 $0x11;
	s11 =	sadd.s32 $0x1400, s7;
	[sflag:s0] =	ssyncadd.s32 $0xFFFFC000  }
0x197: {  	[spmem:s1] =	stream.indirect.scatter.add.f32 [tilespmem:s20], [sflag:$0x3], $0x80, s11, s22, $0xb8;
	[tilespmem:$0x1F100] =	vst v63  }
0x198: {  	_ =	swait.ge @!p1 [sflag:s8], $0x80  }
0x199: {  	[sflag:s8] =	ssyncset.done @!p1 $0x0  }
0x19a: {  	s13 =	simm.s32 $0xAA00;
	s14 =	sadd.s32 $0x1600, s7;
	[sflag:s8] =	ssyncadd.s32 @!p1 $0xFFFFFF80  }
0x19b: {  	[tilespmem:s13], [sflag:$0x9] =	stream.indirect.gather [hbm4b:s6+s22], $0x1, s14, s22, $0xb8;
	[tilespmem:$0x1F100] =	vst v63  }
0x19c: {  	_ =	swait.ge [sflag:s12], $0x80  }
0x19d: {  	[sflag:s12] =	ssyncset.done $0x0  }
0x19e: {  	[sflag:s12] =	ssyncadd.s32 $0xFFFFFF80  }
0x19f: {  	[spmem:s2] =	stream.indirect.scatter.add.f32 [tilespmem:s24], [sflag:$0xD], $0x1, s7, s22, $0xb8;
	[tilespmem:$0x1F100] =	vst v63  }
0x1a0: {  	_ =	swait.ge [sflag:s26], $0x4000  }
0x1a1: {  	[sflag:s26] =	ssyncset.done $0x0  }
0x1a2: {  	s3 =	sadd.s32 $0x100, s7;
	[sflag:s26] =	ssyncadd.s32 $0xFFFFC000  }
0x1a3: {  	[tilespmem:s20], [sflag:$0x1] =	stream.indirect.gather [hbm4b:s5+s22], $0x80, s3, s22, $0xb8;
	[tilespmem:$0x1F100] =	vst v63  }
0x1a4: {  	_ =	swait.ge [sflag:s29], $0x4000  }
0x1a5: {  	[sflag:s29] =	ssyncset.done $0x0  }
0x1a6: {  	s11 =	simm.s32 @!p1 $0x12;
	s12 =	sadd.s32 $0x1480, s7;
	[sflag:s29] =	ssyncadd.s32 $0xFFFFC000  }
0x1a7: {  	[spmem:s1] =	stream.indirect.scatter.add.f32 [tilespmem:s31], [sflag:$0x4], $0x80, s12, s22, $0xb8;
	[tilespmem:$0x1F100] =	vst v63  }
0x1a8: {  	_ =	swait.ge @!p1 [sflag:s11], $0x80  }
0x1a9: {  	[sflag:s11] =	ssyncset.done @!p1 $0x0  }
0x1aa: {  	s10 =	simm.s32 $0xAA80;
	s9 =	sadd.s32 $0x1680, s7;
	[sflag:s11] =	ssyncadd.s32 @!p1 $0xFFFFFF80  }
0x1ab: {  	[tilespmem:s10], [sflag:$0xA] =	stream.indirect.gather [hbm4b:s6+s22], $0x1, s9, s22, $0xb8;
	[tilespmem:$0x1F100] =	vst v63  }
0x1ac: {  	_ =	swait.ge [sflag:s15], $0x80  }
0x1ad: {  	[sflag:s15] =	ssyncset.done $0x0  }
0x1ae: {  	[sflag:s15] =	ssyncadd.s32 $0xFFFFFF80  }
0x1af: {  	[spmem:s2] =	stream.indirect.scatter.add.f32 [tilespmem:s28], [sflag:$0xE], $0x1, s21, s22, $0xb8;
	[tilespmem:$0x1F100] =	vst v63  }
0x1b0: {  	_ =	swait.ge [sflag:s19], $0x4000  }
0x1b1: {  	[sflag:s19] =	ssyncset.done $0x0  }
0x1b2: {  	s4 =	sadd.s32 $0x180, s7;
	[sflag:s19] =	ssyncadd.s32 $0xFFFFC000  }
0x1b3: {  	[tilespmem:s31], [sflag:$0x2] =	stream.indirect.gather [hbm4b:s5+s22], $0x80, s4, s22, $0xb8;
	[tilespmem:$0x1F100] =	vst v63  }
0x1b4: {  	_ =	swait.ge [sflag:s0], $0x4000  }
0x1b5: {  	[sflag:s0] =	ssyncset.done $0x0  }
0x1b6: {  	s18 =	sadd.s32 $0x1500, s7;
	s11 =	simm.s32 @!p1 $0x13;
	[sflag:s0] =	ssyncadd.s32 $0xFFFFC000  }
0x1b7: {  	[spmem:s1] =	stream.indirect.scatter.add.f32 [tilespmem:s20], [sflag:$0x3], $0x80, s18, s22, $0xb8;
	[tilespmem:$0x1F100] =	vst v63  }
0x1b8: {  	_ =	swait.ge @!p1 [sflag:s11], $0x80  }
0x1b9: {  	[sflag:s11] =	ssyncset.done @!p1 $0x0  }
0x1ba: {  	s18 =	sadd.s32 $0x1700, s7;
	s21 =	rddreg [dreg:$0x4];
	[sflag:s11] =	ssyncadd.s32 @!p1 $0xFFFFFF80  }
0x1bb: {  	[tilespmem:s21], [sflag:$0xB] =	stream.indirect.gather [hbm4b:s6+s22], $0x1, s18, s22, $0xb8;
	[tilespmem:$0x1F100] =	vst v63  }
0x1bc: {  	_ =	swait.ge [sflag:s16], $0x80  }
0x1bd: {  	[sflag:s16] =	ssyncset.done $0x0  }
0x1be: {  	[sflag:s16] =	ssyncadd.s32 $0xFFFFFF80  }
0x1bf: {  	[spmem:s2] =	stream.indirect.scatter.add.f32 [tilespmem:s30], [sflag:$0xF], $0x1, s3, s22, $0xb8;
	[tilespmem:$0x1F100] =	vst v63  }
0x1c0: {  	_ =	swait.ge [sflag:s26], $0x4000  }
0x1c1: {  	[sflag:s26] =	ssyncset.done $0x0  }
0x1c2: {  	s21 =	sadd.s32 $0x200, s7;
	[sflag:s26] =	ssyncadd.s32 $0xFFFFC000  }
0x1c3: {  	[tilespmem:s20], [sflag:$0x1] =	stream.indirect.gather [hbm4b:s5+s22], $0x80, s21, s22, $0xb8;
	[tilespmem:$0x1F100] =	vst v63  }
0x1c4: {  	_ =	swait.ge [sflag:s29], $0x4000  }
0x1c5: {  	[sflag:s29] =	ssyncset.done $0x0  }
0x1c6: {  	s8 =	sadd.s32 $0x1580, s7;
	s11 =	simm.s32 @!p1 $0x14;
	[sflag:s29] =	ssyncadd.s32 $0xFFFFC000  }
0x1c7: {  	[spmem:s1] =	stream.indirect.scatter.add.f32 [tilespmem:s31], [sflag:$0x4], $0x80, s8, s22, $0xb8;
	[tilespmem:$0x1F100] =	vst v63  }
0x1c8: {  	_ =	swait.ge @!p1 [sflag:s11], $0x80  }
0x1c9: {  	s23 =	simm.s32 $0xAB80;
	[sflag:s11] =	ssyncset.done @!p1 $0x0  }
0x1ca: {  	s8 =	sadd.s32 $0x1780, s7;
	[sflag:s11] =	ssyncadd.s32 @!p1 $0xFFFFFF80;
	s11 =	simm.s32 $0x8  }
0x1cb: {  	[tilespmem:s23], [sflag:$0xC] =	stream.indirect.gather [hbm4b:s6+s22], $0x1, s8, s22, $0xb8;
	[tilespmem:$0x1F100] =	vst v63  }
0x1cc: {  	_ =	swait.ge [sflag:s11], $0x80  }
0x1cd: {  	[sflag:s11] =	ssyncset.done $0x0  }
0x1ce: {  	s12 =	simm.s32 $0xA980;
	[sflag:s11] =	ssyncadd.s32 $0xFFFFFF80  }
0x1cf: {  	[spmem:s2] =	stream.indirect.scatter.add.f32 [tilespmem:s12], [sflag:$0x10], $0x1, s4, s22, $0xb8;
	[tilespmem:$0x1F100] =	vst v63  }
0x1d0: {  	_ =	swait.ge [sflag:s19], $0x4000  }
0x1d1: {  	[sflag:s19] =	ssyncset.done $0x0  }
0x1d2: {  	s16 =	sadd.s32 $0x280, s7;
	[sflag:s19] =	ssyncadd.s32 $0xFFFFC000  }
0x1d3: {  	[tilespmem:s31], [sflag:$0x2] =	stream.indirect.gather [hbm4b:s5+s22], $0x80, s16, s22, $0xb8;
	[tilespmem:$0x1F100] =	vst v63  }
0x1d4: {  	_ =	swait.ge [sflag:s0], $0x4000  }
0x1d5: {  	p0 =	seq.s32 s17, $0x4000;
	[sflag:s0] =	ssyncset.done $0x0  }
0x1d6: {  	s23 =	simm.s32 @!p0 $0xD;
	[sflag:s0] =	ssyncadd.s32 $0xFFFFC000  }
0x1d7: {  	[spmem:s1] =	stream.indirect.scatter.add.f32 [tilespmem:s20], [sflag:$0x3], $0x80, s14, s22, $0xb8;
	[tilespmem:$0x1F100] =	vst v63  }
0x1d8: {  	_ =	swait.ge @!p0 [sflag:s23], $0x80  }
0x1d9: {  	s3 =	sshra.s32 @!p0 s17, $0x2;
	s17 =	simm.s32 @!p0 $0xA800;
	[sflag:s23] =	ssyncset.done @!p0 $0x0  }
0x1da: {  	s11 =	simm.s32 @!p0 $0x80;
	s14 =	sadd.s32 @!p0 $0x1800, s3;
	[sflag:s23] =	ssyncadd.s32 @!p0 $0xFFFFFF80  }
0x1db: {  	[tilespmem:s17], [sflag:$0x5] =	stream.indirect.gather @!p0 [hbm4b:s6+s11], $0x1, s14, s11, $0xb8;
	[tilespmem:$0x1F100] =	vst v63  }
0x1dc: {  	s17 =	simm.s32 $0x9  }
0x1dd: {  	_ =	swait.ge [sflag:s17], $0x80  }
0x1de: {  	[sflag:s17] =	ssyncset.done $0x0  }
0x1df: {  	[sflag:s17] =	ssyncadd.s32 $0xFFFFFF80  }
0x1e0: {  	[spmem:s2] =	stream.indirect.scatter.add.f32 [tilespmem:s13], [sflag:$0x11], $0x1, s21, s22, $0xb8;
	[tilespmem:$0x1F100] =	vst v63  }
0x1e1: {  	_ =	swait.ge [sflag:s26], $0x4000  }
0x1e2: {  	[sflag:s26] =	ssyncset.done $0x0  }
0x1e3: {  	s14 =	sadd.s32 $0x300, s7;
	[sflag:s26] =	ssyncadd.s32 $0xFFFFC000  }
0x1e4: {  	[tilespmem:s20], [sflag:$0x1] =	stream.indirect.gather [hbm4b:s5+s22], $0x80, s14, s22, $0xb8;
	[tilespmem:$0x1F100] =	vst v63  }
0x1e5: {  	_ =	swait.ge [sflag:s29], $0x4000  }
0x1e6: {  	[sflag:s29] =	ssyncset.done $0x0  }
0x1e7: {  	s17 =	simm.s32 @!p0 $0xE;
	[sflag:s29] =	ssyncadd.s32 $0xFFFFC000  }
0x1e8: {  	[spmem:s1] =	stream.indirect.scatter.add.f32 [tilespmem:s31], [sflag:$0x4], $0x80, s9, s22, $0xb8;
	[tilespmem:$0x1F100] =	vst v63  }
0x1e9: {  	_ =	swait.ge @!p0 [sflag:s17], $0x80  }
0x1ea: {  	s21 =	simm.s32 $0xA;
	[sflag:s17] =	ssyncset.done @!p0 $0x0  }
0x1eb: {  	s9 =	sadd.s32 @!p0 $0x1880, s3;
	[sflag:s17] =	ssyncadd.s32 @!p0 $0xFFFFFF80;
	s17 =	simm.s32 @!p0 $0xA880  }
0x1ec: {  	[tilespmem:s17], [sflag:$0x6] =	stream.indirect.gather @!p0 [hbm4b:s6+s11], $0x1, s9, s11, $0xb8;
	[tilespmem:$0x1F100] =	vst v63  }
0x1ed: {  	_ =	swait.ge [sflag:s21], $0x80  }
0x1ee: {  	[sflag:s21] =	ssyncset.done $0x0  }
0x1ef: {  	[sflag:s21] =	ssyncadd.s32 $0xFFFFFF80  }
0x1f0: {  	[spmem:s2] =	stream.indirect.scatter.add.f32 [tilespmem:s10], [sflag:$0x12], $0x1, s16, s22, $0xb8;
	[tilespmem:$0x1F100] =	vst v63  }
0x1f1: {  	_ =	swait.ge [sflag:s19], $0x4000  }
0x1f2: {  	[sflag:s19] =	ssyncset.done $0x0  }
0x1f3: {  	s23 =	sadd.s32 $0x380, s7;
	[sflag:s19] =	ssyncadd.s32 $0xFFFFC000  }
0x1f4: {  	[tilespmem:s31], [sflag:$0x2] =	stream.indirect.gather [hbm4b:s5+s22], $0x80, s23, s22, $0xb8;
	[tilespmem:$0x1F100] =	vst v63  }
0x1f5: {  	_ =	swait.ge [sflag:s0], $0x4000  }
0x1f6: {  	[sflag:s0] =	ssyncset.done $0x0  }
0x1f7: {  	s7 =	simm.s32 @p0 $0xB;
	[sflag:s0] =	ssyncadd.s32 $0xFFFFC000  }
0x1f8: {  	[spmem:s1] =	stream.indirect.scatter.add.f32 [tilespmem:s20], [sflag:$0x3], $0x80, s18, s22, $0xb8;
	[tilespmem:$0x1F100] =	vst v63  }
0x1f9: {  	_ =	swait.ge @p0 [sflag:s7], $0x80  }
0x1fa: {  	[sflag:s7] =	ssyncset.done @p0 $0x0  }
0x1fb: {  	s9 =	simm.s32 @p0 $0x80;
	[sflag:s7] =	ssyncadd.s32 @p0 $0xFFFFFF80;
	s7 =	simm.s32 @p0 $0xAB00  }
0x1fc: {  	[spmem:s2] =	stream.indirect.scatter.add.f32 @p0 [tilespmem:s7], [sflag:$0x13], $0x1, s14, s9, $0xb8;
	[tilespmem:$0x1F100] =	vst v63  }
0x1fd: {  	s7 =	simm.s32 @!p0 $0xF  }
0x1fe: {  	_ =	swait.ge @!p0 [sflag:s7], $0x80  }
0x1ff: {  	[sflag:s7] =	ssyncset.done @!p0 $0x0  }
0x200: {  	s9 =	sadd.s32 @!p0 $0x1900, s3;
	[sflag:s7] =	ssyncadd.s32 @!p0 $0xFFFFFF80;
	s7 =	simm.s32 @!p0 $0xA900  }
0x201: {  	[tilespmem:s7], [sflag:$0x7] =	stream.indirect.gather @!p0 [hbm4b:s6+s11], $0x1, s9, s11, $0xb8;
	[tilespmem:$0x1F100] =	vst v63  }
0x202: {  	s7 =	simm.s32 @!p0 $0xB  }
0x203: {  	_ =	swait.ge @!p0 [sflag:s7], $0x80  }
0x204: {  	[sflag:s7] =	ssyncset.done @!p0 $0x0  }
0x205: {  	[sflag:s7] =	ssyncadd.s32 @!p0 $0xFFFFFF80;
	s7 =	simm.s32 @!p0 $0xAB00  }
0x206: {  	[spmem:s2] =	stream.indirect.scatter.add.f32 @!p0 [tilespmem:s7], [sflag:$0x13], $0x1, s14, s11, $0xb8;
	[tilespmem:$0x1F100] =	vst v63  }
0x207: {  	s7 =	simm.s32 @!p0 $0x3  }
0x208: {  	_ =	swait.ge @!p0 [sflag:s7], $0x4000  }
0x209: {  	[sflag:s7] =	ssyncset.done @!p0 $0x0  }
0x20a: {  	s9 =	sadd.s32 @!p0 $0x400, s3;
	[sflag:s7] =	ssyncadd.s32 @!p0 $0xFFFFC000;
	s7 =	simm.s32 @!p0 $0x2800  }
0x20b: {  	[tilespmem:s7], [sflag:$0x1] =	stream.indirect.gather @!p0 [hbm4b:s5+s11], $0x80, s9, s11, $0xb8;
	[tilespmem:$0x1F100] =	vst v63  }
0x20c: {  	_ =	swait.ge [sflag:s29], $0x4000  }
0x20d: {  	[sflag:s29] =	ssyncset.done $0x0  }
0x20e: {  	s7 =	simm.s32 @!p0 $0x10;
	[sflag:s29] =	ssyncadd.s32 $0xFFFFC000  }
0x20f: {  	[spmem:s1] =	stream.indirect.scatter.add.f32 [tilespmem:s31], [sflag:$0x4], $0x80, s8, s22, $0xb8;
	[tilespmem:$0x1F100] =	vst v63  }
0x210: {  	_ =	swait.ge @!p0 [sflag:s7], $0x80  }
0x211: {  	[sflag:s7] =	ssyncset.done @!p0 $0x0  }
0x212: {  	s3 =	sadd.s32 @!p0 $0x1980, s3;
	[sflag:s7] =	ssyncadd.s32 @!p0 $0xFFFFFF80;
	s7 =	simm.s32 @!p0 $0xA980  }
0x213: {  	[tilespmem:s7], [sflag:$0x8] =	stream.indirect.gather @!p0 [hbm4b:s6+s11], $0x1, s3, s11, $0xb8;
	[tilespmem:$0x1F100] =	vst v63  }
0x214: {  	_ =	swait.ge [sflag:s25], $0x80  }
0x215: {  	[sflag:s25] =	ssyncset.done $0x0  }
0x216: {  	s15 =	simm.s32 $0xAB80;
	[sflag:s25] =	ssyncadd.s32 $0xFFFFFF80  }
0x217: {  	[spmem:s2] =	stream.indirect.scatter.add.f32 [tilespmem:s15], [sflag:$0x14], $0x1, s23, s22, $0xb8;
	[tilespmem:$0x1F100] =	vst v63  }
0x218: {  	_ =	swait.ge [sflag:s26], $0x4000  }
0x219: {  	[sflag:s26] =	ssyncset.done $0x0  }
0x21a: {  	[sflag:s26] =	ssyncadd.s32 $0xFFFFC000  }
0x21b: {  	_ =	swait.ge [sflag:s19], $0x4000  }
0x21c: {  	[sflag:s19] =	ssyncset.done $0x0  }
0x21d: {  	s4 =	simm.s32 $0xD;
	[sflag:s19] =	ssyncadd.s32 $0xFFFFC000  }
0x21e: {  	_ =	swait.ge [sflag:s4], $0x80  }
0x21f: {  	[sflag:s4] =	ssyncset.done $0x0  }
0x220: {  	s7 =	simm.s32 $0xE;
	[sflag:s4] =	ssyncadd.s32 $0xFFFFFF80  }
0x221: {  	_ =	swait.ge [sflag:s7], $0x80  }
0x222: {  	[sflag:s7] =	ssyncset.done $0x0  }
0x223: {  	s8 =	simm.s32 $0xF;
	[sflag:s7] =	ssyncadd.s32 $0xFFFFFF80  }
0x224: {  	_ =	swait.ge [sflag:s8], $0x80  }
0x225: {  	[sflag:s8] =	ssyncset.done $0x0  }
0x226: {  	s9 =	simm.s32 $0x10;
	[sflag:s8] =	ssyncadd.s32 $0xFFFFFF80  }
0x227: {  	_ =	swait.ge [sflag:s9], $0x80  }
0x228: {  	[sflag:s9] =	ssyncset.done $0x0  }
0x229: {  	s10 =	simm.s32 $0x11;
	[sflag:s9] =	ssyncadd.s32 $0xFFFFFF80  }
0x22a: {  	_ =	swait.ge [sflag:s10], $0x80  }
0x22b: {  	[sflag:s10] =	ssyncset.done $0x0  }
0x22c: {  	s11 =	simm.s32 $0x12;
	[sflag:s10] =	ssyncadd.s32 $0xFFFFFF80  }
0x22d: {  	_ =	swait.ge [sflag:s11], $0x80  }
0x22e: {  	[sflag:s11] =	ssyncset.done $0x0  }
0x22f: {  	s12 =	simm.s32 $0x13;
	[sflag:s11] =	ssyncadd.s32 $0xFFFFFF80  }
0x230: {  	_ =	swait.ge [sflag:s12], $0x80  }
0x231: {  	[sflag:s12] =	ssyncset.done $0x0  }
0x232: {  	s13 =	simm.s32 $0x14;
	[sflag:s12] =	ssyncadd.s32 $0xFFFFFF80  }
0x233: {  	_ =	swait.ge [sflag:s13], $0x80  }
0x234: {  	[sflag:s13] =	ssyncset.done $0x0  }
0x235: {  	s14 =	stileid.u32;
	[sflag:s13] =	ssyncadd.s32 $0xFFFFFF80  }
0x236: {  	s3 =	sshll.u32 s14, $0x6;
	[bflag:$0x0] =	sbarrier.arrive $0xFFFF  }
0x237: {  	s3 =	sor.u32 $0x1C15, s3;
	s17 =	rddreg [dreg:$0x6]  }
0x238: {  	s8 =	simm.s32 $0x15;
	s16 =	rddreg [dreg:$0xd];
	s15 =	sshrl.u32 s17, $0x3  }
0x239: {  	[hbm:s16], [sflag:s3] =	dma.local [spmem:s15], $0x2800  }
0x23a: {  	_ =	swait.ge [sflag:s8], $0x2800  }
0x23b: {  	[sflag:s8] =	ssyncset.done $0x0;
	s9 =	rddreg [dreg:$0xc]  }
0x23c: {  	s21 =	rddreg [dreg:$0xe];
	[sflag:s8] =	ssyncadd.s32 $0xFFFFD800;
	s18 =	sshrl.u32 s9, $0x3  }
0x23d: {  	[hbm:s21], [sflag:s3] =	dma.local [spmem:s18], $0x50  }
0x23e: {  	_ =	swait.ge [sflag:s8], $0x50  }
0x23f: {  	s23 =	rddreg [dreg:$0x10]  }
0x240: {  	s25 =	rddreg [dreg:$0xf];
	s4 =	sadd.s32 $0x1, s23  }
0x241: {  	p0 =	sne.s32 s4, s25  }
.Ltmp2:
0x242: {  	_ = 	snop;
	(pc) =	sbr.rel @p0 .LBB2_1-.Ltmp2, $4  }
0x243: {  	s14 =	simm.s32 $0x6;
	s10 =	simm.s32 $0xAA00;
	s11 =	simm.s32 $0x1400  }
0x244: {  	s12 =	simm.s32 $0x5;
	s13 =	simm.s32 $0xAA80;
	s15 =	simm.s32 $0x7  }
0x245: {  	s16 =	simm.s32 $0xAB80;
	s21 =	simm.s32 $0xA980;
	[sflag:s8] =	ssyncset.done $0x0  }
0x246: {  	[sflag:s8] =	ssyncadd.s32 $0xFFFFFFB0;
	s23 =	simm.s32 $0x8;
	s25 =	simm.s32 $0x9  }
0x247: {  	_ =	sfence.sel $0x180000  }
0x248: {  	[bflag:$0x0] =	sbarrier.arrive $0xFFFF  }
0x249: {  	_ =	strace $0x9000004A  }
0x24a: {  	s0 =	stileid.u32;
	[bflag:$0x2] =	sbarrier.arrive $0xFFFF  }
0x24b: {  	p0 =	sne.s32 s0, $0x0;
	s0 =	rddreg [dreg:$0x3]  }
0x24c: {  	s0 =	sadd.s32 @!p0 $0x100000, s0  }
0x24d: {  	[sflag:s0] =	ssyncadd.tile.s32 @!p0 $0x1;
	_ =	shalt  }
.Lfunc_end2:
_tile_overlayer_lowered:
.L_overlay_start_2:
0x24e: {  	(tag) =	ssettag $0x2  }
0x24f: {  	s0 =	rddreg [dreg:$0x0];
	s2 =	stileid.u32  }
0x250: {  	s1 =	rddreg [dreg:$0x1];
	p0 =	sne.s32 s2, $0x0  }
0x251: {  	s3 =	rddreg [dreg:$0x2];
	[bflag:$0x3] =	sbarrier.arrive $0xFFFF;
	s2 =	simm.s32 @!p0 $0x1C15  }
0x252: {  	[timem:s3], [sflag:s2] =	dma.local @!p0 [hbm:s0], s1  }
0x253: {  	s0 =	simm.s32 @!p0 $0x15  }
0x254: {  	_ =	swait.ge @!p0 [sflag:s0], s1  }
0x255: {  	s1 =	ssub.s32 @!p0 $0x0, s1;
	[sflag:s0] =	ssyncset.done @!p0 $0x0  }
0x256: {  	[sflag:s0] =	ssyncadd.s32 @!p0 s1  }
0x257: {  	[bflag:$0x3] =	sbarrier.arrive $0xFFFF  }
0x258: {  	_ =	shalt  }

// kernel: kernel.7.cloned.1.call-start
scs
__scs_entry_jumppad:
0x0: {  	(pc) =	sbr.rel $0x88, $3  }
0x1: {  	(tag) =	ssettag $0x0;
	lr =	simm.s32 $0x1  }
0x2: {  	[smem:$0x3F9B] =	sst lr;
	_ =	strace $0xD0000000  }
0x3: {  	_ = 	snop  }
0x4: {  	_ = 	snop  }
0x5: {  	_ = 	snop  }
0x6: {  	_ = 	snop  }
0x7: {  	_ = 	snop  }
__scs_overlays_trampoline_lowered:
0x8: {  	[smem:$0x3FAA] =	sst s0  }
0x9: {  	[smem:$0x3FAB] =	sst s1  }
0xa: {  	[smem:$0x3FAC] =	sst s2  }
0xb: {  	[smem:$0x3FAD] =	sst s3  }
0xc: {  	[smem:$0x3FAE] =	sst s4  }
0xd: {  	[smem:$0x3FAF] =	sst s5  }
0xe: {  	[smem:$0x3FB0] =	sst s6  }
0xf: {  	[smem:$0x3FB1] =	sst s7  }
0x10: {  	[smem:$0x3FB2] =	sst s8  }
0x11: {  	[smem:$0x3FB3] =	sst s9;
	s0 =	simm.s32 @!p0 $0x0  }
0x12: {  	s1 =	sld [smem:$0x3F99];
	s0 =	simm.s32 @p0 $0x1  }
0x13: {  	[smem:$0x3FB4] =	sst s0;
	s0 =	simm.s32 @!p1 $0x0  }
0x14: {  	s2 =	sld [smem:$0x3F98];
	s0 =	simm.s32 @p1 $0x1  }
0x15: {  	[smem:$0x3FB5] =	sst s0;
	s0 =	simm.s32 @!p2 $0x0  }
0x16: {  	s3 =	sld [smem:$0x3FDB];
	s0 =	simm.s32 @p2 $0x1  }
0x17: {  	s4 =	simm.s32 $0x1BF5;
	[smem:$0x3FB7] =	sst s0  }
0x18: {  	s0 =	sld [smem:$0x3F9A];
	_ =	swait.ge [sflag:s4], $0x0  }
0x19: {  	s7 =	sld [smem:$0x3F9B]  }
0x1a: {  	s8 =	sadd.s32 $0xFFFFE003, lr  }
0x1b: {  	s9 =	sadd.s32 $0xFFFFFEF7, lr;
	s5 =	simm.s32 $0xFFFFFFFF;
	p2 =	slt.u32 s8, $0xFFFFF086  }
0x1c: {  	p1 =	slt.u32 s9, $0xF7A;
	s5 =	simm.s32 @!p2 $0x0  }
0x1d: {  	s5 =	simm.s32 @p1 $0x1;
	p0 =	seq.s32 s7, s2  }
0x1e: {  	s7 =	smul.u32 @!p0 $0xF7A, s2;
	p2 =	seq.s32 @!p0 s5, $0x0  }
0x1f: {  	s9 =	smul.u32 $0xF7A, s1;
	s8 =	simm.s32 @!p0 $0x1BF5;
	p2 =	por !p2, p0  }
0x20: {  	[sflag:s8] =	ssyncset.s32 @!p0 $0xFFFFF086;
	s6 =	sadd.s32 @!p0 s3, s7;
	s7 =	simm.s32 @!p0 $0x108  }
0x21: {  	s3 =	sadd.s32 s3, s9;
	s6 =	sadd.s32 @!p0 $0x88, s6;
	s7 =	simm.s32 @p2 $0x1082  }
0x22: {  	[simem:s7], [sflag:s8] =	dma.local @!p0 [hbm:s6], $0xF7A  }
0x23: {  	s9 =	sor.u32 $0xD0000000, s2;
	s6 =	simm.s32 $0x108;
	_ =	swait.ge @!p0 [sflag:s8], $0x0  }
0x24: {  	s3 =	sadd.s32 $0x88, s3;
	s6 =	simm.s32 @!p1 $0x1082;
	[sflag:s4] =	ssyncset.s32 $0xFFFFF086  }
0x25: {  	[simem:s6], [sflag:s4] =	dma.local [hbm:s3], $0xF7A  }
0x26: {  	[smem:$0x3F9B] =	sst s1;
	(tag) =	ssettag s2;
	_ =	strace s9  }
0x27: {  	s1 =	sld [smem:$0x3FAB]  }
0x28: {  	s2 =	sld [smem:$0x3FAC]  }
0x29: {  	s4 =	sld [smem:$0x3FAE]  }
0x2a: {  	p0 =	seq.s32 s5, $0x0;
	s5 =	sld [smem:$0x3FAF]  }
0x2b: {  	s6 =	sld [smem:$0x3FB0]  }
0x2c: {  	s7 =	sld [smem:$0x3FB1]  }
0x2d: {  	s3 =	simm.s32 $0x108;
	s8 =	sld [smem:$0x3FB2]  }
0x2e: {  	s3 =	simm.s32 @!p0 $0x1082;
	s9 =	sld [smem:$0x3FB3]  }
0x2f: {  	lr =	sadd.s32 s0, s3;
	s0 =	sld [smem:$0x3FAA]  }
0x30: {  	s3 =	sld [smem:$0x3FAD]  }
0x31: {  	[smem:$0x3FB6] =	sst s10  }
0x32: {  	s10 =	sld [smem:$0x3FB4];
	_ =	sdelay $0x3  }
0x33: {  	p0 =	seq.s32 s10, $0x1;
	s10 =	sld [smem:$0x3FB6];
	_ =	sdelay $0x3  }
0x34: {  	[smem:$0x3FB6] =	sst s10  }
0x35: {  	s10 =	sld [smem:$0x3FB5];
	_ =	sdelay $0x3  }
0x36: {  	p1 =	seq.s32 s10, $0x1;
	s10 =	sld [smem:$0x3FB6];
	_ =	sdelay $0x3  }
0x37: {  	[smem:$0x3FB6] =	sst s10  }
0x38: {  	s10 =	sld [smem:$0x3FB7]  }
0x39: {  	_ = 	snop;
	(pc) =	sbr.ind lr, $3  }
0x3a: {  	_ = 	snop  }
0x3b: {  	_ = 	snop  }
0x3c: {  	p2 =	seq.s32 s10, $0x1;
	s10 =	sld [smem:$0x3FB6]  }
0x3d: {  	_ =	shalt  }
0x3e: {  	_ =	shalt  }
0x3f: {  	_ =	shalt  }
0x40: {  	_ =	shalt  }
0x41: {  	_ =	shalt  }
0x42: {  	_ =	shalt  }
0x43: {  	_ =	shalt  }
0x44: {  	_ =	shalt  }
0x45: {  	_ =	shalt  }
0x46: {  	_ =	shalt  }
0x47: {  	_ =	shalt  }
0x48: {  	_ =	shalt  }
0x49: {  	_ =	shalt  }
0x4a: {  	_ =	shalt  }
0x4b: {  	_ =	shalt  }
0x4c: {  	_ =	shalt  }
0x4d: {  	_ =	shalt  }
0x4e: {  	_ =	shalt  }
0x4f: {  	_ =	shalt  }
0x50: {  	_ =	shalt  }
0x51: {  	_ =	shalt  }
0x52: {  	_ =	shalt  }
0x53: {  	_ =	shalt  }
0x54: {  	_ =	shalt  }
0x55: {  	_ =	shalt  }
0x56: {  	_ =	shalt  }
0x57: {  	_ =	shalt  }
0x58: {  	_ =	shalt  }
0x59: {  	_ =	shalt  }
0x5a: {  	_ =	shalt  }
0x5b: {  	_ =	shalt  }
0x5c: {  	_ =	shalt  }
0x5d: {  	_ =	shalt  }
0x5e: {  	_ =	shalt  }
0x5f: {  	_ =	shalt  }
0x60: {  	_ =	shalt  }
0x61: {  	_ =	shalt  }
0x62: {  	_ =	shalt  }
0x63: {  	_ =	shalt  }
0x64: {  	_ =	shalt  }
0x65: {  	_ =	shalt  }
0x66: {  	_ =	shalt  }
0x67: {  	_ =	shalt  }
0x68: {  	_ =	shalt  }
0x69: {  	_ =	shalt  }
0x6a: {  	_ =	shalt  }
0x6b: {  	_ =	shalt  }
0x6c: {  	_ =	shalt  }
0x6d: {  	_ =	shalt  }
0x6e: {  	_ =	shalt  }
0x6f: {  	_ =	shalt  }
0x70: {  	_ =	shalt  }
0x71: {  	_ =	shalt  }
0x72: {  	_ =	shalt  }
0x73: {  	_ =	shalt  }
0x74: {  	_ =	shalt  }
0x75: {  	_ =	shalt  }
0x76: {  	_ =	shalt  }
0x77: {  	_ =	shalt  }
0x78: {  	_ =	shalt  }
0x79: {  	_ =	shalt  }
0x7a: {  	_ =	shalt  }
0x7b: {  	_ =	shalt  }
0x7c: {  	_ =	shalt  }
0x7d: {  	_ =	shalt  }
0x7e: {  	_ =	shalt  }
0x7f: {  	_ =	shalt  }
0x80: {  	_ =	shalt  }
0x81: {  	_ =	shalt  }
0x82: {  	_ =	shalt  }
0x83: {  	_ =	shalt  }
0x84: {  	_ =	shalt  }
0x85: {  	_ =	shalt  }
0x86: {  	_ =	shalt  }
0x87: {  	_ =	shalt  }
.Lfunc_end0:
.L_simem_size_0:
called_computation_lowered:
.L_overlay_start_0:
0x88: {  	s2 =	sld [smem:$0x3FD9]  }
0x89: {  	s3 =	sld [smem:$0x3FFE];
	_ =	sdelay $0x1  }
0x8a: {  	s1 =	srdreg.scid  }
0x8b: {  	s0 =	sand.u32 $0x1, s1  }
0x8c: {  	s16 =	sshll.u32 s0, $0xA;
	s2 =	sadd.s32 s3, s2  }
0x8d: {  	s2 =	sadd.s32 s2, s16  }
0x8e: {  	[smem:$0x3FC2] =	sst s2  }
0x8f: {  	_ = 	snop  }
0x90: {  	(tm) =	ssettm $0x1  }
0x91: {  	s17 =	sld [smem:$0x3FFB];
	_ =	sdelay $0x3  }
0x92: {  	_ =	strace s17  }
0x93: {  	s2 =	sld [smem:$0x3FFC];
	_ =	sdelay $0x3  }
0x94: {  	_ =	strace s2  }
0x95: {  	s2 =	sld [smem:$0x3FFD];
	_ =	sdelay $0x3  }
0x96: {  	_ =	strace s2  }
0x97: {  	_ =	strace $0x8FFFFFFF  }
0x98: {  	s18 =	sld [smem:$0x3FDB];
	_ =	sdelay $0x1  }
0x99: {  	s19 =	simm.s32 $_scs_section_size  }
0x9a: {  	s4 =	simm.s32 $_size__tile_overlayer_lowered;
	s5 =	simm.s32 $_tile_overlayer_lowered  }
0x9b: {  	s22 =	simm.s32 $0x1BFF;
	s21 =	sshll.u32 s5, $0x1;
	s2 =	sadd.s32 s19, s18  }
0x9c: {  	s6 =	simm.s32 $0x0;
	s20 =	sshll.u32 s4, $0x1;
	s4 =	sadd.s32 s21, s2  }
0x9d: {  	[timem:s6], [sflag:s22] =	dma.local [hbm:s4], s20  }
0x9e: {  	_ =	swait.ge [sflag:s22], s20  }
0x9f: {  	s3 =	ssub.s32 $0x0, s20;
	[sflag:s22] =	ssyncset.done $0x0  }
0xa0: {  	[sflag:s22] =	ssyncadd.s32 s3;
	_ =	sdelay $0x1  }
0xa1: {  	s23 =	simm.s32 $0x1B8B  }
0xa2: {  	_ =	swait.ge [sflag:s23], $0x1  }
0xa3: {  	[sflag:s23] =	ssyncset.done $0x0  }
0xa4: {  	s25 =	simm.s32 $0x1B8E;
	s24 =	sld [smem:$0x3FFE];
	[sflag:s23] =	ssyncadd.s32 $0xFFFFFFFF  }
0xa5: {  	s26 =	simm.s32 $execute0_lowered;
	[smem:$0x3FD2] =	sst s25  }
0xa6: {  	s4 =	sshll.u32 s26, $0x1;
	_ =	strace $0x80000046;
	[dreg:$0x1] =	wrdreg $0xFFFFFFFF  }
0xa7: {  	s28 =	simm.s32 $_size_execute0_lowered;
	s2 =	sadd.s32 s2, s4;
	[dreg:$0x0] =	wrdreg $0x0  }
0xa8: {  	s4 =	sshll.u32 s28, $0x1;
	[dreg:$0x2] =	wrdreg s2  }
0xa9: {  	[dreg:$0x3] =	wrdreg s4  }
0xaa: {  	[dreg:$0x4] =	wrdreg $0xC0  }
0xab: {  	_ =	task [dreg:s6], $0x5FFFF  }
0xac: {  	[dreg:$0x1] =	wrdreg $0xFFFFFFFF  }
0xad: {  	[dreg:$0x0] =	wrdreg $0x60  }
0xae: {  	[dreg:$0x2] =	wrdreg s24  }
0xaf: {  	[dreg:$0x3] =	wrdreg $0x17000  }
0xb0: {  	[dreg:$0x4] =	wrdreg $0x9  }
0xb1: {  	_ =	task.clear_ibuf [dreg:s6], $0x5FFFF;
	_ =	strace $0x90000046  }
0xb2: {  	s29 =	simm.s32 $0x9;
	_ =	strace $0x80000048  }
0xb3: {  	_ =	swait.ge [sflag:s29], $0x1  }
0xb4: {  	[sflag:s29] =	ssyncadd.s32 $0xFFFFFFFF  }
0xb5: {  	_ =	strace $0x90000048  }
0xb6: {  	_ =	sfence  }
0xb7: {  	s30 =	sld [smem:$0x0];
	_ =	sdelay $0x2  }
0xb8: {  	s31 =	sshll.u32 s1, $0xD;
	s1 =	sshrl.u32 s1, $0x2  }
0xb9: {  	s3 =	sand.u32 $0x4000, s31;
	s1 =	sadd.s32 s1, s30  }
0xba: {  	s0 =	sor.u32 s3, s0;
	s1 =	sshll.u32 s1, $0x11  }
0xbb: {  	s0 =	sor.u32 s1, s0  }
0xbc: {  	s0 =	sadd.s32 $0x8F2B, s0  }
0xbd: {  	[sflag:s0] =	ssyncadd.remote.s32 $0x1  }
0xbe: {  	_ =	sfence.sel $0xFFFF  }
0xbf: {  	[dreg:$0x0] =	wrdreg $0xFFFFFFFF;
	(pc) =	sbr.abs _section_cstart, $3  }
0xc0: {  	[dreg:$0x1] =	wrdreg $0xFFFFFFFF  }
0xc1: {  	_ =	task.clear_ibuf [dreg:s6], $0x2FFFF;
	_ =	strace $0x9FFFFFFF  }
0xc2: {  	(tm) =	ssettm $0x7FFFFFFF  }
0xc3: {  	_ =	shalt  }
tec
execute0_lowered:
.L_overlay_start_1:
0x0: {  	(tag) =	ssettag $0x1  }
0x1: {  	s4 =	rddreg [dreg:$0x0]  }
0x2: {  	s1 =	srdreg.scid;
	s2 =	rddreg [dreg:$0x1]  }
0x3: {  	s3 =	simm.s32 $0x0;
	s5 =	sand.u32 $0x1, s1;
	s1 =	rddreg [dreg:$0x2]  }
0x4: {  	s10 =	simm.s32 $0x100;
	[smem:$0x7FF] =	sst s3  }
0x5: {  	s11 =	simm.s32 $0x180;
	_ =	strace $0x80000047;
	[dreg:$0x6] =	wrdreg s10  }
0x6: {  	s12 =	simm.s32 $0x200;
	[dreg:$0x7] =	wrdreg s11  }
0x7: {  	s13 =	simm.s32 $0x280;
	[dreg:$0x8] =	wrdreg s12  }
0x8: {  	s14 =	simm.s32 $0x300;
	[dreg:$0x9] =	wrdreg s13  }
0x9: {  	s15 =	simm.s32 $0x380;
	[dreg:$0xa] =	wrdreg s14  }
0xa: {  	s16 =	simm.s32 $0x400;
	[dreg:$0xb] =	wrdreg s15  }
0xb: {  	s17 =	simm.s32 $0x480;
	[dreg:$0xc] =	wrdreg s16  }
0xc: {  	s18 =	simm.s32 $0x500;
	[dreg:$0xd] =	wrdreg s17  }
0xd: {  	s19 =	simm.s32 $0x580;
	[dreg:$0xe] =	wrdreg s18  }
0xe: {  	s20 =	simm.s32 $0x600;
	[dreg:$0xf] =	wrdreg s19  }
0xf: {  	s0 =	stileid.u32;
	s21 =	simm.s32 $0x680;
	[dreg:$0x10] =	wrdreg s20  }
0x10: {  	s22 =	simm.s32 $0x700;
	s23 =	simm.s32 $0x780;
	[dreg:$0x11] =	wrdreg s21  }
0x11: {  	s25 =	simm.s32 $0x800;
	s26 =	simm.s32 $0x880;
	[dreg:$0x12] =	wrdreg s22  }
0x12: {  	s29 =	simm.s32 $0x900;
	s28 =	simm.s32 $0x1380;
	[dreg:$0x13] =	wrdreg s23  }
0x13: {  	s6 =	smul.u32 $0x280, s0;
	s30 =	sshll.u32 s0, $0x1;
	[dreg:$0x14] =	wrdreg s25  }
0x14: {  	s7 =	smul.u32 $0x2800, s5;
	s8 =	sor.u32 s5, s30;
	[dreg:$0x15] =	wrdreg s26  }
0x15: {  	s5 =	ssub.s32 $0x2, s5;
	[dreg:$0x16] =	wrdreg s29;
	s30 =	simm.s32 $0x980  }
0x16: {  	s10 =	simm.s32 $0xA80;
	s11 =	simm.s32 $0xB80;
	s12 =	simm.s32 $0xC00  }
0x17: {  	s13 =	simm.s32 $0xC80;
	s14 =	simm.s32 $0xD00;
	s15 =	simm.s32 $0xD80  }
0x18: {  	s16 =	simm.s32 $0xE00;
	s17 =	simm.s32 $0xE80;
	s18 =	simm.s32 $0xF00  }
0x19: {  	s19 =	simm.s32 $0xF80;
	s20 =	simm.s32 $0x1000;
	s21 =	simm.s32 $0x1080  }
0x1a: {  	s22 =	simm.s32 $0x1100;
	s23 =	simm.s32 $0x1180;
	s25 =	simm.s32 $0x1280  }
0x1b: {  	s26 =	simm.s32 $0x1300;
	s9 =	smul.u32 $0x1400, s8;
	[dreg:$0x17] =	wrdreg s30  }
0x1c: {  	p0 =	seq.s32 s8, $0x1F;
	s24 =	sshrl.u32 s5, $0x1;
	[dreg:$0x19] =	wrdreg s10  }
0x1d: {  	s10 =	simm.s32 $0xB00;
	s7 =	sadd.s32 s6, s7;
	s5 =	ssub.s32 s5, s24  }
0x1e: {  	s24 =	simm.s32 $0x1200;
	s7 =	sshrl.u32 s7, $0x3;
	s9 =	sshrl.u32 s9, $0x3  }
0x1f: {  	s5 =	smax.u32 s5, $0x1;
	s7 =	sadd.s32 s7, s4;
	s31 =	sadd.s32 s4, s9  }
0x20: {  	s4 =	sadd.s32 $0xC680, s4;
	s9 =	simm.s32 $0x1480;
	s8 =	sadd.s32 $0x7480, s31  }
0x21: {  	s7 =	sadd.s32 $0xCA00, s7;
	[dreg:$0x5] =	wrdreg s9;
	s31 =	simm.s32 $0xA00  }
0x22: {  	s9 =	simm.s32 $0x1;
	[dreg:$0x3] =	wrdreg s7;
	s8 =	smov.u32 @p0 s4  }
0x23: {  	s4 =	sadd.s32 s6, s2;
	s6 =	simm.s32 $0x2;
	[dreg:$0x18] =	wrdreg s31  }
0x24: {  	v0 =	vimm.f32 $1.000000000e+00;
	v1 =	vimm.f32 $0.0e+00;
	s7 =	simm.s32 $0x80;
	[dreg:$0x4] =	wrdreg s8;
	s8 =	simm.s32 $0x1400  }
.LBB2_1:
0x25: {  	s29 =	rddreg [dreg:$0x4]  }
0x26: {  	[tilespmem:s3], [sflag:$0x2] =	stream.linear.gather [hbm4b:s29+s3], $0x1400, $0x38;
	[tilespmem:$0x1980] =	vst v63  }
0x27: {  	_ =	swait.ge [sflag:s6], $0x1400  }
0x28: {  	[sflag:s6] =	ssyncset.done $0x0  }
0x29: {  	[sflag:s6] =	ssyncadd.s32 $0xFFFFEC00  }
0x2a: {  	[tilespmem:$0x1400] =	vst v0  }
0x2b: {  	[tilespmem:$0x1410] =	vst v0  }
0x2c: {  	[tilespmem:$0x1420] =	vst v0  }
0x2d: {  	[tilespmem:$0x1430] =	vst v0  }
0x2e: {  	[tilespmem:$0x1440] =	vst v0  }
0x2f: {  	[tilespmem:$0x1450] =	vst v0  }
0x30: {  	[tilespmem:$0x1460] =	vst v0  }
0x31: {  	[tilespmem:$0x1470] =	vst v0  }
0x32: {  	[tilespmem:$0x1480] =	vst v1  }
0x33: {  	[tilespmem:$0x1490] =	vst v1  }
0x34: {  	[tilespmem:$0x14A0] =	vst v1  }
0x35: {  	[tilespmem:$0x14B0] =	vst v1  }
0x36: {  	[tilespmem:$0x14C0] =	vst v1  }
0x37: {  	[tilespmem:$0x14D0] =	vst v1  }
0x38: {  	[tilespmem:$0x14E0] =	vst v1  }
0x39: {  	[tilespmem:$0x14F0] =	vst v1  }
0x3a: {  	[tilespmem:$0x1500] =	vst v1  }
0x3b: {  	[tilespmem:$0x1510] =	vst v1  }
0x3c: {  	[tilespmem:$0x1520] =	vst v1  }
0x3d: {  	[tilespmem:$0x1530] =	vst v1  }
0x3e: {  	[tilespmem:$0x1540] =	vst v1  }
0x3f: {  	[tilespmem:$0x1550] =	vst v1  }
0x40: {  	[tilespmem:$0x1560] =	vst v1  }
0x41: {  	[tilespmem:$0x1570] =	vst v1  }
0x42: {  	[tilespmem:$0x1580] =	vst v1  }
0x43: {  	[tilespmem:$0x1590] =	vst v1  }
0x44: {  	[tilespmem:$0x15A0] =	vst v1  }
0x45: {  	[tilespmem:$0x15B0] =	vst v1  }
0x46: {  	[tilespmem:$0x15C0] =	vst v1  }
0x47: {  	[tilespmem:$0x15D0] =	vst v1  }
0x48: {  	[tilespmem:$0x15E0] =	vst v1  }
0x49: {  	[tilespmem:$0x15F0] =	vst v1  }
0x4a: {  	[tilespmem:$0x1600] =	vst v1  }
0x4b: {  	[tilespmem:$0x1610] =	vst v1  }
0x4c: {  	[tilespmem:$0x1620] =	vst v1  }
0x4d: {  	[tilespmem:$0x1630] =	vst v1  }
0x4e: {  	[tilespmem:$0x1640] =	vst v1  }
0x4f: {  	[tilespmem:$0x1650] =	vst v1  }
0x50: {  	[tilespmem:$0x1660] =	vst v1  }
0x51: {  	[tilespmem:$0x1670] =	vst v1  }
0x52: {  	[tilespmem:$0x1680] =	vst v1  }
0x53: {  	[tilespmem:$0x1690] =	vst v1  }
0x54: {  	[tilespmem:$0x16A0] =	vst v1  }
0x55: {  	[tilespmem:$0x16B0] =	vst v1  }
0x56: {  	[tilespmem:$0x16C0] =	vst v1  }
0x57: {  	[tilespmem:$0x16D0] =	vst v1  }
0x58: {  	[tilespmem:$0x16E0] =	vst v1  }
0x59: {  	s30 =	rddreg [dreg:$0x5];
	[tilespmem:$0x16F0] =	vst v1  }
0x5a: {  	[spmem:s4] =	stream.linear.scatter [tilespmem:s30], [sflag:$0x2], $0x280, $0x38;
	[tilespmem:$0x1980] =	vst v63  }
0x5b: {  	_ =	swait.ge [sflag:s6], $0x280  }
0x5c: {  	[sflag:s6] =	ssyncset.done $0x0  }
0x5d: {  	[sflag:s6] =	ssyncadd.s32 $0xFFFFFD80  }
0x5e: {  	[bflag:$0x0] =	sbarrier.arrive $0xFFFF  }
0x5f: {  	[spmem:s2] =	stream.indirect.scatter.add.f32 [tilespmem:s8], [sflag:$0x1], $0x1, s3, s7, $0xb8;
	[tilespmem:$0x1980] =	vst v63  }
0x60: {  	_ = 	snop  }
0x61: {  	[spmem:s2] =	stream.indirect.scatter.add.f32 [tilespmem:s8], [sflag:$0x1], $0x1, s7, s7, $0xb8;
	[tilespmem:$0x1980] =	vst v63  }
0x62: {  	s31 =	rddreg [dreg:$0x6]  }
0x63: {  	[spmem:s2] =	stream.indirect.scatter.add.f32 [tilespmem:s8], [sflag:$0x1], $0x1, s31, s7, $0xb8;
	[tilespmem:$0x1980] =	vst v63  }
0x64: {  	s30 =	rddreg [dreg:$0x7]  }
0x65: {  	[spmem:s2] =	stream.indirect.scatter.add.f32 [tilespmem:s8], [sflag:$0x1], $0x1, s30, s7, $0xb8;
	[tilespmem:$0x1980] =	vst v63  }
0x66: {  	s29 =	rddreg [dreg:$0x8]  }
0x67: {  	[spmem:s2] =	stream.indirect.scatter.add.f32 [tilespmem:s8], [sflag:$0x1], $0x1, s29, s7, $0xb8;
	[tilespmem:$0x1980] =	vst v63  }
0x68: {  	s31 =	rddreg [dreg:$0x9]  }
0x69: {  	[spmem:s2] =	stream.indirect.scatter.add.f32 [tilespmem:s8], [sflag:$0x1], $0x1, s31, s7, $0xb8;
	[tilespmem:$0x1980] =	vst v63  }
0x6a: {  	s29 =	rddreg [dreg:$0xa]  }
0x6b: {  	[spmem:s2] =	stream.indirect.scatter.add.f32 [tilespmem:s8], [sflag:$0x1], $0x1, s29, s7, $0xb8;
	[tilespmem:$0x1980] =	vst v63  }
0x6c: {  	s31 =	rddreg [dreg:$0xb]  }
0x6d: {  	[spmem:s2] =	stream.indirect.scatter.add.f32 [tilespmem:s8], [sflag:$0x1], $0x1, s31, s7, $0xb8;
	[tilespmem:$0x1980] =	vst v63  }
0x6e: {  	_ =	swait.ge [sflag:s9], $0x80  }
0x6f: {  	[sflag:s9] =	ssyncset.done $0x0  }
0x70: {  	[sflag:s9] =	ssyncadd.s32 $0xFFFFFF80  }
0x71: {  	_ =	swait.ge [sflag:s9], $0x80  }
0x72: {  	[sflag:s9] =	ssyncset.done $0x0  }
0x73: {  	[sflag:s9] =	ssyncadd.s32 $0xFFFFFF80  }
0x74: {  	_ =	swait.ge [sflag:s9], $0x80  }
0x75: {  	[sflag:s9] =	ssyncset.done $0x0  }
0x76: {  	[sflag:s9] =	ssyncadd.s32 $0xFFFFFF80  }
0x77: {  	_ =	swait.ge [sflag:s9], $0x80  }
0x78: {  	[sflag:s9] =	ssyncset.done $0x0  }
0x79: {  	[sflag:s9] =	ssyncadd.s32 $0xFFFFFF80  }
0x7a: {  	_ =	swait.ge [sflag:s9], $0x80  }
0x7b: {  	[sflag:s9] =	ssyncset.done $0x0  }
0x7c: {  	[sflag:s9] =	ssyncadd.s32 $0xFFFFFF80  }
0x7d: {  	_ =	swait.ge [sflag:s9], $0x80  }
0x7e: {  	[sflag:s9] =	ssyncset.done $0x0  }
0x7f: {  	[sflag:s9] =	ssyncadd.s32 $0xFFFFFF80  }
0x80: {  	_ =	swait.ge [sflag:s9], $0x80  }
0x81: {  	[sflag:s9] =	ssyncset.done $0x0  }
0x82: {  	[sflag:s9] =	ssyncadd.s32 $0xFFFFFF80  }
0x83: {  	_ =	swait.ge [sflag:s9], $0x80  }
0x84: {  	[sflag:s9] =	ssyncset.done $0x0  }
0x85: {  	s29 =	rddreg [dreg:$0xc];
	[sflag:s9] =	ssyncadd.s32 $0xFFFFFF80  }
0x86: {  	[spmem:s2] =	stream.indirect.scatter.add.f32 [tilespmem:s8], [sflag:$0x1], $0x1, s29, s7, $0xb8;
	[tilespmem:$0x1980] =	vst v63  }
0x87: {  	s31 =	rddreg [dreg:$0xd]  }
0x88: {  	[spmem:s2] =	stream.indirect.scatter.add.f32 [tilespmem:s8], [sflag:$0x1], $0x1, s31, s7, $0xb8;
	[tilespmem:$0x1980] =	vst v63  }
0x89: {  	s29 =	rddreg [dreg:$0xe]  }
0x8a: {  	[spmem:s2] =	stream.indirect.scatter.add.f32 [tilespmem:s8], [sflag:$0x1], $0x1, s29, s7, $0xb8;
	[tilespmem:$0x1980] =	vst v63  }
0x8b: {  	s31 =	rddreg [dreg:$0xf]  }
0x8c: {  	[spmem:s2] =	stream.indirect.scatter.add.f32 [tilespmem:s8], [sflag:$0x1], $0x1, s31, s7, $0xb8;
	[tilespmem:$0x1980] =	vst v63  }
0x8d: {  	s29 =	rddreg [dreg:$0x10]  }
0x8e: {  	[spmem:s2] =	stream.indirect.scatter.add.f32 [tilespmem:s8], [sflag:$0x1], $0x1, s29, s7, $0xb8;
	[tilespmem:$0x1980] =	vst v63  }
0x8f: {  	s31 =	rddreg [dreg:$0x11]  }
0x90: {  	[spmem:s2] =	stream.indirect.scatter.add.f32 [tilespmem:s8], [sflag:$0x1], $0x1, s31, s7, $0xb8;
	[tilespmem:$0x1980] =	vst v63  }
0x91: {  	s29 =	rddreg [dreg:$0x12]  }
0x92: {  	[spmem:s2] =	stream.indirect.scatter.add.f32 [tilespmem:s8], [sflag:$0x1], $0x1, s29, s7, $0xb8;
	[tilespmem:$0x1980] =	vst v63  }
0x93: {  	s31 =	rddreg [dreg:$0x13]  }
0x94: {  	[spmem:s2] =	stream.indirect.scatter.add.f32 [tilespmem:s8], [sflag:$0x1], $0x1, s31, s7, $0xb8;
	[tilespmem:$0x1980] =	vst v63  }
0x95: {  	_ =	swait.ge [sflag:s9], $0x80  }
0x96: {  	[sflag:s9] =	ssyncset.done $0x0  }
0x97: {  	[sflag:s9] =	ssyncadd.s32 $0xFFFFFF80  }
0x98: {  	_ =	swait.ge [sflag:s9], $0x80  }
0x99: {  	[sflag:s9] =	ssyncset.done $0x0  }
0x9a: {  	[sflag:s9] =	ssyncadd.s32 $0xFFFFFF80  }
0x9b: {  	_ =	swait.ge [sflag:s9], $0x80  }
0x9c: {  	[sflag:s9] =	ssyncset.done $0x0  }
0x9d: {  	[sflag:s9] =	ssyncadd.s32 $0xFFFFFF80  }
0x9e: {  	_ =	swait.ge [sflag:s9], $0x80  }
0x9f: {  	[sflag:s9] =	ssyncset.done $0x0  }
0xa0: {  	[sflag:s9] =	ssyncadd.s32 $0xFFFFFF80  }
0xa1: {  	_ =	swait.ge [sflag:s9], $0x80  }
0xa2: {  	[sflag:s9] =	ssyncset.done $0x0  }
0xa3: {  	[sflag:s9] =	ssyncadd.s32 $0xFFFFFF80  }
0xa4: {  	_ =	swait.ge [sflag:s9], $0x80  }
0xa5: {  	[sflag:s9] =	ssyncset.done $0x0  }
0xa6: {  	[sflag:s9] =	ssyncadd.s32 $0xFFFFFF80  }
0xa7: {  	_ =	swait.ge [sflag:s9], $0x80  }
0xa8: {  	[sflag:s9] =	ssyncset.done $0x0  }
0xa9: {  	[sflag:s9] =	ssyncadd.s32 $0xFFFFFF80  }
0xaa: {  	_ =	swait.ge [sflag:s9], $0x80  }
0xab: {  	[sflag:s9] =	ssyncset.done $0x0  }
0xac: {  	s29 =	rddreg [dreg:$0x14];
	[sflag:s9] =	ssyncadd.s32 $0xFFFFFF80  }
0xad: {  	[spmem:s2] =	stream.indirect.scatter.add.f32 [tilespmem:s8], [sflag:$0x1], $0x1, s29, s7, $0xb8;
	[tilespmem:$0x1980] =	vst v63  }
0xae: {  	s31 =	rddreg [dreg:$0x15]  }
0xaf: {  	[spmem:s2] =	stream.indirect.scatter.add.f32 [tilespmem:s8], [sflag:$0x1], $0x1, s31, s7, $0xb8;
	[tilespmem:$0x1980] =	vst v63  }
0xb0: {  	s29 =	rddreg [dreg:$0x16]  }
0xb1: {  	[spmem:s2] =	stream.indirect.scatter.add.f32 [tilespmem:s8], [sflag:$0x1], $0x1, s29, s7, $0xb8;
	[tilespmem:$0x1980] =	vst v63  }
0xb2: {  	s31 =	rddreg [dreg:$0x17]  }
0xb3: {  	[spmem:s2] =	stream.indirect.scatter.add.f32 [tilespmem:s8], [sflag:$0x1], $0x1, s31, s7, $0xb8;
	[tilespmem:$0x1980] =	vst v63  }
0xb4: {  	s29 =	rddreg [dreg:$0x18]  }
0xb5: {  	[spmem:s2] =	stream.indirect.scatter.add.f32 [tilespmem:s8], [sflag:$0x1], $0x1, s29, s7, $0xb8;
	[tilespmem:$0x1980] =	vst v63  }
0xb6: {  	s31 =	rddreg [dreg:$0x19]  }
0xb7: {  	[spmem:s2] =	stream.indirect.scatter.add.f32 [tilespmem:s8], [sflag:$0x1], $0x1, s31, s7, $0xb8;
	[tilespmem:$0x1980] =	vst v63  }
0xb8: {  	_ = 	snop  }
0xb9: {  	[spmem:s2] =	stream.indirect.scatter.add.f32 [tilespmem:s8], [sflag:$0x1], $0x1, s10, s7, $0xb8;
	[tilespmem:$0x1980] =	vst v63  }
0xba: {  	_ = 	snop  }
0xbb: {  	[spmem:s2] =	stream.indirect.scatter.add.f32 [tilespmem:s8], [sflag:$0x1], $0x1, s11, s7, $0xb8;
	[tilespmem:$0x1980] =	vst v63  }
0xbc: {  	_ =	swait.ge [sflag:s9], $0x80  }
0xbd: {  	[sflag:s9] =	ssyncset.done $0x0  }
0xbe: {  	[sflag:s9] =	ssyncadd.s32 $0xFFFFFF80  }
0xbf: {  	_ =	swait.ge [sflag:s9], $0x80  }
0xc0: {  	[sflag:s9] =	ssyncset.done $0x0  }
0xc1: {  	[sflag:s9] =	ssyncadd.s32 $0xFFFFFF80  }
0xc2: {  	_ =	swait.ge [sflag:s9], $0x80  }
0xc3: {  	[sflag:s9] =	ssyncset.done $0x0  }
0xc4: {  	[sflag:s9] =	ssyncadd.s32 $0xFFFFFF80  }
0xc5: {  	_ =	swait.ge [sflag:s9], $0x80  }
0xc6: {  	[sflag:s9] =	ssyncset.done $0x0  }
0xc7: {  	[sflag:s9] =	ssyncadd.s32 $0xFFFFFF80  }
0xc8: {  	_ =	swait.ge [sflag:s9], $0x80  }
0xc9: {  	[sflag:s9] =	ssyncset.done $0x0  }
0xca: {  	[sflag:s9] =	ssyncadd.s32 $0xFFFFFF80  }
0xcb: {  	_ =	swait.ge [sflag:s9], $0x80  }
0xcc: {  	[sflag:s9] =	ssyncset.done $0x0  }
0xcd: {  	[sflag:s9] =	ssyncadd.s32 $0xFFFFFF80  }
0xce: {  	_ =	swait.ge [sflag:s9], $0x80  }
0xcf: {  	[sflag:s9] =	ssyncset.done $0x0  }
0xd0: {  	[sflag:s9] =	ssyncadd.s32 $0xFFFFFF80  }
0xd1: {  	_ =	swait.ge [sflag:s9], $0x80  }
0xd2: {  	[sflag:s9] =	ssyncset.done $0x0  }
0xd3: {  	[sflag:s9] =	ssyncadd.s32 $0xFFFFFF80  }
0xd4: {  	[spmem:s2] =	stream.indirect.scatter.add.f32 [tilespmem:s8], [sflag:$0x1], $0x1, s12, s7, $0xb8;
	[tilespmem:$0x1980] =	vst v63  }
0xd5: {  	_ = 	snop  }
0xd6: {  	[spmem:s2] =	stream.indirect.scatter.add.f32 [tilespmem:s8], [sflag:$0x1], $0x1, s13, s7, $0xb8;
	[tilespmem:$0x1980] =	vst v63  }
0xd7: {  	_ = 	snop  }
0xd8: {  	[spmem:s2] =	stream.indirect.scatter.add.f32 [tilespmem:s8], [sflag:$0x1], $0x1, s14, s7, $0xb8;
	[tilespmem:$0x1980] =	vst v63  }
0xd9: {  	_ = 	snop  }
0xda: {  	[spmem:s2] =	stream.indirect.scatter.add.f32 [tilespmem:s8], [sflag:$0x1], $0x1, s15, s7, $0xb8;
	[tilespmem:$0x1980] =	vst v63  }
0xdb: {  	_ = 	snop  }
0xdc: {  	[spmem:s2] =	stream.indirect.scatter.add.f32 [tilespmem:s8], [sflag:$0x1], $0x1, s16, s7, $0xb8;
	[tilespmem:$0x1980] =	vst v63  }
0xdd: {  	_ = 	snop  }
0xde: {  	[spmem:s2] =	stream.indirect.scatter.add.f32 [tilespmem:s8], [sflag:$0x1], $0x1, s17, s7, $0xb8;
	[tilespmem:$0x1980] =	vst v63  }
0xdf: {  	_ = 	snop  }
0xe0: {  	[spmem:s2] =	stream.indirect.scatter.add.f32 [tilespmem:s8], [sflag:$0x1], $0x1, s18, s7, $0xb8;
	[tilespmem:$0x1980] =	vst v63  }
0xe1: {  	_ = 	snop  }
0xe2: {  	[spmem:s2] =	stream.indirect.scatter.add.f32 [tilespmem:s8], [sflag:$0x1], $0x1, s19, s7, $0xb8;
	[tilespmem:$0x1980] =	vst v63  }
0xe3: {  	_ =	swait.ge [sflag:s9], $0x80  }
0xe4: {  	[sflag:s9] =	ssyncset.done $0x0  }
0xe5: {  	[sflag:s9] =	ssyncadd.s32 $0xFFFFFF80  }
0xe6: {  	_ =	swait.ge [sflag:s9], $0x80  }
0xe7: {  	[sflag:s9] =	ssyncset.done $0x0  }
0xe8: {  	[sflag:s9] =	ssyncadd.s32 $0xFFFFFF80  }
0xe9: {  	_ =	swait.ge [sflag:s9], $0x80  }
0xea: {  	[sflag:s9] =	ssyncset.done $0x0  }
0xeb: {  	[sflag:s9] =	ssyncadd.s32 $0xFFFFFF80  }
0xec: {  	_ =	swait.ge [sflag:s9], $0x80  }
0xed: {  	[sflag:s9] =	ssyncset.done $0x0  }
0xee: {  	[sflag:s9] =	ssyncadd.s32 $0xFFFFFF80  }
0xef: {  	_ =	swait.ge [sflag:s9], $0x80  }
0xf0: {  	[sflag:s9] =	ssyncset.done $0x0  }
0xf1: {  	[sflag:s9] =	ssyncadd.s32 $0xFFFFFF80  }
0xf2: {  	_ =	swait.ge [sflag:s9], $0x80  }
0xf3: {  	[sflag:s9] =	ssyncset.done $0x0  }
0xf4: {  	[sflag:s9] =	ssyncadd.s32 $0xFFFFFF80  }
0xf5: {  	_ =	swait.ge [sflag:s9], $0x80  }
0xf6: {  	[sflag:s9] =	ssyncset.done $0x0  }
0xf7: {  	[sflag:s9] =	ssyncadd.s32 $0xFFFFFF80  }
0xf8: {  	_ =	swait.ge [sflag:s9], $0x80  }
0xf9: {  	[sflag:s9] =	ssyncset.done $0x0  }
0xfa: {  	[sflag:s9] =	ssyncadd.s32 $0xFFFFFF80  }
0xfb: {  	[spmem:s2] =	stream.indirect.scatter.add.f32 [tilespmem:s8], [sflag:$0x1], $0x1, s20, s7, $0xb8;
	[tilespmem:$0x1980] =	vst v63  }
0xfc: {  	_ = 	snop  }
0xfd: {  	[spmem:s2] =	stream.indirect.scatter.add.f32 [tilespmem:s8], [sflag:$0x1], $0x1, s21, s7, $0xb8;
	[tilespmem:$0x1980] =	vst v63  }
0xfe: {  	_ = 	snop  }
0xff: {  	[spmem:s2] =	stream.indirect.scatter.add.f32 [tilespmem:s8], [sflag:$0x1], $0x1, s22, s7, $0xb8;
	[tilespmem:$0x1980] =	vst v63  }
0x100: {  	_ = 	snop  }
0x101: {  	[spmem:s2] =	stream.indirect.scatter.add.f32 [tilespmem:s8], [sflag:$0x1], $0x1, s23, s7, $0xb8;
	[tilespmem:$0x1980] =	vst v63  }
0x102: {  	_ = 	snop  }
0x103: {  	[spmem:s2] =	stream.indirect.scatter.add.f32 [tilespmem:s8], [sflag:$0x1], $0x1, s24, s7, $0xb8;
	[tilespmem:$0x1980] =	vst v63  }
0x104: {  	_ = 	snop  }
0x105: {  	[spmem:s2] =	stream.indirect.scatter.add.f32 [tilespmem:s8], [sflag:$0x1], $0x1, s25, s7, $0xb8;
	[tilespmem:$0x1980] =	vst v63  }
0x106: {  	_ = 	snop  }
0x107: {  	[spmem:s2] =	stream.indirect.scatter.add.f32 [tilespmem:s8], [sflag:$0x1], $0x1, s26, s7, $0xb8;
	[tilespmem:$0x1980] =	vst v63  }
0x108: {  	_ = 	snop  }
0x109: {  	[spmem:s2] =	stream.indirect.scatter.add.f32 [tilespmem:s8], [sflag:$0x1], $0x1, s28, s7, $0xb8;
	[tilespmem:$0x1980] =	vst v63  }
0x10a: {  	_ =	swait.ge [sflag:s9], $0x80  }
0x10b: {  	[sflag:s9] =	ssyncset.done $0x0  }
0x10c: {  	[sflag:s9] =	ssyncadd.s32 $0xFFFFFF80  }
0x10d: {  	_ =	swait.ge [sflag:s9], $0x80  }
0x10e: {  	[sflag:s9] =	ssyncset.done $0x0  }
0x10f: {  	[sflag:s9] =	ssyncadd.s32 $0xFFFFFF80  }
0x110: {  	_ =	swait.ge [sflag:s9], $0x80  }
0x111: {  	[sflag:s9] =	ssyncset.done $0x0  }
0x112: {  	[sflag:s9] =	ssyncadd.s32 $0xFFFFFF80  }
0x113: {  	_ =	swait.ge [sflag:s9], $0x80  }
0x114: {  	[sflag:s9] =	ssyncset.done $0x0  }
0x115: {  	[sflag:s9] =	ssyncadd.s32 $0xFFFFFF80  }
0x116: {  	_ =	swait.ge [sflag:s9], $0x80  }
0x117: {  	[sflag:s9] =	ssyncset.done $0x0  }
0x118: {  	[sflag:s9] =	ssyncadd.s32 $0xFFFFFF80  }
0x119: {  	_ =	swait.ge [sflag:s9], $0x80  }
0x11a: {  	[sflag:s9] =	ssyncset.done $0x0  }
0x11b: {  	[sflag:s9] =	ssyncadd.s32 $0xFFFFFF80  }
0x11c: {  	_ =	swait.ge [sflag:s9], $0x80  }
0x11d: {  	[sflag:s9] =	ssyncset.done $0x0  }
0x11e: {  	[sflag:s9] =	ssyncadd.s32 $0xFFFFFF80  }
0x11f: {  	_ =	swait.ge [sflag:s9], $0x80  }
0x120: {  	[sflag:s9] =	ssyncset.done $0x0  }
0x121: {  	s31 =	sshll.u32 s0, $0x6;
	[sflag:s9] =	ssyncadd.s32 $0xFFFFFF80  }
0x122: {  	p0 =	sne.s32 s5, $0x1;
	s30 =	sor.u32 $0x1C02, s31;
	[bflag:$0x0] =	sbarrier.arrive $0xFFFF  }
.Ltmp0:
0x123: {  	s31 =	sshrl.u32 s4, $0x3;
	s29 =	rddreg [dreg:$0x3];
	(pc) =	sbr.rel @p0 .LBB2_1-.Ltmp0, $4  }
0x124: {  	[hbm:s29], [sflag:s30] =	dma.local [spmem:s31], $0x50  }
0x125: {  	_ =	swait.ge [sflag:s6], $0x50  }
0x126: {  	[sflag:s6] =	ssyncset.done $0x0  }
0x127: {  	s5 =	sadd.s32 $0xFFFFFFFF, s5;
	[sflag:s6] =	ssyncadd.s32 $0xFFFFFFB0  }
0x128: {  	_ =	sfence.sel $0x180000  }
0x129: {  	[bflag:$0x0] =	sbarrier.arrive $0xFFFF  }
0x12a: {  	p0 =	sne.s32 s0, $0x0;
	_ =	strace $0x90000047  }
0x12b: {  	s0 =	sadd.s32 @!p0 $0x100000, s1;
	[bflag:$0x2] =	sbarrier.arrive $0xFFFF  }
0x12c: {  	[sflag:s0] =	ssyncadd.tile.s32 @!p0 $0x1;
	_ =	shalt  }
.Lfunc_end2:
_tile_overlayer_lowered:
.L_overlay_start_2:
0x12d: {  	(tag) =	ssettag $0x2  }
0x12e: {  	s0 =	rddreg [dreg:$0x0];
	s2 =	stileid.u32  }
0x12f: {  	s1 =	rddreg [dreg:$0x1];
	p0 =	sne.s32 s2, $0x0  }
0x130: {  	s3 =	rddreg [dreg:$0x2];
	[bflag:$0x3] =	sbarrier.arrive $0xFFFF;
	s2 =	simm.s32 @!p0 $0x1C02  }
0x131: {  	[timem:s3], [sflag:s2] =	dma.local @!p0 [hbm:s0], s1  }
0x132: {  	s0 =	simm.s32 @!p0 $0x2  }
0x133: {  	_ =	swait.ge @!p0 [sflag:s0], s1  }
0x134: {  	s1 =	ssub.s32 @!p0 $0x0, s1;
	[sflag:s0] =	ssyncset.done @!p0 $0x0  }
0x135: {  	[sflag:s0] =	ssyncadd.s32 @!p0 s1  }
0x136: {  	[bflag:$0x3] =	sbarrier.arrive $0xFFFF  }
0x137: {  	_ =	shalt  }

</sc_bundles>
